<compile_context>
chip_gen: v7x
topology: tpu7x:2x2x1
jax: 0.10.2.dev20260603
libtpu: 0.0.44.dev20260713+nightly
codegen_flags: <defaults>
</compile_context>

<pallas_src>
import functools

import jax
import jax.numpy as jnp
from jax import lax
from jax.experimental import pallas as pl
from jax.experimental.pallas import tpu as pltpu
from jax.experimental.pallas import tpu_sc as plsc

N = 10000
E = 160000
DIN = 256
HID = 64
DOUT = 128

NC = 2
NS = 16
NW = NC * NS
EK = 128
N_CHUNKS = E // EK
CHUNKS_PER_TILE = -(-N_CHUNKS // NW)
ROWS_PT = 624
NPAD = 10240
DEN_PT = NPAD // NS
ASDP = 2 * N + 96

_BR = 2000


def _tc1_body(x_ref, w0_ref, b0_ref, ws1_ref, wd1_ref, as1_ref, ad1_ref,
              ms0_ref, xs1_ref, attn_ref):
    xb = x_ref[...]
    dn = (((1,), (1,)), ((), ()))
    ms0_ref[...] = lax.dot_general(
        xb, w0_ref[...], dn, preferred_element_type=jnp.float32) + b0_ref[...]
    xs1 = lax.dot_general(xb, ws1_ref[...], dn, preferred_element_type=jnp.float32)
    xd1 = lax.dot_general(xb, wd1_ref[...], dn, preferred_element_type=jnp.float32)
    xs1_ref[...] = xs1
    a_s = jnp.sum(xs1 * as1_ref[...], axis=1, keepdims=True)
    a_d = jnp.sum(xd1 * ad1_ref[...], axis=1, keepdims=True)
    attn_ref[...] = jnp.concatenate(
        [a_s, a_d, jnp.zeros((xb.shape[0], 126), jnp.float32)], axis=1)


def _tc1(x, W0, b0, Ws1, Wd1, as1, ad1):
    g = N // _BR
    return pl.pallas_call(
        _tc1_body,
        grid=(g,),
        in_specs=[
            pl.BlockSpec((_BR, DIN), lambda i: (i, 0)),
            pl.BlockSpec((DOUT, DIN), lambda i: (0, 0)),
            pl.BlockSpec((1, DOUT), lambda i: (0, 0)),
            pl.BlockSpec((HID, DIN), lambda i: (0, 0)),
            pl.BlockSpec((HID, DIN), lambda i: (0, 0)),
            pl.BlockSpec((1, HID), lambda i: (0, 0)),
            pl.BlockSpec((1, HID), lambda i: (0, 0)),
        ],
        out_specs=[
            pl.BlockSpec((_BR, DOUT), lambda i: (i, 0)),
            pl.BlockSpec((_BR, HID), lambda i: (i, 0)),
            pl.BlockSpec((_BR, 128), lambda i: (i, 0)),
        ],
        out_shape=[
            jax.ShapeDtypeStruct((N, DOUT), jnp.float32),
            jax.ShapeDtypeStruct((N, HID), jnp.float32),
            jax.ShapeDtypeStruct((N, 128), jnp.float32),
        ],
    )(x, W0, b0.reshape(1, DOUT), Ws1, Wd1,
      as1.reshape(1, HID), ad1.reshape(1, HID))


def _tc2_body(num_ref, den_ref, bb1_ref, ws2_ref, wd2_ref, as2_ref, ad2_ref,
              xs2_ref, attn_ref):
    num = num_ref[0] + num_ref[1]
    den = den_ref[0] + den_ref[1]
    safe = jnp.where(den > 0.0, den, 1.0)
    o = jnp.where(den > 0.0, num / safe, 0.0) + bb1_ref[...]
    h = jnp.where(o > 0.0, o, jnp.exp(o) - 1.0)
    dn = (((1,), (1,)), ((), ()))
    xs2 = lax.dot_general(h, ws2_ref[...], dn, preferred_element_type=jnp.float32)
    xd2 = lax.dot_general(h, wd2_ref[...], dn, preferred_element_type=jnp.float32)
    xs2_ref[...] = xs2
    a_s = jnp.sum(xs2 * as2_ref[...], axis=1, keepdims=True)
    a_d = jnp.sum(xd2 * ad2_ref[...], axis=1, keepdims=True)
    attn_ref[...] = jnp.concatenate(
        [a_s, a_d, jnp.zeros((h.shape[0], 126), jnp.float32)], axis=1)


def _tc2(num1, den1, bb1, Ws2, Wd2, as2, ad2):
    g = N // _BR
    return pl.pallas_call(
        _tc2_body,
        grid=(g,),
        in_specs=[
            pl.BlockSpec((NC, _BR, HID), lambda i: (0, i, 0)),
            pl.BlockSpec((NC, _BR, 1), lambda i: (0, i, 0)),
            pl.BlockSpec((1, HID), lambda i: (0, 0)),
            pl.BlockSpec((DOUT, HID), lambda i: (0, 0)),
            pl.BlockSpec((DOUT, HID), lambda i: (0, 0)),
            pl.BlockSpec((1, DOUT), lambda i: (0, 0)),
            pl.BlockSpec((1, DOUT), lambda i: (0, 0)),
        ],
        out_specs=[
            pl.BlockSpec((_BR, DOUT), lambda i: (i, 0)),
            pl.BlockSpec((_BR, 128), lambda i: (i, 0)),
        ],
        out_shape=[
            jax.ShapeDtypeStruct((N, DOUT), jnp.float32),
            jax.ShapeDtypeStruct((N, 128), jnp.float32),
        ],
    )(num1, den1, bb1.reshape(1, HID), Ws2, Wd2,
      as2.reshape(1, DOUT), ad2.reshape(1, DOUT))


def _tc3_body(num_ref, den_ref, bb2_ref, ms0_ref, out_ref):
    num = num_ref[0] + num_ref[1]
    den = den_ref[0] + den_ref[1]
    safe = jnp.where(den > 0.0, den, 1.0)
    o = jnp.where(den > 0.0, num / safe, 0.0) + bb2_ref[...]
    m1 = jnp.max(o, axis=1, keepdims=True)
    e1 = jnp.exp(o - m1)
    s1 = e1 / jnp.sum(e1, axis=1, keepdims=True)
    ms0 = ms0_ref[...]
    m0 = jnp.max(ms0, axis=0, keepdims=True)
    e0 = jnp.exp(ms0 - m0)
    s0 = e0 / jnp.sum(e0, axis=0, keepdims=True)
    out_ref[...] = s0 * s1


def _tc3(num2, den2, bb2, ms0):
    return pl.pallas_call(
        _tc3_body,
        out_shape=jax.ShapeDtypeStruct((N, DOUT), jnp.float32),
    )(num2, den2, bb2.reshape(1, DOUT), ms0)


def _make_gat_pipe(D):
    mesh = plsc.VectorSubcoreMesh(core_axis_name="c", subcore_axis_name="s")

    @functools.partial(
        pl.kernel,
        mesh=mesh,
        compiler_params=pltpu.CompilerParams(
            needs_layout_passes=False, use_tc_tiling_on_sc=False),
        out_type=[
            jax.ShapeDtypeStruct((NC, N, D), jnp.float32),
            jax.ShapeDtypeStruct((NC * NPAD,), jnp.float32),
        ],
        scratch_types=[
            pltpu.VMEM((2, 2, EK), jnp.int32),
            pltpu.VMEM((EK,), jnp.float32),
            pltpu.VMEM((2 * EK, D), jnp.float32),
            pltpu.VMEM((ASDP,), jnp.float32),
            pltpu.VMEM((NPAD,), jnp.float32),
            pltpu.VMEM((NS, DEN_PT), jnp.float32),
            pltpu.VMEM_SHARED((N, D), jnp.float32),
            pltpu.VMEM_SHARED((NS, NPAD), jnp.float32),
            pltpu.SemaphoreType.DMA,
        ],
    )
    def k(table, asd, edges, zrows, num_out, den_out,
          ebuf, exv, rowsv, asdv, denloc, dtmp, numacc, denstage, sem):
        c = lax.axis_index("c")
        s = lax.axis_index("s")
        wid = s * NC + c
        row0 = pl.multiple_of(s * ROWS_PT, 8)
        pltpu.sync_copy(zrows, numacc.at[pl.ds(row0, ROWS_PT)])

        @pl.when(s == 0)
        def _():
            pltpu.sync_copy(zrows.at[pl.ds(0, 16)],
                            numacc.at[pl.ds(NS * ROWS_PT, 16)])

        z16 = jnp.zeros((16,), jnp.float32)

        def zden_body(t, cc):
            denloc[pl.ds(t * 16, 16)] = z16
            return cc

        lax.fori_loop(0, NPAD // 16, zden_body, 0)
        pltpu.sync_copy(asd, asdv)
        plsc.subcore_barrier()

        def body(i, carry):
            b = lax.rem(i, 2)
            bE = pl.multiple_of(b * EK, EK)
            pcid = (i - 2) * NW + wid

            @pl.when(jnp.logical_and(i >= 2, pcid < N_CHUNKS))
            def _():
                for g in range(EK // 16):
                    s16 = ebuf[b, 0, pl.ds(g * 16, 16)]
                    d16 = ebuf[b, 1, pl.ds(g * 16, 16)]
                    a_s = plsc.load_gather(asdv, [s16 * 2])
                    a_d = plsc.load_gather(asdv, [d16 * 2 + 1])
                    e = a_s + a_d
                    e = jnp.where(e >= 0.0, e, 0.2 * e)
                    ex = jnp.exp(e)
                    exv[pl.ds(g * 16, 16)] = ex
                    plsc.addupdate_scatter(denloc, [d16], ex)
                pltpu.make_async_copy(
                    table.at[ebuf.at[b, 0]], rowsv.at[pl.ds(bE, EK)],
                    sem).wait()

                def scale_body(g, cc):
                    g16 = g * 16
                    for jj in range(16):
                        j = g16 + jj
                        sp = plsc.load_gather(
                            exv, [jnp.full((16,), j, jnp.int32)])
                        for cb in range(D // 16):
                            sl = pl.ds(cb * 16, 16)
                            rowsv[bE + j, sl] = rowsv[bE + j, sl] * sp
                    return cc

                lax.fori_loop(0, EK // 16, scale_body, 0)
                pltpu.sync_copy(rowsv.at[pl.ds(bE, EK)],
                                numacc.at[ebuf.at[b, 1]], add=True)

            fcid = i * NW + wid

            @pl.when(jnp.logical_and(i < CHUNKS_PER_TILE, fcid < N_CHUNKS))
            def _():
                base = pl.multiple_of(fcid * EK, 128)
                pltpu.sync_copy(edges.at[:, pl.ds(base, EK)], ebuf.at[b])
                pltpu.async_copy(
                    table.at[ebuf.at[b, 0]], rowsv.at[pl.ds(bE, EK)], sem)

            return carry

        lax.fori_loop(0, CHUNKS_PER_TILE + 2, body, 0)
        pltpu.sync_copy(denloc, denstage.at[s])
        plsc.subcore_barrier()
        pltpu.sync_copy(numacc.at[pl.ds(row0, ROWS_PT)],
                        num_out.at[c, pl.ds(row0, ROWS_PT)])

        @pl.when(s == 0)
        def _():
            pltpu.sync_copy(numacc.at[pl.ds(NS * ROWS_PT, 16)],
                            num_out.at[c, pl.ds(NS * ROWS_PT, 16)])

        den0 = pl.multiple_of(s * DEN_PT, 128)
        pltpu.sync_copy(denstage.at[:, pl.ds(den0, DEN_PT)], dtmp)

        def dred_body(v, cc):
            sl = pl.ds(v * 16, 16)
            acc = dtmp[0, sl]
            for r in range(1, NS):
                acc = acc + dtmp[r, sl]
            denloc[sl] = acc
            return cc

        lax.fori_loop(0, DEN_PT // 16, dred_body, 0)
        dob = pl.multiple_of(c * NPAD + den0, 128)
        pltpu.sync_copy(denloc.at[pl.ds(0, DEN_PT)],
                        den_out.at[pl.ds(dob, DEN_PT)])

    return k


def _make_gat_sync(D):
    mesh = plsc.VectorSubcoreMesh(core_axis_name="c", subcore_axis_name="s")

    @functools.partial(
        pl.kernel,
        mesh=mesh,
        compiler_params=pltpu.CompilerParams(
            needs_layout_passes=False, use_tc_tiling_on_sc=False),
        out_type=[
            jax.ShapeDtypeStruct((NC, N, D), jnp.float32),
            jax.ShapeDtypeStruct((NC * NPAD,), jnp.float32),
        ],
        scratch_types=[
            pltpu.VMEM((1, 2, EK), jnp.int32),
            pltpu.VMEM((EK,), jnp.float32),
            pltpu.VMEM((EK, D), jnp.float32),
            pltpu.VMEM((ASDP,), jnp.float32),
            pltpu.VMEM_SHARED((N, D), jnp.float32),
            pltpu.VMEM_SHARED((NPAD,), jnp.float32),
        ],
    )
    def k(table, asd, edges, zrows, zden, num_out, den_out,
          ebuf, exv, rowsv, asdv, numacc, denacc):
        c = lax.axis_index("c")
        s = lax.axis_index("s")
        wid = s * NC + c
        row0 = pl.multiple_of(s * ROWS_PT, 8)
        den0 = pl.multiple_of(s * DEN_PT, 128)
        pltpu.sync_copy(zrows, numacc.at[pl.ds(row0, ROWS_PT)])

        @pl.when(s == 0)
        def _():
            pltpu.sync_copy(zrows.at[pl.ds(0, 16)],
                            numacc.at[pl.ds(NS * ROWS_PT, 16)])

        pltpu.sync_copy(zden, denacc.at[pl.ds(den0, DEN_PT)])
        pltpu.sync_copy(asd, asdv)
        plsc.subcore_barrier()

        def chunk_body(i, carry):
            cid = i * NW + wid

            @pl.when(cid < N_CHUNKS)
            def _():
                base = pl.multiple_of(cid * EK, 128)
                pltpu.sync_copy(edges.at[:, pl.ds(base, EK)], ebuf.at[0])
                for g in range(EK // 16):
                    s16 = ebuf[0, 0, pl.ds(g * 16, 16)]
                    d16 = ebuf[0, 1, pl.ds(g * 16, 16)]
                    a_s = plsc.load_gather(asdv, [s16 * 2])
                    a_d = plsc.load_gather(asdv, [d16 * 2 + 1])
                    e = a_s + a_d
                    e = jnp.where(e >= 0.0, e, 0.2 * e)
                    exv[pl.ds(g * 16, 16)] = jnp.exp(e)
                pltpu.sync_copy(exv, denacc.at[ebuf.at[0, 1]], add=True)
                pltpu.sync_copy(table.at[ebuf.at[0, 0]], rowsv)

                def scale_body(g, cc):
                    g16 = g * 16
                    for jj in range(16):
                        j = g16 + jj
                        sp = plsc.load_gather(
                            exv, [jnp.full((16,), j, jnp.int32)])
                        for cb in range(D // 16):
                            sl = pl.ds(cb * 16, 16)
                            rowsv[j, sl] = rowsv[j, sl] * sp
                    return cc

                lax.fori_loop(0, EK // 16, scale_body, 0)
                pltpu.sync_copy(rowsv, numacc.at[ebuf.at[0, 1]], add=True)

            return carry

        lax.fori_loop(0, CHUNKS_PER_TILE, chunk_body, 0)
        plsc.subcore_barrier()
        pltpu.sync_copy(numacc.at[pl.ds(row0, ROWS_PT)],
                        num_out.at[c, pl.ds(row0, ROWS_PT)])

        @pl.when(s == 0)
        def _():
            pltpu.sync_copy(numacc.at[pl.ds(NS * ROWS_PT, 16)],
                            num_out.at[c, pl.ds(NS * ROWS_PT, 16)])

        dob = pl.multiple_of(c * NPAD + den0, 128)
        pltpu.sync_copy(denacc.at[pl.ds(den0, DEN_PT)],
                        den_out.at[pl.ds(dob, DEN_PT)])

    return k


_gat_cache = {}


def _gat(D):
    if D not in _gat_cache:
        _gat_cache[D] = (
            _make_gat_pipe(D) if D == HID else _make_gat_sync(D))
    return _gat_cache[D]


def _pad_asd(attn):
    return jnp.concatenate(
        [attn[:, :2].reshape(-1), jnp.zeros((ASDP - 2 * N,), jnp.float32)])


def kernel(x, edges, W0, b0, Ws1, Wd1, as1, ad1, bb1, Ws2, Wd2, as2, ad2, bb2):
    e32 = edges.astype(jnp.int32)
    zrows = jnp.zeros((ROWS_PT, HID), jnp.float32)
    zrows2 = jnp.zeros((ROWS_PT, DOUT), jnp.float32)
    zden = jnp.zeros((DEN_PT,), jnp.float32)
    ms0, xs1, attn1 = _tc1(x, W0, b0, Ws1, Wd1, as1, ad1)
    num1, den1 = _gat(HID)(xs1, _pad_asd(attn1), e32, zrows)
    den1r = den1.reshape(NC, NPAD)[:, :N].reshape(NC, N, 1)
    xs2, attn2 = _tc2(num1, den1r, bb1, Ws2, Wd2, as2, ad2)
    num2, den2 = _gat(DOUT)(xs2, _pad_asd(attn2), e32, zrows2, zden)
    den2r = den2.reshape(NC, NPAD)[:, :N].reshape(NC, N, 1)
    out = _tc3(num2, den2r, bb2, ms0)
    return (out, edges)

# --- scband reference (transcript-rebuilt; emitter-appended) ---
"""Pipeline reference for scband-mil-outputs-86285892976832 (READ-ONLY COPY).

The authoritative reference and input builder live on the scoring server;
editing this copy changes nothing except your own understanding.
"""

import jax, jax.numpy as jnp
import numpy as np

N_NODES = 10000
N_EDGES = 160000
DIM_IN = 256
HIDDEN = DIM_IN // 4  # 64
DIM_OUT = 128


def leaky_relu(x, negative_slope=0.2):
    return jnp.where(x >= 0, x, negative_slope * x)


def gat_conv(x, src, dst, n_nodes, W_src, W_dst, att_src, att_dst, bias):
    # Faithful single-head PyG GATConv
    xs = x @ W_src.T
    xd = x @ W_dst.T
    a_s = xs @ att_src  # [N]
    a_d = xd @ att_dst  # [N]
    e = leaky_relu(a_s[src] + a_d[dst], 0.2)  # [E]
    m = jax.ops.segment_max(e, dst, num_segments=n_nodes)
    m = jnp.where(jnp.isfinite(m), m, 0.0)
    ex = jnp.exp(e - m[dst])
    denom = jax.ops.segment_sum(ex, dst, num_segments=n_nodes)
    d = denom[dst]
    alpha = ex / jnp.where(d > 0, d, 1.0)
    out = jax.ops.segment_sum(alpha[:, None] * xs[src], dst, num_segments=n_nodes)
    return out + bias


def setup_inputs(seed: int = 0) -> dict:
    key = jax.random.key(seed)
    ks = jax.random.split(key, 16)
    x = jax.random.normal(ks[0], (N_NODES, DIM_IN), dtype=jnp.float32)
    edges = jax.random.randint(ks[1], (2, N_EDGES), 0, N_NODES, dtype=jnp.int64 if jax.config.jax_enable_x64 else jnp.int32)
    # mil_score0 linear: init.normal_(std=0.01), bias 0
    W0 = 0.01 * jax.random.normal(ks[2], (DIM_OUT, DIM_IN), dtype=jnp.float32)
    b0 = jnp.zeros((DIM_OUT,), dtype=jnp.float32)
    # GAT conv1 (DIM_IN -> HIDDEN)
    s1 = 1.0 / np.sqrt(DIM_IN)
    Ws1 = s1 * jax.random.normal(ks[3], (HIDDEN, DIM_IN), dtype=jnp.float32)
    Wd1 = s1 * jax.random.normal(ks[4], (HIDDEN, DIM_IN), dtype=jnp.float32)
    as1 = s1 * jax.random.normal(ks[5], (HIDDEN,), dtype=jnp.float32)
    ad1 = s1 * jax.random.normal(ks[6], (HIDDEN,), dtype=jnp.float32)
    bb1 = jnp.zeros((HIDDEN,), dtype=jnp.float32)
    # GAT conv2 (HIDDEN -> DIM_OUT)
    s2 = 1.0 / np.sqrt(HIDDEN)
    Ws2 = s2 * jax.random.normal(ks[7], (DIM_OUT, HIDDEN), dtype=jnp.float32)
    Wd2 = s2 * jax.random.normal(ks[8], (DIM_OUT, HIDDEN), dtype=jnp.float32)
    as2 = s2 * jax.random.normal(ks[9], (DIM_OUT,), dtype=jnp.float32)
    ad2 = s2 * jax.random.normal(ks[10], (DIM_OUT,), dtype=jnp.float32)
    bb2 = jnp.zeros((DIM_OUT,), dtype=jnp.float32)
    return {"x": x, "edges": edges, "W0": W0, "b0": b0,
            "Ws1": Ws1, "Wd1": Wd1, "as1": as1, "ad1": ad1, "bb1": bb1,
            "Ws2": Ws2, "Wd2": Wd2, "as2": as2, "ad2": ad2, "bb2": bb2}


def reference(x, edges, W0, b0, Ws1, Wd1, as1, ad1, bb1, Ws2, Wd2, as2, ad2, bb2):
    n = x.shape[0]
    src = edges[0]
    dst = edges[1]
    # mil_score0 = Linear(dim_in, dim_out)
    mil_score0 = x @ W0.T + b0
    # mil_score1 = GAT(dim_in, dim_in//4, dim_out): conv1 -> elu -> conv2 -> softmax over classes
    h = jax.nn.elu(gat_conv(x, src, dst, n, Ws1, Wd1, as1, ad1, bb1))
    o = gat_conv(h, src, dst, n, Ws2, Wd2, as2, ad2, bb2)
    mil_score1 = jax.nn.softmax(o, axis=1)
    mil_score = jax.nn.softmax(mil_score0, axis=0) * mil_score1
    return (mil_score, edges)

if __name__ == "__main__":
    import jax
    _d = setup_inputs()
    print(jax.jit(kernel)(*tuple(_d.values())))

</pallas_src>

<mosaic_0001>
#map = affine_map<(d0, d1) -> (0, 0)>
#map1 = affine_map<(d0, d1) -> (0)>
#map2 = affine_map<(d0, d1) -> (0, 0, 0)>
module attributes {stable_mosaic.version = 14 : i64} {
  func.func @k(%arg0: i32, %arg1: i32, %arg2: memref<10000x128xf32, #tpu.memory_space<hbm>>, %arg3: memref<20096xf32, #tpu.memory_space<hbm>>, %arg4: memref<2x160000xi32, #tpu.memory_space<hbm>>, %arg5: memref<624x128xf32, #tpu.memory_space<hbm>>, %arg6: memref<640xf32, #tpu.memory_space<hbm>>, %arg7: memref<2x10000x128xf32, #tpu.memory_space<hbm>>, %arg8: memref<20480xf32, #tpu.memory_space<hbm>>, %arg9: memref<1x2x128xi32, #tpu.memory_space<vmem>>, %arg10: memref<128xf32, #tpu.memory_space<vmem>>, %arg11: memref<128x128xf32, #tpu.memory_space<vmem>>, %arg12: memref<20096xf32, #tpu.memory_space<vmem>>, %arg13: memref<10000x128xf32, #tpu.memory_space<vmem_shared>>, %arg14: memref<10240xf32, #tpu.memory_space<vmem_shared>>) attributes {dimension_semantics = [#tpu.dimension_semantics<core_parallel>, #tpu.dimension_semantics<subcore_parallel>], iteration_bounds = array<i64: 2, 16>, scalar_prefetch = 0 : i64, scratch_operands = 6 : i64, tpu.core_type = #tpu.core_type<sc_vector_subcore>, window_params = [{transform_indices = #map}, {transform_indices = #map1}, {transform_indices = #map}, {transform_indices = #map}, {transform_indices = #map1}, {transform_indices = #map2}, {transform_indices = #map1}]} {
    %mul3A = arith.constant 2 : i32
    %mul3A_0 = arith.muli %arg1, %mul3A : i32
    %add3A = arith.addi %mul3A_0, %arg0 : i32
    %mul3A_1 = arith.constant 624 : i32
    %mul3A_2 = arith.muli %arg1, %mul3A_1 : i32
    %multiple_of3A = tpu.assume_multiple %mul3A_2, 8 : i32
    %mul3A_3 = arith.constant 640 : i32
    %mul3A_4 = arith.muli %arg1, %mul3A_3 : i32
    %multiple_of3A_5 = tpu.assume_multiple %mul3A_4, 128 : i32
    "tpu.region"() ({
      %run_scoped3A = tpu.sem_alloc : memref<!tpu.dma_semaphore, #tpu.memory_space<semaphore_mem>>
      %dma_start3A = arith.constant 0 : i32
      %dma_start3A_23 = tpu.memref_slice %arg13[%multiple_of3A, %dma_start3A] : memref<10000x128xf32, #tpu.memory_space<vmem_shared>> -> memref<624x128xf32, #tpu.memory_space<vmem_shared>>
      tpu.enqueue_dma source(%arg5 : memref<624x128xf32, #tpu.memory_space<hbm>>) target(%dma_start3A_23 : memref<624x128xf32, #tpu.memory_space<vmem_shared>>) target_semaphore(%run_scoped3A : memref<!tpu.dma_semaphore, #tpu.memory_space<semaphore_mem>>)
      %dma_wait3A = arith.constant 0 : i32
      %dma_wait3A_24 = tpu.memref_slice %arg13[%multiple_of3A, %dma_wait3A] : memref<10000x128xf32, #tpu.memory_space<vmem_shared>> -> memref<624x128xf32, #tpu.memory_space<vmem_shared>>
      tpu.wait_dma2 semaphore(%run_scoped3A : memref<!tpu.dma_semaphore, #tpu.memory_space<semaphore_mem>>) src(%arg5 : memref<624x128xf32, #tpu.memory_space<hbm>>) dst(%dma_wait3A_24 : memref<624x128xf32, #tpu.memory_space<vmem_shared>>)
      tpu.yield
    }) : () -> ()
    %eq3A = arith.constant 0 : i32
    %eq3A_6 = arith.cmpi eq, %arg1, %eq3A : i32
    %convert_element_type3A = arith.extui %eq3A_6 : i1 to i32
    %cond3A = arith.constant 0 : i32
    %cond3A_7 = arith.cmpi ne, %convert_element_type3A, %cond3A : i32
    scf.if %cond3A_7 {
      "tpu.region"() ({
        %run_scoped3A = tpu.sem_alloc : memref<!tpu.dma_semaphore, #tpu.memory_space<semaphore_mem>>
        %dma_start3A = arith.constant 9984 : i32
        %dma_start3A_23 = arith.constant 0 : i32
        %dma_start3A_24 = tpu.memref_slice %arg13[%dma_start3A, %dma_start3A_23] : memref<10000x128xf32, #tpu.memory_space<vmem_shared>> -> memref<16x128xf32, #tpu.memory_space<vmem_shared>>
        %dma_start3A_25 = arith.constant 0 : i32
        %dma_start3A_26 = arith.constant 0 : i32
        %dma_start3A_27 = tpu.memref_slice %arg5[%dma_start3A_25, %dma_start3A_26] : memref<624x128xf32, #tpu.memory_space<hbm>> -> memref<16x128xf32, #tpu.memory_space<hbm>>
        tpu.enqueue_dma source(%dma_start3A_27 : memref<16x128xf32, #tpu.memory_space<hbm>>) target(%dma_start3A_24 : memref<16x128xf32, #tpu.memory_space<vmem_shared>>) target_semaphore(%run_scoped3A : memref<!tpu.dma_semaphore, #tpu.memory_space<semaphore_mem>>)
        %dma_wait3A = arith.constant 9984 : i32
        %dma_wait3A_28 = arith.constant 0 : i32
        %dma_wait3A_29 = tpu.memref_slice %arg13[%dma_wait3A, %dma_wait3A_28] : memref<10000x128xf32, #tpu.memory_space<vmem_shared>> -> memref<16x128xf32, #tpu.memory_space<vmem_shared>>
        %dma_wait3A_30 = arith.constant 0 : i32
        %dma_wait3A_31 = arith.constant 0 : i32
        %dma_wait3A_32 = tpu.memref_slice %arg5[%dma_wait3A_30, %dma_wait3A_31] : memref<624x128xf32, #tpu.memory_space<hbm>> -> memref<16x128xf32, #tpu.memory_space<hbm>>
        tpu.wait_dma2 semaphore(%run_scoped3A : memref<!tpu.dma_semaphore, #tpu.memory_space<semaphore_mem>>) src(%dma_wait3A_32 : memref<16x128xf32, #tpu.memory_space<hbm>>) dst(%dma_wait3A_29 : memref<16x128xf32, #tpu.memory_space<vmem_shared>>)
        tpu.yield
      }) : () -> ()
    } else {
    }
    "tpu.region"() ({
      %run_scoped3A = tpu.sem_alloc : memref<!tpu.dma_semaphore, #tpu.memory_space<semaphore_mem>>
      %dma_start3A = tpu.memref_slice %arg14[%multiple_of3A_5] : memref<10240xf32, #tpu.memory_space<vmem_shared>> -> memref<640xf32, #tpu.memory_space<vmem_shared>>
      tpu.enqueue_dma source(%arg6 : memref<640xf32, #tpu.memory_space<hbm>>) target(%dma_start3A : memref<640xf32, #tpu.memory_space<vmem_shared>>) target_semaphore(%run_scoped3A : memref<!tpu.dma_semaphore, #tpu.memory_space<semaphore_mem>>)
      %dma_wait3A = tpu.memref_slice %arg14[%multiple_of3A_5] : memref<10240xf32, #tpu.memory_space<vmem_shared>> -> memref<640xf32, #tpu.memory_space<vmem_shared>>
      tpu.wait_dma2 semaphore(%run_scoped3A : memref<!tpu.dma_semaphore, #tpu.memory_space<semaphore_mem>>) src(%arg6 : memref<640xf32, #tpu.memory_space<hbm>>) dst(%dma_wait3A : memref<640xf32, #tpu.memory_space<vmem_shared>>)
      tpu.yield
    }) : () -> ()
    "tpu.region"() ({
      %run_scoped3A = tpu.sem_alloc : memref<!tpu.dma_semaphore, #tpu.memory_space<semaphore_mem>>
      tpu.enqueue_dma source(%arg3 : memref<20096xf32, #tpu.memory_space<hbm>>) target(%arg12 : memref<20096xf32, #tpu.memory_space<vmem>>) target_semaphore(%run_scoped3A : memref<!tpu.dma_semaphore, #tpu.memory_space<semaphore_mem>>)
      tpu.wait_dma2 semaphore(%run_scoped3A : memref<!tpu.dma_semaphore, #tpu.memory_space<semaphore_mem>>) src(%arg3 : memref<20096xf32, #tpu.memory_space<hbm>>) dst(%arg12 : memref<20096xf32, #tpu.memory_space<vmem>>)
      tpu.yield
    }) : () -> ()
    %barrier3A = arith.constant 0 : index
    tpu.barrier barrier_id(%barrier3A)
    %scan3A = arith.constant 0 : i32
    %scan3A_8 = arith.constant 0 : i32
    %scan3A_9 = arith.constant 40 : i32
    %scan3A_10 = arith.addi %scan3A_8, %scan3A_9 : i32
    %scan3A_11 = arith.constant 1 : i32
    scf.for %scan3A_23 = %scan3A_8 to %scan3A_10 step %scan3A_11  : i32 {
      %mul3A_24 = arith.constant 32 : i32
      %mul3A_25 = arith.muli %scan3A_23, %mul3A_24 : i32
      %add3A_26 = arith.addi %mul3A_25, %add3A : i32
      %lt3A = arith.constant 1250 : i32
      %lt3A_27 = arith.cmpi slt, %add3A_26, %lt3A : i32
      %convert_element_type3A_28 = arith.extui %lt3A_27 : i1 to i32
      %cond3A_29 = arith.constant 0 : i32
      %cond3A_30 = arith.cmpi ne, %convert_element_type3A_28, %cond3A_29 : i32
      scf.if %cond3A_30 {
        %mul3A_31 = arith.constant 128 : i32
        %mul3A_32 = arith.muli %add3A_26, %mul3A_31 : i32
        %multiple_of3A_33 = tpu.assume_multiple %mul3A_32, 128 : i32
        %run_scoped3A = arith.constant 0 : i32
        "tpu.region"() ({
          %run_scoped3A_312 = tpu.sem_alloc : memref<!tpu.dma_semaphore, #tpu.memory_space<semaphore_mem>>
          %dma_start3A = arith.constant 0 : i32
          %dma_start3A_313 = arith.constant 0 : i32
          %dma_start3A_314 = tpu.memref_slice %arg9[%run_scoped3A, %dma_start3A, %dma_start3A_313] : memref<1x2x128xi32, #tpu.memory_space<vmem>> -> memref<1x2x128xi32, #tpu.memory_space<vmem>>
          %dma_start3A_315 = tpu.memref_squeeze %dma_start3A_314 : memref<1x2x128xi32, #tpu.memory_space<vmem>> -> memref<2x128xi32, #tpu.memory_space<vmem>>
          %dma_start3A_316 = arith.constant 0 : i32
          %dma_start3A_317 = tpu.memref_slice %arg4[%dma_start3A_316, %multiple_of3A_33] : memref<2x160000xi32, #tpu.memory_space<hbm>> -> memref<2x128xi32, #tpu.memory_space<hbm>>
          %dma_start3A_318 = arith.constant 0 : i32
          %dma_start3A_319 = arith.constant 0 : i32
          %dma_start3A_320 = tpu.memref_slice %arg9[%run_scoped3A, %dma_start3A_318, %dma_start3A_319] : memref<1x2x128xi32, #tpu.memory_space<vmem>> -> memref<1x2x128xi32, #tpu.memory_space<vmem>>
          %dma_start3A_321 = tpu.memref_squeeze %dma_start3A_320 : memref<1x2x128xi32, #tpu.memory_space<vmem>> -> memref<2x128xi32, #tpu.memory_space<vmem>>
          %dma_start3A_322 = arith.constant 0 : i32
          %dma_start3A_323 = tpu.memref_slice %arg4[%dma_start3A_322, %multiple_of3A_33] : memref<2x160000xi32, #tpu.memory_space<hbm>> -> memref<2x128xi32, #tpu.memory_space<hbm>>
          tpu.enqueue_dma source(%dma_start3A_323 : memref<2x128xi32, #tpu.memory_space<hbm>>) target(%dma_start3A_321 : memref<2x128xi32, #tpu.memory_space<vmem>>) target_semaphore(%run_scoped3A_312 : memref<!tpu.dma_semaphore, #tpu.memory_space<semaphore_mem>>)
          %dma_wait3A = arith.constant 0 : i32
          %dma_wait3A_324 = arith.constant 0 : i32
          %dma_wait3A_325 = tpu.memref_slice %arg9[%run_scoped3A, %dma_wait3A, %dma_wait3A_324] : memref<1x2x128xi32, #tpu.memory_space<vmem>> -> memref<1x2x128xi32, #tpu.memory_space<vmem>>
          %dma_wait3A_326 = tpu.memref_squeeze %dma_wait3A_325 : memref<1x2x128xi32, #tpu.memory_space<vmem>> -> memref<2x128xi32, #tpu.memory_space<vmem>>
          %dma_wait3A_327 = arith.constant 0 : i32
          %dma_wait3A_328 = tpu.memref_slice %arg4[%dma_wait3A_327, %multiple_of3A_33] : memref<2x160000xi32, #tpu.memory_space<hbm>> -> memref<2x128xi32, #tpu.memory_space<hbm>>
          %dma_wait3A_329 = arith.constant 0 : i32
          %dma_wait3A_330 = arith.constant 0 : i32
          %dma_wait3A_331 = tpu.memref_slice %arg9[%run_scoped3A, %dma_wait3A_329, %dma_wait3A_330] : memref<1x2x128xi32, #tpu.memory_space<vmem>> -> memref<1x2x128xi32, #tpu.memory_space<vmem>>
          %dma_wait3A_332 = tpu.memref_squeeze %dma_wait3A_331 : memref<1x2x128xi32, #tpu.memory_space<vmem>> -> memref<2x128xi32, #tpu.memory_space<vmem>>
          %dma_wait3A_333 = arith.constant 0 : i32
          %dma_wait3A_334 = tpu.memref_slice %arg4[%dma_wait3A_333, %multiple_of3A_33] : memref<2x160000xi32, #tpu.memory_space<hbm>> -> memref<2x128xi32, #tpu.memory_space<hbm>>
          tpu.wait_dma2 semaphore(%run_scoped3A_312 : memref<!tpu.dma_semaphore, #tpu.memory_space<semaphore_mem>>) src(%dma_wait3A_334 : memref<2x128xi32, #tpu.memory_space<hbm>>) dst(%dma_wait3A_332 : memref<2x128xi32, #tpu.memory_space<vmem>>)
          tpu.yield
        }) : () -> ()
        %get3A = arith.constant 0 : i32
        %get3A_34 = arith.constant 0 : i32
        %get3A_35 = arith.index_cast %get3A : i32 to index
        %get3A_36 = arith.index_cast %get3A_34 : i32 to index
        %get3A_37 = arith.constant 0 : index
        %get3A_38 = tpu.vector_load %arg9[%get3A_35, %get3A_36, %get3A_37] {strides = array<i32>} : memref<1x2x128xi32, #tpu.memory_space<vmem>>, vector<16xi32>,
        %get3A_39 = arith.constant 0 : i32
        %get3A_40 = arith.constant 1 : i32
        %get3A_41 = arith.index_cast %get3A_39 : i32 to index
        %get3A_42 = arith.index_cast %get3A_40 : i32 to index
        %get3A_43 = arith.constant 0 : index
        %get3A_44 = tpu.vector_load %arg9[%get3A_41, %get3A_42, %get3A_43] {strides = array<i32>} : memref<1x2x128xi32, #tpu.memory_space<vmem>>, vector<16xi32>,
        %mul3A_45 = arith.constant 2 : i32
        %mul3A_46 = vector.broadcast %mul3A_45 : i32 to vector<16xi32>
        %mul3A_47 = arith.muli %get3A_38, %mul3A_46 : vector<16xi32>
        %gather3A = tpu.vector_load_idx %arg12[%mul3A_47] : memref<20096xf32, #tpu.memory_space<vmem>>[vector<16xi32>], vector<16xf32>,
        %mul3A_48 = arith.constant 2 : i32
        %mul3A_49 = vector.broadcast %mul3A_48 : i32 to vector<16xi32>
        %mul3A_50 = arith.muli %get3A_44, %mul3A_49 : vector<16xi32>
        %add3A_51 = arith.constant 1 : i32
        %add3A_52 = vector.broadcast %add3A_51 : i32 to vector<16xi32>
        %add3A_53 = arith.addi %mul3A_50, %add3A_52 : vector<16xi32>
        %gather3A_54 = tpu.vector_load_idx %arg12[%add3A_53] : memref<20096xf32, #tpu.memory_space<vmem>>[vector<16xi32>], vector<16xf32>,
        %add3A_55 = arith.addf %gather3A, %gather3A_54 : vector<16xf32>
        %ge3A = arith.constant 0.000000e+00 : f32
        %ge3A_56 = vector.broadcast %ge3A : f32 to vector<16xf32>
        %ge3A_57 = arith.cmpf oge, %add3A_55, %ge3A_56 : vector<16xf32>
        %mul3A_58 = arith.constant 2.000000e-01 : f32
        %mul3A_59 = vector.broadcast %mul3A_58 : f32 to vector<16xf32>
        %mul3A_60 = arith.mulf %mul3A_59, %add3A_55 : vector<16xf32>
        %select_n3A = arith.select %ge3A_57, %add3A_55, %mul3A_60 : vector<16xi1>, vector<16xf32>
        %exp3A = math.exp %select_n3A : vector<16xf32>
        %swap3A = arith.constant 0 : index
        %swap3A_61 = tpu.vector_load %arg10[%swap3A] {strides = array<i32>} : memref<128xf32, #tpu.memory_space<vmem>>, vector<16xf32>,
        tpu.vector_store %arg10[%swap3A], %exp3A {strides = array<i32>} : memref<128xf32, #tpu.memory_space<vmem>>, vector<16xf32>,
        %get3A_62 = arith.constant 0 : i32
        %get3A_63 = arith.constant 0 : i32
        %get3A_64 = arith.index_cast %get3A_62 : i32 to index
        %get3A_65 = arith.index_cast %get3A_63 : i32 to index
        %get3A_66 = arith.constant 16 : index
        %get3A_67 = tpu.vector_load %arg9[%get3A_64, %get3A_65, %get3A_66] {strides = array<i32>} : memref<1x2x128xi32, #tpu.memory_space<vmem>>, vector<16xi32>,
        %get3A_68 = arith.constant 0 : i32
        %get3A_69 = arith.constant 1 : i32
        %get3A_70 = arith.index_cast %get3A_68 : i32 to index
        %get3A_71 = arith.index_cast %get3A_69 : i32 to index
        %get3A_72 = arith.constant 16 : index
        %get3A_73 = tpu.vector_load %arg9[%get3A_70, %get3A_71, %get3A_72] {strides = array<i32>} : memref<1x2x128xi32, #tpu.memory_space<vmem>>, vector<16xi32>,
        %mul3A_74 = arith.constant 2 : i32
        %mul3A_75 = vector.broadcast %mul3A_74 : i32 to vector<16xi32>
        %mul3A_76 = arith.muli %get3A_67, %mul3A_75 : vector<16xi32>
        %gather3A_77 = tpu.vector_load_idx %arg12[%mul3A_76] : memref<20096xf32, #tpu.memory_space<vmem>>[vector<16xi32>], vector<16xf32>,
        %mul3A_78 = arith.constant 2 : i32
        %mul3A_79 = vector.broadcast %mul3A_78 : i32 to vector<16xi32>
        %mul3A_80 = arith.muli %get3A_73, %mul3A_79 : vector<16xi32>
        %add3A_81 = arith.constant 1 : i32
        %add3A_82 = vector.broadcast %add3A_81 : i32 to vector<16xi32>
        %add3A_83 = arith.addi %mul3A_80, %add3A_82 : vector<16xi32>
        %gather3A_84 = tpu.vector_load_idx %arg12[%add3A_83] : memref<20096xf32, #tpu.memory_space<vmem>>[vector<16xi32>], vector<16xf32>,
        %add3A_85 = arith.addf %gather3A_77, %gather3A_84 : vector<16xf32>
        %ge3A_86 = arith.constant 0.000000e+00 : f32
        %ge3A_87 = vector.broadcast %ge3A_86 : f32 to vector<16xf32>
        %ge3A_88 = arith.cmpf oge, %add3A_85, %ge3A_87 : vector<16xf32>
        %mul3A_89 = arith.constant 2.000000e-01 : f32
        %mul3A_90 = vector.broadcast %mul3A_89 : f32 to vector<16xf32>
        %mul3A_91 = arith.mulf %mul3A_90, %add3A_85 : vector<16xf32>
        %select_n3A_92 = arith.select %ge3A_88, %add3A_85, %mul3A_91 : vector<16xi1>, vector<16xf32>
        %exp3A_93 = math.exp %select_n3A_92 : vector<16xf32>
        %swap3A_94 = arith.constant 16 : index
        %swap3A_95 = tpu.vector_load %arg10[%swap3A_94] {strides = array<i32>} : memref<128xf32, #tpu.memory_space<vmem>>, vector<16xf32>,
        tpu.vector_store %arg10[%swap3A_94], %exp3A_93 {strides = array<i32>} : memref<128xf32, #tpu.memory_space<vmem>>, vector<16xf32>,
        %get3A_96 = arith.constant 0 : i32
        %get3A_97 = arith.constant 0 : i32
        %get3A_98 = arith.index_cast %get3A_96 : i32 to index
        %get3A_99 = arith.index_cast %get3A_97 : i32 to index
        %get3A_100 = arith.constant 32 : index
        %get3A_101 = tpu.vector_load %arg9[%get3A_98, %get3A_99, %get3A_100] {strides = array<i32>} : memref<1x2x128xi32, #tpu.memory_space<vmem>>, vector<16xi32>,
        %get3A_102 = arith.constant 0 : i32
        %get3A_103 = arith.constant 1 : i32
        %get3A_104 = arith.index_cast %get3A_102 : i32 to index
        %get3A_105 = arith.index_cast %get3A_103 : i32 to index
        %get3A_106 = arith.constant 32 : index
        %get3A_107 = tpu.vector_load %arg9[%get3A_104, %get3A_105, %get3A_106] {strides = array<i32>} : memref<1x2x128xi32, #tpu.memory_space<vmem>>, vector<16xi32>,
        %mul3A_108 = arith.constant 2 : i32
        %mul3A_109 = vector.broadcast %mul3A_108 : i32 to vector<16xi32>
        %mul3A_110 = arith.muli %get3A_101, %mul3A_109 : vector<16xi32>
        %gather3A_111 = tpu.vector_load_idx %arg12[%mul3A_110] : memref<20096xf32, #tpu.memory_space<vmem>>[vector<16xi32>], vector<16xf32>,
        %mul3A_112 = arith.constant 2 : i32
        %mul3A_113 = vector.broadcast %mul3A_112 : i32 to vector<16xi32>
        %mul3A_114 = arith.muli %get3A_107, %mul3A_113 : vector<16xi32>
        %add3A_115 = arith.constant 1 : i32
        %add3A_116 = vector.broadcast %add3A_115 : i32 to vector<16xi32>
        %add3A_117 = arith.addi %mul3A_114, %add3A_116 : vector<16xi32>
        %gather3A_118 = tpu.vector_load_idx %arg12[%add3A_117] : memref<20096xf32, #tpu.memory_space<vmem>>[vector<16xi32>], vector<16xf32>,
        %add3A_119 = arith.addf %gather3A_111, %gather3A_118 : vector<16xf32>
        %ge3A_120 = arith.constant 0.000000e+00 : f32
        %ge3A_121 = vector.broadcast %ge3A_120 : f32 to vector<16xf32>
        %ge3A_122 = arith.cmpf oge, %add3A_119, %ge3A_121 : vector<16xf32>
        %mul3A_123 = arith.constant 2.000000e-01 : f32
        %mul3A_124 = vector.broadcast %mul3A_123 : f32 to vector<16xf32>
        %mul3A_125 = arith.mulf %mul3A_124, %add3A_119 : vector<16xf32>
        %select_n3A_126 = arith.select %ge3A_122, %add3A_119, %mul3A_125 : vector<16xi1>, vector<16xf32>
        %exp3A_127 = math.exp %select_n3A_126 : vector<16xf32>
        %swap3A_128 = arith.constant 32 : index
        %swap3A_129 = tpu.vector_load %arg10[%swap3A_128] {strides = array<i32>} : memref<128xf32, #tpu.memory_space<vmem>>, vector<16xf32>,
        tpu.vector_store %arg10[%swap3A_128], %exp3A_127 {strides = array<i32>} : memref<128xf32, #tpu.memory_space<vmem>>, vector<16xf32>,
        %get3A_130 = arith.constant 0 : i32
        %get3A_131 = arith.constant 0 : i32
        %get3A_132 = arith.index_cast %get3A_130 : i32 to index
        %get3A_133 = arith.index_cast %get3A_131 : i32 to index
        %get3A_134 = arith.constant 48 : index
        %get3A_135 = tpu.vector_load %arg9[%get3A_132, %get3A_133, %get3A_134] {strides = array<i32>} : memref<1x2x128xi32, #tpu.memory_space<vmem>>, vector<16xi32>,
        %get3A_136 = arith.constant 0 : i32
        %get3A_137 = arith.constant 1 : i32
        %get3A_138 = arith.index_cast %get3A_136 : i32 to index
        %get3A_139 = arith.index_cast %get3A_137 : i32 to index
        %get3A_140 = arith.constant 48 : index
        %get3A_141 = tpu.vector_load %arg9[%get3A_138, %get3A_139, %get3A_140] {strides = array<i32>} : memref<1x2x128xi32, #tpu.memory_space<vmem>>, vector<16xi32>,
        %mul3A_142 = arith.constant 2 : i32
        %mul3A_143 = vector.broadcast %mul3A_142 : i32 to vector<16xi32>
        %mul3A_144 = arith.muli %get3A_135, %mul3A_143 : vector<16xi32>
        %gather3A_145 = tpu.vector_load_idx %arg12[%mul3A_144] : memref<20096xf32, #tpu.memory_space<vmem>>[vector<16xi32>], vector<16xf32>,
        %mul3A_146 = arith.constant 2 : i32
        %mul3A_147 = vector.broadcast %mul3A_146 : i32 to vector<16xi32>
        %mul3A_148 = arith.muli %get3A_141, %mul3A_147 : vector<16xi32>
        %add3A_149 = arith.constant 1 : i32
        %add3A_150 = vector.broadcast %add3A_149 : i32 to vector<16xi32>
        %add3A_151 = arith.addi %mul3A_148, %add3A_150 : vector<16xi32>
        %gather3A_152 = tpu.vector_load_idx %arg12[%add3A_151] : memref<20096xf32, #tpu.memory_space<vmem>>[vector<16xi32>], vector<16xf32>,
        %add3A_153 = arith.addf %gather3A_145, %gather3A_152 : vector<16xf32>
        %ge3A_154 = arith.constant 0.000000e+00 : f32
        %ge3A_155 = vector.broadcast %ge3A_154 : f32 to vector<16xf32>
        %ge3A_156 = arith.cmpf oge, %add3A_153, %ge3A_155 : vector<16xf32>
        %mul3A_157 = arith.constant 2.000000e-01 : f32
        %mul3A_158 = vector.broadcast %mul3A_157 : f32 to vector<16xf32>
        %mul3A_159 = arith.mulf %mul3A_158, %add3A_153 : vector<16xf32>
        %select_n3A_160 = arith.select %ge3A_156, %add3A_153, %mul3A_159 : vector<16xi1>, vector<16xf32>
        %exp3A_161 = math.exp %select_n3A_160 : vector<16xf32>
        %swap3A_162 = arith.constant 48 : index
        %swap3A_163 = tpu.vector_load %arg10[%swap3A_162] {strides = array<i32>} : memref<128xf32, #tpu.memory_space<vmem>>, vector<16xf32>,
        tpu.vector_store %arg10[%swap3A_162], %exp3A_161 {strides = array<i32>} : memref<128xf32, #tpu.memory_space<vmem>>, vector<16xf32>,
        %get3A_164 = arith.constant 0 : i32
        %get3A_165 = arith.constant 0 : i32
        %get3A_166 = arith.index_cast %get3A_164 : i32 to index
        %get3A_167 = arith.index_cast %get3A_165 : i32 to index
        %get3A_168 = arith.constant 64 : index
        %get3A_169 = tpu.vector_load %arg9[%get3A_166, %get3A_167, %get3A_168] {strides = array<i32>} : memref<1x2x128xi32, #tpu.memory_space<vmem>>, vector<16xi32>,
        %get3A_170 = arith.constant 0 : i32
        %get3A_171 = arith.constant 1 : i32
        %get3A_172 = arith.index_cast %get3A_170 : i32 to index
        %get3A_173 = arith.index_cast %get3A_171 : i32 to index
        %get3A_174 = arith.constant 64 : index
        %get3A_175 = tpu.vector_load %arg9[%get3A_172, %get3A_173, %get3A_174] {strides = array<i32>} : memref<1x2x128xi32, #tpu.memory_space<vmem>>, vector<16xi32>,
        %mul3A_176 = arith.constant 2 : i32
        %mul3A_177 = vector.broadcast %mul3A_176 : i32 to vector<16xi32>
        %mul3A_178 = arith.muli %get3A_169, %mul3A_177 : vector<16xi32>
        %gather3A_179 = tpu.vector_load_idx %arg12[%mul3A_178] : memref<20096xf32, #tpu.memory_space<vmem>>[vector<16xi32>], vector<16xf32>,
        %mul3A_180 = arith.constant 2 : i32
        %mul3A_181 = vector.broadcast %mul3A_180 : i32 to vector<16xi32>
        %mul3A_182 = arith.muli %get3A_175, %mul3A_181 : vector<16xi32>
        %add3A_183 = arith.constant 1 : i32
        %add3A_184 = vector.broadcast %add3A_183 : i32 to vector<16xi32>
        %add3A_185 = arith.addi %mul3A_182, %add3A_184 : vector<16xi32>
        %gather3A_186 = tpu.vector_load_idx %arg12[%add3A_185] : memref<20096xf32, #tpu.memory_space<vmem>>[vector<16xi32>], vector<16xf32>,
        %add3A_187 = arith.addf %gather3A_179, %gather3A_186 : vector<16xf32>
        %ge3A_188 = arith.constant 0.000000e+00 : f32
        %ge3A_189 = vector.broadcast %ge3A_188 : f32 to vector<16xf32>
        %ge3A_190 = arith.cmpf oge, %add3A_187, %ge3A_189 : vector<16xf32>
        %mul3A_191 = arith.constant 2.000000e-01 : f32
        %mul3A_192 = vector.broadcast %mul3A_191 : f32 to vector<16xf32>
        %mul3A_193 = arith.mulf %mul3A_192, %add3A_187 : vector<16xf32>
        %select_n3A_194 = arith.select %ge3A_190, %add3A_187, %mul3A_193 : vector<16xi1>, vector<16xf32>
        %exp3A_195 = math.exp %select_n3A_194 : vector<16xf32>
        %swap3A_196 = arith.constant 64 : index
        %swap3A_197 = tpu.vector_load %arg10[%swap3A_196] {strides = array<i32>} : memref<128xf32, #tpu.memory_space<vmem>>, vector<16xf32>,
        tpu.vector_store %arg10[%swap3A_196], %exp3A_195 {strides = array<i32>} : memref<128xf32, #tpu.memory_space<vmem>>, vector<16xf32>,
        %get3A_198 = arith.constant 0 : i32
        %get3A_199 = arith.constant 0 : i32
        %get3A_200 = arith.index_cast %get3A_198 : i32 to index
        %get3A_201 = arith.index_cast %get3A_199 : i32 to index
        %get3A_202 = arith.constant 80 : index
        %get3A_203 = tpu.vector_load %arg9[%get3A_200, %get3A_201, %get3A_202] {strides = array<i32>} : memref<1x2x128xi32, #tpu.memory_space<vmem>>, vector<16xi32>,
        %get3A_204 = arith.constant 0 : i32
        %get3A_205 = arith.constant 1 : i32
        %get3A_206 = arith.index_cast %get3A_204 : i32 to index
        %get3A_207 = arith.index_cast %get3A_205 : i32 to index
        %get3A_208 = arith.constant 80 : index
        %get3A_209 = tpu.vector_load %arg9[%get3A_206, %get3A_207, %get3A_208] {strides = array<i32>} : memref<1x2x128xi32, #tpu.memory_space<vmem>>, vector<16xi32>,
        %mul3A_210 = arith.constant 2 : i32
        %mul3A_211 = vector.broadcast %mul3A_210 : i32 to vector<16xi32>
        %mul3A_212 = arith.muli %get3A_203, %mul3A_211 : vector<16xi32>
        %gather3A_213 = tpu.vector_load_idx %arg12[%mul3A_212] : memref<20096xf32, #tpu.memory_space<vmem>>[vector<16xi32>], vector<16xf32>,
        %mul3A_214 = arith.constant 2 : i32
        %mul3A_215 = vector.broadcast %mul3A_214 : i32 to vector<16xi32>
        %mul3A_216 = arith.muli %get3A_209, %mul3A_215 : vector<16xi32>
        %add3A_217 = arith.constant 1 : i32
        %add3A_218 = vector.broadcast %add3A_217 : i32 to vector<16xi32>
        %add3A_219 = arith.addi %mul3A_216, %add3A_218 : vector<16xi32>
        %gather3A_220 = tpu.vector_load_idx %arg12[%add3A_219] : memref<20096xf32, #tpu.memory_space<vmem>>[vector<16xi32>], vector<16xf32>,
        %add3A_221 = arith.addf %gather3A_213, %gather3A_220 : vector<16xf32>
        %ge3A_222 = arith.constant 0.000000e+00 : f32
        %ge3A_223 = vector.broadcast %ge3A_222 : f32 to vector<16xf32>
        %ge3A_224 = arith.cmpf oge, %add3A_221, %ge3A_223 : vector<16xf32>
        %mul3A_225 = arith.constant 2.000000e-01 : f32
        %mul3A_226 = vector.broadcast %mul3A_225 : f32 to vector<16xf32>
        %mul3A_227 = arith.mulf %mul3A_226, %add3A_221 : vector<16xf32>
        %select_n3A_228 = arith.select %ge3A_224, %add3A_221, %mul3A_227 : vector<16xi1>, vector<16xf32>
        %exp3A_229 = math.exp %select_n3A_228 : vector<16xf32>
        %swap3A_230 = arith.constant 80 : index
        %swap3A_231 = tpu.vector_load %arg10[%swap3A_230] {strides = array<i32>} : memref<128xf32, #tpu.memory_space<vmem>>, vector<16xf32>,
        tpu.vector_store %arg10[%swap3A_230], %exp3A_229 {strides = array<i32>} : memref<128xf32, #tpu.memory_space<vmem>>, vector<16xf32>,
        %get3A_232 = arith.constant 0 : i32
        %get3A_233 = arith.constant 0 : i32
        %get3A_234 = arith.index_cast %get3A_232 : i32 to index
        %get3A_235 = arith.index_cast %get3A_233 : i32 to index
        %get3A_236 = arith.constant 96 : index
        %get3A_237 = tpu.vector_load %arg9[%get3A_234, %get3A_235, %get3A_236] {strides = array<i32>} : memref<1x2x128xi32, #tpu.memory_space<vmem>>, vector<16xi32>,
        %get3A_238 = arith.constant 0 : i32
        %get3A_239 = arith.constant 1 : i32
        %get3A_240 = arith.index_cast %get3A_238 : i32 to index
        %get3A_241 = arith.index_cast %get3A_239 : i32 to index
        %get3A_242 = arith.constant 96 : index
        %get3A_243 = tpu.vector_load %arg9[%get3A_240, %get3A_241, %get3A_242] {strides = array<i32>} : memref<1x2x128xi32, #tpu.memory_space<vmem>>, vector<16xi32>,
        %mul3A_244 = arith.constant 2 : i32
        %mul3A_245 = vector.broadcast %mul3A_244 : i32 to vector<16xi32>
        %mul3A_246 = arith.muli %get3A_237, %mul3A_245 : vector<16xi32>
        %gather3A_247 = tpu.vector_load_idx %arg12[%mul3A_246] : memref<20096xf32, #tpu.memory_space<vmem>>[vector<16xi32>], vector<16xf32>,
        %mul3A_248 = arith.constant 2 : i32
        %mul3A_249 = vector.broadcast %mul3A_248 : i32 to vector<16xi32>
        %mul3A_250 = arith.muli %get3A_243, %mul3A_249 : vector<16xi32>
        %add3A_251 = arith.constant 1 : i32
        %add3A_252 = vector.broadcast %add3A_251 : i32 to vector<16xi32>
        %add3A_253 = arith.addi %mul3A_250, %add3A_252 : vector<16xi32>
        %gather3A_254 = tpu.vector_load_idx %arg12[%add3A_253] : memref<20096xf32, #tpu.memory_space<vmem>>[vector<16xi32>], vector<16xf32>,
        %add3A_255 = arith.addf %gather3A_247, %gather3A_254 : vector<16xf32>
        %ge3A_256 = arith.constant 0.000000e+00 : f32
        %ge3A_257 = vector.broadcast %ge3A_256 : f32 to vector<16xf32>
        %ge3A_258 = arith.cmpf oge, %add3A_255, %ge3A_257 : vector<16xf32>
        %mul3A_259 = arith.constant 2.000000e-01 : f32
        %mul3A_260 = vector.broadcast %mul3A_259 : f32 to vector<16xf32>
        %mul3A_261 = arith.mulf %mul3A_260, %add3A_255 : vector<16xf32>
        %select_n3A_262 = arith.select %ge3A_258, %add3A_255, %mul3A_261 : vector<16xi1>, vector<16xf32>
        %exp3A_263 = math.exp %select_n3A_262 : vector<16xf32>
        %swap3A_264 = arith.constant 96 : index
        %swap3A_265 = tpu.vector_load %arg10[%swap3A_264] {strides = array<i32>} : memref<128xf32, #tpu.memory_space<vmem>>, vector<16xf32>,
        tpu.vector_store %arg10[%swap3A_264], %exp3A_263 {strides = array<i32>} : memref<128xf32, #tpu.memory_space<vmem>>, vector<16xf32>,
        %get3A_266 = arith.constant 0 : i32
        %get3A_267 = arith.constant 0 : i32
        %get3A_268 = arith.index_cast %get3A_266 : i32 to index
        %get3A_269 = arith.index_cast %get3A_267 : i32 to index
        %get3A_270 = arith.constant 112 : index
        %get3A_271 = tpu.vector_load %arg9[%get3A_268, %get3A_269, %get3A_270] {strides = array<i32>} : memref<1x2x128xi32, #tpu.memory_space<vmem>>, vector<16xi32>,
        %get3A_272 = arith.constant 0 : i32
        %get3A_273 = arith.constant 1 : i32
        %get3A_274 = arith.index_cast %get3A_272 : i32 to index
        %get3A_275 = arith.index_cast %get3A_273 : i32 to index
        %get3A_276 = arith.constant 112 : index
        %get3A_277 = tpu.vector_load %arg9[%get3A_274, %get3A_275, %get3A_276] {strides = array<i32>} : memref<1x2x128xi32, #tpu.memory_space<vmem>>, vector<16xi32>,
        %mul3A_278 = arith.constant 2 : i32
        %mul3A_279 = vector.broadcast %mul3A_278 : i32 to vector<16xi32>
        %mul3A_280 = arith.muli %get3A_271, %mul3A_279 : vector<16xi32>
        %gather3A_281 = tpu.vector_load_idx %arg12[%mul3A_280] : memref<20096xf32, #tpu.memory_space<vmem>>[vector<16xi32>], vector<16xf32>,
        %mul3A_282 = arith.constant 2 : i32
        %mul3A_283 = vector.broadcast %mul3A_282 : i32 to vector<16xi32>
        %mul3A_284 = arith.muli %get3A_277, %mul3A_283 : vector<16xi32>
        %add3A_285 = arith.constant 1 : i32
        %add3A_286 = vector.broadcast %add3A_285 : i32 to vector<16xi32>
        %add3A_287 = arith.addi %mul3A_284, %add3A_286 : vector<16xi32>
        %gather3A_288 = tpu.vector_load_idx %arg12[%add3A_287] : memref<20096xf32, #tpu.memory_space<vmem>>[vector<16xi32>], vector<16xf32>,
        %add3A_289 = arith.addf %gather3A_281, %gather3A_288 : vector<16xf32>
        %ge3A_290 = arith.constant 0.000000e+00 : f32
        %ge3A_291 = vector.broadcast %ge3A_290 : f32 to vector<16xf32>
        %ge3A_292 = arith.cmpf oge, %add3A_289, %ge3A_291 : vector<16xf32>
        %mul3A_293 = arith.constant 2.000000e-01 : f32
        %mul3A_294 = vector.broadcast %mul3A_293 : f32 to vector<16xf32>
        %mul3A_295 = arith.mulf %mul3A_294, %add3A_289 : vector<16xf32>
        %select_n3A_296 = arith.select %ge3A_292, %add3A_289, %mul3A_295 : vector<16xi1>, vector<16xf32>
        %exp3A_297 = math.exp %select_n3A_296 : vector<16xf32>
        %swap3A_298 = arith.constant 112 : index
        %swap3A_299 = tpu.vector_load %arg10[%swap3A_298] {strides = array<i32>} : memref<128xf32, #tpu.memory_space<vmem>>, vector<16xf32>,
        tpu.vector_store %arg10[%swap3A_298], %exp3A_297 {strides = array<i32>} : memref<128xf32, #tpu.memory_space<vmem>>, vector<16xf32>,
        %run_scoped3A_300 = arith.constant 0 : i32
        %run_scoped3A_301 = arith.constant 1 : i32
        "tpu.region"() ({
          %run_scoped3A_312 = tpu.sem_alloc : memref<!tpu.dma_semaphore, #tpu.memory_space<semaphore_mem>>
          %dma_start3A = arith.constant 0 : i32
          %dma_start3A_313 = tpu.memref_slice %arg9[%run_scoped3A_300, %run_scoped3A_301, %dma_start3A] : memref<1x2x128xi32, #tpu.memory_space<vmem>> -> memref<1x1x128xi32, #tpu.memory_space<vmem>>
          %dma_start3A_314 = tpu.memref_squeeze %dma_start3A_313 : memref<1x1x128xi32, #tpu.memory_space<vmem>> -> memref<128xi32, #tpu.memory_space<vmem>>
          %dma_start3A_315 = arith.constant 0 : i32
          %dma_start3A_316 = tpu.memref_slice %arg14[%dma_start3A_315] : memref<10240xf32, #tpu.memory_space<vmem_shared>> -> memref<10240xf32, #tpu.memory_space<vmem_shared>>
          tpu.enqueue_indirect_dma source(%arg10 : memref<128xf32, #tpu.memory_space<vmem>>) target(%dma_start3A_316 : memref<10240xf32, #tpu.memory_space<vmem_shared>>) offsets(%dma_start3A_314 : memref<128xi32, #tpu.memory_space<vmem>>) semaphore(%run_scoped3A_312 : memref<!tpu.dma_semaphore, #tpu.memory_space<semaphore_mem>>) {add = true}
          %dma_wait3A = arith.constant 0 : i32
          %dma_wait3A_317 = tpu.memref_slice %arg9[%run_scoped3A_300, %run_scoped3A_301, %dma_wait3A] : memref<1x2x128xi32, #tpu.memory_space<vmem>> -> memref<1x1x128xi32, #tpu.memory_space<vmem>>
          %dma_wait3A_318 = tpu.memref_squeeze %dma_wait3A_317 : memref<1x1x128xi32, #tpu.memory_space<vmem>> -> memref<128xi32, #tpu.memory_space<vmem>>
          %dma_wait3A_319 = arith.constant 0 : i32
          %dma_wait3A_320 = tpu.memref_slice %arg14[%dma_wait3A_319] : memref<10240xf32, #tpu.memory_space<vmem_shared>> -> memref<10240xf32, #tpu.memory_space<vmem_shared>>
          tpu.wait_indirect_dma semaphore(%run_scoped3A_312 : memref<!tpu.dma_semaphore, #tpu.memory_space<semaphore_mem>>) src(%arg10 : memref<128xf32, #tpu.memory_space<vmem>>) dst(%dma_wait3A_320 : memref<10240xf32, #tpu.memory_space<vmem_shared>>)
          tpu.yield
        }) : () -> ()
        %run_scoped3A_302 = arith.constant 0 : i32
        %run_scoped3A_303 = arith.constant 0 : i32
        "tpu.region"() ({
          %run_scoped3A_312 = tpu.sem_alloc : memref<!tpu.dma_semaphore, #tpu.memory_space<semaphore_mem>>
          %dma_start3A = arith.constant 0 : i32
          %dma_start3A_313 = tpu.memref_slice %arg9[%run_scoped3A_302, %run_scoped3A_303, %dma_start3A] : memref<1x2x128xi32, #tpu.memory_space<vmem>> -> memref<1x1x128xi32, #tpu.memory_space<vmem>>
          %dma_start3A_314 = tpu.memref_squeeze %dma_start3A_313 : memref<1x1x128xi32, #tpu.memory_space<vmem>> -> memref<128xi32, #tpu.memory_space<vmem>>
          %dma_start3A_315 = arith.constant 0 : i32
          %dma_start3A_316 = arith.constant 0 : i32
          %dma_start3A_317 = tpu.memref_slice %arg2[%dma_start3A_315, %dma_start3A_316] : memref<10000x128xf32, #tpu.memory_space<hbm>> -> memref<10000x128xf32, #tpu.memory_space<hbm>>
          tpu.enqueue_indirect_dma source(%dma_start3A_317 : memref<10000x128xf32, #tpu.memory_space<hbm>>) target(%arg11 : memref<128x128xf32, #tpu.memory_space<vmem>>) offsets(%dma_start3A_314 : memref<128xi32, #tpu.memory_space<vmem>>) semaphore(%run_scoped3A_312 : memref<!tpu.dma_semaphore, #tpu.memory_space<semaphore_mem>>)
          %dma_wait3A = arith.constant 0 : i32
          %dma_wait3A_318 = tpu.memref_slice %arg9[%run_scoped3A_302, %run_scoped3A_303, %dma_wait3A] : memref<1x2x128xi32, #tpu.memory_space<vmem>> -> memref<1x1x128xi32, #tpu.memory_space<vmem>>
          %dma_wait3A_319 = tpu.memref_squeeze %dma_wait3A_318 : memref<1x1x128xi32, #tpu.memory_space<vmem>> -> memref<128xi32, #tpu.memory_space<vmem>>
          %dma_wait3A_320 = arith.constant 0 : i32
          %dma_wait3A_321 = arith.constant 0 : i32
          %dma_wait3A_322 = tpu.memref_slice %arg2[%dma_wait3A_320, %dma_wait3A_321] : memref<10000x128xf32, #tpu.memory_space<hbm>> -> memref<10000x128xf32, #tpu.memory_space<hbm>>
          tpu.wait_indirect_dma semaphore(%run_scoped3A_312 : memref<!tpu.dma_semaphore, #tpu.memory_space<semaphore_mem>>) src(%dma_wait3A_322 : memref<10000x128xf32, #tpu.memory_space<hbm>>) dst(%arg11 : memref<128x128xf32, #tpu.memory_space<vmem>>)
          tpu.yield
        }) : () -> ()
        %scan3A_304 = arith.constant 0 : i32
        %scan3A_305 = arith.constant 0 : i32
        %scan3A_306 = arith.constant 8 : i32
        %scan3A_307 = arith.addi %scan3A_305, %scan3A_306 : i32
        %scan3A_308 = arith.constant 1 : i32
        scf.for %scan3A_312 = %scan3A_305 to %scan3A_307 step %scan3A_308  : i32 {
          %mul3A_313 = arith.constant 16 : i32
          %mul3A_314 = arith.muli %scan3A_312, %mul3A_313 : i32
          %add3A_315 = arith.constant 0 : i32
          %add3A_316 = arith.addi %mul3A_314, %add3A_315 : i32
          %broadcast_in_dim3A = vector.broadcast %add3A_316 : i32 to vector<16xi32>
          %gather3A_317 = tpu.vector_load_idx %arg10[%broadcast_in_dim3A] : memref<128xf32, #tpu.memory_space<vmem>>[vector<16xi32>], vector<16xf32>,
          %get3A_318 = arith.index_cast %add3A_316 : i32 to index
          %get3A_319 = arith.constant 0 : index
          %get3A_320 = tpu.vector_load %arg11[%get3A_318, %get3A_319] {strides = array<i32>} : memref<128x128xf32, #tpu.memory_space<vmem>>, vector<16xf32>,
          %mul3A_321 = arith.mulf %get3A_320, %gather3A_317 : vector<16xf32>
          %swap3A_322 = arith.index_cast %add3A_316 : i32 to index
          %swap3A_323 = arith.constant 0 : index
          %swap3A_324 = tpu.vector_load %arg11[%swap3A_322, %swap3A_323] {strides = array<i32>} : memref<128x128xf32, #tpu.memory_space<vmem>>, vector<16xf32>,
          tpu.vector_store %arg11[%swap3A_322, %swap3A_323], %mul3A_321 {strides = array<i32>} : memref<128x128xf32, #tpu.memory_space<vmem>>, vector<16xf32>,
          %get3A_325 = arith.index_cast %add3A_316 : i32 to index
          %get3A_326 = arith.constant 16 : index
          %get3A_327 = tpu.vector_load %arg11[%get3A_325, %get3A_326] {strides = array<i32>} : memref<128x128xf32, #tpu.memory_space<vmem>>, vector<16xf32>,
          %mul3A_328 = arith.mulf %get3A_327, %gather3A_317 : vector<16xf32>
          %swap3A_329 = arith.index_cast %add3A_316 : i32 to index
          %swap3A_330 = arith.constant 16 : index
          %swap3A_331 = tpu.vector_load %arg11[%swap3A_329, %swap3A_330] {strides = array<i32>} : memref<128x128xf32, #tpu.memory_space<vmem>>, vector<16xf32>,
          tpu.vector_store %arg11[%swap3A_329, %swap3A_330], %mul3A_328 {strides = array<i32>} : memref<128x128xf32, #tpu.memory_space<vmem>>, vector<16xf32>,
          %get3A_332 = arith.index_cast %add3A_316 : i32 to index
          %get3A_333 = arith.constant 32 : index
          %get3A_334 = tpu.vector_load %arg11[%get3A_332, %get3A_333] {strides = array<i32>} : memref<128x128xf32, #tpu.memory_space<vmem>>, vector<16xf32>,
          %mul3A_335 = arith.mulf %get3A_334, %gather3A_317 : vector<16xf32>
          %swap3A_336 = arith.index_cast %add3A_316 : i32 to index
          %swap3A_337 = arith.constant 32 : index
          %swap3A_338 = tpu.vector_load %arg11[%swap3A_336, %swap3A_337] {strides = array<i32>} : memref<128x128xf32, #tpu.memory_space<vmem>>, vector<16xf32>,
          tpu.vector_store %arg11[%swap3A_336, %swap3A_337], %mul3A_335 {strides = array<i32>} : memref<128x128xf32, #tpu.memory_space<vmem>>, vector<16xf32>,
          %get3A_339 = arith.index_cast %add3A_316 : i32 to index
          %get3A_340 = arith.constant 48 : index
          %get3A_341 = tpu.vector_load %arg11[%get3A_339, %get3A_340] {strides = array<i32>} : memref<128x128xf32, #tpu.memory_space<vmem>>, vector<16xf32>,
          %mul3A_342 = arith.mulf %get3A_341, %gather3A_317 : vector<16xf32>
          %swap3A_343 = arith.index_cast %add3A_316 : i32 to index
          %swap3A_344 = arith.constant 48 : index
          %swap3A_345 = tpu.vector_load %arg11[%swap3A_343, %swap3A_344] {strides = array<i32>} : memref<128x128xf32, #tpu.memory_space<vmem>>, vector<16xf32>,
          tpu.vector_store %arg11[%swap3A_343, %swap3A_344], %mul3A_342 {strides = array<i32>} : memref<128x128xf32, #tpu.memory_space<vmem>>, vector<16xf32>,
          %get3A_346 = arith.index_cast %add3A_316 : i32 to index
          %get3A_347 = arith.constant 64 : index
          %get3A_348 = tpu.vector_load %arg11[%get3A_346, %get3A_347] {strides = array<i32>} : memref<128x128xf32, #tpu.memory_space<vmem>>, vector<16xf32>,
          %mul3A_349 = arith.mulf %get3A_348, %gather3A_317 : vector<16xf32>
          %swap3A_350 = arith.index_cast %add3A_316 : i32 to index
          %swap3A_351 = arith.constant 64 : index
          %swap3A_352 = tpu.vector_load %arg11[%swap3A_350, %swap3A_351] {strides = array<i32>} : memref<128x128xf32, #tpu.memory_space<vmem>>, vector<16xf32>,
          tpu.vector_store %arg11[%swap3A_350, %swap3A_351], %mul3A_349 {strides = array<i32>} : memref<128x128xf32, #tpu.memory_space<vmem>>, vector<16xf32>,
          %get3A_353 = arith.index_cast %add3A_316 : i32 to index
          %get3A_354 = arith.constant 80 : index
          %get3A_355 = tpu.vector_load %arg11[%get3A_353, %get3A_354] {strides = array<i32>} : memref<128x128xf32, #tpu.memory_space<vmem>>, vector<16xf32>,
          %mul3A_356 = arith.mulf %get3A_355, %gather3A_317 : vector<16xf32>
          %swap3A_357 = arith.index_cast %add3A_316 : i32 to index
          %swap3A_358 = arith.constant 80 : index
          %swap3A_359 = tpu.vector_load %arg11[%swap3A_357, %swap3A_358] {strides = array<i32>} : memref<128x128xf32, #tpu.memory_space<vmem>>, vector<16xf32>,
          tpu.vector_store %arg11[%swap3A_357, %swap3A_358], %mul3A_356 {strides = array<i32>} : memref<128x128xf32, #tpu.memory_space<vmem>>, vector<16xf32>,
          %get3A_360 = arith.index_cast %add3A_316 : i32 to index
          %get3A_361 = arith.constant 96 : index
          %get3A_362 = tpu.vector_load %arg11[%get3A_360, %get3A_361] {strides = array<i32>} : memref<128x128xf32, #tpu.memory_space<vmem>>, vector<16xf32>,
          %mul3A_363 = arith.mulf %get3A_362, %gather3A_317 : vector<16xf32>
          %swap3A_364 = arith.index_cast %add3A_316 : i32 to index
          %swap3A_365 = arith.constant 96 : index
          %swap3A_366 = tpu.vector_load %arg11[%swap3A_364, %swap3A_365] {strides = array<i32>} : memref<128x128xf32, #tpu.memory_space<vmem>>, vector<16xf32>,
          tpu.vector_store %arg11[%swap3A_364, %swap3A_365], %mul3A_363 {strides = array<i32>} : memref<128x128xf32, #tpu.memory_space<vmem>>, vector<16xf32>,
          %get3A_367 = arith.index_cast %add3A_316 : i32 to index
          %get3A_368 = arith.constant 112 : index
          %get3A_369 = tpu.vector_load %arg11[%get3A_367, %get3A_368] {strides = array<i32>} : memref<128x128xf32, #tpu.memory_space<vmem>>, vector<16xf32>,
          %mul3A_370 = arith.mulf %get3A_369, %gather3A_317 : vector<16xf32>
          %swap3A_371 = arith.index_cast %add3A_316 : i32 to index
          %swap3A_372 = arith.constant 112 : index
          %swap3A_373 = tpu.vector_load %arg11[%swap3A_371, %swap3A_372] {strides = array<i32>} : memref<128x128xf32, #tpu.memory_space<vmem>>, vector<16xf32>,
          tpu.vector_store %arg11[%swap3A_371, %swap3A_372], %mul3A_370 {strides = array<i32>} : memref<128x128xf32, #tpu.memory_space<vmem>>, vector<16xf32>,
          %add3A_374 = arith.constant 1 : i32
          %add3A_375 = arith.addi %mul3A_314, %add3A_374 : i32
          %broadcast_in_dim3A_376 = vector.broadcast %add3A_375 : i32 to vector<16xi32>
          %gather3A_377 = tpu.vector_load_idx %arg10[%broadcast_in_dim3A_376] : memref<128xf32, #tpu.memory_space<vmem>>[vector<16xi32>], vector<16xf32>,
          %get3A_378 = arith.index_cast %add3A_375 : i32 to index
          %get3A_379 = arith.constant 0 : index
          %get3A_380 = tpu.vector_load %arg11[%get3A_378, %get3A_379] {strides = array<i32>} : memref<128x128xf32, #tpu.memory_space<vmem>>, vector<16xf32>,
          %mul3A_381 = arith.mulf %get3A_380, %gather3A_377 : vector<16xf32>
          %swap3A_382 = arith.index_cast %add3A_375 : i32 to index
          %swap3A_383 = arith.constant 0 : index
          %swap3A_384 = tpu.vector_load %arg11[%swap3A_382, %swap3A_383] {strides = array<i32>} : memref<128x128xf32, #tpu.memory_space<vmem>>, vector<16xf32>,
          tpu.vector_store %arg11[%swap3A_382, %swap3A_383], %mul3A_381 {strides = array<i32>} : memref<128x128xf32, #tpu.memory_space<vmem>>, vector<16xf32>,
          %get3A_385 = arith.index_cast %add3A_375 : i32 to index
          %get3A_386 = arith.constant 16 : index
          %get3A_387 = tpu.vector_load %arg11[%get3A_385, %get3A_386] {strides = array<i32>} : memref<128x128xf32, #tpu.memory_space<vmem>>, vector<16xf32>,
          %mul3A_388 = arith.mulf %get3A_387, %gather3A_377 : vector<16xf32>
          %swap3A_389 = arith.index_cast %add3A_375 : i32 to index
          %swap3A_390 = arith.constant 16 : index
          %swap3A_391 = tpu.vector_load %arg11[%swap3A_389, %swap3A_390] {strides = array<i32>} : memref<128x128xf32, #tpu.memory_space<vmem>>, vector<16xf32>,
          tpu.vector_store %arg11[%swap3A_389, %swap3A_390], %mul3A_388 {strides = array<i32>} : memref<128x128xf32, #tpu.memory_space<vmem>>, vector<16xf32>,
          %get3A_392 = arith.index_cast %add3A_375 : i32 to index
          %get3A_393 = arith.constant 32 : index
          %get3A_394 = tpu.vector_load %arg11[%get3A_392, %get3A_393] {strides = array<i32>} : memref<128x128xf32, #tpu.memory_space<vmem>>, vector<16xf32>,
          %mul3A_395 = arith.mulf %get3A_394, %gather3A_377 : vector<16xf32>
          %swap3A_396 = arith.index_cast %add3A_375 : i32 to index
          %swap3A_397 = arith.constant 32 : index
          %swap3A_398 = tpu.vector_load %arg11[%swap3A_396, %swap3A_397] {strides = array<i32>} : memref<128x128xf32, #tpu.memory_space<vmem>>, vector<16xf32>,
          tpu.vector_store %arg11[%swap3A_396, %swap3A_397], %mul3A_395 {strides = array<i32>} : memref<128x128xf32, #tpu.memory_space<vmem>>, vector<16xf32>,
          %get3A_399 = arith.index_cast %add3A_375 : i32 to index
          %get3A_400 = arith.constant 48 : index
          %get3A_401 = tpu.vector_load %arg11[%get3A_399, %get3A_400] {strides = array<i32>} : memref<128x128xf32, #tpu.memory_space<vmem>>, vector<16xf32>,
          %mul3A_402 = arith.mulf %get3A_401, %gather3A_377 : vector<16xf32>
          %swap3A_403 = arith.index_cast %add3A_375 : i32 to index
          %swap3A_404 = arith.constant 48 : index
          %swap3A_405 = tpu.vector_load %arg11[%swap3A_403, %swap3A_404] {strides = array<i32>} : memref<128x128xf32, #tpu.memory_space<vmem>>, vector<16xf32>,
          tpu.vector_store %arg11[%swap3A_403, %swap3A_404], %mul3A_402 {strides = array<i32>} : memref<128x128xf32, #tpu.memory_space<vmem>>, vector<16xf32>,
          %get3A_406 = arith.index_cast %add3A_375 : i32 to index
          %get3A_407 = arith.constant 64 : index
          %get3A_408 = tpu.vector_load %arg11[%get3A_406, %get3A_407] {strides = array<i32>} : memref<128x128xf32, #tpu.memory_space<vmem>>, vector<16xf32>,
          %mul3A_409 = arith.mulf %get3A_408, %gather3A_377 : vector<16xf32>
          %swap3A_410 = arith.index_cast %add3A_375 : i32 to index
          %swap3A_411 = arith.constant 64 : index
          %swap3A_412 = tpu.vector_load %arg11[%swap3A_410, %swap3A_411] {strides = array<i32>} : memref<128x128xf32, #tpu.memory_space<vmem>>, vector<16xf32>,
          tpu.vector_store %arg11[%swap3A_410, %swap3A_411], %mul3A_409 {strides = array<i32>} : memref<128x128xf32, #tpu.memory_space<vmem>>, vector<16xf32>,
          %get3A_413 = arith.index_cast %add3A_375 : i32 to index
          %get3A_414 = arith.constant 80 : index
          %get3A_415 = tpu.vector_load %arg11[%get3A_413, %get3A_414] {strides = array<i32>} : memref<128x128xf32, #tpu.memory_space<vmem>>, vector<16xf32>,
          %mul3A_416 = arith.mulf %get3A_415, %gather3A_377 : vector<16xf32>
          %swap3A_417 = arith.index_cast %add3A_375 : i32 to index
          %swap3A_418 = arith.constant 80 : index
          %swap3A_419 = tpu.vector_load %arg11[%swap3A_417, %swap3A_418] {strides = array<i32>} : memref<128x128xf32, #tpu.memory_space<vmem>>, vector<16xf32>,
          tpu.vector_store %arg11[%swap3A_417, %swap3A_418], %mul3A_416 {strides = array<i32>} : memref<128x128xf32, #tpu.memory_space<vmem>>, vector<16xf32>,
          %get3A_420 = arith.index_cast %add3A_375 : i32 to index
          %get3A_421 = arith.constant 96 : index
          %get3A_422 = tpu.vector_load %arg11[%get3A_420, %get3A_421] {strides = array<i32>} : memref<128x128xf32, #tpu.memory_space<vmem>>, vector<16xf32>,
          %mul3A_423 = arith.mulf %get3A_422, %gather3A_377 : vector<16xf32>
          %swap3A_424 = arith.index_cast %add3A_375 : i32 to index
          %swap3A_425 = arith.constant 96 : index
          %swap3A_426 = tpu.vector_load %arg11[%swap3A_424, %swap3A_425] {strides = array<i32>} : memref<128x128xf32, #tpu.memory_space<vmem>>, vector<16xf32>,
          tpu.vector_store %arg11[%swap3A_424, %swap3A_425], %mul3A_423 {strides = array<i32>} : memref<128x128xf32, #tpu.memory_space<vmem>>, vector<16xf32>,
          %get3A_427 = arith.index_cast %add3A_375 : i32 to index
          %get3A_428 = arith.constant 112 : index
          %get3A_429 = tpu.vector_load %arg11[%get3A_427, %get3A_428] {strides = array<i32>} : memref<128x128xf32, #tpu.memory_space<vmem>>, vector<16xf32>,
          %mul3A_430 = arith.mulf %get3A_429, %gather3A_377 : vector<16xf32>
          %swap3A_431 = arith.index_cast %add3A_375 : i32 to index
          %swap3A_432 = arith.constant 112 : index
          %swap3A_433 = tpu.vector_load %arg11[%swap3A_431, %swap3A_432] {strides = array<i32>} : memref<128x128xf32, #tpu.memory_space<vmem>>, vector<16xf32>,
          tpu.vector_store %arg11[%swap3A_431, %swap3A_432], %mul3A_430 {strides = array<i32>} : memref<128x128xf32, #tpu.memory_space<vmem>>, vector<16xf32>,
          %add3A_434 = arith.constant 2 : i32
          %add3A_435 = arith.addi %mul3A_314, %add3A_434 : i32
          %broadcast_in_dim3A_436 = vector.broadcast %add3A_435 : i32 to vector<16xi32>
          %gather3A_437 = tpu.vector_load_idx %arg10[%broadcast_in_dim3A_436] : memref<128xf32, #tpu.memory_space<vmem>>[vector<16xi32>], vector<16xf32>,
          %get3A_438 = arith.index_cast %add3A_435 : i32 to index
          %get3A_439 = arith.constant 0 : index
          %get3A_440 = tpu.vector_load %arg11[%get3A_438, %get3A_439] {strides = array<i32>} : memref<128x128xf32, #tpu.memory_space<vmem>>, vector<16xf32>,
          %mul3A_441 = arith.mulf %get3A_440, %gather3A_437 : vector<16xf32>
          %swap3A_442 = arith.index_cast %add3A_435 : i32 to index
          %swap3A_443 = arith.constant 0 : index
          %swap3A_444 = tpu.vector_load %arg11[%swap3A_442, %swap3A_443] {strides = array<i32>} : memref<128x128xf32, #tpu.memory_space<vmem>>, vector<16xf32>,
          tpu.vector_store %arg11[%swap3A_442, %swap3A_443], %mul3A_441 {strides = array<i32>} : memref<128x128xf32, #tpu.memory_space<vmem>>, vector<16xf32>,
          %get3A_445 = arith.index_cast %add3A_435 : i32 to index
          %get3A_446 = arith.constant 16 : index
          %get3A_447 = tpu.vector_load %arg11[%get3A_445, %get3A_446] {strides = array<i32>} : memref<128x128xf32, #tpu.memory_space<vmem>>, vector<16xf32>,
          %mul3A_448 = arith.mulf %get3A_447, %gather3A_437 : vector<16xf32>
          %swap3A_449 = arith.index_cast %add3A_435 : i32 to index
          %swap3A_450 = arith.constant 16 : index
          %swap3A_451 = tpu.vector_load %arg11[%swap3A_449, %swap3A_450] {strides = array<i32>} : memref<128x128xf32, #tpu.memory_space<vmem>>, vector<16xf32>,
          tpu.vector_store %arg11[%swap3A_449, %swap3A_450], %mul3A_448 {strides = array<i32>} : memref<128x128xf32, #tpu.memory_space<vmem>>, vector<16xf32>,
          %get3A_452 = arith.index_cast %add3A_435 : i32 to index
          %get3A_453 = arith.constant 32 : index
          %get3A_454 = tpu.vector_load %arg11[%get3A_452, %get3A_453] {strides = array<i32>} : memref<128x128xf32, #tpu.memory_space<vmem>>, vector<16xf32>,
          %mul3A_455 = arith.mulf %get3A_454, %gather3A_437 : vector<16xf32>
          %swap3A_456 = arith.index_cast %add3A_435 : i32 to index
          %swap3A_457 = arith.constant 32 : index
          %swap3A_458 = tpu.vector_load %arg11[%swap3A_456, %swap3A_457] {strides = array<i32>} : memref<128x128xf32, #tpu.memory_space<vmem>>, vector<16xf32>,
          tpu.vector_store %arg11[%swap3A_456, %swap3A_457], %mul3A_455 {strides = array<i32>} : memref<128x128xf32, #tpu.memory_space<vmem>>, vector<16xf32>,
          %get3A_459 = arith.index_cast %add3A_435 : i32 to index
          %get3A_460 = arith.constant 48 : index
          %get3A_461 = tpu.vector_load %arg11[%get3A_459, %get3A_460] {strides = array<i32>} : memref<128x128xf32, #tpu.memory_space<vmem>>, vector<16xf32>,
          %mul3A_462 = arith.mulf %get3A_461, %gather3A_437 : vector<16xf32>
          %swap3A_463 = arith.index_cast %add3A_435 : i32 to index
          %swap3A_464 = arith.constant 48 : index
          %swap3A_465 = tpu.vector_load %arg11[%swap3A_463, %swap3A_464] {strides = array<i32>} : memref<128x128xf32, #tpu.memory_space<vmem>>, vector<16xf32>,
          tpu.vector_store %arg11[%swap3A_463, %swap3A_464], %mul3A_462 {strides = array<i32>} : memref<128x128xf32, #tpu.memory_space<vmem>>, vector<16xf32>,
          %get3A_466 = arith.index_cast %add3A_435 : i32 to index
          %get3A_467 = arith.constant 64 : index
          %get3A_468 = tpu.vector_load %arg11[%get3A_466, %get3A_467] {strides = array<i32>} : memref<128x128xf32, #tpu.memory_space<vmem>>, vector<16xf32>,
          %mul3A_469 = arith.mulf %get3A_468, %gather3A_437 : vector<16xf32>
          %swap3A_470 = arith.index_cast %add3A_435 : i32 to index
          %swap3A_471 = arith.constant 64 : index
          %swap3A_472 = tpu.vector_load %arg11[%swap3A_470, %swap3A_471] {strides = array<i32>} : memref<128x128xf32, #tpu.memory_space<vmem>>, vector<16xf32>,
          tpu.vector_store %arg11[%swap3A_470, %swap3A_471], %mul3A_469 {strides = array<i32>} : memref<128x128xf32, #tpu.memory_space<vmem>>, vector<16xf32>,
          %get3A_473 = arith.index_cast %add3A_435 : i32 to index
          %get3A_474 = arith.constant 80 : index
          %get3A_475 = tpu.vector_load %arg11[%get3A_473, %get3A_474] {strides = array<i32>} : memref<128x128xf32, #tpu.memory_space<vmem>>, vector<16xf32>,
          %mul3A_476 = arith.mulf %get3A_475, %gather3A_437 : vector<16xf32>
          %swap3A_477 = arith.index_cast %add3A_435 : i32 to index
          %swap3A_478 = arith.constant 80 : index
          %swap3A_479 = tpu.vector_load %arg11[%swap3A_477, %swap3A_478] {strides = array<i32>} : memref<128x128xf32, #tpu.memory_space<vmem>>, vector<16xf32>,
          tpu.vector_store %arg11[%swap3A_477, %swap3A_478], %mul3A_476 {strides = array<i32>} : memref<128x128xf32, #tpu.memory_space<vmem>>, vector<16xf32>,
          %get3A_480 = arith.index_cast %add3A_435 : i32 to index
          %get3A_481 = arith.constant 96 : index
          %get3A_482 = tpu.vector_load %arg11[%get3A_480, %get3A_481] {strides = array<i32>} : memref<128x128xf32, #tpu.memory_space<vmem>>, vector<16xf32>,
          %mul3A_483 = arith.mulf %get3A_482, %gather3A_437 : vector<16xf32>
          %swap3A_484 = arith.index_cast %add3A_435 : i32 to index
          %swap3A_485 = arith.constant 96 : index
          %swap3A_486 = tpu.vector_load %arg11[%swap3A_484, %swap3A_485] {strides = array<i32>} : memref<128x128xf32, #tpu.memory_space<vmem>>, vector<16xf32>,
          tpu.vector_store %arg11[%swap3A_484, %swap3A_485], %mul3A_483 {strides = array<i32>} : memref<128x128xf32, #tpu.memory_space<vmem>>, vector<16xf32>,
          %get3A_487 = arith.index_cast %add3A_435 : i32 to index
          %get3A_488 = arith.constant 112 : index
          %get3A_489 = tpu.vector_load %arg11[%get3A_487, %get3A_488] {strides = array<i32>} : memref<128x128xf32, #tpu.memory_space<vmem>>, vector<16xf32>,
          %mul3A_490 = arith.mulf %get3A_489, %gather3A_437 : vector<16xf32>
          %swap3A_491 = arith.index_cast %add3A_435 : i32 to index
          %swap3A_492 = arith.constant 112 : index
          %swap3A_493 = tpu.vector_load %arg11[%swap3A_491, %swap3A_492] {strides = array<i32>} : memref<128x128xf32, #tpu.memory_space<vmem>>, vector<16xf32>,
          tpu.vector_store %arg11[%swap3A_491, %swap3A_492], %mul3A_490 {strides = array<i32>} : memref<128x128xf32, #tpu.memory_space<vmem>>, vector<16xf32>,
          %add3A_494 = arith.constant 3 : i32
          %add3A_495 = arith.addi %mul3A_314, %add3A_494 : i32
          %broadcast_in_dim3A_496 = vector.broadcast %add3A_495 : i32 to vector<16xi32>
          %gather3A_497 = tpu.vector_load_idx %arg10[%broadcast_in_dim3A_496] : memref<128xf32, #tpu.memory_space<vmem>>[vector<16xi32>], vector<16xf32>,
          %get3A_498 = arith.index_cast %add3A_495 : i32 to index
          %get3A_499 = arith.constant 0 : index
          %get3A_500 = tpu.vector_load %arg11[%get3A_498, %get3A_499] {strides = array<i32>} : memref<128x128xf32, #tpu.memory_space<vmem>>, vector<16xf32>,
          %mul3A_501 = arith.mulf %get3A_500, %gather3A_497 : vector<16xf32>
          %swap3A_502 = arith.index_cast %add3A_495 : i32 to index
          %swap3A_503 = arith.constant 0 : index
          %swap3A_504 = tpu.vector_load %arg11[%swap3A_502, %swap3A_503] {strides = array<i32>} : memref<128x128xf32, #tpu.memory_space<vmem>>, vector<16xf32>,
          tpu.vector_store %arg11[%swap3A_502, %swap3A_503], %mul3A_501 {strides = array<i32>} : memref<128x128xf32, #tpu.memory_space<vmem>>, vector<16xf32>,
          %get3A_505 = arith.index_cast %add3A_495 : i32 to index
          %get3A_506 = arith.constant 16 : index
          %get3A_507 = tpu.vector_load %arg11[%get3A_505, %get3A_506] {strides = array<i32>} : memref<128x128xf32, #tpu.memory_space<vmem>>, vector<16xf32>,
          %mul3A_508 = arith.mulf %get3A_507, %gather3A_497 : vector<16xf32>
          %swap3A_509 = arith.index_cast %add3A_495 : i32 to index
          %swap3A_510 = arith.constant 16 : index
          %swap3A_511 = tpu.vector_load %arg11[%swap3A_509, %swap3A_510] {strides = array<i32>} : memref<128x128xf32, #tpu.memory_space<vmem>>, vector<16xf32>,
          tpu.vector_store %arg11[%swap3A_509, %swap3A_510], %mul3A_508 {strides = array<i32>} : memref<128x128xf32, #tpu.memory_space<vmem>>, vector<16xf32>,
          %get3A_512 = arith.index_cast %add3A_495 : i32 to index
          %get3A_513 = arith.constant 32 : index
          %get3A_514 = tpu.vector_load %arg11[%get3A_512, %get3A_513] {strides = array<i32>} : memref<128x128xf32, #tpu.memory_space<vmem>>, vector<16xf32>,
          %mul3A_515 = arith.mulf %get3A_514, %gather3A_497 : vector<16xf32>
          %swap3A_516 = arith.index_cast %add3A_495 : i32 to index
          %swap3A_517 = arith.constant 32 : index
          %swap3A_518 = tpu.vector_load %arg11[%swap3A_516, %swap3A_517] {strides = array<i32>} : memref<128x128xf32, #tpu.memory_space<vmem>>, vector<16xf32>,
          tpu.vector_store %arg11[%swap3A_516, %swap3A_517], %mul3A_515 {strides = array<i32>} : memref<128x128xf32, #tpu.memory_space<vmem>>, vector<16xf32>,
          %get3A_519 = arith.index_cast %add3A_495 : i32 to index
          %get3A_520 = arith.constant 48 : index
          %get3A_521 = tpu.vector_load %arg11[%get3A_519, %get3A_520] {strides = array<i32>} : memref<128x128xf32, #tpu.memory_space<vmem>>, vector<16xf32>,
          %mul3A_522 = arith.mulf %get3A_521, %gather3A_497 : vector<16xf32>
          %swap3A_523 = arith.index_cast %add3A_495 : i32 to index
          %swap3A_524 = arith.constant 48 : index
          %swap3A_525 = tpu.vector_load %arg11[%swap3A_523, %swap3A_524] {strides = array<i32>} : memref<128x128xf32, #tpu.memory_space<vmem>>, vector<16xf32>,
          tpu.vector_store %arg11[%swap3A_523, %swap3A_524], %mul3A_522 {strides = array<i32>} : memref<128x128xf32, #tpu.memory_space<vmem>>, vector<16xf32>,
          %get3A_526 = arith.index_cast %add3A_495 : i32 to index
          %get3A_527 = arith.constant 64 : index
          %get3A_528 = tpu.vector_load %arg11[%get3A_526, %get3A_527] {strides = array<i32>} : memref<128x128xf32, #tpu.memory_space<vmem>>, vector<16xf32>,
          %mul3A_529 = arith.mulf %get3A_528, %gather3A_497 : vector<16xf32>
          %swap3A_530 = arith.index_cast %add3A_495 : i32 to index
          %swap3A_531 = arith.constant 64 : index
          %swap3A_532 = tpu.vector_load %arg11[%swap3A_530, %swap3A_531] {strides = array<i32>} : memref<128x128xf32, #tpu.memory_space<vmem>>, vector<16xf32>,
          tpu.vector_store %arg11[%swap3A_530, %swap3A_531], %mul3A_529 {strides = array<i32>} : memref<128x128xf32, #tpu.memory_space<vmem>>, vector<16xf32>,
          %get3A_533 = arith.index_cast %add3A_495 : i32 to index
          %get3A_534 = arith.constant 80 : index
          %get3A_535 = tpu.vector_load %arg11[%get3A_533, %get3A_534] {strides = array<i32>} : memref<128x128xf32, #tpu.memory_space<vmem>>, vector<16xf32>,
          %mul3A_536 = arith.mulf %get3A_535, %gather3A_497 : vector<16xf32>
          %swap3A_537 = arith.index_cast %add3A_495 : i32 to index
          %swap3A_538 = arith.constant 80 : index
          %swap3A_539 = tpu.vector_load %arg11[%swap3A_537, %swap3A_538] {strides = array<i32>} : memref<128x128xf32, #tpu.memory_space<vmem>>, vector<16xf32>,
          tpu.vector_store %arg11[%swap3A_537, %swap3A_538], %mul3A_536 {strides = array<i32>} : memref<128x128xf32, #tpu.memory_space<vmem>>, vector<16xf32>,
          %get3A_540 = arith.index_cast %add3A_495 : i32 to index
          %get3A_541 = arith.constant 96 : index
          %get3A_542 = tpu.vector_load %arg11[%get3A_540, %get3A_541] {strides = array<i32>} : memref<128x128xf32, #tpu.memory_space<vmem>>, vector<16xf32>,
          %mul3A_543 = arith.mulf %get3A_542, %gather3A_497 : vector<16xf32>
          %swap3A_544 = arith.index_cast %add3A_495 : i32 to index
          %swap3A_545 = arith.constant 96 : index
          %swap3A_546 = tpu.vector_load %arg11[%swap3A_544, %swap3A_545] {strides = array<i32>} : memref<128x128xf32, #tpu.memory_space<vmem>>, vector<16xf32>,
          tpu.vector_store %arg11[%swap3A_544, %swap3A_545], %mul3A_543 {strides = array<i32>} : memref<128x128xf32, #tpu.memory_space<vmem>>, vector<16xf32>,
          %get3A_547 = arith.index_cast %add3A_495 : i32 to index
          %get3A_548 = arith.constant 112 : index
          %get3A_549 = tpu.vector_load %arg11[%get3A_547, %get3A_548] {strides = array<i32>} : memref<128x128xf32, #tpu.memory_space<vmem>>, vector<16xf32>,
          %mul3A_550 = arith.mulf %get3A_549, %gather3A_497 : vector<16xf32>
          %swap3A_551 = arith.index_cast %add3A_495 : i32 to index
          %swap3A_552 = arith.constant 112 : index
          %swap3A_553 = tpu.vector_load %arg11[%swap3A_551, %swap3A_552] {strides = array<i32>} : memref<128x128xf32, #tpu.memory_space<vmem>>, vector<16xf32>,
          tpu.vector_store %arg11[%swap3A_551, %swap3A_552], %mul3A_550 {strides = array<i32>} : memref<128x128xf32, #tpu.memory_space<vmem>>, vector<16xf32>,
          %add3A_554 = arith.constant 4 : i32
          %add3A_555 = arith.addi %mul3A_314, %add3A_554 : i32
          %broadcast_in_dim3A_556 = vector.broadcast %add3A_555 : i32 to vector<16xi32>
          %gather3A_557 = tpu.vector_load_idx %arg10[%broadcast_in_dim3A_556] : memref<128xf32, #tpu.memory_space<vmem>>[vector<16xi32>], vector<16xf32>,
          %get3A_558 = arith.index_cast %add3A_555 : i32 to index
          %get3A_559 = arith.constant 0 : index
          %get3A_560 = tpu.vector_load %arg11[%get3A_558, %get3A_559] {strides = array<i32>} : memref<128x128xf32, #tpu.memory_space<vmem>>, vector<16xf32>,
          %mul3A_561 = arith.mulf %get3A_560, %gather3A_557 : vector<16xf32>
          %swap3A_562 = arith.index_cast %add3A_555 : i32 to index
          %swap3A_563 = arith.constant 0 : index
          %swap3A_564 = tpu.vector_load %arg11[%swap3A_562, %swap3A_563] {strides = array<i32>} : memref<128x128xf32, #tpu.memory_space<vmem>>, vector<16xf32>,
          tpu.vector_store %arg11[%swap3A_562, %swap3A_563], %mul3A_561 {strides = array<i32>} : memref<128x128xf32, #tpu.memory_space<vmem>>, vector<16xf32>,
          %get3A_565 = arith.index_cast %add3A_555 : i32 to index
          %get3A_566 = arith.constant 16 : index
          %get3A_567 = tpu.vector_load %arg11[%get3A_565, %get3A_566] {strides = array<i32>} : memref<128x128xf32, #tpu.memory_space<vmem>>, vector<16xf32>,
          %mul3A_568 = arith.mulf %get3A_567, %gather3A_557 : vector<16xf32>
          %swap3A_569 = arith.index_cast %add3A_555 : i32 to index
          %swap3A_570 = arith.constant 16 : index
          %swap3A_571 = tpu.vector_load %arg11[%swap3A_569, %swap3A_570] {strides = array<i32>} : memref<128x128xf32, #tpu.memory_space<vmem>>, vector<16xf32>,
          tpu.vector_store %arg11[%swap3A_569, %swap3A_570], %mul3A_568 {strides = array<i32>} : memref<128x128xf32, #tpu.memory_space<vmem>>, vector<16xf32>,
          %get3A_572 = arith.index_cast %add3A_555 : i32 to index
          %get3A_573 = arith.constant 32 : index
          %get3A_574 = tpu.vector_load %arg11[%get3A_572, %get3A_573] {strides = array<i32>} : memref<128x128xf32, #tpu.memory_space<vmem>>, vector<16xf32>,
          %mul3A_575 = arith.mulf %get3A_574, %gather3A_557 : vector<16xf32>
          %swap3A_576 = arith.index_cast %add3A_555 : i32 to index
          %swap3A_577 = arith.constant 32 : index
          %swap3A_578 = tpu.vector_load %arg11[%swap3A_576, %swap3A_577] {strides = array<i32>} : memref<128x128xf32, #tpu.memory_space<vmem>>, vector<16xf32>,
          tpu.vector_store %arg11[%swap3A_576, %swap3A_577], %mul3A_575 {strides = array<i32>} : memref<128x128xf32, #tpu.memory_space<vmem>>, vector<16xf32>,
          %get3A_579 = arith.index_cast %add3A_555 : i32 to index
          %get3A_580 = arith.constant 48 : index
          %get3A_581 = tpu.vector_load %arg11[%get3A_579, %get3A_580] {strides = array<i32>} : memref<128x128xf32, #tpu.memory_space<vmem>>, vector<16xf32>,
          %mul3A_582 = arith.mulf %get3A_581, %gather3A_557 : vector<16xf32>
          %swap3A_583 = arith.index_cast %add3A_555 : i32 to index
          %swap3A_584 = arith.constant 48 : index
          %swap3A_585 = tpu.vector_load %arg11[%swap3A_583, %swap3A_584] {strides = array<i32>} : memref<128x128xf32, #tpu.memory_space<vmem>>, vector<16xf32>,
          tpu.vector_store %arg11[%swap3A_583, %swap3A_584], %mul3A_582 {strides = array<i32>} : memref<128x128xf32, #tpu.memory_space<vmem>>, vector<16xf32>,
          %get3A_586 = arith.index_cast %add3A_555 : i32 to index
          %get3A_587 = arith.constant 64 : index
          %get3A_588 = tpu.vector_load %arg11[%get3A_586, %get3A_587] {strides = array<i32>} : memref<128x128xf32, #tpu.memory_space<vmem>>, vector<16xf32>,
          %mul3A_589 = arith.mulf %get3A_588, %gather3A_557 : vector<16xf32>
          %swap3A_590 = arith.index_cast %add3A_555 : i32 to index
          %swap3A_591 = arith.constant 64 : index
          %swap3A_592 = tpu.vector_load %arg11[%swap3A_590, %swap3A_591] {strides = array<i32>} : memref<128x128xf32, #tpu.memory_space<vmem>>, vector<16xf32>,
          tpu.vector_store %arg11[%swap3A_590, %swap3A_591], %mul3A_589 {strides = array<i32>} : memref<128x128xf32, #tpu.memory_space<vmem>>, vector<16xf32>,
          %get3A_593 = arith.index_cast %add3A_555 : i32 to index
          %get3A_594 = arith.constant 80 : index
          %get3A_595 = tpu.vector_load %arg11[%get3A_593, %get3A_594] {strides = array<i32>} : memref<128x128xf32, #tpu.memory_space<vmem>>, vector<16xf32>,
          %mul3A_596 = arith.mulf %get3A_595, %gather3A_557 : vector<16xf32>
          %swap3A_597 = arith.index_cast %add3A_555 : i32 to index
          %swap3A_598 = arith.constant 80 : index
          %swap3A_599 = tpu.vector_load %arg11[%swap3A_597, %swap3A_598] {strides = array<i32>} : memref<128x128xf32, #tpu.memory_space<vmem>>, vector<16xf32>,
          tpu.vector_store %arg11[%swap3A_597, %swap3A_598], %mul3A_596 {strides = array<i32>} : memref<128x128xf32, #tpu.memory_space<vmem>>, vector<16xf32>,
          %get3A_600 = arith.index_cast %add3A_555 : i32 to index
          %get3A_601 = arith.constant 96 : index
          %get3A_602 = tpu.vector_load %arg11[%get3A_600, %get3A_601] {strides = array<i32>} : memref<128x128xf32, #tpu.memory_space<vmem>>, vector<16xf32>,
          %mul3A_603 = arith.mulf %get3A_602, %gather3A_557 : vector<16xf32>
          %swap3A_604 = arith.index_cast %add3A_555 : i32 to index
          %swap3A_605 = arith.constant 96 : index
          %swap3A_606 = tpu.vector_load %arg11[%swap3A_604, %swap3A_605] {strides = array<i32>} : memref<128x128xf32, #tpu.memory_space<vmem>>, vector<16xf32>,
          tpu.vector_store %arg11[%swap3A_604, %swap3A_605], %mul3A_603 {strides = array<i32>} : memref<128x128xf32, #tpu.memory_space<vmem>>, vector<16xf32>,
          %get3A_607 = arith.index_cast %add3A_555 : i32 to index
          %get3A_608 = arith.constant 112 : index
          %get3A_609 = tpu.vector_load %arg11[%get3A_607, %get3A_608] {strides = array<i32>} : memref<128x128xf32, #tpu.memory_space<vmem>>, vector<16xf32>,
          %mul3A_610 = arith.mulf %get3A_609, %gather3A_557 : vector<16xf32>
          %swap3A_611 = arith.index_cast %add3A_555 : i32 to index
          %swap3A_612 = arith.constant 112 : index
          %swap3A_613 = tpu.vector_load %arg11[%swap3A_611, %swap3A_612] {strides = array<i32>} : memref<128x128xf32, #tpu.memory_space<vmem>>, vector<16xf32>,
          tpu.vector_store %arg11[%swap3A_611, %swap3A_612], %mul3A_610 {strides = array<i32>} : memref<128x128xf32, #tpu.memory_space<vmem>>, vector<16xf32>,
          %add3A_614 = arith.constant 5 : i32
          %add3A_615 = arith.addi %mul3A_314, %add3A_614 : i32
          %broadcast_in_dim3A_616 = vector.broadcast %add3A_615 : i32 to vector<16xi32>
          %gather3A_617 = tpu.vector_load_idx %arg10[%broadcast_in_dim3A_616] : memref<128xf32, #tpu.memory_space<vmem>>[vector<16xi32>], vector<16xf32>,
          %get3A_618 = arith.index_cast %add3A_615 : i32 to index
          %get3A_619 = arith.constant 0 : index
          %get3A_620 = tpu.vector_load %arg11[%get3A_618, %get3A_619] {strides = array<i32>} : memref<128x128xf32, #tpu.memory_space<vmem>>, vector<16xf32>,
          %mul3A_621 = arith.mulf %get3A_620, %gather3A_617 : vector<16xf32>
          %swap3A_622 = arith.index_cast %add3A_615 : i32 to index
          %swap3A_623 = arith.constant 0 : index
          %swap3A_624 = tpu.vector_load %arg11[%swap3A_622, %swap3A_623] {strides = array<i32>} : memref<128x128xf32, #tpu.memory_space<vmem>>, vector<16xf32>,
          tpu.vector_store %arg11[%swap3A_622, %swap3A_623], %mul3A_621 {strides = array<i32>} : memref<128x128xf32, #tpu.memory_space<vmem>>, vector<16xf32>,
          %get3A_625 = arith.index_cast %add3A_615 : i32 to index
          %get3A_626 = arith.constant 16 : index
          %get3A_627 = tpu.vector_load %arg11[%get3A_625, %get3A_626] {strides = array<i32>} : memref<128x128xf32, #tpu.memory_space<vmem>>, vector<16xf32>,
          %mul3A_628 = arith.mulf %get3A_627, %gather3A_617 : vector<16xf32>
          %swap3A_629 = arith.index_cast %add3A_615 : i32 to index
          %swap3A_630 = arith.constant 16 : index
          %swap3A_631 = tpu.vector_load %arg11[%swap3A_629, %swap3A_630] {strides = array<i32>} : memref<128x128xf32, #tpu.memory_space<vmem>>, vector<16xf32>,
          tpu.vector_store %arg11[%swap3A_629, %swap3A_630], %mul3A_628 {strides = array<i32>} : memref<128x128xf32, #tpu.memory_space<vmem>>, vector<16xf32>,
          %get3A_632 = arith.index_cast %add3A_615 : i32 to index
          %get3A_633 = arith.constant 32 : index
          %get3A_634 = tpu.vector_load %arg11[%get3A_632, %get3A_633] {strides = array<i32>} : memref<128x128xf32, #tpu.memory_space<vmem>>, vector<16xf32>,
          %mul3A_635 = arith.mulf %get3A_634, %gather3A_617 : vector<16xf32>
          %swap3A_636 = arith.index_cast %add3A_615 : i32 to index
          %swap3A_637 = arith.constant 32 : index
          %swap3A_638 = tpu.vector_load %arg11[%swap3A_636, %swap3A_637] {strides = array<i32>} : memref<128x128xf32, #tpu.memory_space<vmem>>, vector<16xf32>,
          tpu.vector_store %arg11[%swap3A_636, %swap3A_637], %mul3A_635 {strides = array<i32>} : memref<128x128xf32, #tpu.memory_space<vmem>>, vector<16xf32>,
          %get3A_639 = arith.index_cast %add3A_615 : i32 to index
          %get3A_640 = arith.constant 48 : index
          %get3A_641 = tpu.vector_load %arg11[%get3A_639, %get3A_640] {strides = array<i32>} : memref<128x128xf32, #tpu.memory_space<vmem>>, vector<16xf32>,
          %mul3A_642 = arith.mulf %get3A_641, %gather3A_617 : vector<16xf32>
          %swap3A_643 = arith.index_cast %add3A_615 : i32 to index
          %swap3A_644 = arith.constant 48 : index
          %swap3A_645 = tpu.vector_load %arg11[%swap3A_643, %swap3A_644] {strides = array<i32>} : memref<128x128xf32, #tpu.memory_space<vmem>>, vector<16xf32>,
          tpu.vector_store %arg11[%swap3A_643, %swap3A_644], %mul3A_642 {strides = array<i32>} : memref<128x128xf32, #tpu.memory_space<vmem>>, vector<16xf32>,
          %get3A_646 = arith.index_cast %add3A_615 : i32 to index
          %get3A_647 = arith.constant 64 : index
          %get3A_648 = tpu.vector_load %arg11[%get3A_646, %get3A_647] {strides = array<i32>} : memref<128x128xf32, #tpu.memory_space<vmem>>, vector<16xf32>,
          %mul3A_649 = arith.mulf %get3A_648, %gather3A_617 : vector<16xf32>
          %swap3A_650 = arith.index_cast %add3A_615 : i32 to index
          %swap3A_651 = arith.constant 64 : index
          %swap3A_652 = tpu.vector_load %arg11[%swap3A_650, %swap3A_651] {strides = array<i32>} : memref<128x128xf32, #tpu.memory_space<vmem>>, vector<16xf32>,
          tpu.vector_store %arg11[%swap3A_650, %swap3A_651], %mul3A_649 {strides = array<i32>} : memref<128x128xf32, #tpu.memory_space<vmem>>, vector<16xf32>,
          %get3A_653 = arith.index_cast %add3A_615 : i32 to index
          %get3A_654 = arith.constant 80 : index
          %get3A_655 = tpu.vector_load %arg11[%get3A_653, %get3A_654] {strides = array<i32>} : memref<128x128xf32, #tpu.memory_space<vmem>>, vector<16xf32>,
          %mul3A_656 = arith.mulf %get3A_655, %gather3A_617 : vector<16xf32>
          %swap3A_657 = arith.index_cast %add3A_615 : i32 to index
          %swap3A_658 = arith.constant 80 : index
          %swap3A_659 = tpu.vector_load %arg11[%swap3A_657, %swap3A_658] {strides = array<i32>} : memref<128x128xf32, #tpu.memory_space<vmem>>, vector<16xf32>,
          tpu.vector_store %arg11[%swap3A_657, %swap3A_658], %mul3A_656 {strides = array<i32>} : memref<128x128xf32, #tpu.memory_space<vmem>>, vector<16xf32>,
          %get3A_660 = arith.index_cast %add3A_615 : i32 to index
          %get3A_661 = arith.constant 96 : index
          %get3A_662 = tpu.vector_load %arg11[%get3A_660, %get3A_661] {strides = array<i32>} : memref<128x128xf32, #tpu.memory_space<vmem>>, vector<16xf32>,
          %mul3A_663 = arith.mulf %get3A_662, %gather3A_617 : vector<16xf32>
          %swap3A_664 = arith.index_cast %add3A_615 : i32 to index
          %swap3A_665 = arith.constant 96 : index
          %swap3A_666 = tpu.vector_load %arg11[%swap3A_664, %swap3A_665] {strides = array<i32>} : memref<128x128xf32, #tpu.memory_space<vmem>>, vector<16xf32>,
          tpu.vector_store %arg11[%swap3A_664, %swap3A_665], %mul3A_663 {strides = array<i32>} : memref<128x128xf32, #tpu.memory_space<vmem>>, vector<16xf32>,
          %get3A_667 = arith.index_cast %add3A_615 : i32 to index
          %get3A_668 = arith.constant 112 : index
          %get3A_669 = tpu.vector_load %arg11[%get3A_667, %get3A_668] {strides = array<i32>} : memref<128x128xf32, #tpu.memory_space<vmem>>, vector<16xf32>,
          %mul3A_670 = arith.mulf %get3A_669, %gather3A_617 : vector<16xf32>
          %swap3A_671 = arith.index_cast %add3A_615 : i32 to index
          %swap3A_672 = arith.constant 112 : index
          %swap3A_673 = tpu.vector_load %arg11[%swap3A_671, %swap3A_672] {strides = array<i32>} : memref<128x128xf32, #tpu.memory_space<vmem>>, vector<16xf32>,
          tpu.vector_store %arg11[%swap3A_671, %swap3A_672], %mul3A_670 {strides = array<i32>} : memref<128x128xf32, #tpu.memory_space<vmem>>, vector<16xf32>,
          %add3A_674 = arith.constant 6 : i32
          %add3A_675 = arith.addi %mul3A_314, %add3A_674 : i32
          %broadcast_in_dim3A_676 = vector.broadcast %add3A_675 : i32 to vector<16xi32>
          %gather3A_677 = tpu.vector_load_idx %arg10[%broadcast_in_dim3A_676] : memref<128xf32, #tpu.memory_space<vmem>>[vector<16xi32>], vector<16xf32>,
          %get3A_678 = arith.index_cast %add3A_675 : i32 to index
          %get3A_679 = arith.constant 0 : index
          %get3A_680 = tpu.vector_load %arg11[%get3A_678, %get3A_679] {strides = array<i32>} : memref<128x128xf32, #tpu.memory_space<vmem>>, vector<16xf32>,
          %mul3A_681 = arith.mulf %get3A_680, %gather3A_677 : vector<16xf32>
          %swap3A_682 = arith.index_cast %add3A_675 : i32 to index
          %swap3A_683 = arith.constant 0 : index
          %swap3A_684 = tpu.vector_load %arg11[%swap3A_682, %swap3A_683] {strides = array<i32>} : memref<128x128xf32, #tpu.memory_space<vmem>>, vector<16xf32>,
          tpu.vector_store %arg11[%swap3A_682, %swap3A_683], %mul3A_681 {strides = array<i32>} : memref<128x128xf32, #tpu.memory_space<vmem>>, vector<16xf32>,
          %get3A_685 = arith.index_cast %add3A_675 : i32 to index
          %get3A_686 = arith.constant 16 : index
          %get3A_687 = tpu.vector_load %arg11[%get3A_685, %get3A_686] {strides = array<i32>} : memref<128x128xf32, #tpu.memory_space<vmem>>, vector<16xf32>,
          %mul3A_688 = arith.mulf %get3A_687, %gather3A_677 : vector<16xf32>
          %swap3A_689 = arith.index_cast %add3A_675 : i32 to index
          %swap3A_690 = arith.constant 16 : index
          %swap3A_691 = tpu.vector_load %arg11[%swap3A_689, %swap3A_690] {strides = array<i32>} : memref<128x128xf32, #tpu.memory_space<vmem>>, vector<16xf32>,
          tpu.vector_store %arg11[%swap3A_689, %swap3A_690], %mul3A_688 {strides = array<i32>} : memref<128x128xf32, #tpu.memory_space<vmem>>, vector<16xf32>,
          %get3A_692 = arith.index_cast %add3A_675 : i32 to index
          %get3A_693 = arith.constant 32 : index
          %get3A_694 = tpu.vector_load %arg11[%get3A_692, %get3A_693] {strides = array<i32>} : memref<128x128xf32, #tpu.memory_space<vmem>>, vector<16xf32>,
          %mul3A_695 = arith.mulf %get3A_694, %gather3A_677 : vector<16xf32>
          %swap3A_696 = arith.index_cast %add3A_675 : i32 to index
          %swap3A_697 = arith.constant 32 : index
          %swap3A_698 = tpu.vector_load %arg11[%swap3A_696, %swap3A_697] {strides = array<i32>} : memref<128x128xf32, #tpu.memory_space<vmem>>, vector<16xf32>,
          tpu.vector_store %arg11[%swap3A_696, %swap3A_697], %mul3A_695 {strides = array<i32>} : memref<128x128xf32, #tpu.memory_space<vmem>>, vector<16xf32>,
          %get3A_699 = arith.index_cast %add3A_675 : i32 to index
          %get3A_700 = arith.constant 48 : index
          %get3A_701 = tpu.vector_load %arg11[%get3A_699, %get3A_700] {strides = array<i32>} : memref<128x128xf32, #tpu.memory_space<vmem>>, vector<16xf32>,
          %mul3A_702 = arith.mulf %get3A_701, %gather3A_677 : vector<16xf32>
          %swap3A_703 = arith.index_cast %add3A_675 : i32 to index
          %swap3A_704 = arith.constant 48 : index
          %swap3A_705 = tpu.vector_load %arg11[%swap3A_703, %swap3A_704] {strides = array<i32>} : memref<128x128xf32, #tpu.memory_space<vmem>>, vector<16xf32>,
          tpu.vector_store %arg11[%swap3A_703, %swap3A_704], %mul3A_702 {strides = array<i32>} : memref<128x128xf32, #tpu.memory_space<vmem>>, vector<16xf32>,
          %get3A_706 = arith.index_cast %add3A_675 : i32 to index
          %get3A_707 = arith.constant 64 : index
          %get3A_708 = tpu.vector_load %arg11[%get3A_706, %get3A_707] {strides = array<i32>} : memref<128x128xf32, #tpu.memory_space<vmem>>, vector<16xf32>,
          %mul3A_709 = arith.mulf %get3A_708, %gather3A_677 : vector<16xf32>
          %swap3A_710 = arith.index_cast %add3A_675 : i32 to index
          %swap3A_711 = arith.constant 64 : index
          %swap3A_712 = tpu.vector_load %arg11[%swap3A_710, %swap3A_711] {strides = array<i32>} : memref<128x128xf32, #tpu.memory_space<vmem>>, vector<16xf32>,
          tpu.vector_store %arg11[%swap3A_710, %swap3A_711], %mul3A_709 {strides = array<i32>} : memref<128x128xf32, #tpu.memory_space<vmem>>, vector<16xf32>,
          %get3A_713 = arith.index_cast %add3A_675 : i32 to index
          %get3A_714 = arith.constant 80 : index
          %get3A_715 = tpu.vector_load %arg11[%get3A_713, %get3A_714] {strides = array<i32>} : memref<128x128xf32, #tpu.memory_space<vmem>>, vector<16xf32>,
          %mul3A_716 = arith.mulf %get3A_715, %gather3A_677 : vector<16xf32>
          %swap3A_717 = arith.index_cast %add3A_675 : i32 to index
          %swap3A_718 = arith.constant 80 : index
          %swap3A_719 = tpu.vector_load %arg11[%swap3A_717, %swap3A_718] {strides = array<i32>} : memref<128x128xf32, #tpu.memory_space<vmem>>, vector<16xf32>,
          tpu.vector_store %arg11[%swap3A_717, %swap3A_718], %mul3A_716 {strides = array<i32>} : memref<128x128xf32, #tpu.memory_space<vmem>>, vector<16xf32>,
          %get3A_720 = arith.index_cast %add3A_675 : i32 to index
          %get3A_721 = arith.constant 96 : index
          %get3A_722 = tpu.vector_load %arg11[%get3A_720, %get3A_721] {strides = array<i32>} : memref<128x128xf32, #tpu.memory_space<vmem>>, vector<16xf32>,
          %mul3A_723 = arith.mulf %get3A_722, %gather3A_677 : vector<16xf32>
          %swap3A_724 = arith.index_cast %add3A_675 : i32 to index
          %swap3A_725 = arith.constant 96 : index
          %swap3A_726 = tpu.vector_load %arg11[%swap3A_724, %swap3A_725] {strides = array<i32>} : memref<128x128xf32, #tpu.memory_space<vmem>>, vector<16xf32>,
          tpu.vector_store %arg11[%swap3A_724, %swap3A_725], %mul3A_723 {strides = array<i32>} : memref<128x128xf32, #tpu.memory_space<vmem>>, vector<16xf32>,
          %get3A_727 = arith.index_cast %add3A_675 : i32 to index
          %get3A_728 = arith.constant 112 : index
          %get3A_729 = tpu.vector_load %arg11[%get3A_727, %get3A_728] {strides = array<i32>} : memref<128x128xf32, #tpu.memory_space<vmem>>, vector<16xf32>,
          %mul3A_730 = arith.mulf %get3A_729, %gather3A_677 : vector<16xf32>
          %swap3A_731 = arith.index_cast %add3A_675 : i32 to index
          %swap3A_732 = arith.constant 112 : index
          %swap3A_733 = tpu.vector_load %arg11[%swap3A_731, %swap3A_732] {strides = array<i32>} : memref<128x128xf32, #tpu.memory_space<vmem>>, vector<16xf32>,
          tpu.vector_store %arg11[%swap3A_731, %swap3A_732], %mul3A_730 {strides = array<i32>} : memref<128x128xf32, #tpu.memory_space<vmem>>, vector<16xf32>,
          %add3A_734 = arith.constant 7 : i32
          %add3A_735 = arith.addi %mul3A_314, %add3A_734 : i32
          %broadcast_in_dim3A_736 = vector.broadcast %add3A_735 : i32 to vector<16xi32>
          %gather3A_737 = tpu.vector_load_idx %arg10[%broadcast_in_dim3A_736] : memref<128xf32, #tpu.memory_space<vmem>>[vector<16xi32>], vector<16xf32>,
          %get3A_738 = arith.index_cast %add3A_735 : i32 to index
          %get3A_739 = arith.constant 0 : index
          %get3A_740 = tpu.vector_load %arg11[%get3A_738, %get3A_739] {strides = array<i32>} : memref<128x128xf32, #tpu.memory_space<vmem>>, vector<16xf32>,
          %mul3A_741 = arith.mulf %get3A_740, %gather3A_737 : vector<16xf32>
          %swap3A_742 = arith.index_cast %add3A_735 : i32 to index
          %swap3A_743 = arith.constant 0 : index
          %swap3A_744 = tpu.vector_load %arg11[%swap3A_742, %swap3A_743] {strides = array<i32>} : memref<128x128xf32, #tpu.memory_space<vmem>>, vector<16xf32>,
          tpu.vector_store %arg11[%swap3A_742, %swap3A_743], %mul3A_741 {strides = array<i32>} : memref<128x128xf32, #tpu.memory_space<vmem>>, vector<16xf32>,
          %get3A_745 = arith.index_cast %add3A_735 : i32 to index
          %get3A_746 = arith.constant 16 : index
          %get3A_747 = tpu.vector_load %arg11[%get3A_745, %get3A_746] {strides = array<i32>} : memref<128x128xf32, #tpu.memory_space<vmem>>, vector<16xf32>,
          %mul3A_748 = arith.mulf %get3A_747, %gather3A_737 : vector<16xf32>
          %swap3A_749 = arith.index_cast %add3A_735 : i32 to index
          %swap3A_750 = arith.constant 16 : index
          %swap3A_751 = tpu.vector_load %arg11[%swap3A_749, %swap3A_750] {strides = array<i32>} : memref<128x128xf32, #tpu.memory_space<vmem>>, vector<16xf32>,
          tpu.vector_store %arg11[%swap3A_749, %swap3A_750], %mul3A_748 {strides = array<i32>} : memref<128x128xf32, #tpu.memory_space<vmem>>, vector<16xf32>,
          %get3A_752 = arith.index_cast %add3A_735 : i32 to index
          %get3A_753 = arith.constant 32 : index
          %get3A_754 = tpu.vector_load %arg11[%get3A_752, %get3A_753] {strides = array<i32>} : memref<128x128xf32, #tpu.memory_space<vmem>>, vector<16xf32>,
          %mul3A_755 = arith.mulf %get3A_754, %gather3A_737 : vector<16xf32>
          %swap3A_756 = arith.index_cast %add3A_735 : i32 to index
          %swap3A_757 = arith.constant 32 : index
          %swap3A_758 = tpu.vector_load %arg11[%swap3A_756, %swap3A_757] {strides = array<i32>} : memref<128x128xf32, #tpu.memory_space<vmem>>, vector<16xf32>,
          tpu.vector_store %arg11[%swap3A_756, %swap3A_757], %mul3A_755 {strides = array<i32>} : memref<128x128xf32, #tpu.memory_space<vmem>>, vector<16xf32>,
          %get3A_759 = arith.index_cast %add3A_735 : i32 to index
          %get3A_760 = arith.constant 48 : index
          %get3A_761 = tpu.vector_load %arg11[%get3A_759, %get3A_760] {strides = array<i32>} : memref<128x128xf32, #tpu.memory_space<vmem>>, vector<16xf32>,
          %mul3A_762 = arith.mulf %get3A_761, %gather3A_737 : vector<16xf32>
          %swap3A_763 = arith.index_cast %add3A_735 : i32 to index
          %swap3A_764 = arith.constant 48 : index
          %swap3A_765 = tpu.vector_load %arg11[%swap3A_763, %swap3A_764] {strides = array<i32>} : memref<128x128xf32, #tpu.memory_space<vmem>>, vector<16xf32>,
          tpu.vector_store %arg11[%swap3A_763, %swap3A_764], %mul3A_762 {strides = array<i32>} : memref<128x128xf32, #tpu.memory_space<vmem>>, vector<16xf32>,
          %get3A_766 = arith.index_cast %add3A_735 : i32 to index
          %get3A_767 = arith.constant 64 : index
          %get3A_768 = tpu.vector_load %arg11[%get3A_766, %get3A_767] {strides = array<i32>} : memref<128x128xf32, #tpu.memory_space<vmem>>, vector<16xf32>,
          %mul3A_769 = arith.mulf %get3A_768, %gather3A_737 : vector<16xf32>
          %swap3A_770 = arith.index_cast %add3A_735 : i32 to index
          %swap3A_771 = arith.constant 64 : index
          %swap3A_772 = tpu.vector_load %arg11[%swap3A_770, %swap3A_771] {strides = array<i32>} : memref<128x128xf32, #tpu.memory_space<vmem>>, vector<16xf32>,
          tpu.vector_store %arg11[%swap3A_770, %swap3A_771], %mul3A_769 {strides = array<i32>} : memref<128x128xf32, #tpu.memory_space<vmem>>, vector<16xf32>,
          %get3A_773 = arith.index_cast %add3A_735 : i32 to index
          %get3A_774 = arith.constant 80 : index
          %get3A_775 = tpu.vector_load %arg11[%get3A_773, %get3A_774] {strides = array<i32>} : memref<128x128xf32, #tpu.memory_space<vmem>>, vector<16xf32>,
          %mul3A_776 = arith.mulf %get3A_775, %gather3A_737 : vector<16xf32>
          %swap3A_777 = arith.index_cast %add3A_735 : i32 to index
          %swap3A_778 = arith.constant 80 : index
          %swap3A_779 = tpu.vector_load %arg11[%swap3A_777, %swap3A_778] {strides = array<i32>} : memref<128x128xf32, #tpu.memory_space<vmem>>, vector<16xf32>,
          tpu.vector_store %arg11[%swap3A_777, %swap3A_778], %mul3A_776 {strides = array<i32>} : memref<128x128xf32, #tpu.memory_space<vmem>>, vector<16xf32>,
          %get3A_780 = arith.index_cast %add3A_735 : i32 to index
          %get3A_781 = arith.constant 96 : index
          %get3A_782 = tpu.vector_load %arg11[%get3A_780, %get3A_781] {strides = array<i32>} : memref<128x128xf32, #tpu.memory_space<vmem>>, vector<16xf32>,
          %mul3A_783 = arith.mulf %get3A_782, %gather3A_737 : vector<16xf32>
          %swap3A_784 = arith.index_cast %add3A_735 : i32 to index
          %swap3A_785 = arith.constant 96 : index
          %swap3A_786 = tpu.vector_load %arg11[%swap3A_784, %swap3A_785] {strides = array<i32>} : memref<128x128xf32, #tpu.memory_space<vmem>>, vector<16xf32>,
          tpu.vector_store %arg11[%swap3A_784, %swap3A_785], %mul3A_783 {strides = array<i32>} : memref<128x128xf32, #tpu.memory_space<vmem>>, vector<16xf32>,
          %get3A_787 = arith.index_cast %add3A_735 : i32 to index
          %get3A_788 = arith.constant 112 : index
          %get3A_789 = tpu.vector_load %arg11[%get3A_787, %get3A_788] {strides = array<i32>} : memref<128x128xf32, #tpu.memory_space<vmem>>, vector<16xf32>,
          %mul3A_790 = arith.mulf %get3A_789, %gather3A_737 : vector<16xf32>
          %swap3A_791 = arith.index_cast %add3A_735 : i32 to index
          %swap3A_792 = arith.constant 112 : index
          %swap3A_793 = tpu.vector_load %arg11[%swap3A_791, %swap3A_792] {strides = array<i32>} : memref<128x128xf32, #tpu.memory_space<vmem>>, vector<16xf32>,
          tpu.vector_store %arg11[%swap3A_791, %swap3A_792], %mul3A_790 {strides = array<i32>} : memref<128x128xf32, #tpu.memory_space<vmem>>, vector<16xf32>,
          %add3A_794 = arith.constant 8 : i32
          %add3A_795 = arith.addi %mul3A_314, %add3A_794 : i32
          %broadcast_in_dim3A_796 = vector.broadcast %add3A_795 : i32 to vector<16xi32>
          %gather3A_797 = tpu.vector_load_idx %arg10[%broadcast_in_dim3A_796] : memref<128xf32, #tpu.memory_space<vmem>>[vector<16xi32>], vector<16xf32>,
          %get3A_798 = arith.index_cast %add3A_795 : i32 to index
          %get3A_799 = arith.constant 0 : index
          %get3A_800 = tpu.vector_load %arg11[%get3A_798, %get3A_799] {strides = array<i32>} : memref<128x128xf32, #tpu.memory_space<vmem>>, vector<16xf32>,
          %mul3A_801 = arith.mulf %get3A_800, %gather3A_797 : vector<16xf32>
          %swap3A_802 = arith.index_cast %add3A_795 : i32 to index
          %swap3A_803 = arith.constant 0 : index
          %swap3A_804 = tpu.vector_load %arg11[%swap3A_802, %swap3A_803] {strides = array<i32>} : memref<128x128xf32, #tpu.memory_space<vmem>>, vector<16xf32>,
          tpu.vector_store %arg11[%swap3A_802, %swap3A_803], %mul3A_801 {strides = array<i32>} : memref<128x128xf32, #tpu.memory_space<vmem>>, vector<16xf32>,
          %get3A_805 = arith.index_cast %add3A_795 : i32 to index
          %get3A_806 = arith.constant 16 : index
          %get3A_807 = tpu.vector_load %arg11[%get3A_805, %get3A_806] {strides = array<i32>} : memref<128x128xf32, #tpu.memory_space<vmem>>, vector<16xf32>,
          %mul3A_808 = arith.mulf %get3A_807, %gather3A_797 : vector<16xf32>
          %swap3A_809 = arith.index_cast %add3A_795 : i32 to index
          %swap3A_810 = arith.constant 16 : index
          %swap3A_811 = tpu.vector_load %arg11[%swap3A_809, %swap3A_810] {strides = array<i32>} : memref<128x128xf32, #tpu.memory_space<vmem>>, vector<16xf32>,
          tpu.vector_store %arg11[%swap3A_809, %swap3A_810], %mul3A_808 {strides = array<i32>} : memref<128x128xf32, #tpu.memory_space<vmem>>, vector<16xf32>,
          %get3A_812 = arith.index_cast %add3A_795 : i32 to index
          %get3A_813 = arith.constant 32 : index
          %get3A_814 = tpu.vector_load %arg11[%get3A_812, %get3A_813] {strides = array<i32>} : memref<128x128xf32, #tpu.memory_space<vmem>>, vector<16xf32>,
          %mul3A_815 = arith.mulf %get3A_814, %gather3A_797 : vector<16xf32>
          %swap3A_816 = arith.index_cast %add3A_795 : i32 to index
          %swap3A_817 = arith.constant 32 : index
          %swap3A_818 = tpu.vector_load %arg11[%swap3A_816, %swap3A_817] {strides = array<i32>} : memref<128x128xf32, #tpu.memory_space<vmem>>, vector<16xf32>,
          tpu.vector_store %arg11[%swap3A_816, %swap3A_817], %mul3A_815 {strides = array<i32>} : memref<128x128xf32, #tpu.memory_space<vmem>>, vector<16xf32>,
          %get3A_819 = arith.index_cast %add3A_795 : i32 to index
          %get3A_820 = arith.constant 48 : index
          %get3A_821 = tpu.vector_load %arg11[%get3A_819, %get3A_820] {strides = array<i32>} : memref<128x128xf32, #tpu.memory_space<vmem>>, vector<16xf32>,
          %mul3A_822 = arith.mulf %get3A_821, %gather3A_797 : vector<16xf32>
          %swap3A_823 = arith.index_cast %add3A_795 : i32 to index
          %swap3A_824 = arith.constant 48 : index
          %swap3A_825 = tpu.vector_load %arg11[%swap3A_823, %swap3A_824] {strides = array<i32>} : memref<128x128xf32, #tpu.memory_space<vmem>>, vector<16xf32>,
          tpu.vector_store %arg11[%swap3A_823, %swap3A_824], %mul3A_822 {strides = array<i32>} : memref<128x128xf32, #tpu.memory_space<vmem>>, vector<16xf32>,
          %get3A_826 = arith.index_cast %add3A_795 : i32 to index
          %get3A_827 = arith.constant 64 : index
          %get3A_828 = tpu.vector_load %arg11[%get3A_826, %get3A_827] {strides = array<i32>} : memref<128x128xf32, #tpu.memory_space<vmem>>, vector<16xf32>,
          %mul3A_829 = arith.mulf %get3A_828, %gather3A_797 : vector<16xf32>
          %swap3A_830 = arith.index_cast %add3A_795 : i32 to index
          %swap3A_831 = arith.constant 64 : index
          %swap3A_832 = tpu.vector_load %arg11[%swap3A_830, %swap3A_831] {strides = array<i32>} : memref<128x128xf32, #tpu.memory_space<vmem>>, vector<16xf32>,
          tpu.vector_store %arg11[%swap3A_830, %swap3A_831], %mul3A_829 {strides = array<i32>} : memref<128x128xf32, #tpu.memory_space<vmem>>, vector<16xf32>,
          %get3A_833 = arith.index_cast %add3A_795 : i32 to index
          %get3A_834 = arith.constant 80 : index
          %get3A_835 = tpu.vector_load %arg11[%get3A_833, %get3A_834] {strides = array<i32>} : memref<128x128xf32, #tpu.memory_space<vmem>>, vector<16xf32>,
          %mul3A_836 = arith.mulf %get3A_835, %gather3A_797 : vector<16xf32>
          %swap3A_837 = arith.index_cast %add3A_795 : i32 to index
          %swap3A_838 = arith.constant 80 : index
          %swap3A_839 = tpu.vector_load %arg11[%swap3A_837, %swap3A_838] {strides = array<i32>} : memref<128x128xf32, #tpu.memory_space<vmem>>, vector<16xf32>,
          tpu.vector_store %arg11[%swap3A_837, %swap3A_838], %mul3A_836 {strides = array<i32>} : memref<128x128xf32, #tpu.memory_space<vmem>>, vector<16xf32>,
          %get3A_840 = arith.index_cast %add3A_795 : i32 to index
          %get3A_841 = arith.constant 96 : index
          %get3A_842 = tpu.vector_load %arg11[%get3A_840, %get3A_841] {strides = array<i32>} : memref<128x128xf32, #tpu.memory_space<vmem>>, vector<16xf32>,
          %mul3A_843 = arith.mulf %get3A_842, %gather3A_797 : vector<16xf32>
          %swap3A_844 = arith.index_cast %add3A_795 : i32 to index
          %swap3A_845 = arith.constant 96 : index
          %swap3A_846 = tpu.vector_load %arg11[%swap3A_844, %swap3A_845] {strides = array<i32>} : memref<128x128xf32, #tpu.memory_space<vmem>>, vector<16xf32>,
          tpu.vector_store %arg11[%swap3A_844, %swap3A_845], %mul3A_843 {strides = array<i32>} : memref<128x128xf32, #tpu.memory_space<vmem>>, vector<16xf32>,
          %get3A_847 = arith.index_cast %add3A_795 : i32 to index
          %get3A_848 = arith.constant 112 : index
          %get3A_849 = tpu.vector_load %arg11[%get3A_847, %get3A_848] {strides = array<i32>} : memref<128x128xf32, #tpu.memory_space<vmem>>, vector<16xf32>,
          %mul3A_850 = arith.mulf %get3A_849, %gather3A_797 : vector<16xf32>
          %swap3A_851 = arith.index_cast %add3A_795 : i32 to index
          %swap3A_852 = arith.constant 112 : index
          %swap3A_853 = tpu.vector_load %arg11[%swap3A_851, %swap3A_852] {strides = array<i32>} : memref<128x128xf32, #tpu.memory_space<vmem>>, vector<16xf32>,
          tpu.vector_store %arg11[%swap3A_851, %swap3A_852], %mul3A_850 {strides = array<i32>} : memref<128x128xf32, #tpu.memory_space<vmem>>, vector<16xf32>,
          %add3A_854 = arith.constant 9 : i32
          %add3A_855 = arith.addi %mul3A_314, %add3A_854 : i32
          %broadcast_in_dim3A_856 = vector.broadcast %add3A_855 : i32 to vector<16xi32>
          %gather3A_857 = tpu.vector_load_idx %arg10[%broadcast_in_dim3A_856] : memref<128xf32, #tpu.memory_space<vmem>>[vector<16xi32>], vector<16xf32>,
          %get3A_858 = arith.index_cast %add3A_855 : i32 to index
          %get3A_859 = arith.constant 0 : index
          %get3A_860 = tpu.vector_load %arg11[%get3A_858, %get3A_859] {strides = array<i32>} : memref<128x128xf32, #tpu.memory_space<vmem>>, vector<16xf32>,
          %mul3A_861 = arith.mulf %get3A_860, %gather3A_857 : vector<16xf32>
          %swap3A_862 = arith.index_cast %add3A_855 : i32 to index
          %swap3A_863 = arith.constant 0 : index
          %swap3A_864 = tpu.vector_load %arg11[%swap3A_862, %swap3A_863] {strides = array<i32>} : memref<128x128xf32, #tpu.memory_space<vmem>>, vector<16xf32>,
          tpu.vector_store %arg11[%swap3A_862, %swap3A_863], %mul3A_861 {strides = array<i32>} : memref<128x128xf32, #tpu.memory_space<vmem>>, vector<16xf32>,
          %get3A_865 = arith.index_cast %add3A_855 : i32 to index
          %get3A_866 = arith.constant 16 : index
          %get3A_867 = tpu.vector_load %arg11[%get3A_865, %get3A_866] {strides = array<i32>} : memref<128x128xf32, #tpu.memory_space<vmem>>, vector<16xf32>,
          %mul3A_868 = arith.mulf %get3A_867, %gather3A_857 : vector<16xf32>
          %swap3A_869 = arith.index_cast %add3A_855 : i32 to index
          %swap3A_870 = arith.constant 16 : index
          %swap3A_871 = tpu.vector_load %arg11[%swap3A_869, %swap3A_870] {strides = array<i32>} : memref<128x128xf32, #tpu.memory_space<vmem>>, vector<16xf32>,
          tpu.vector_store %arg11[%swap3A_869, %swap3A_870], %mul3A_868 {strides = array<i32>} : memref<128x128xf32, #tpu.memory_space<vmem>>, vector<16xf32>,
          %get3A_872 = arith.index_cast %add3A_855 : i32 to index
          %get3A_873 = arith.constant 32 : index
          %get3A_874 = tpu.vector_load %arg11[%get3A_872, %get3A_873] {strides = array<i32>} : memref<128x128xf32, #tpu.memory_space<vmem>>, vector<16xf32>,
          %mul3A_875 = arith.mulf %get3A_874, %gather3A_857 : vector<16xf32>
          %swap3A_876 = arith.index_cast %add3A_855 : i32 to index
          %swap3A_877 = arith.constant 32 : index
          %swap3A_878 = tpu.vector_load %arg11[%swap3A_876, %swap3A_877] {strides = array<i32>} : memref<128x128xf32, #tpu.memory_space<vmem>>, vector<16xf32>,
          tpu.vector_store %arg11[%swap3A_876, %swap3A_877], %mul3A_875 {strides = array<i32>} : memref<128x128xf32, #tpu.memory_space<vmem>>, vector<16xf32>,
          %get3A_879 = arith.index_cast %add3A_855 : i32 to index
          %get3A_880 = arith.constant 48 : index
          %get3A_881 = tpu.vector_load %arg11[%get3A_879, %get3A_880] {strides = array<i32>} : memref<128x128xf32, #tpu.memory_space<vmem>>, vector<16xf32>,
          %mul3A_882 = arith.mulf %get3A_881, %gather3A_857 : vector<16xf32>
          %swap3A_883 = arith.index_cast %add3A_855 : i32 to index
          %swap3A_884 = arith.constant 48 : index
          %swap3A_885 = tpu.vector_load %arg11[%swap3A_883, %swap3A_884] {strides = array<i32>} : memref<128x128xf32, #tpu.memory_space<vmem>>, vector<16xf32>,
          tpu.vector_store %arg11[%swap3A_883, %swap3A_884], %mul3A_882 {strides = array<i32>} : memref<128x128xf32, #tpu.memory_space<vmem>>, vector<16xf32>,
          %get3A_886 = arith.index_cast %add3A_855 : i32 to index
          %get3A_887 = arith.constant 64 : index
          %get3A_888 = tpu.vector_load %arg11[%get3A_886, %get3A_887] {strides = array<i32>} : memref<128x128xf32, #tpu.memory_space<vmem>>, vector<16xf32>,
          %mul3A_889 = arith.mulf %get3A_888, %gather3A_857 : vector<16xf32>
          %swap3A_890 = arith.index_cast %add3A_855 : i32 to index
          %swap3A_891 = arith.constant 64 : index
          %swap3A_892 = tpu.vector_load %arg11[%swap3A_890, %swap3A_891] {strides = array<i32>} : memref<128x128xf32, #tpu.memory_space<vmem>>, vector<16xf32>,
          tpu.vector_store %arg11[%swap3A_890, %swap3A_891], %mul3A_889 {strides = array<i32>} : memref<128x128xf32, #tpu.memory_space<vmem>>, vector<16xf32>,
          %get3A_893 = arith.index_cast %add3A_855 : i32 to index
          %get3A_894 = arith.constant 80 : index
          %get3A_895 = tpu.vector_load %arg11[%get3A_893, %get3A_894] {strides = array<i32>} : memref<128x128xf32, #tpu.memory_space<vmem>>, vector<16xf32>,
          %mul3A_896 = arith.mulf %get3A_895, %gather3A_857 : vector<16xf32>
          %swap3A_897 = arith.index_cast %add3A_855 : i32 to index
          %swap3A_898 = arith.constant 80 : index
          %swap3A_899 = tpu.vector_load %arg11[%swap3A_897, %swap3A_898] {strides = array<i32>} : memref<128x128xf32, #tpu.memory_space<vmem>>, vector<16xf32>,
          tpu.vector_store %arg11[%swap3A_897, %swap3A_898], %mul3A_896 {strides = array<i32>} : memref<128x128xf32, #tpu.memory_space<vmem>>, vector<16xf32>,
          %get3A_900 = arith.index_cast %add3A_855 : i32 to index
          %get3A_901 = arith.constant 96 : index
          %get3A_902 = tpu.vector_load %arg11[%get3A_900, %get3A_901] {strides = array<i32>} : memref<128x128xf32, #tpu.memory_space<vmem>>, vector<16xf32>,
          %mul3A_903 = arith.mulf %get3A_902, %gather3A_857 : vector<16xf32>
          %swap3A_904 = arith.index_cast %add3A_855 : i32 to index
          %swap3A_905 = arith.constant 96 : index
          %swap3A_906 = tpu.vector_load %arg11[%swap3A_904, %swap3A_905] {strides = array<i32>} : memref<128x128xf32, #tpu.memory_space<vmem>>, vector<16xf32>,
          tpu.vector_store %arg11[%swap3A_904, %swap3A_905], %mul3A_903 {strides = array<i32>} : memref<128x128xf32, #tpu.memory_space<vmem>>, vector<16xf32>,
          %get3A_907 = arith.index_cast %add3A_855 : i32 to index
          %get3A_908 = arith.constant 112 : index
          %get3A_909 = tpu.vector_load %arg11[%get3A_907, %get3A_908] {strides = array<i32>} : memref<128x128xf32, #tpu.memory_space<vmem>>, vector<16xf32>,
          %mul3A_910 = arith.mulf %get3A_909, %gather3A_857 : vector<16xf32>
          %swap3A_911 = arith.index_cast %add3A_855 : i32 to index
          %swap3A_912 = arith.constant 112 : index
          %swap3A_913 = tpu.vector_load %arg11[%swap3A_911, %swap3A_912] {strides = array<i32>} : memref<128x128xf32, #tpu.memory_space<vmem>>, vector<16xf32>,
          tpu.vector_store %arg11[%swap3A_911, %swap3A_912], %mul3A_910 {strides = array<i32>} : memref<128x128xf32, #tpu.memory_space<vmem>>, vector<16xf32>,
          %add3A_914 = arith.constant 10 : i32
          %add3A_915 = arith.addi %mul3A_314, %add3A_914 : i32
          %broadcast_in_dim3A_916 = vector.broadcast %add3A_915 : i32 to vector<16xi32>
          %gather3A_917 = tpu.vector_load_idx %arg10[%broadcast_in_dim3A_916] : memref<128xf32, #tpu.memory_space<vmem>>[vector<16xi32>], vector<16xf32>,
          %get3A_918 = arith.index_cast %add3A_915 : i32 to index
          %get3A_919 = arith.constant 0 : index
          %get3A_920 = tpu.vector_load %arg11[%get3A_918, %get3A_919] {strides = array<i32>} : memref<128x128xf32, #tpu.memory_space<vmem>>, vector<16xf32>,
          %mul3A_921 = arith.mulf %get3A_920, %gather3A_917 : vector<16xf32>
          %swap3A_922 = arith.index_cast %add3A_915 : i32 to index
          %swap3A_923 = arith.constant 0 : index
          %swap3A_924 = tpu.vector_load %arg11[%swap3A_922, %swap3A_923] {strides = array<i32>} : memref<128x128xf32, #tpu.memory_space<vmem>>, vector<16xf32>,
          tpu.vector_store %arg11[%swap3A_922, %swap3A_923], %mul3A_921 {strides = array<i32>} : memref<128x128xf32, #tpu.memory_space<vmem>>, vector<16xf32>,
          %get3A_925 = arith.index_cast %add3A_915 : i32 to index
          %get3A_926 = arith.constant 16 : index
          %get3A_927 = tpu.vector_load %arg11[%get3A_925, %get3A_926] {strides = array<i32>} : memref<128x128xf32, #tpu.memory_space<vmem>>, vector<16xf32>,
          %mul3A_928 = arith.mulf %get3A_927, %gather3A_917 : vector<16xf32>
          %swap3A_929 = arith.index_cast %add3A_915 : i32 to index
          %swap3A_930 = arith.constant 16 : index
          %swap3A_931 = tpu.vector_load %arg11[%swap3A_929, %swap3A_930] {strides = array<i32>} : memref<128x128xf32, #tpu.memory_space<vmem>>, vector<16xf32>,
          tpu.vector_store %arg11[%swap3A_929, %swap3A_930], %mul3A_928 {strides = array<i32>} : memref<128x128xf32, #tpu.memory_space<vmem>>, vector<16xf32>,
          %get3A_932 = arith.index_cast %add3A_915 : i32 to index
          %get3A_933 = arith.constant 32 : index
          %get3A_934 = tpu.vector_load %arg11[%get3A_932, %get3A_933] {strides = array<i32>} : memref<128x128xf32, #tpu.memory_space<vmem>>, vector<16xf32>,
          %mul3A_935 = arith.mulf %get3A_934, %gather3A_917 : vector<16xf32>
          %swap3A_936 = arith.index_cast %add3A_915 : i32 to index
          %swap3A_937 = arith.constant 32 : index
          %swap3A_938 = tpu.vector_load %arg11[%swap3A_936, %swap3A_937] {strides = array<i32>} : memref<128x128xf32, #tpu.memory_space<vmem>>, vector<16xf32>,
          tpu.vector_store %arg11[%swap3A_936, %swap3A_937], %mul3A_935 {strides = array<i32>} : memref<128x128xf32, #tpu.memory_space<vmem>>, vector<16xf32>,
          %get3A_939 = arith.index_cast %add3A_915 : i32 to index
          %get3A_940 = arith.constant 48 : index
          %get3A_941 = tpu.vector_load %arg11[%get3A_939, %get3A_940] {strides = array<i32>} : memref<128x128xf32, #tpu.memory_space<vmem>>, vector<16xf32>,
          %mul3A_942 = arith.mulf %get3A_941, %gather3A_917 : vector<16xf32>
          %swap3A_943 = arith.index_cast %add3A_915 : i32 to index
          %swap3A_944 = arith.constant 48 : index
          %swap3A_945 = tpu.vector_load %arg11[%swap3A_943, %swap3A_944] {strides = array<i32>} : memref<128x128xf32, #tpu.memory_space<vmem>>, vector<16xf32>,
          tpu.vector_store %arg11[%swap3A_943, %swap3A_944], %mul3A_942 {strides = array<i32>} : memref<128x128xf32, #tpu.memory_space<vmem>>, vector<16xf32>,
          %get3A_946 = arith.index_cast %add3A_915 : i32 to index
          %get3A_947 = arith.constant 64 : index
          %get3A_948 = tpu.vector_load %arg11[%get3A_946, %get3A_947] {strides = array<i32>} : memref<128x128xf32, #tpu.memory_space<vmem>>, vector<16xf32>,
          %mul3A_949 = arith.mulf %get3A_948, %gather3A_917 : vector<16xf32>
          %swap3A_950 = arith.index_cast %add3A_915 : i32 to index
          %swap3A_951 = arith.constant 64 : index
          %swap3A_952 = tpu.vector_load %arg11[%swap3A_950, %swap3A_951] {strides = array<i32>} : memref<128x128xf32, #tpu.memory_space<vmem>>, vector<16xf32>,
          tpu.vector_store %arg11[%swap3A_950, %swap3A_951], %mul3A_949 {strides = array<i32>} : memref<128x128xf32, #tpu.memory_space<vmem>>, vector<16xf32>,
          %get3A_953 = arith.index_cast %add3A_915 : i32 to index
          %get3A_954 = arith.constant 80 : index
          %get3A_955 = tpu.vector_load %arg11[%get3A_953, %get3A_954] {strides = array<i32>} : memref<128x128xf32, #tpu.memory_space<vmem>>, vector<16xf32>,
          %mul3A_956 = arith.mulf %get3A_955, %gather3A_917 : vector<16xf32>
          %swap3A_957 = arith.index_cast %add3A_915 : i32 to index
          %swap3A_958 = arith.constant 80 : index
          %swap3A_959 = tpu.vector_load %arg11[%swap3A_957, %swap3A_958] {strides = array<i32>} : memref<128x128xf32, #tpu.memory_space<vmem>>, vector<16xf32>,
          tpu.vector_store %arg11[%swap3A_957, %swap3A_958], %mul3A_956 {strides = array<i32>} : memref<128x128xf32, #tpu.memory_space<vmem>>, vector<16xf32>,
          %get3A_960 = arith.index_cast %add3A_915 : i32 to index
          %get3A_961 = arith.constant 96 : index
          %get3A_962 = tpu.vector_load %arg11[%get3A_960, %get3A_961] {strides = array<i32>} : memref<128x128xf32, #tpu.memory_space<vmem>>, vector<16xf32>,
          %mul3A_963 = arith.mulf %get3A_962, %gather3A_917 : vector<16xf32>
          %swap3A_964 = arith.index_cast %add3A_915 : i32 to index
          %swap3A_965 = arith.constant 96 : index
          %swap3A_966 = tpu.vector_load %arg11[%swap3A_964, %swap3A_965] {strides = array<i32>} : memref<128x128xf32, #tpu.memory_space<vmem>>, vector<16xf32>,
          tpu.vector_store %arg11[%swap3A_964, %swap3A_965], %mul3A_963 {strides = array<i32>} : memref<128x128xf32, #tpu.memory_space<vmem>>, vector<16xf32>,
          %get3A_967 = arith.index_cast %add3A_915 : i32 to index
          %get3A_968 = arith.constant 112 : index
          %get3A_969 = tpu.vector_load %arg11[%get3A_967, %get3A_968] {strides = array<i32>} : memref<128x128xf32, #tpu.memory_space<vmem>>, vector<16xf32>,
          %mul3A_970 = arith.mulf %get3A_969, %gather3A_917 : vector<16xf32>
          %swap3A_971 = arith.index_cast %add3A_915 : i32 to index
          %swap3A_972 = arith.constant 112 : index
          %swap3A_973 = tpu.vector_load %arg11[%swap3A_971, %swap3A_972] {strides = array<i32>} : memref<128x128xf32, #tpu.memory_space<vmem>>, vector<16xf32>,
          tpu.vector_store %arg11[%swap3A_971, %swap3A_972], %mul3A_970 {strides = array<i32>} : memref<128x128xf32, #tpu.memory_space<vmem>>, vector<16xf32>,
          %add3A_974 = arith.constant 11 : i32
          %add3A_975 = arith.addi %mul3A_314, %add3A_974 : i32
          %broadcast_in_dim3A_976 = vector.broadcast %add3A_975 : i32 to vector<16xi32>
          %gather3A_977 = tpu.vector_load_idx %arg10[%broadcast_in_dim3A_976] : memref<128xf32, #tpu.memory_space<vmem>>[vector<16xi32>], vector<16xf32>,
          %get3A_978 = arith.index_cast %add3A_975 : i32 to index
          %get3A_979 = arith.constant 0 : index
          %get3A_980 = tpu.vector_load %arg11[%get3A_978, %get3A_979] {strides = array<i32>} : memref<128x128xf32, #tpu.memory_space<vmem>>, vector<16xf32>,
          %mul3A_981 = arith.mulf %get3A_980, %gather3A_977 : vector<16xf32>
          %swap3A_982 = arith.index_cast %add3A_975 : i32 to index
          %swap3A_983 = arith.constant 0 : index
          %swap3A_984 = tpu.vector_load %arg11[%swap3A_982, %swap3A_983] {strides = array<i32>} : memref<128x128xf32, #tpu.memory_space<vmem>>, vector<16xf32>,
          tpu.vector_store %arg11[%swap3A_982, %swap3A_983], %mul3A_981 {strides = array<i32>} : memref<128x128xf32, #tpu.memory_space<vmem>>, vector<16xf32>,
          %get3A_985 = arith.index_cast %add3A_975 : i32 to index
          %get3A_986 = arith.constant 16 : index
          %get3A_987 = tpu.vector_load %arg11[%get3A_985, %get3A_986] {strides = array<i32>} : memref<128x128xf32, #tpu.memory_space<vmem>>, vector<16xf32>,
          %mul3A_988 = arith.mulf %get3A_987, %gather3A_977 : vector<16xf32>
          %swap3A_989 = arith.index_cast %add3A_975 : i32 to index
          %swap3A_990 = arith.constant 16 : index
          %swap3A_991 = tpu.vector_load %arg11[%swap3A_989, %swap3A_990] {strides = array<i32>} : memref<128x128xf32, #tpu.memory_space<vmem>>, vector<16xf32>,
          tpu.vector_store %arg11[%swap3A_989, %swap3A_990], %mul3A_988 {strides = array<i32>} : memref<128x128xf32, #tpu.memory_space<vmem>>, vector<16xf32>,
          %get3A_992 = arith.index_cast %add3A_975 : i32 to index
          %get3A_993 = arith.constant 32 : index
          %get3A_994 = tpu.vector_load %arg11[%get3A_992, %get3A_993] {strides = array<i32>} : memref<128x128xf32, #tpu.memory_space<vmem>>, vector<16xf32>,
          %mul3A_995 = arith.mulf %get3A_994, %gather3A_977 : vector<16xf32>
          %swap3A_996 = arith.index_cast %add3A_975 : i32 to index
          %swap3A_997 = arith.constant 32 : index
          %swap3A_998 = tpu.vector_load %arg11[%swap3A_996, %swap3A_997] {strides = array<i32>} : memref<128x128xf32, #tpu.memory_space<vmem>>, vector<16xf32>,
          tpu.vector_store %arg11[%swap3A_996, %swap3A_997], %mul3A_995 {strides = array<i32>} : memref<128x128xf32, #tpu.memory_space<vmem>>, vector<16xf32>,
          %get3A_999 = arith.index_cast %add3A_975 : i32 to index
          %get3A_1000 = arith.constant 48 : index
          %get3A_1001 = tpu.vector_load %arg11[%get3A_999, %get3A_1000] {strides = array<i32>} : memref<128x128xf32, #tpu.memory_space<vmem>>, vector<16xf32>,
          %mul3A_1002 = arith.mulf %get3A_1001, %gather3A_977 : vector<16xf32>
          %swap3A_1003 = arith.index_cast %add3A_975 : i32 to index
          %swap3A_1004 = arith.constant 48 : index
          %swap3A_1005 = tpu.vector_load %arg11[%swap3A_1003, %swap3A_1004] {strides = array<i32>} : memref<128x128xf32, #tpu.memory_space<vmem>>, vector<16xf32>,
          tpu.vector_store %arg11[%swap3A_1003, %swap3A_1004], %mul3A_1002 {strides = array<i32>} : memref<128x128xf32, #tpu.memory_space<vmem>>, vector<16xf32>,
          %get3A_1006 = arith.index_cast %add3A_975 : i32 to index
          %get3A_1007 = arith.constant 64 : index
          %get3A_1008 = tpu.vector_load %arg11[%get3A_1006, %get3A_1007] {strides = array<i32>} : memref<128x128xf32, #tpu.memory_space<vmem>>, vector<16xf32>,
          %mul3A_1009 = arith.mulf %get3A_1008, %gather3A_977 : vector<16xf32>
          %swap3A_1010 = arith.index_cast %add3A_975 : i32 to index
          %swap3A_1011 = arith.constant 64 : index
          %swap3A_1012 = tpu.vector_load %arg11[%swap3A_1010, %swap3A_1011] {strides = array<i32>} : memref<128x128xf32, #tpu.memory_space<vmem>>, vector<16xf32>,
          tpu.vector_store %arg11[%swap3A_1010, %swap3A_1011], %mul3A_1009 {strides = array<i32>} : memref<128x128xf32, #tpu.memory_space<vmem>>, vector<16xf32>,
          %get3A_1013 = arith.index_cast %add3A_975 : i32 to index
          %get3A_1014 = arith.constant 80 : index
          %get3A_1015 = tpu.vector_load %arg11[%get3A_1013, %get3A_1014] {strides = array<i32>} : memref<128x128xf32, #tpu.memory_space<vmem>>, vector<16xf32>,
          %mul3A_1016 = arith.mulf %get3A_1015, %gather3A_977 : vector<16xf32>
          %swap3A_1017 = arith.index_cast %add3A_975 : i32 to index
          %swap3A_1018 = arith.constant 80 : index
          %swap3A_1019 = tpu.vector_load %arg11[%swap3A_1017, %swap3A_1018] {strides = array<i32>} : memref<128x128xf32, #tpu.memory_space<vmem>>, vector<16xf32>,
          tpu.vector_store %arg11[%swap3A_1017, %swap3A_1018], %mul3A_1016 {strides = array<i32>} : memref<128x128xf32, #tpu.memory_space<vmem>>, vector<16xf32>,
          %get3A_1020 = arith.index_cast %add3A_975 : i32 to index
          %get3A_1021 = arith.constant 96 : index
          %get3A_1022 = tpu.vector_load %arg11[%get3A_1020, %get3A_1021] {strides = array<i32>} : memref<128x128xf32, #tpu.memory_space<vmem>>, vector<16xf32>,
          %mul3A_1023 = arith.mulf %get3A_1022, %gather3A_977 : vector<16xf32>
          %swap3A_1024 = arith.index_cast %add3A_975 : i32 to index
          %swap3A_1025 = arith.constant 96 : index
          %swap3A_1026 = tpu.vector_load %arg11[%swap3A_1024, %swap3A_1025] {strides = array<i32>} : memref<128x128xf32, #tpu.memory_space<vmem>>, vector<16xf32>,
          tpu.vector_store %arg11[%swap3A_1024, %swap3A_1025], %mul3A_1023 {strides = array<i32>} : memref<128x128xf32, #tpu.memory_space<vmem>>, vector<16xf32>,
          %get3A_1027 = arith.index_cast %add3A_975 : i32 to index
          %get3A_1028 = arith.constant 112 : index
          %get3A_1029 = tpu.vector_load %arg11[%get3A_1027, %get3A_1028] {strides = array<i32>} : memref<128x128xf32, #tpu.memory_space<vmem>>, vector<16xf32>,
          %mul3A_1030 = arith.mulf %get3A_1029, %gather3A_977 : vector<16xf32>
          %swap3A_1031 = arith.index_cast %add3A_975 : i32 to index
          %swap3A_1032 = arith.constant 112 : index
          %swap3A_1033 = tpu.vector_load %arg11[%swap3A_1031, %swap3A_1032] {strides = array<i32>} : memref<128x128xf32, #tpu.memory_space<vmem>>, vector<16xf32>,
          tpu.vector_store %arg11[%swap3A_1031, %swap3A_1032], %mul3A_1030 {strides = array<i32>} : memref<128x128xf32, #tpu.memory_space<vmem>>, vector<16xf32>,
          %add3A_1034 = arith.constant 12 : i32
          %add3A_1035 = arith.addi %mul3A_314, %add3A_1034 : i32
          %broadcast_in_dim3A_1036 = vector.broadcast %add3A_1035 : i32 to vector<16xi32>
          %gather3A_1037 = tpu.vector_load_idx %arg10[%broadcast_in_dim3A_1036] : memref<128xf32, #tpu.memory_space<vmem>>[vector<16xi32>], vector<16xf32>,
          %get3A_1038 = arith.index_cast %add3A_1035 : i32 to index
          %get3A_1039 = arith.constant 0 : index
          %get3A_1040 = tpu.vector_load %arg11[%get3A_1038, %get3A_1039] {strides = array<i32>} : memref<128x128xf32, #tpu.memory_space<vmem>>, vector<16xf32>,
          %mul3A_1041 = arith.mulf %get3A_1040, %gather3A_1037 : vector<16xf32>
          %swap3A_1042 = arith.index_cast %add3A_1035 : i32 to index
          %swap3A_1043 = arith.constant 0 : index
          %swap3A_1044 = tpu.vector_load %arg11[%swap3A_1042, %swap3A_1043] {strides = array<i32>} : memref<128x128xf32, #tpu.memory_space<vmem>>, vector<16xf32>,
          tpu.vector_store %arg11[%swap3A_1042, %swap3A_1043], %mul3A_1041 {strides = array<i32>} : memref<128x128xf32, #tpu.memory_space<vmem>>, vector<16xf32>,
          %get3A_1045 = arith.index_cast %add3A_1035 : i32 to index
          %get3A_1046 = arith.constant 16 : index
          %get3A_1047 = tpu.vector_load %arg11[%get3A_1045, %get3A_1046] {strides = array<i32>} : memref<128x128xf32, #tpu.memory_space<vmem>>, vector<16xf32>,
          %mul3A_1048 = arith.mulf %get3A_1047, %gather3A_1037 : vector<16xf32>
          %swap3A_1049 = arith.index_cast %add3A_1035 : i32 to index
          %swap3A_1050 = arith.constant 16 : index
          %swap3A_1051 = tpu.vector_load %arg11[%swap3A_1049, %swap3A_1050] {strides = array<i32>} : memref<128x128xf32, #tpu.memory_space<vmem>>, vector<16xf32>,
          tpu.vector_store %arg11[%swap3A_1049, %swap3A_1050], %mul3A_1048 {strides = array<i32>} : memref<128x128xf32, #tpu.memory_space<vmem>>, vector<16xf32>,
          %get3A_1052 = arith.index_cast %add3A_1035 : i32 to index
          %get3A_1053 = arith.constant 32 : index
          %get3A_1054 = tpu.vector_load %arg11[%get3A_1052, %get3A_1053] {strides = array<i32>} : memref<128x128xf32, #tpu.memory_space<vmem>>, vector<16xf32>,
          %mul3A_1055 = arith.mulf %get3A_1054, %gather3A_1037 : vector<16xf32>
          %swap3A_1056 = arith.index_cast %add3A_1035 : i32 to index
          %swap3A_1057 = arith.constant 32 : index
          %swap3A_1058 = tpu.vector_load %arg11[%swap3A_1056, %swap3A_1057] {strides = array<i32>} : memref<128x128xf32, #tpu.memory_space<vmem>>, vector<16xf32>,
          tpu.vector_store %arg11[%swap3A_1056, %swap3A_1057], %mul3A_1055 {strides = array<i32>} : memref<128x128xf32, #tpu.memory_space<vmem>>, vector<16xf32>,
          %get3A_1059 = arith.index_cast %add3A_1035 : i32 to index
          %get3A_1060 = arith.constant 48 : index
          %get3A_1061 = tpu.vector_load %arg11[%get3A_1059, %get3A_1060] {strides = array<i32>} : memref<128x128xf32, #tpu.memory_space<vmem>>, vector<16xf32>,
          %mul3A_1062 = arith.mulf %get3A_1061, %gather3A_1037 : vector<16xf32>
          %swap3A_1063 = arith.index_cast %add3A_1035 : i32 to index
          %swap3A_1064 = arith.constant 48 : index
          %swap3A_1065 = tpu.vector_load %arg11[%swap3A_1063, %swap3A_1064] {strides = array<i32>} : memref<128x128xf32, #tpu.memory_space<vmem>>, vector<16xf32>,
          tpu.vector_store %arg11[%swap3A_1063, %swap3A_1064], %mul3A_1062 {strides = array<i32>} : memref<128x128xf32, #tpu.memory_space<vmem>>, vector<16xf32>,
          %get3A_1066 = arith.index_cast %add3A_1035 : i32 to index
          %get3A_1067 = arith.constant 64 : index
          %get3A_1068 = tpu.vector_load %arg11[%get3A_1066, %get3A_1067] {strides = array<i32>} : memref<128x128xf32, #tpu.memory_space<vmem>>, vector<16xf32>,
          %mul3A_1069 = arith.mulf %get3A_1068, %gather3A_1037 : vector<16xf32>
          %swap3A_1070 = arith.index_cast %add3A_1035 : i32 to index
          %swap3A_1071 = arith.constant 64 : index
          %swap3A_1072 = tpu.vector_load %arg11[%swap3A_1070, %swap3A_1071] {strides = array<i32>} : memref<128x128xf32, #tpu.memory_space<vmem>>, vector<16xf32>,
          tpu.vector_store %arg11[%swap3A_1070, %swap3A_1071], %mul3A_1069 {strides = array<i32>} : memref<128x128xf32, #tpu.memory_space<vmem>>, vector<16xf32>,
          %get3A_1073 = arith.index_cast %add3A_1035 : i32 to index
          %get3A_1074 = arith.constant 80 : index
          %get3A_1075 = tpu.vector_load %arg11[%get3A_1073, %get3A_1074] {strides = array<i32>} : memref<128x128xf32, #tpu.memory_space<vmem>>, vector<16xf32>,
          %mul3A_1076 = arith.mulf %get3A_1075, %gather3A_1037 : vector<16xf32>
          %swap3A_1077 = arith.index_cast %add3A_1035 : i32 to index
          %swap3A_1078 = arith.constant 80 : index
          %swap3A_1079 = tpu.vector_load %arg11[%swap3A_1077, %swap3A_1078] {strides = array<i32>} : memref<128x128xf32, #tpu.memory_space<vmem>>, vector<16xf32>,
          tpu.vector_store %arg11[%swap3A_1077, %swap3A_1078], %mul3A_1076 {strides = array<i32>} : memref<128x128xf32, #tpu.memory_space<vmem>>, vector<16xf32>,
          %get3A_1080 = arith.index_cast %add3A_1035 : i32 to index
          %get3A_1081 = arith.constant 96 : index
          %get3A_1082 = tpu.vector_load %arg11[%get3A_1080, %get3A_1081] {strides = array<i32>} : memref<128x128xf32, #tpu.memory_space<vmem>>, vector<16xf32>,
          %mul3A_1083 = arith.mulf %get3A_1082, %gather3A_1037 : vector<16xf32>
          %swap3A_1084 = arith.index_cast %add3A_1035 : i32 to index
          %swap3A_1085 = arith.constant 96 : index
          %swap3A_1086 = tpu.vector_load %arg11[%swap3A_1084, %swap3A_1085] {strides = array<i32>} : memref<128x128xf32, #tpu.memory_space<vmem>>, vector<16xf32>,
          tpu.vector_store %arg11[%swap3A_1084, %swap3A_1085], %mul3A_1083 {strides = array<i32>} : memref<128x128xf32, #tpu.memory_space<vmem>>, vector<16xf32>,
          %get3A_1087 = arith.index_cast %add3A_1035 : i32 to index
          %get3A_1088 = arith.constant 112 : index
          %get3A_1089 = tpu.vector_load %arg11[%get3A_1087, %get3A_1088] {strides = array<i32>} : memref<128x128xf32, #tpu.memory_space<vmem>>, vector<16xf32>,
          %mul3A_1090 = arith.mulf %get3A_1089, %gather3A_1037 : vector<16xf32>
          %swap3A_1091 = arith.index_cast %add3A_1035 : i32 to index
          %swap3A_1092 = arith.constant 112 : index
          %swap3A_1093 = tpu.vector_load %arg11[%swap3A_1091, %swap3A_1092] {strides = array<i32>} : memref<128x128xf32, #tpu.memory_space<vmem>>, vector<16xf32>,
          tpu.vector_store %arg11[%swap3A_1091, %swap3A_1092], %mul3A_1090 {strides = array<i32>} : memref<128x128xf32, #tpu.memory_space<vmem>>, vector<16xf32>,
          %add3A_1094 = arith.constant 13 : i32
          %add3A_1095 = arith.addi %mul3A_314, %add3A_1094 : i32
          %broadcast_in_dim3A_1096 = vector.broadcast %add3A_1095 : i32 to vector<16xi32>
          %gather3A_1097 = tpu.vector_load_idx %arg10[%broadcast_in_dim3A_1096] : memref<128xf32, #tpu.memory_space<vmem>>[vector<16xi32>], vector<16xf32>,
          %get3A_1098 = arith.index_cast %add3A_1095 : i32 to index
          %get3A_1099 = arith.constant 0 : index
          %get3A_1100 = tpu.vector_load %arg11[%get3A_1098, %get3A_1099] {strides = array<i32>} : memref<128x128xf32, #tpu.memory_space<vmem>>, vector<16xf32>,
          %mul3A_1101 = arith.mulf %get3A_1100, %gather3A_1097 : vector<16xf32>
          %swap3A_1102 = arith.index_cast %add3A_1095 : i32 to index
          %swap3A_1103 = arith.constant 0 : index
          %swap3A_1104 = tpu.vector_load %arg11[%swap3A_1102, %swap3A_1103] {strides = array<i32>} : memref<128x128xf32, #tpu.memory_space<vmem>>, vector<16xf32>,
          tpu.vector_store %arg11[%swap3A_1102, %swap3A_1103], %mul3A_1101 {strides = array<i32>} : memref<128x128xf32, #tpu.memory_space<vmem>>, vector<16xf32>,
          %get3A_1105 = arith.index_cast %add3A_1095 : i32 to index
          %get3A_1106 = arith.constant 16 : index
          %get3A_1107 = tpu.vector_load %arg11[%get3A_1105, %get3A_1106] {strides = array<i32>} : memref<128x128xf32, #tpu.memory_space<vmem>>, vector<16xf32>,
          %mul3A_1108 = arith.mulf %get3A_1107, %gather3A_1097 : vector<16xf32>
          %swap3A_1109 = arith.index_cast %add3A_1095 : i32 to index
          %swap3A_1110 = arith.constant 16 : index
          %swap3A_1111 = tpu.vector_load %arg11[%swap3A_1109, %swap3A_1110] {strides = array<i32>} : memref<128x128xf32, #tpu.memory_space<vmem>>, vector<16xf32>,
          tpu.vector_store %arg11[%swap3A_1109, %swap3A_1110], %mul3A_1108 {strides = array<i32>} : memref<128x128xf32, #tpu.memory_space<vmem>>, vector<16xf32>,
          %get3A_1112 = arith.index_cast %add3A_1095 : i32 to index
          %get3A_1113 = arith.constant 32 : index
          %get3A_1114 = tpu.vector_load %arg11[%get3A_1112, %get3A_1113] {strides = array<i32>} : memref<128x128xf32, #tpu.memory_space<vmem>>, vector<16xf32>,
          %mul3A_1115 = arith.mulf %get3A_1114, %gather3A_1097 : vector<16xf32>
          %swap3A_1116 = arith.index_cast %add3A_1095 : i32 to index
          %swap3A_1117 = arith.constant 32 : index
          %swap3A_1118 = tpu.vector_load %arg11[%swap3A_1116, %swap3A_1117] {strides = array<i32>} : memref<128x128xf32, #tpu.memory_space<vmem>>, vector<16xf32>,
          tpu.vector_store %arg11[%swap3A_1116, %swap3A_1117], %mul3A_1115 {strides = array<i32>} : memref<128x128xf32, #tpu.memory_space<vmem>>, vector<16xf32>,
          %get3A_1119 = arith.index_cast %add3A_1095 : i32 to index
          %get3A_1120 = arith.constant 48 : index
          %get3A_1121 = tpu.vector_load %arg11[%get3A_1119, %get3A_1120] {strides = array<i32>} : memref<128x128xf32, #tpu.memory_space<vmem>>, vector<16xf32>,
          %mul3A_1122 = arith.mulf %get3A_1121, %gather3A_1097 : vector<16xf32>
          %swap3A_1123 = arith.index_cast %add3A_1095 : i32 to index
          %swap3A_1124 = arith.constant 48 : index
          %swap3A_1125 = tpu.vector_load %arg11[%swap3A_1123, %swap3A_1124] {strides = array<i32>} : memref<128x128xf32, #tpu.memory_space<vmem>>, vector<16xf32>,
          tpu.vector_store %arg11[%swap3A_1123, %swap3A_1124], %mul3A_1122 {strides = array<i32>} : memref<128x128xf32, #tpu.memory_space<vmem>>, vector<16xf32>,
          %get3A_1126 = arith.index_cast %add3A_1095 : i32 to index
          %get3A_1127 = arith.constant 64 : index
          %get3A_1128 = tpu.vector_load %arg11[%get3A_1126, %get3A_1127] {strides = array<i32>} : memref<128x128xf32, #tpu.memory_space<vmem>>, vector<16xf32>,
          %mul3A_1129 = arith.mulf %get3A_1128, %gather3A_1097 : vector<16xf32>
          %swap3A_1130 = arith.index_cast %add3A_1095 : i32 to index
          %swap3A_1131 = arith.constant 64 : index
          %swap3A_1132 = tpu.vector_load %arg11[%swap3A_1130, %swap3A_1131] {strides = array<i32>} : memref<128x128xf32, #tpu.memory_space<vmem>>, vector<16xf32>,
          tpu.vector_store %arg11[%swap3A_1130, %swap3A_1131], %mul3A_1129 {strides = array<i32>} : memref<128x128xf32, #tpu.memory_space<vmem>>, vector<16xf32>,
          %get3A_1133 = arith.index_cast %add3A_1095 : i32 to index
          %get3A_1134 = arith.constant 80 : index
          %get3A_1135 = tpu.vector_load %arg11[%get3A_1133, %get3A_1134] {strides = array<i32>} : memref<128x128xf32, #tpu.memory_space<vmem>>, vector<16xf32>,
          %mul3A_1136 = arith.mulf %get3A_1135, %gather3A_1097 : vector<16xf32>
          %swap3A_1137 = arith.index_cast %add3A_1095 : i32 to index
          %swap3A_1138 = arith.constant 80 : index
          %swap3A_1139 = tpu.vector_load %arg11[%swap3A_1137, %swap3A_1138] {strides = array<i32>} : memref<128x128xf32, #tpu.memory_space<vmem>>, vector<16xf32>,
          tpu.vector_store %arg11[%swap3A_1137, %swap3A_1138], %mul3A_1136 {strides = array<i32>} : memref<128x128xf32, #tpu.memory_space<vmem>>, vector<16xf32>,
          %get3A_1140 = arith.index_cast %add3A_1095 : i32 to index
          %get3A_1141 = arith.constant 96 : index
          %get3A_1142 = tpu.vector_load %arg11[%get3A_1140, %get3A_1141] {strides = array<i32>} : memref<128x128xf32, #tpu.memory_space<vmem>>, vector<16xf32>,
          %mul3A_1143 = arith.mulf %get3A_1142, %gather3A_1097 : vector<16xf32>
          %swap3A_1144 = arith.index_cast %add3A_1095 : i32 to index
          %swap3A_1145 = arith.constant 96 : index
          %swap3A_1146 = tpu.vector_load %arg11[%swap3A_1144, %swap3A_1145] {strides = array<i32>} : memref<128x128xf32, #tpu.memory_space<vmem>>, vector<16xf32>,
          tpu.vector_store %arg11[%swap3A_1144, %swap3A_1145], %mul3A_1143 {strides = array<i32>} : memref<128x128xf32, #tpu.memory_space<vmem>>, vector<16xf32>,
          %get3A_1147 = arith.index_cast %add3A_1095 : i32 to index
          %get3A_1148 = arith.constant 112 : index
          %get3A_1149 = tpu.vector_load %arg11[%get3A_1147, %get3A_1148] {strides = array<i32>} : memref<128x128xf32, #tpu.memory_space<vmem>>, vector<16xf32>,
          %mul3A_1150 = arith.mulf %get3A_1149, %gather3A_1097 : vector<16xf32>
          %swap3A_1151 = arith.index_cast %add3A_1095 : i32 to index
          %swap3A_1152 = arith.constant 112 : index
          %swap3A_1153 = tpu.vector_load %arg11[%swap3A_1151, %swap3A_1152] {strides = array<i32>} : memref<128x128xf32, #tpu.memory_space<vmem>>, vector<16xf32>,
          tpu.vector_store %arg11[%swap3A_1151, %swap3A_1152], %mul3A_1150 {strides = array<i32>} : memref<128x128xf32, #tpu.memory_space<vmem>>, vector<16xf32>,
          %add3A_1154 = arith.constant 14 : i32
          %add3A_1155 = arith.addi %mul3A_314, %add3A_1154 : i32
          %broadcast_in_dim3A_1156 = vector.broadcast %add3A_1155 : i32 to vector<16xi32>
          %gather3A_1157 = tpu.vector_load_idx %arg10[%broadcast_in_dim3A_1156] : memref<128xf32, #tpu.memory_space<vmem>>[vector<16xi32>], vector<16xf32>,
          %get3A_1158 = arith.index_cast %add3A_1155 : i32 to index
          %get3A_1159 = arith.constant 0 : index
          %get3A_1160 = tpu.vector_load %arg11[%get3A_1158, %get3A_1159] {strides = array<i32>} : memref<128x128xf32, #tpu.memory_space<vmem>>, vector<16xf32>,
          %mul3A_1161 = arith.mulf %get3A_1160, %gather3A_1157 : vector<16xf32>
          %swap3A_1162 = arith.index_cast %add3A_1155 : i32 to index
          %swap3A_1163 = arith.constant 0 : index
          %swap3A_1164 = tpu.vector_load %arg11[%swap3A_1162, %swap3A_1163] {strides = array<i32>} : memref<128x128xf32, #tpu.memory_space<vmem>>, vector<16xf32>,
          tpu.vector_store %arg11[%swap3A_1162, %swap3A_1163], %mul3A_1161 {strides = array<i32>} : memref<128x128xf32, #tpu.memory_space<vmem>>, vector<16xf32>,
          %get3A_1165 = arith.index_cast %add3A_1155 : i32 to index
          %get3A_1166 = arith.constant 16 : index
          %get3A_1167 = tpu.vector_load %arg11[%get3A_1165, %get3A_1166] {strides = array<i32>} : memref<128x128xf32, #tpu.memory_space<vmem>>, vector<16xf32>,
          %mul3A_1168 = arith.mulf %get3A_1167, %gather3A_1157 : vector<16xf32>
          %swap3A_1169 = arith.index_cast %add3A_1155 : i32 to index
          %swap3A_1170 = arith.constant 16 : index
          %swap3A_1171 = tpu.vector_load %arg11[%swap3A_1169, %swap3A_1170] {strides = array<i32>} : memref<128x128xf32, #tpu.memory_space<vmem>>, vector<16xf32>,
          tpu.vector_store %arg11[%swap3A_1169, %swap3A_1170], %mul3A_1168 {strides = array<i32>} : memref<128x128xf32, #tpu.memory_space<vmem>>, vector<16xf32>,
          %get3A_1172 = arith.index_cast %add3A_1155 : i32 to index
          %get3A_1173 = arith.constant 32 : index
          %get3A_1174 = tpu.vector_load %arg11[%get3A_1172, %get3A_1173] {strides = array<i32>} : memref<128x128xf32, #tpu.memory_space<vmem>>, vector<16xf32>,
          %mul3A_1175 = arith.mulf %get3A_1174, %gather3A_1157 : vector<16xf32>
          %swap3A_1176 = arith.index_cast %add3A_1155 : i32 to index
          %swap3A_1177 = arith.constant 32 : index
          %swap3A_1178 = tpu.vector_load %arg11[%swap3A_1176, %swap3A_1177] {strides = array<i32>} : memref<128x128xf32, #tpu.memory_space<vmem>>, vector<16xf32>,
          tpu.vector_store %arg11[%swap3A_1176, %swap3A_1177], %mul3A_1175 {strides = array<i32>} : memref<128x128xf32, #tpu.memory_space<vmem>>, vector<16xf32>,
          %get3A_1179 = arith.index_cast %add3A_1155 : i32 to index
          %get3A_1180 = arith.constant 48 : index
          %get3A_1181 = tpu.vector_load %arg11[%get3A_1179, %get3A_1180] {strides = array<i32>} : memref<128x128xf32, #tpu.memory_space<vmem>>, vector<16xf32>,
          %mul3A_1182 = arith.mulf %get3A_1181, %gather3A_1157 : vector<16xf32>
          %swap3A_1183 = arith.index_cast %add3A_1155 : i32 to index
          %swap3A_1184 = arith.constant 48 : index
          %swap3A_1185 = tpu.vector_load %arg11[%swap3A_1183, %swap3A_1184] {strides = array<i32>} : memref<128x128xf32, #tpu.memory_space<vmem>>, vector<16xf32>,
          tpu.vector_store %arg11[%swap3A_1183, %swap3A_1184], %mul3A_1182 {strides = array<i32>} : memref<128x128xf32, #tpu.memory_space<vmem>>, vector<16xf32>,
          %get3A_1186 = arith.index_cast %add3A_1155 : i32 to index
          %get3A_1187 = arith.constant 64 : index
          %get3A_1188 = tpu.vector_load %arg11[%get3A_1186, %get3A_1187] {strides = array<i32>} : memref<128x128xf32, #tpu.memory_space<vmem>>, vector<16xf32>,
          %mul3A_1189 = arith.mulf %get3A_1188, %gather3A_1157 : vector<16xf32>
          %swap3A_1190 = arith.index_cast %add3A_1155 : i32 to index
          %swap3A_1191 = arith.constant 64 : index
          %swap3A_1192 = tpu.vector_load %arg11[%swap3A_1190, %swap3A_1191] {strides = array<i32>} : memref<128x128xf32, #tpu.memory_space<vmem>>, vector<16xf32>,
          tpu.vector_store %arg11[%swap3A_1190, %swap3A_1191], %mul3A_1189 {strides = array<i32>} : memref<128x128xf32, #tpu.memory_space<vmem>>, vector<16xf32>,
          %get3A_1193 = arith.index_cast %add3A_1155 : i32 to index
          %get3A_1194 = arith.constant 80 : index
          %get3A_1195 = tpu.vector_load %arg11[%get3A_1193, %get3A_1194] {strides = array<i32>} : memref<128x128xf32, #tpu.memory_space<vmem>>, vector<16xf32>,
          %mul3A_1196 = arith.mulf %get3A_1195, %gather3A_1157 : vector<16xf32>
          %swap3A_1197 = arith.index_cast %add3A_1155 : i32 to index
          %swap3A_1198 = arith.constant 80 : index
          %swap3A_1199 = tpu.vector_load %arg11[%swap3A_1197, %swap3A_1198] {strides = array<i32>} : memref<128x128xf32, #tpu.memory_space<vmem>>, vector<16xf32>,
          tpu.vector_store %arg11[%swap3A_1197, %swap3A_1198], %mul3A_1196 {strides = array<i32>} : memref<128x128xf32, #tpu.memory_space<vmem>>, vector<16xf32>,
          %get3A_1200 = arith.index_cast %add3A_1155 : i32 to index
          %get3A_1201 = arith.constant 96 : index
          %get3A_1202 = tpu.vector_load %arg11[%get3A_1200, %get3A_1201] {strides = array<i32>} : memref<128x128xf32, #tpu.memory_space<vmem>>, vector<16xf32>,
          %mul3A_1203 = arith.mulf %get3A_1202, %gather3A_1157 : vector<16xf32>
          %swap3A_1204 = arith.index_cast %add3A_1155 : i32 to index
          %swap3A_1205 = arith.constant 96 : index
          %swap3A_1206 = tpu.vector_load %arg11[%swap3A_1204, %swap3A_1205] {strides = array<i32>} : memref<128x128xf32, #tpu.memory_space<vmem>>, vector<16xf32>,
          tpu.vector_store %arg11[%swap3A_1204, %swap3A_1205], %mul3A_1203 {strides = array<i32>} : memref<128x128xf32, #tpu.memory_space<vmem>>, vector<16xf32>,
          %get3A_1207 = arith.index_cast %add3A_1155 : i32 to index
          %get3A_1208 = arith.constant 112 : index
          %get3A_1209 = tpu.vector_load %arg11[%get3A_1207, %get3A_1208] {strides = array<i32>} : memref<128x128xf32, #tpu.memory_space<vmem>>, vector<16xf32>,
          %mul3A_1210 = arith.mulf %get3A_1209, %gather3A_1157 : vector<16xf32>
          %swap3A_1211 = arith.index_cast %add3A_1155 : i32 to index
          %swap3A_1212 = arith.constant 112 : index
          %swap3A_1213 = tpu.vector_load %arg11[%swap3A_1211, %swap3A_1212] {strides = array<i32>} : memref<128x128xf32, #tpu.memory_space<vmem>>, vector<16xf32>,
          tpu.vector_store %arg11[%swap3A_1211, %swap3A_1212], %mul3A_1210 {strides = array<i32>} : memref<128x128xf32, #tpu.memory_space<vmem>>, vector<16xf32>,
          %add3A_1214 = arith.constant 15 : i32
          %add3A_1215 = arith.addi %mul3A_314, %add3A_1214 : i32
          %broadcast_in_dim3A_1216 = vector.broadcast %add3A_1215 : i32 to vector<16xi32>
          %gather3A_1217 = tpu.vector_load_idx %arg10[%broadcast_in_dim3A_1216] : memref<128xf32, #tpu.memory_space<vmem>>[vector<16xi32>], vector<16xf32>,
          %get3A_1218 = arith.index_cast %add3A_1215 : i32 to index
          %get3A_1219 = arith.constant 0 : index
          %get3A_1220 = tpu.vector_load %arg11[%get3A_1218, %get3A_1219] {strides = array<i32>} : memref<128x128xf32, #tpu.memory_space<vmem>>, vector<16xf32>,
          %mul3A_1221 = arith.mulf %get3A_1220, %gather3A_1217 : vector<16xf32>
          %swap3A_1222 = arith.index_cast %add3A_1215 : i32 to index
          %swap3A_1223 = arith.constant 0 : index
          %swap3A_1224 = tpu.vector_load %arg11[%swap3A_1222, %swap3A_1223] {strides = array<i32>} : memref<128x128xf32, #tpu.memory_space<vmem>>, vector<16xf32>,
          tpu.vector_store %arg11[%swap3A_1222, %swap3A_1223], %mul3A_1221 {strides = array<i32>} : memref<128x128xf32, #tpu.memory_space<vmem>>, vector<16xf32>,
          %get3A_1225 = arith.index_cast %add3A_1215 : i32 to index
          %get3A_1226 = arith.constant 16 : index
          %get3A_1227 = tpu.vector_load %arg11[%get3A_1225, %get3A_1226] {strides = array<i32>} : memref<128x128xf32, #tpu.memory_space<vmem>>, vector<16xf32>,
          %mul3A_1228 = arith.mulf %get3A_1227, %gather3A_1217 : vector<16xf32>
          %swap3A_1229 = arith.index_cast %add3A_1215 : i32 to index
          %swap3A_1230 = arith.constant 16 : index
          %swap3A_1231 = tpu.vector_load %arg11[%swap3A_1229, %swap3A_1230] {strides = array<i32>} : memref<128x128xf32, #tpu.memory_space<vmem>>, vector<16xf32>,
          tpu.vector_store %arg11[%swap3A_1229, %swap3A_1230], %mul3A_1228 {strides = array<i32>} : memref<128x128xf32, #tpu.memory_space<vmem>>, vector<16xf32>,
          %get3A_1232 = arith.index_cast %add3A_1215 : i32 to index
          %get3A_1233 = arith.constant 32 : index
          %get3A_1234 = tpu.vector_load %arg11[%get3A_1232, %get3A_1233] {strides = array<i32>} : memref<128x128xf32, #tpu.memory_space<vmem>>, vector<16xf32>,
          %mul3A_1235 = arith.mulf %get3A_1234, %gather3A_1217 : vector<16xf32>
          %swap3A_1236 = arith.index_cast %add3A_1215 : i32 to index
          %swap3A_1237 = arith.constant 32 : index
          %swap3A_1238 = tpu.vector_load %arg11[%swap3A_1236, %swap3A_1237] {strides = array<i32>} : memref<128x128xf32, #tpu.memory_space<vmem>>, vector<16xf32>,
          tpu.vector_store %arg11[%swap3A_1236, %swap3A_1237], %mul3A_1235 {strides = array<i32>} : memref<128x128xf32, #tpu.memory_space<vmem>>, vector<16xf32>,
          %get3A_1239 = arith.index_cast %add3A_1215 : i32 to index
          %get3A_1240 = arith.constant 48 : index
          %get3A_1241 = tpu.vector_load %arg11[%get3A_1239, %get3A_1240] {strides = array<i32>} : memref<128x128xf32, #tpu.memory_space<vmem>>, vector<16xf32>,
          %mul3A_1242 = arith.mulf %get3A_1241, %gather3A_1217 : vector<16xf32>
          %swap3A_1243 = arith.index_cast %add3A_1215 : i32 to index
          %swap3A_1244 = arith.constant 48 : index
          %swap3A_1245 = tpu.vector_load %arg11[%swap3A_1243, %swap3A_1244] {strides = array<i32>} : memref<128x128xf32, #tpu.memory_space<vmem>>, vector<16xf32>,
          tpu.vector_store %arg11[%swap3A_1243, %swap3A_1244], %mul3A_1242 {strides = array<i32>} : memref<128x128xf32, #tpu.memory_space<vmem>>, vector<16xf32>,
          %get3A_1246 = arith.index_cast %add3A_1215 : i32 to index
          %get3A_1247 = arith.constant 64 : index
          %get3A_1248 = tpu.vector_load %arg11[%get3A_1246, %get3A_1247] {strides = array<i32>} : memref<128x128xf32, #tpu.memory_space<vmem>>, vector<16xf32>,
          %mul3A_1249 = arith.mulf %get3A_1248, %gather3A_1217 : vector<16xf32>
          %swap3A_1250 = arith.index_cast %add3A_1215 : i32 to index
          %swap3A_1251 = arith.constant 64 : index
          %swap3A_1252 = tpu.vector_load %arg11[%swap3A_1250, %swap3A_1251] {strides = array<i32>} : memref<128x128xf32, #tpu.memory_space<vmem>>, vector<16xf32>,
          tpu.vector_store %arg11[%swap3A_1250, %swap3A_1251], %mul3A_1249 {strides = array<i32>} : memref<128x128xf32, #tpu.memory_space<vmem>>, vector<16xf32>,
          %get3A_1253 = arith.index_cast %add3A_1215 : i32 to index
          %get3A_1254 = arith.constant 80 : index
          %get3A_1255 = tpu.vector_load %arg11[%get3A_1253, %get3A_1254] {strides = array<i32>} : memref<128x128xf32, #tpu.memory_space<vmem>>, vector<16xf32>,
          %mul3A_1256 = arith.mulf %get3A_1255, %gather3A_1217 : vector<16xf32>
          %swap3A_1257 = arith.index_cast %add3A_1215 : i32 to index
          %swap3A_1258 = arith.constant 80 : index
          %swap3A_1259 = tpu.vector_load %arg11[%swap3A_1257, %swap3A_1258] {strides = array<i32>} : memref<128x128xf32, #tpu.memory_space<vmem>>, vector<16xf32>,
          tpu.vector_store %arg11[%swap3A_1257, %swap3A_1258], %mul3A_1256 {strides = array<i32>} : memref<128x128xf32, #tpu.memory_space<vmem>>, vector<16xf32>,
          %get3A_1260 = arith.index_cast %add3A_1215 : i32 to index
          %get3A_1261 = arith.constant 96 : index
          %get3A_1262 = tpu.vector_load %arg11[%get3A_1260, %get3A_1261] {strides = array<i32>} : memref<128x128xf32, #tpu.memory_space<vmem>>, vector<16xf32>,
          %mul3A_1263 = arith.mulf %get3A_1262, %gather3A_1217 : vector<16xf32>
          %swap3A_1264 = arith.index_cast %add3A_1215 : i32 to index
          %swap3A_1265 = arith.constant 96 : index
          %swap3A_1266 = tpu.vector_load %arg11[%swap3A_1264, %swap3A_1265] {strides = array<i32>} : memref<128x128xf32, #tpu.memory_space<vmem>>, vector<16xf32>,
          tpu.vector_store %arg11[%swap3A_1264, %swap3A_1265], %mul3A_1263 {strides = array<i32>} : memref<128x128xf32, #tpu.memory_space<vmem>>, vector<16xf32>,
          %get3A_1267 = arith.index_cast %add3A_1215 : i32 to index
          %get3A_1268 = arith.constant 112 : index
          %get3A_1269 = tpu.vector_load %arg11[%get3A_1267, %get3A_1268] {strides = array<i32>} : memref<128x128xf32, #tpu.memory_space<vmem>>, vector<16xf32>,
          %mul3A_1270 = arith.mulf %get3A_1269, %gather3A_1217 : vector<16xf32>
          %swap3A_1271 = arith.index_cast %add3A_1215 : i32 to index
          %swap3A_1272 = arith.constant 112 : index
          %swap3A_1273 = tpu.vector_load %arg11[%swap3A_1271, %swap3A_1272] {strides = array<i32>} : memref<128x128xf32, #tpu.memory_space<vmem>>, vector<16xf32>,
          tpu.vector_store %arg11[%swap3A_1271, %swap3A_1272], %mul3A_1270 {strides = array<i32>} : memref<128x128xf32, #tpu.memory_space<vmem>>, vector<16xf32>,
        }
        %scan3A_309 = arith.constant 8 : i32
        %run_scoped3A_310 = arith.constant 0 : i32
        %run_scoped3A_311 = arith.constant 1 : i32
        "tpu.region"() ({
          %run_scoped3A_312 = tpu.sem_alloc : memref<!tpu.dma_semaphore, #tpu.memory_space<semaphore_mem>>
          %dma_start3A = arith.constant 0 : i32
          %dma_start3A_313 = tpu.memref_slice %arg9[%run_scoped3A_310, %run_scoped3A_311, %dma_start3A] : memref<1x2x128xi32, #tpu.memory_space<vmem>> -> memref<1x1x128xi32, #tpu.memory_space<vmem>>
          %dma_start3A_314 = tpu.memref_squeeze %dma_start3A_313 : memref<1x1x128xi32, #tpu.memory_space<vmem>> -> memref<128xi32, #tpu.memory_space<vmem>>
          %dma_start3A_315 = arith.constant 0 : i32
          %dma_start3A_316 = arith.constant 0 : i32
          %dma_start3A_317 = tpu.memref_slice %arg13[%dma_start3A_315, %dma_start3A_316] : memref<10000x128xf32, #tpu.memory_space<vmem_shared>> -> memref<10000x128xf32, #tpu.memory_space<vmem_shared>>
          tpu.enqueue_indirect_dma source(%arg11 : memref<128x128xf32, #tpu.memory_space<vmem>>) target(%dma_start3A_317 : memref<10000x128xf32, #tpu.memory_space<vmem_shared>>) offsets(%dma_start3A_314 : memref<128xi32, #tpu.memory_space<vmem>>) semaphore(%run_scoped3A_312 : memref<!tpu.dma_semaphore, #tpu.memory_space<semaphore_mem>>) {add = true}
          %dma_wait3A = arith.constant 0 : i32
          %dma_wait3A_318 = tpu.memref_slice %arg9[%run_scoped3A_310, %run_scoped3A_311, %dma_wait3A] : memref<1x2x128xi32, #tpu.memory_space<vmem>> -> memref<1x1x128xi32, #tpu.memory_space<vmem>>
          %dma_wait3A_319 = tpu.memref_squeeze %dma_wait3A_318 : memref<1x1x128xi32, #tpu.memory_space<vmem>> -> memref<128xi32, #tpu.memory_space<vmem>>
          %dma_wait3A_320 = arith.constant 0 : i32
          %dma_wait3A_321 = arith.constant 0 : i32
          %dma_wait3A_322 = tpu.memref_slice %arg13[%dma_wait3A_320, %dma_wait3A_321] : memref<10000x128xf32, #tpu.memory_space<vmem_shared>> -> memref<10000x128xf32, #tpu.memory_space<vmem_shared>>
          tpu.wait_indirect_dma semaphore(%run_scoped3A_312 : memref<!tpu.dma_semaphore, #tpu.memory_space<semaphore_mem>>) src(%arg11 : memref<128x128xf32, #tpu.memory_space<vmem>>) dst(%dma_wait3A_322 : memref<10000x128xf32, #tpu.memory_space<vmem_shared>>)
          tpu.yield
        }) : () -> ()
      } else {
      }
    }
    %scan3A_12 = arith.constant 40 : i32
    %barrier3A_13 = arith.constant 0 : index
    tpu.barrier barrier_id(%barrier3A_13)
    "tpu.region"() ({
      %run_scoped3A = tpu.sem_alloc : memref<!tpu.dma_semaphore, #tpu.memory_space<semaphore_mem>>
      %dma_start3A = arith.constant 0 : i32
      %dma_start3A_23 = tpu.memref_slice %arg7[%arg0, %multiple_of3A, %dma_start3A] : memref<2x10000x128xf32, #tpu.memory_space<hbm>> -> memref<1x624x128xf32, #tpu.memory_space<hbm>>
      %dma_start3A_24 = tpu.memref_squeeze %dma_start3A_23 : memref<1x624x128xf32, #tpu.memory_space<hbm>> -> memref<624x128xf32, #tpu.memory_space<hbm>>
      %dma_start3A_25 = arith.constant 0 : i32
      %dma_start3A_26 = tpu.memref_slice %arg13[%multiple_of3A, %dma_start3A_25] : memref<10000x128xf32, #tpu.memory_space<vmem_shared>> -> memref<624x128xf32, #tpu.memory_space<vmem_shared>>
      tpu.enqueue_dma source(%dma_start3A_26 : memref<624x128xf32, #tpu.memory_space<vmem_shared>>) target(%dma_start3A_24 : memref<624x128xf32, #tpu.memory_space<hbm>>) target_semaphore(%run_scoped3A : memref<!tpu.dma_semaphore, #tpu.memory_space<semaphore_mem>>)
      %dma_wait3A = arith.constant 0 : i32
      %dma_wait3A_27 = tpu.memref_slice %arg7[%arg0, %multiple_of3A, %dma_wait3A] : memref<2x10000x128xf32, #tpu.memory_space<hbm>> -> memref<1x624x128xf32, #tpu.memory_space<hbm>>
      %dma_wait3A_28 = tpu.memref_squeeze %dma_wait3A_27 : memref<1x624x128xf32, #tpu.memory_space<hbm>> -> memref<624x128xf32, #tpu.memory_space<hbm>>
      %dma_wait3A_29 = arith.constant 0 : i32
      %dma_wait3A_30 = tpu.memref_slice %arg13[%multiple_of3A, %dma_wait3A_29] : memref<10000x128xf32, #tpu.memory_space<vmem_shared>> -> memref<624x128xf32, #tpu.memory_space<vmem_shared>>
      tpu.wait_dma2 semaphore(%run_scoped3A : memref<!tpu.dma_semaphore, #tpu.memory_space<semaphore_mem>>) src(%dma_wait3A_30 : memref<624x128xf32, #tpu.memory_space<vmem_shared>>) dst(%dma_wait3A_28 : memref<624x128xf32, #tpu.memory_space<hbm>>)
      tpu.yield
    }) : () -> ()
    %eq3A_14 = arith.constant 0 : i32
    %eq3A_15 = arith.cmpi eq, %arg1, %eq3A_14 : i32
    %convert_element_type3A_16 = arith.extui %eq3A_15 : i1 to i32
    %cond3A_17 = arith.constant 0 : i32
    %cond3A_18 = arith.cmpi ne, %convert_element_type3A_16, %cond3A_17 : i32
    scf.if %cond3A_18 {
      "tpu.region"() ({
        %run_scoped3A = tpu.sem_alloc : memref<!tpu.dma_semaphore, #tpu.memory_space<semaphore_mem>>
        %dma_start3A = arith.constant 9984 : i32
        %dma_start3A_23 = arith.constant 0 : i32
        %dma_start3A_24 = tpu.memref_slice %arg7[%arg0, %dma_start3A, %dma_start3A_23] : memref<2x10000x128xf32, #tpu.memory_space<hbm>> -> memref<1x16x128xf32, #tpu.memory_space<hbm>>
        %dma_start3A_25 = tpu.memref_squeeze %dma_start3A_24 : memref<1x16x128xf32, #tpu.memory_space<hbm>> -> memref<16x128xf32, #tpu.memory_space<hbm>>
        %dma_start3A_26 = arith.constant 9984 : i32
        %dma_start3A_27 = arith.constant 0 : i32
        %dma_start3A_28 = tpu.memref_slice %arg13[%dma_start3A_26, %dma_start3A_27] : memref<10000x128xf32, #tpu.memory_space<vmem_shared>> -> memref<16x128xf32, #tpu.memory_space<vmem_shared>>
        tpu.enqueue_dma source(%dma_start3A_28 : memref<16x128xf32, #tpu.memory_space<vmem_shared>>) target(%dma_start3A_25 : memref<16x128xf32, #tpu.memory_space<hbm>>) target_semaphore(%run_scoped3A : memref<!tpu.dma_semaphore, #tpu.memory_space<semaphore_mem>>)
        %dma_wait3A = arith.constant 9984 : i32
        %dma_wait3A_29 = arith.constant 0 : i32
        %dma_wait3A_30 = tpu.memref_slice %arg7[%arg0, %dma_wait3A, %dma_wait3A_29] : memref<2x10000x128xf32, #tpu.memory_space<hbm>> -> memref<1x16x128xf32, #tpu.memory_space<hbm>>
        %dma_wait3A_31 = tpu.memref_squeeze %dma_wait3A_30 : memref<1x16x128xf32, #tpu.memory_space<hbm>> -> memref<16x128xf32, #tpu.memory_space<hbm>>
        %dma_wait3A_32 = arith.constant 9984 : i32
        %dma_wait3A_33 = arith.constant 0 : i32
        %dma_wait3A_34 = tpu.memref_slice %arg13[%dma_wait3A_32, %dma_wait3A_33] : memref<10000x128xf32, #tpu.memory_space<vmem_shared>> -> memref<16x128xf32, #tpu.memory_space<vmem_shared>>
        tpu.wait_dma2 semaphore(%run_scoped3A : memref<!tpu.dma_semaphore, #tpu.memory_space<semaphore_mem>>) src(%dma_wait3A_34 : memref<16x128xf32, #tpu.memory_space<vmem_shared>>) dst(%dma_wait3A_31 : memref<16x128xf32, #tpu.memory_space<hbm>>)
        tpu.yield
      }) : () -> ()
    } else {
    }
    %mul3A_19 = arith.constant 10240 : i32
    %mul3A_20 = arith.muli %arg0, %mul3A_19 : i32
    %add3A_21 = arith.addi %mul3A_20, %multiple_of3A_5 : i32
    %multiple_of3A_22 = tpu.assume_multiple %add3A_21, 128 : i32
    "tpu.region"() ({
      %run_scoped3A = tpu.sem_alloc : memref<!tpu.dma_semaphore, #tpu.memory_space<semaphore_mem>>
      %dma_start3A = tpu.memref_slice %arg8[%multiple_of3A_22] : memref<20480xf32, #tpu.memory_space<hbm>> -> memref<640xf32, #tpu.memory_space<hbm>>
      %dma_start3A_23 = tpu.memref_slice %arg14[%multiple_of3A_5] : memref<10240xf32, #tpu.memory_space<vmem_shared>> -> memref<640xf32, #tpu.memory_space<vmem_shared>>
      tpu.enqueue_dma source(%dma_start3A_23 : memref<640xf32, #tpu.memory_space<vmem_shared>>) target(%dma_start3A : memref<640xf32, #tpu.memory_space<hbm>>) target_semaphore(%run_scoped3A : memref<!tpu.dma_semaphore, #tpu.memory_space<semaphore_mem>>)
      %dma_wait3A = tpu.memref_slice %arg8[%multiple_of3A_22] : memref<20480xf32, #tpu.memory_space<hbm>> -> memref<640xf32, #tpu.memory_space<hbm>>
      %dma_wait3A_24 = tpu.memref_slice %arg14[%multiple_of3A_5] : memref<10240xf32, #tpu.memory_space<vmem_shared>> -> memref<640xf32, #tpu.memory_space<vmem_shared>>
      tpu.wait_dma2 semaphore(%run_scoped3A : memref<!tpu.dma_semaphore, #tpu.memory_space<semaphore_mem>>) src(%dma_wait3A_24 : memref<640xf32, #tpu.memory_space<vmem_shared>>) dst(%dma_wait3A : memref<640xf32, #tpu.memory_space<hbm>>)
      tpu.yield
    }) : () -> ()
    return
  }
}

#map = affine_map<(d0, d1) -> (0, 0)>
#map1 = affine_map<(d0, d1) -> (0)>
#map2 = affine_map<(d0, d1) -> (0, 0, 0)>
module attributes {stable_mosaic.version = 14 : i64} {
  func.func @k(%arg0: i32, %arg1: i32, %arg2: memref<10000x64xf32, #tpu.memory_space<hbm>>, %arg3: memref<20096xf32, #tpu.memory_space<hbm>>, %arg4: memref<2x160000xi32, #tpu.memory_space<hbm>>, %arg5: memref<624x64xf32, #tpu.memory_space<hbm>>, %arg6: memref<2x10000x64xf32, #tpu.memory_space<hbm>>, %arg7: memref<20480xf32, #tpu.memory_space<hbm>>, %arg8: memref<2x2x128xi32, #tpu.memory_space<vmem>>, %arg9: memref<128xf32, #tpu.memory_space<vmem>>, %arg10: memref<256x64xf32, #tpu.memory_space<vmem>>, %arg11: memref<20096xf32, #tpu.memory_space<vmem>>, %arg12: memref<10240xf32, #tpu.memory_space<vmem>>, %arg13: memref<16x640xf32, #tpu.memory_space<vmem>>, %arg14: memref<10000x64xf32, #tpu.memory_space<vmem_shared>>, %arg15: memref<16x10240xf32, #tpu.memory_space<vmem_shared>>, %arg16: memref<!tpu.dma_semaphore, #tpu.memory_space<semaphore_mem>>) attributes {dimension_semantics = [#tpu.dimension_semantics<core_parallel>, #tpu.dimension_semantics<subcore_parallel>], iteration_bounds = array<i64: 2, 16>, scalar_prefetch = 0 : i64, scratch_operands = 9 : i64, tpu.core_type = #tpu.core_type<sc_vector_subcore>, window_params = [{transform_indices = #map}, {transform_indices = #map1}, {transform_indices = #map}, {transform_indices = #map}, {transform_indices = #map2}, {transform_indices = #map1}]} {
    %mul3A = arith.constant 2 : i32
    %mul3A_0 = arith.muli %arg1, %mul3A : i32
    %add3A = arith.addi %mul3A_0, %arg0 : i32
    %mul3A_1 = arith.constant 624 : i32
    %mul3A_2 = arith.muli %arg1, %mul3A_1 : i32
    %multiple_of3A = tpu.assume_multiple %mul3A_2, 8 : i32
    "tpu.region"() ({
      %run_scoped3A = tpu.sem_alloc : memref<!tpu.dma_semaphore, #tpu.memory_space<semaphore_mem>>
      %dma_start3A = arith.constant 0 : i32
      %dma_start3A_36 = tpu.memref_slice %arg14[%multiple_of3A, %dma_start3A] : memref<10000x64xf32, #tpu.memory_space<vmem_shared>> -> memref<624x64xf32, #tpu.memory_space<vmem_shared>>
      tpu.enqueue_dma source(%arg5 : memref<624x64xf32, #tpu.memory_space<hbm>>) target(%dma_start3A_36 : memref<624x64xf32, #tpu.memory_space<vmem_shared>>) target_semaphore(%run_scoped3A : memref<!tpu.dma_semaphore, #tpu.memory_space<semaphore_mem>>)
      %dma_wait3A = arith.constant 0 : i32
      %dma_wait3A_37 = tpu.memref_slice %arg14[%multiple_of3A, %dma_wait3A] : memref<10000x64xf32, #tpu.memory_space<vmem_shared>> -> memref<624x64xf32, #tpu.memory_space<vmem_shared>>
      tpu.wait_dma2 semaphore(%run_scoped3A : memref<!tpu.dma_semaphore, #tpu.memory_space<semaphore_mem>>) src(%arg5 : memref<624x64xf32, #tpu.memory_space<hbm>>) dst(%dma_wait3A_37 : memref<624x64xf32, #tpu.memory_space<vmem_shared>>)
      tpu.yield
    }) : () -> ()
    %eq3A = arith.constant 0 : i32
    %eq3A_3 = arith.cmpi eq, %arg1, %eq3A : i32
    %convert_element_type3A = arith.extui %eq3A_3 : i1 to i32
    %cond3A = arith.constant 0 : i32
    %cond3A_4 = arith.cmpi ne, %convert_element_type3A, %cond3A : i32
    scf.if %cond3A_4 {
      "tpu.region"() ({
        %run_scoped3A = tpu.sem_alloc : memref<!tpu.dma_semaphore, #tpu.memory_space<semaphore_mem>>
        %dma_start3A = arith.constant 9984 : i32
        %dma_start3A_36 = arith.constant 0 : i32
        %dma_start3A_37 = tpu.memref_slice %arg14[%dma_start3A, %dma_start3A_36] : memref<10000x64xf32, #tpu.memory_space<vmem_shared>> -> memref<16x64xf32, #tpu.memory_space<vmem_shared>>
        %dma_start3A_38 = arith.constant 0 : i32
        %dma_start3A_39 = arith.constant 0 : i32
        %dma_start3A_40 = tpu.memref_slice %arg5[%dma_start3A_38, %dma_start3A_39] : memref<624x64xf32, #tpu.memory_space<hbm>> -> memref<16x64xf32, #tpu.memory_space<hbm>>
        tpu.enqueue_dma source(%dma_start3A_40 : memref<16x64xf32, #tpu.memory_space<hbm>>) target(%dma_start3A_37 : memref<16x64xf32, #tpu.memory_space<vmem_shared>>) target_semaphore(%run_scoped3A : memref<!tpu.dma_semaphore, #tpu.memory_space<semaphore_mem>>)
        %dma_wait3A = arith.constant 9984 : i32
        %dma_wait3A_41 = arith.constant 0 : i32
        %dma_wait3A_42 = tpu.memref_slice %arg14[%dma_wait3A, %dma_wait3A_41] : memref<10000x64xf32, #tpu.memory_space<vmem_shared>> -> memref<16x64xf32, #tpu.memory_space<vmem_shared>>
        %dma_wait3A_43 = arith.constant 0 : i32
        %dma_wait3A_44 = arith.constant 0 : i32
        %dma_wait3A_45 = tpu.memref_slice %arg5[%dma_wait3A_43, %dma_wait3A_44] : memref<624x64xf32, #tpu.memory_space<hbm>> -> memref<16x64xf32, #tpu.memory_space<hbm>>
        tpu.wait_dma2 semaphore(%run_scoped3A : memref<!tpu.dma_semaphore, #tpu.memory_space<semaphore_mem>>) src(%dma_wait3A_45 : memref<16x64xf32, #tpu.memory_space<hbm>>) dst(%dma_wait3A_42 : memref<16x64xf32, #tpu.memory_space<vmem_shared>>)
        tpu.yield
      }) : () -> ()
    } else {
    }
    %broadcast_in_dim3A = arith.constant 0.000000e+00 : f32
    %broadcast_in_dim3A_5 = vector.broadcast %broadcast_in_dim3A : f32 to vector<16xf32>
    %scan3A = arith.constant 0 : i32
    %scan3A_6 = arith.constant 0 : i32
    %scan3A_7 = arith.constant 640 : i32
    %scan3A_8 = arith.addi %scan3A_6, %scan3A_7 : i32
    %scan3A_9 = arith.constant 1 : i32
    scf.for %scan3A_36 = %scan3A_6 to %scan3A_8 step %scan3A_9  : i32 {
      %mul3A_37 = arith.constant 16 : i32
      %mul3A_38 = arith.muli %scan3A_36, %mul3A_37 : i32
      %swap3A = arith.index_cast %mul3A_38 : i32 to index
      %swap3A_39 = tpu.vector_load %arg12[%swap3A] {strides = array<i32>} : memref<10240xf32, #tpu.memory_space<vmem>>, vector<16xf32>,
      tpu.vector_store %arg12[%swap3A], %broadcast_in_dim3A_5 {strides = array<i32>} : memref<10240xf32, #tpu.memory_space<vmem>>, vector<16xf32>,
    }
    %scan3A_10 = arith.constant 640 : i32
    "tpu.region"() ({
      %run_scoped3A = tpu.sem_alloc : memref<!tpu.dma_semaphore, #tpu.memory_space<semaphore_mem>>
      tpu.enqueue_dma source(%arg3 : memref<20096xf32, #tpu.memory_space<hbm>>) target(%arg11 : memref<20096xf32, #tpu.memory_space<vmem>>) target_semaphore(%run_scoped3A : memref<!tpu.dma_semaphore, #tpu.memory_space<semaphore_mem>>)
      tpu.wait_dma2 semaphore(%run_scoped3A : memref<!tpu.dma_semaphore, #tpu.memory_space<semaphore_mem>>) src(%arg3 : memref<20096xf32, #tpu.memory_space<hbm>>) dst(%arg11 : memref<20096xf32, #tpu.memory_space<vmem>>)
      tpu.yield
    }) : () -> ()
    %barrier3A = arith.constant 0 : index
    tpu.barrier barrier_id(%barrier3A)
    %scan3A_11 = arith.constant 0 : i32
    %scan3A_12 = arith.constant 0 : i32
    %scan3A_13 = arith.constant 42 : i32
    %scan3A_14 = arith.addi %scan3A_12, %scan3A_13 : i32
    %scan3A_15 = arith.constant 1 : i32
    scf.for %scan3A_36 = %scan3A_12 to %scan3A_14 step %scan3A_15  : i32 {
      %rem3A = arith.constant 2 : i32
      %rem3A_37 = arith.remsi %scan3A_36, %rem3A : i32
      %mul3A_38 = arith.constant 128 : i32
      %mul3A_39 = arith.muli %rem3A_37, %mul3A_38 : i32
      %multiple_of3A_40 = tpu.assume_multiple %mul3A_39, 128 : i32
      %sub3A = arith.constant 2 : i32
      %sub3A_41 = arith.subi %scan3A_36, %sub3A : i32
      %mul3A_42 = arith.constant 32 : i32
      %mul3A_43 = arith.muli %sub3A_41, %mul3A_42 : i32
      %add3A_44 = arith.addi %mul3A_43, %add3A : i32
      %ge3A = arith.constant 2 : i32
      %ge3A_45 = arith.cmpi sge, %scan3A_36, %ge3A : i32
      %lt3A = arith.constant 1250 : i32
      %lt3A_46 = arith.cmpi slt, %add3A_44, %lt3A : i32
      %and3A = arith.andi %ge3A_45, %lt3A_46 : i1
      %convert_element_type3A_47 = arith.extui %and3A : i1 to i32
      %cond3A_48 = arith.constant 0 : i32
      %cond3A_49 = arith.cmpi ne, %convert_element_type3A_47, %cond3A_48 : i32
      scf.if %cond3A_49 {
        %get3A = arith.constant 0 : i32
        %get3A_61 = arith.index_cast %rem3A_37 : i32 to index
        %get3A_62 = arith.index_cast %get3A : i32 to index
        %get3A_63 = arith.constant 0 : index
        %get3A_64 = tpu.vector_load %arg8[%get3A_61, %get3A_62, %get3A_63] {strides = array<i32>} : memref<2x2x128xi32, #tpu.memory_space<vmem>>, vector<16xi32>,
        %get3A_65 = arith.constant 1 : i32
        %get3A_66 = arith.index_cast %rem3A_37 : i32 to index
        %get3A_67 = arith.index_cast %get3A_65 : i32 to index
        %get3A_68 = arith.constant 0 : index
        %get3A_69 = tpu.vector_load %arg8[%get3A_66, %get3A_67, %get3A_68] {strides = array<i32>} : memref<2x2x128xi32, #tpu.memory_space<vmem>>, vector<16xi32>,
        %mul3A_70 = arith.constant 2 : i32
        %mul3A_71 = vector.broadcast %mul3A_70 : i32 to vector<16xi32>
        %mul3A_72 = arith.muli %get3A_64, %mul3A_71 : vector<16xi32>
        %gather3A = tpu.vector_load_idx %arg11[%mul3A_72] : memref<20096xf32, #tpu.memory_space<vmem>>[vector<16xi32>], vector<16xf32>,
        %mul3A_73 = arith.constant 2 : i32
        %mul3A_74 = vector.broadcast %mul3A_73 : i32 to vector<16xi32>
        %mul3A_75 = arith.muli %get3A_69, %mul3A_74 : vector<16xi32>
        %add3A_76 = arith.constant 1 : i32
        %add3A_77 = vector.broadcast %add3A_76 : i32 to vector<16xi32>
        %add3A_78 = arith.addi %mul3A_75, %add3A_77 : vector<16xi32>
        %gather3A_79 = tpu.vector_load_idx %arg11[%add3A_78] : memref<20096xf32, #tpu.memory_space<vmem>>[vector<16xi32>], vector<16xf32>,
        %add3A_80 = arith.addf %gather3A, %gather3A_79 : vector<16xf32>
        %ge3A_81 = arith.constant 0.000000e+00 : f32
        %ge3A_82 = vector.broadcast %ge3A_81 : f32 to vector<16xf32>
        %ge3A_83 = arith.cmpf oge, %add3A_80, %ge3A_82 : vector<16xf32>
        %mul3A_84 = arith.constant 2.000000e-01 : f32
        %mul3A_85 = vector.broadcast %mul3A_84 : f32 to vector<16xf32>
        %mul3A_86 = arith.mulf %mul3A_85, %add3A_80 : vector<16xf32>
        %select_n3A = arith.select %ge3A_83, %add3A_80, %mul3A_86 : vector<16xi1>, vector<16xf32>
        %exp3A = math.exp %select_n3A : vector<16xf32>
        %swap3A = arith.constant 0 : index
        %swap3A_87 = tpu.vector_load %arg9[%swap3A] {strides = array<i32>} : memref<128xf32, #tpu.memory_space<vmem>>, vector<16xf32>,
        tpu.vector_store %arg9[%swap3A], %exp3A {strides = array<i32>} : memref<128xf32, #tpu.memory_space<vmem>>, vector<16xf32>,
        tpu.vector_store_idx %arg12[%get3A_69], %exp3A {add = true} : memref<10240xf32, #tpu.memory_space<vmem>>[vector<16xi32>], vector<16xf32>,
        %get3A_88 = arith.constant 0 : i32
        %get3A_89 = arith.index_cast %rem3A_37 : i32 to index
        %get3A_90 = arith.index_cast %get3A_88 : i32 to index
        %get3A_91 = arith.constant 16 : index
        %get3A_92 = tpu.vector_load %arg8[%get3A_89, %get3A_90, %get3A_91] {strides = array<i32>} : memref<2x2x128xi32, #tpu.memory_space<vmem>>, vector<16xi32>,
        %get3A_93 = arith.constant 1 : i32
        %get3A_94 = arith.index_cast %rem3A_37 : i32 to index
        %get3A_95 = arith.index_cast %get3A_93 : i32 to index
        %get3A_96 = arith.constant 16 : index
        %get3A_97 = tpu.vector_load %arg8[%get3A_94, %get3A_95, %get3A_96] {strides = array<i32>} : memref<2x2x128xi32, #tpu.memory_space<vmem>>, vector<16xi32>,
        %mul3A_98 = arith.constant 2 : i32
        %mul3A_99 = vector.broadcast %mul3A_98 : i32 to vector<16xi32>
        %mul3A_100 = arith.muli %get3A_92, %mul3A_99 : vector<16xi32>
        %gather3A_101 = tpu.vector_load_idx %arg11[%mul3A_100] : memref<20096xf32, #tpu.memory_space<vmem>>[vector<16xi32>], vector<16xf32>,
        %mul3A_102 = arith.constant 2 : i32
        %mul3A_103 = vector.broadcast %mul3A_102 : i32 to vector<16xi32>
        %mul3A_104 = arith.muli %get3A_97, %mul3A_103 : vector<16xi32>
        %add3A_105 = arith.constant 1 : i32
        %add3A_106 = vector.broadcast %add3A_105 : i32 to vector<16xi32>
        %add3A_107 = arith.addi %mul3A_104, %add3A_106 : vector<16xi32>
        %gather3A_108 = tpu.vector_load_idx %arg11[%add3A_107] : memref<20096xf32, #tpu.memory_space<vmem>>[vector<16xi32>], vector<16xf32>,
        %add3A_109 = arith.addf %gather3A_101, %gather3A_108 : vector<16xf32>
        %ge3A_110 = arith.constant 0.000000e+00 : f32
        %ge3A_111 = vector.broadcast %ge3A_110 : f32 to vector<16xf32>
        %ge3A_112 = arith.cmpf oge, %add3A_109, %ge3A_111 : vector<16xf32>
        %mul3A_113 = arith.constant 2.000000e-01 : f32
        %mul3A_114 = vector.broadcast %mul3A_113 : f32 to vector<16xf32>
        %mul3A_115 = arith.mulf %mul3A_114, %add3A_109 : vector<16xf32>
        %select_n3A_116 = arith.select %ge3A_112, %add3A_109, %mul3A_115 : vector<16xi1>, vector<16xf32>
        %exp3A_117 = math.exp %select_n3A_116 : vector<16xf32>
        %swap3A_118 = arith.constant 16 : index
        %swap3A_119 = tpu.vector_load %arg9[%swap3A_118] {strides = array<i32>} : memref<128xf32, #tpu.memory_space<vmem>>, vector<16xf32>,
        tpu.vector_store %arg9[%swap3A_118], %exp3A_117 {strides = array<i32>} : memref<128xf32, #tpu.memory_space<vmem>>, vector<16xf32>,
        tpu.vector_store_idx %arg12[%get3A_97], %exp3A_117 {add = true} : memref<10240xf32, #tpu.memory_space<vmem>>[vector<16xi32>], vector<16xf32>,
        %get3A_120 = arith.constant 0 : i32
        %get3A_121 = arith.index_cast %rem3A_37 : i32 to index
        %get3A_122 = arith.index_cast %get3A_120 : i32 to index
        %get3A_123 = arith.constant 32 : index
        %get3A_124 = tpu.vector_load %arg8[%get3A_121, %get3A_122, %get3A_123] {strides = array<i32>} : memref<2x2x128xi32, #tpu.memory_space<vmem>>, vector<16xi32>,
        %get3A_125 = arith.constant 1 : i32
        %get3A_126 = arith.index_cast %rem3A_37 : i32 to index
        %get3A_127 = arith.index_cast %get3A_125 : i32 to index
        %get3A_128 = arith.constant 32 : index
        %get3A_129 = tpu.vector_load %arg8[%get3A_126, %get3A_127, %get3A_128] {strides = array<i32>} : memref<2x2x128xi32, #tpu.memory_space<vmem>>, vector<16xi32>,
        %mul3A_130 = arith.constant 2 : i32
        %mul3A_131 = vector.broadcast %mul3A_130 : i32 to vector<16xi32>
        %mul3A_132 = arith.muli %get3A_124, %mul3A_131 : vector<16xi32>
        %gather3A_133 = tpu.vector_load_idx %arg11[%mul3A_132] : memref<20096xf32, #tpu.memory_space<vmem>>[vector<16xi32>], vector<16xf32>,
        %mul3A_134 = arith.constant 2 : i32
        %mul3A_135 = vector.broadcast %mul3A_134 : i32 to vector<16xi32>
        %mul3A_136 = arith.muli %get3A_129, %mul3A_135 : vector<16xi32>
        %add3A_137 = arith.constant 1 : i32
        %add3A_138 = vector.broadcast %add3A_137 : i32 to vector<16xi32>
        %add3A_139 = arith.addi %mul3A_136, %add3A_138 : vector<16xi32>
        %gather3A_140 = tpu.vector_load_idx %arg11[%add3A_139] : memref<20096xf32, #tpu.memory_space<vmem>>[vector<16xi32>], vector<16xf32>,
        %add3A_141 = arith.addf %gather3A_133, %gather3A_140 : vector<16xf32>
        %ge3A_142 = arith.constant 0.000000e+00 : f32
        %ge3A_143 = vector.broadcast %ge3A_142 : f32 to vector<16xf32>
        %ge3A_144 = arith.cmpf oge, %add3A_141, %ge3A_143 : vector<16xf32>
        %mul3A_145 = arith.constant 2.000000e-01 : f32
        %mul3A_146 = vector.broadcast %mul3A_145 : f32 to vector<16xf32>
        %mul3A_147 = arith.mulf %mul3A_146, %add3A_141 : vector<16xf32>
        %select_n3A_148 = arith.select %ge3A_144, %add3A_141, %mul3A_147 : vector<16xi1>, vector<16xf32>
        %exp3A_149 = math.exp %select_n3A_148 : vector<16xf32>
        %swap3A_150 = arith.constant 32 : index
        %swap3A_151 = tpu.vector_load %arg9[%swap3A_150] {strides = array<i32>} : memref<128xf32, #tpu.memory_space<vmem>>, vector<16xf32>,
        tpu.vector_store %arg9[%swap3A_150], %exp3A_149 {strides = array<i32>} : memref<128xf32, #tpu.memory_space<vmem>>, vector<16xf32>,
        tpu.vector_store_idx %arg12[%get3A_129], %exp3A_149 {add = true} : memref<10240xf32, #tpu.memory_space<vmem>>[vector<16xi32>], vector<16xf32>,
        %get3A_152 = arith.constant 0 : i32
        %get3A_153 = arith.index_cast %rem3A_37 : i32 to index
        %get3A_154 = arith.index_cast %get3A_152 : i32 to index
        %get3A_155 = arith.constant 48 : index
        %get3A_156 = tpu.vector_load %arg8[%get3A_153, %get3A_154, %get3A_155] {strides = array<i32>} : memref<2x2x128xi32, #tpu.memory_space<vmem>>, vector<16xi32>,
        %get3A_157 = arith.constant 1 : i32
        %get3A_158 = arith.index_cast %rem3A_37 : i32 to index
        %get3A_159 = arith.index_cast %get3A_157 : i32 to index
        %get3A_160 = arith.constant 48 : index
        %get3A_161 = tpu.vector_load %arg8[%get3A_158, %get3A_159, %get3A_160] {strides = array<i32>} : memref<2x2x128xi32, #tpu.memory_space<vmem>>, vector<16xi32>,
        %mul3A_162 = arith.constant 2 : i32
        %mul3A_163 = vector.broadcast %mul3A_162 : i32 to vector<16xi32>
        %mul3A_164 = arith.muli %get3A_156, %mul3A_163 : vector<16xi32>
        %gather3A_165 = tpu.vector_load_idx %arg11[%mul3A_164] : memref<20096xf32, #tpu.memory_space<vmem>>[vector<16xi32>], vector<16xf32>,
        %mul3A_166 = arith.constant 2 : i32
        %mul3A_167 = vector.broadcast %mul3A_166 : i32 to vector<16xi32>
        %mul3A_168 = arith.muli %get3A_161, %mul3A_167 : vector<16xi32>
        %add3A_169 = arith.constant 1 : i32
        %add3A_170 = vector.broadcast %add3A_169 : i32 to vector<16xi32>
        %add3A_171 = arith.addi %mul3A_168, %add3A_170 : vector<16xi32>
        %gather3A_172 = tpu.vector_load_idx %arg11[%add3A_171] : memref<20096xf32, #tpu.memory_space<vmem>>[vector<16xi32>], vector<16xf32>,
        %add3A_173 = arith.addf %gather3A_165, %gather3A_172 : vector<16xf32>
        %ge3A_174 = arith.constant 0.000000e+00 : f32
        %ge3A_175 = vector.broadcast %ge3A_174 : f32 to vector<16xf32>
        %ge3A_176 = arith.cmpf oge, %add3A_173, %ge3A_175 : vector<16xf32>
        %mul3A_177 = arith.constant 2.000000e-01 : f32
        %mul3A_178 = vector.broadcast %mul3A_177 : f32 to vector<16xf32>
        %mul3A_179 = arith.mulf %mul3A_178, %add3A_173 : vector<16xf32>
        %select_n3A_180 = arith.select %ge3A_176, %add3A_173, %mul3A_179 : vector<16xi1>, vector<16xf32>
        %exp3A_181 = math.exp %select_n3A_180 : vector<16xf32>
        %swap3A_182 = arith.constant 48 : index
        %swap3A_183 = tpu.vector_load %arg9[%swap3A_182] {strides = array<i32>} : memref<128xf32, #tpu.memory_space<vmem>>, vector<16xf32>,
        tpu.vector_store %arg9[%swap3A_182], %exp3A_181 {strides = array<i32>} : memref<128xf32, #tpu.memory_space<vmem>>, vector<16xf32>,
        tpu.vector_store_idx %arg12[%get3A_161], %exp3A_181 {add = true} : memref<10240xf32, #tpu.memory_space<vmem>>[vector<16xi32>], vector<16xf32>,
        %get3A_184 = arith.constant 0 : i32
        %get3A_185 = arith.index_cast %rem3A_37 : i32 to index
        %get3A_186 = arith.index_cast %get3A_184 : i32 to index
        %get3A_187 = arith.constant 64 : index
        %get3A_188 = tpu.vector_load %arg8[%get3A_185, %get3A_186, %get3A_187] {strides = array<i32>} : memref<2x2x128xi32, #tpu.memory_space<vmem>>, vector<16xi32>,
        %get3A_189 = arith.constant 1 : i32
        %get3A_190 = arith.index_cast %rem3A_37 : i32 to index
        %get3A_191 = arith.index_cast %get3A_189 : i32 to index
        %get3A_192 = arith.constant 64 : index
        %get3A_193 = tpu.vector_load %arg8[%get3A_190, %get3A_191, %get3A_192] {strides = array<i32>} : memref<2x2x128xi32, #tpu.memory_space<vmem>>, vector<16xi32>,
        %mul3A_194 = arith.constant 2 : i32
        %mul3A_195 = vector.broadcast %mul3A_194 : i32 to vector<16xi32>
        %mul3A_196 = arith.muli %get3A_188, %mul3A_195 : vector<16xi32>
        %gather3A_197 = tpu.vector_load_idx %arg11[%mul3A_196] : memref<20096xf32, #tpu.memory_space<vmem>>[vector<16xi32>], vector<16xf32>,
        %mul3A_198 = arith.constant 2 : i32
        %mul3A_199 = vector.broadcast %mul3A_198 : i32 to vector<16xi32>
        %mul3A_200 = arith.muli %get3A_193, %mul3A_199 : vector<16xi32>
        %add3A_201 = arith.constant 1 : i32
        %add3A_202 = vector.broadcast %add3A_201 : i32 to vector<16xi32>
        %add3A_203 = arith.addi %mul3A_200, %add3A_202 : vector<16xi32>
        %gather3A_204 = tpu.vector_load_idx %arg11[%add3A_203] : memref<20096xf32, #tpu.memory_space<vmem>>[vector<16xi32>], vector<16xf32>,
        %add3A_205 = arith.addf %gather3A_197, %gather3A_204 : vector<16xf32>
        %ge3A_206 = arith.constant 0.000000e+00 : f32
        %ge3A_207 = vector.broadcast %ge3A_206 : f32 to vector<16xf32>
        %ge3A_208 = arith.cmpf oge, %add3A_205, %ge3A_207 : vector<16xf32>
        %mul3A_209 = arith.constant 2.000000e-01 : f32
        %mul3A_210 = vector.broadcast %mul3A_209 : f32 to vector<16xf32>
        %mul3A_211 = arith.mulf %mul3A_210, %add3A_205 : vector<16xf32>
        %select_n3A_212 = arith.select %ge3A_208, %add3A_205, %mul3A_211 : vector<16xi1>, vector<16xf32>
        %exp3A_213 = math.exp %select_n3A_212 : vector<16xf32>
        %swap3A_214 = arith.constant 64 : index
        %swap3A_215 = tpu.vector_load %arg9[%swap3A_214] {strides = array<i32>} : memref<128xf32, #tpu.memory_space<vmem>>, vector<16xf32>,
        tpu.vector_store %arg9[%swap3A_214], %exp3A_213 {strides = array<i32>} : memref<128xf32, #tpu.memory_space<vmem>>, vector<16xf32>,
        tpu.vector_store_idx %arg12[%get3A_193], %exp3A_213 {add = true} : memref<10240xf32, #tpu.memory_space<vmem>>[vector<16xi32>], vector<16xf32>,
        %get3A_216 = arith.constant 0 : i32
        %get3A_217 = arith.index_cast %rem3A_37 : i32 to index
        %get3A_218 = arith.index_cast %get3A_216 : i32 to index
        %get3A_219 = arith.constant 80 : index
        %get3A_220 = tpu.vector_load %arg8[%get3A_217, %get3A_218, %get3A_219] {strides = array<i32>} : memref<2x2x128xi32, #tpu.memory_space<vmem>>, vector<16xi32>,
        %get3A_221 = arith.constant 1 : i32
        %get3A_222 = arith.index_cast %rem3A_37 : i32 to index
        %get3A_223 = arith.index_cast %get3A_221 : i32 to index
        %get3A_224 = arith.constant 80 : index
        %get3A_225 = tpu.vector_load %arg8[%get3A_222, %get3A_223, %get3A_224] {strides = array<i32>} : memref<2x2x128xi32, #tpu.memory_space<vmem>>, vector<16xi32>,
        %mul3A_226 = arith.constant 2 : i32
        %mul3A_227 = vector.broadcast %mul3A_226 : i32 to vector<16xi32>
        %mul3A_228 = arith.muli %get3A_220, %mul3A_227 : vector<16xi32>
        %gather3A_229 = tpu.vector_load_idx %arg11[%mul3A_228] : memref<20096xf32, #tpu.memory_space<vmem>>[vector<16xi32>], vector<16xf32>,
        %mul3A_230 = arith.constant 2 : i32
        %mul3A_231 = vector.broadcast %mul3A_230 : i32 to vector<16xi32>
        %mul3A_232 = arith.muli %get3A_225, %mul3A_231 : vector<16xi32>
        %add3A_233 = arith.constant 1 : i32
        %add3A_234 = vector.broadcast %add3A_233 : i32 to vector<16xi32>
        %add3A_235 = arith.addi %mul3A_232, %add3A_234 : vector<16xi32>
        %gather3A_236 = tpu.vector_load_idx %arg11[%add3A_235] : memref<20096xf32, #tpu.memory_space<vmem>>[vector<16xi32>], vector<16xf32>,
        %add3A_237 = arith.addf %gather3A_229, %gather3A_236 : vector<16xf32>
        %ge3A_238 = arith.constant 0.000000e+00 : f32
        %ge3A_239 = vector.broadcast %ge3A_238 : f32 to vector<16xf32>
        %ge3A_240 = arith.cmpf oge, %add3A_237, %ge3A_239 : vector<16xf32>
        %mul3A_241 = arith.constant 2.000000e-01 : f32
        %mul3A_242 = vector.broadcast %mul3A_241 : f32 to vector<16xf32>
        %mul3A_243 = arith.mulf %mul3A_242, %add3A_237 : vector<16xf32>
        %select_n3A_244 = arith.select %ge3A_240, %add3A_237, %mul3A_243 : vector<16xi1>, vector<16xf32>
        %exp3A_245 = math.exp %select_n3A_244 : vector<16xf32>
        %swap3A_246 = arith.constant 80 : index
        %swap3A_247 = tpu.vector_load %arg9[%swap3A_246] {strides = array<i32>} : memref<128xf32, #tpu.memory_space<vmem>>, vector<16xf32>,
        tpu.vector_store %arg9[%swap3A_246], %exp3A_245 {strides = array<i32>} : memref<128xf32, #tpu.memory_space<vmem>>, vector<16xf32>,
        tpu.vector_store_idx %arg12[%get3A_225], %exp3A_245 {add = true} : memref<10240xf32, #tpu.memory_space<vmem>>[vector<16xi32>], vector<16xf32>,
        %get3A_248 = arith.constant 0 : i32
        %get3A_249 = arith.index_cast %rem3A_37 : i32 to index
        %get3A_250 = arith.index_cast %get3A_248 : i32 to index
        %get3A_251 = arith.constant 96 : index
        %get3A_252 = tpu.vector_load %arg8[%get3A_249, %get3A_250, %get3A_251] {strides = array<i32>} : memref<2x2x128xi32, #tpu.memory_space<vmem>>, vector<16xi32>,
        %get3A_253 = arith.constant 1 : i32
        %get3A_254 = arith.index_cast %rem3A_37 : i32 to index
        %get3A_255 = arith.index_cast %get3A_253 : i32 to index
        %get3A_256 = arith.constant 96 : index
        %get3A_257 = tpu.vector_load %arg8[%get3A_254, %get3A_255, %get3A_256] {strides = array<i32>} : memref<2x2x128xi32, #tpu.memory_space<vmem>>, vector<16xi32>,
        %mul3A_258 = arith.constant 2 : i32
        %mul3A_259 = vector.broadcast %mul3A_258 : i32 to vector<16xi32>
        %mul3A_260 = arith.muli %get3A_252, %mul3A_259 : vector<16xi32>
        %gather3A_261 = tpu.vector_load_idx %arg11[%mul3A_260] : memref<20096xf32, #tpu.memory_space<vmem>>[vector<16xi32>], vector<16xf32>,
        %mul3A_262 = arith.constant 2 : i32
        %mul3A_263 = vector.broadcast %mul3A_262 : i32 to vector<16xi32>
        %mul3A_264 = arith.muli %get3A_257, %mul3A_263 : vector<16xi32>
        %add3A_265 = arith.constant 1 : i32
        %add3A_266 = vector.broadcast %add3A_265 : i32 to vector<16xi32>
        %add3A_267 = arith.addi %mul3A_264, %add3A_266 : vector<16xi32>
        %gather3A_268 = tpu.vector_load_idx %arg11[%add3A_267] : memref<20096xf32, #tpu.memory_space<vmem>>[vector<16xi32>], vector<16xf32>,
        %add3A_269 = arith.addf %gather3A_261, %gather3A_268 : vector<16xf32>
        %ge3A_270 = arith.constant 0.000000e+00 : f32
        %ge3A_271 = vector.broadcast %ge3A_270 : f32 to vector<16xf32>
        %ge3A_272 = arith.cmpf oge, %add3A_269, %ge3A_271 : vector<16xf32>
        %mul3A_273 = arith.constant 2.000000e-01 : f32
        %mul3A_274 = vector.broadcast %mul3A_273 : f32 to vector<16xf32>
        %mul3A_275 = arith.mulf %mul3A_274, %add3A_269 : vector<16xf32>
        %select_n3A_276 = arith.select %ge3A_272, %add3A_269, %mul3A_275 : vector<16xi1>, vector<16xf32>
        %exp3A_277 = math.exp %select_n3A_276 : vector<16xf32>
        %swap3A_278 = arith.constant 96 : index
        %swap3A_279 = tpu.vector_load %arg9[%swap3A_278] {strides = array<i32>} : memref<128xf32, #tpu.memory_space<vmem>>, vector<16xf32>,
        tpu.vector_store %arg9[%swap3A_278], %exp3A_277 {strides = array<i32>} : memref<128xf32, #tpu.memory_space<vmem>>, vector<16xf32>,
        tpu.vector_store_idx %arg12[%get3A_257], %exp3A_277 {add = true} : memref<10240xf32, #tpu.memory_space<vmem>>[vector<16xi32>], vector<16xf32>,
        %get3A_280 = arith.constant 0 : i32
        %get3A_281 = arith.index_cast %rem3A_37 : i32 to index
        %get3A_282 = arith.index_cast %get3A_280 : i32 to index
        %get3A_283 = arith.constant 112 : index
        %get3A_284 = tpu.vector_load %arg8[%get3A_281, %get3A_282, %get3A_283] {strides = array<i32>} : memref<2x2x128xi32, #tpu.memory_space<vmem>>, vector<16xi32>,
        %get3A_285 = arith.constant 1 : i32
        %get3A_286 = arith.index_cast %rem3A_37 : i32 to index
        %get3A_287 = arith.index_cast %get3A_285 : i32 to index
        %get3A_288 = arith.constant 112 : index
        %get3A_289 = tpu.vector_load %arg8[%get3A_286, %get3A_287, %get3A_288] {strides = array<i32>} : memref<2x2x128xi32, #tpu.memory_space<vmem>>, vector<16xi32>,
        %mul3A_290 = arith.constant 2 : i32
        %mul3A_291 = vector.broadcast %mul3A_290 : i32 to vector<16xi32>
        %mul3A_292 = arith.muli %get3A_284, %mul3A_291 : vector<16xi32>
        %gather3A_293 = tpu.vector_load_idx %arg11[%mul3A_292] : memref<20096xf32, #tpu.memory_space<vmem>>[vector<16xi32>], vector<16xf32>,
        %mul3A_294 = arith.constant 2 : i32
        %mul3A_295 = vector.broadcast %mul3A_294 : i32 to vector<16xi32>
        %mul3A_296 = arith.muli %get3A_289, %mul3A_295 : vector<16xi32>
        %add3A_297 = arith.constant 1 : i32
        %add3A_298 = vector.broadcast %add3A_297 : i32 to vector<16xi32>
        %add3A_299 = arith.addi %mul3A_296, %add3A_298 : vector<16xi32>
        %gather3A_300 = tpu.vector_load_idx %arg11[%add3A_299] : memref<20096xf32, #tpu.memory_space<vmem>>[vector<16xi32>], vector<16xf32>,
        %add3A_301 = arith.addf %gather3A_293, %gather3A_300 : vector<16xf32>
        %ge3A_302 = arith.constant 0.000000e+00 : f32
        %ge3A_303 = vector.broadcast %ge3A_302 : f32 to vector<16xf32>
        %ge3A_304 = arith.cmpf oge, %add3A_301, %ge3A_303 : vector<16xf32>
        %mul3A_305 = arith.constant 2.000000e-01 : f32
        %mul3A_306 = vector.broadcast %mul3A_305 : f32 to vector<16xf32>
        %mul3A_307 = arith.mulf %mul3A_306, %add3A_301 : vector<16xf32>
        %select_n3A_308 = arith.select %ge3A_304, %add3A_301, %mul3A_307 : vector<16xi1>, vector<16xf32>
        %exp3A_309 = math.exp %select_n3A_308 : vector<16xf32>
        %swap3A_310 = arith.constant 112 : index
        %swap3A_311 = tpu.vector_load %arg9[%swap3A_310] {strides = array<i32>} : memref<128xf32, #tpu.memory_space<vmem>>, vector<16xf32>,
        tpu.vector_store %arg9[%swap3A_310], %exp3A_309 {strides = array<i32>} : memref<128xf32, #tpu.memory_space<vmem>>, vector<16xf32>,
        tpu.vector_store_idx %arg12[%get3A_289], %exp3A_309 {add = true} : memref<10240xf32, #tpu.memory_space<vmem>>[vector<16xi32>], vector<16xf32>,
        %dma_wait3A = arith.constant 0 : i32
        %dma_wait3A_312 = arith.constant 0 : i32
        %dma_wait3A_313 = tpu.memref_slice %arg10[%multiple_of3A_40, %dma_wait3A_312] : memref<256x64xf32, #tpu.memory_space<vmem>> -> memref<128x64xf32, #tpu.memory_space<vmem>>
        %dma_wait3A_314 = arith.constant 0 : i32
        %dma_wait3A_315 = tpu.memref_slice %arg8[%rem3A_37, %dma_wait3A, %dma_wait3A_314] : memref<2x2x128xi32, #tpu.memory_space<vmem>> -> memref<1x1x128xi32, #tpu.memory_space<vmem>>
        %dma_wait3A_316 = tpu.memref_squeeze %dma_wait3A_315 : memref<1x1x128xi32, #tpu.memory_space<vmem>> -> memref<128xi32, #tpu.memory_space<vmem>>
        %dma_wait3A_317 = arith.constant 0 : i32
        %dma_wait3A_318 = arith.constant 0 : i32
        %dma_wait3A_319 = tpu.memref_slice %arg2[%dma_wait3A_317, %dma_wait3A_318] : memref<10000x64xf32, #tpu.memory_space<hbm>> -> memref<10000x64xf32, #tpu.memory_space<hbm>>
        tpu.wait_indirect_dma semaphore(%arg16 : memref<!tpu.dma_semaphore, #tpu.memory_space<semaphore_mem>>) src(%dma_wait3A_319 : memref<10000x64xf32, #tpu.memory_space<hbm>>) dst(%dma_wait3A_313 : memref<128x64xf32, #tpu.memory_space<vmem>>)
        %scan3A_320 = arith.constant 0 : i32
        %scan3A_321 = arith.constant 0 : i32
        %scan3A_322 = arith.constant 8 : i32
        %scan3A_323 = arith.addi %scan3A_321, %scan3A_322 : i32
        %scan3A_324 = arith.constant 1 : i32
        scf.for %scan3A_326 = %scan3A_321 to %scan3A_323 step %scan3A_324  : i32 {
          %mul3A_327 = arith.constant 16 : i32
          %mul3A_328 = arith.muli %scan3A_326, %mul3A_327 : i32
          %add3A_329 = arith.constant 0 : i32
          %add3A_330 = arith.addi %mul3A_328, %add3A_329 : i32
          %broadcast_in_dim3A_331 = vector.broadcast %add3A_330 : i32 to vector<16xi32>
          %gather3A_332 = tpu.vector_load_idx %arg9[%broadcast_in_dim3A_331] : memref<128xf32, #tpu.memory_space<vmem>>[vector<16xi32>], vector<16xf32>,
          %add3A_333 = arith.addi %multiple_of3A_40, %add3A_330 : i32
          %get3A_334 = arith.index_cast %add3A_333 : i32 to index
          %get3A_335 = arith.constant 0 : index
          %get3A_336 = tpu.vector_load %arg10[%get3A_334, %get3A_335] {strides = array<i32>} : memref<256x64xf32, #tpu.memory_space<vmem>>, vector<16xf32>,
          %mul3A_337 = arith.mulf %get3A_336, %gather3A_332 : vector<16xf32>
          %add3A_338 = arith.addi %multiple_of3A_40, %add3A_330 : i32
          %swap3A_339 = arith.index_cast %add3A_338 : i32 to index
          %swap3A_340 = arith.constant 0 : index
          %swap3A_341 = tpu.vector_load %arg10[%swap3A_339, %swap3A_340] {strides = array<i32>} : memref<256x64xf32, #tpu.memory_space<vmem>>, vector<16xf32>,
          tpu.vector_store %arg10[%swap3A_339, %swap3A_340], %mul3A_337 {strides = array<i32>} : memref<256x64xf32, #tpu.memory_space<vmem>>, vector<16xf32>,
          %add3A_342 = arith.addi %multiple_of3A_40, %add3A_330 : i32
          %get3A_343 = arith.index_cast %add3A_342 : i32 to index
          %get3A_344 = arith.constant 16 : index
          %get3A_345 = tpu.vector_load %arg10[%get3A_343, %get3A_344] {strides = array<i32>} : memref<256x64xf32, #tpu.memory_space<vmem>>, vector<16xf32>,
          %mul3A_346 = arith.mulf %get3A_345, %gather3A_332 : vector<16xf32>
          %add3A_347 = arith.addi %multiple_of3A_40, %add3A_330 : i32
          %swap3A_348 = arith.index_cast %add3A_347 : i32 to index
          %swap3A_349 = arith.constant 16 : index
          %swap3A_350 = tpu.vector_load %arg10[%swap3A_348, %swap3A_349] {strides = array<i32>} : memref<256x64xf32, #tpu.memory_space<vmem>>, vector<16xf32>,
          tpu.vector_store %arg10[%swap3A_348, %swap3A_349], %mul3A_346 {strides = array<i32>} : memref<256x64xf32, #tpu.memory_space<vmem>>, vector<16xf32>,
          %add3A_351 = arith.addi %multiple_of3A_40, %add3A_330 : i32
          %get3A_352 = arith.index_cast %add3A_351 : i32 to index
          %get3A_353 = arith.constant 32 : index
          %get3A_354 = tpu.vector_load %arg10[%get3A_352, %get3A_353] {strides = array<i32>} : memref<256x64xf32, #tpu.memory_space<vmem>>, vector<16xf32>,
          %mul3A_355 = arith.mulf %get3A_354, %gather3A_332 : vector<16xf32>
          %add3A_356 = arith.addi %multiple_of3A_40, %add3A_330 : i32
          %swap3A_357 = arith.index_cast %add3A_356 : i32 to index
          %swap3A_358 = arith.constant 32 : index
          %swap3A_359 = tpu.vector_load %arg10[%swap3A_357, %swap3A_358] {strides = array<i32>} : memref<256x64xf32, #tpu.memory_space<vmem>>, vector<16xf32>,
          tpu.vector_store %arg10[%swap3A_357, %swap3A_358], %mul3A_355 {strides = array<i32>} : memref<256x64xf32, #tpu.memory_space<vmem>>, vector<16xf32>,
          %add3A_360 = arith.addi %multiple_of3A_40, %add3A_330 : i32
          %get3A_361 = arith.index_cast %add3A_360 : i32 to index
          %get3A_362 = arith.constant 48 : index
          %get3A_363 = tpu.vector_load %arg10[%get3A_361, %get3A_362] {strides = array<i32>} : memref<256x64xf32, #tpu.memory_space<vmem>>, vector<16xf32>,
          %mul3A_364 = arith.mulf %get3A_363, %gather3A_332 : vector<16xf32>
          %add3A_365 = arith.addi %multiple_of3A_40, %add3A_330 : i32
          %swap3A_366 = arith.index_cast %add3A_365 : i32 to index
          %swap3A_367 = arith.constant 48 : index
          %swap3A_368 = tpu.vector_load %arg10[%swap3A_366, %swap3A_367] {strides = array<i32>} : memref<256x64xf32, #tpu.memory_space<vmem>>, vector<16xf32>,
          tpu.vector_store %arg10[%swap3A_366, %swap3A_367], %mul3A_364 {strides = array<i32>} : memref<256x64xf32, #tpu.memory_space<vmem>>, vector<16xf32>,
          %add3A_369 = arith.constant 1 : i32
          %add3A_370 = arith.addi %mul3A_328, %add3A_369 : i32
          %broadcast_in_dim3A_371 = vector.broadcast %add3A_370 : i32 to vector<16xi32>
          %gather3A_372 = tpu.vector_load_idx %arg9[%broadcast_in_dim3A_371] : memref<128xf32, #tpu.memory_space<vmem>>[vector<16xi32>], vector<16xf32>,
          %add3A_373 = arith.addi %multiple_of3A_40, %add3A_370 : i32
          %get3A_374 = arith.index_cast %add3A_373 : i32 to index
          %get3A_375 = arith.constant 0 : index
          %get3A_376 = tpu.vector_load %arg10[%get3A_374, %get3A_375] {strides = array<i32>} : memref<256x64xf32, #tpu.memory_space<vmem>>, vector<16xf32>,
          %mul3A_377 = arith.mulf %get3A_376, %gather3A_372 : vector<16xf32>
          %add3A_378 = arith.addi %multiple_of3A_40, %add3A_370 : i32
          %swap3A_379 = arith.index_cast %add3A_378 : i32 to index
          %swap3A_380 = arith.constant 0 : index
          %swap3A_381 = tpu.vector_load %arg10[%swap3A_379, %swap3A_380] {strides = array<i32>} : memref<256x64xf32, #tpu.memory_space<vmem>>, vector<16xf32>,
          tpu.vector_store %arg10[%swap3A_379, %swap3A_380], %mul3A_377 {strides = array<i32>} : memref<256x64xf32, #tpu.memory_space<vmem>>, vector<16xf32>,
          %add3A_382 = arith.addi %multiple_of3A_40, %add3A_370 : i32
          %get3A_383 = arith.index_cast %add3A_382 : i32 to index
          %get3A_384 = arith.constant 16 : index
          %get3A_385 = tpu.vector_load %arg10[%get3A_383, %get3A_384] {strides = array<i32>} : memref<256x64xf32, #tpu.memory_space<vmem>>, vector<16xf32>,
          %mul3A_386 = arith.mulf %get3A_385, %gather3A_372 : vector<16xf32>
          %add3A_387 = arith.addi %multiple_of3A_40, %add3A_370 : i32
          %swap3A_388 = arith.index_cast %add3A_387 : i32 to index
          %swap3A_389 = arith.constant 16 : index
          %swap3A_390 = tpu.vector_load %arg10[%swap3A_388, %swap3A_389] {strides = array<i32>} : memref<256x64xf32, #tpu.memory_space<vmem>>, vector<16xf32>,
          tpu.vector_store %arg10[%swap3A_388, %swap3A_389], %mul3A_386 {strides = array<i32>} : memref<256x64xf32, #tpu.memory_space<vmem>>, vector<16xf32>,
          %add3A_391 = arith.addi %multiple_of3A_40, %add3A_370 : i32
          %get3A_392 = arith.index_cast %add3A_391 : i32 to index
          %get3A_393 = arith.constant 32 : index
          %get3A_394 = tpu.vector_load %arg10[%get3A_392, %get3A_393] {strides = array<i32>} : memref<256x64xf32, #tpu.memory_space<vmem>>, vector<16xf32>,
          %mul3A_395 = arith.mulf %get3A_394, %gather3A_372 : vector<16xf32>
          %add3A_396 = arith.addi %multiple_of3A_40, %add3A_370 : i32
          %swap3A_397 = arith.index_cast %add3A_396 : i32 to index
          %swap3A_398 = arith.constant 32 : index
          %swap3A_399 = tpu.vector_load %arg10[%swap3A_397, %swap3A_398] {strides = array<i32>} : memref<256x64xf32, #tpu.memory_space<vmem>>, vector<16xf32>,
          tpu.vector_store %arg10[%swap3A_397, %swap3A_398], %mul3A_395 {strides = array<i32>} : memref<256x64xf32, #tpu.memory_space<vmem>>, vector<16xf32>,
          %add3A_400 = arith.addi %multiple_of3A_40, %add3A_370 : i32
          %get3A_401 = arith.index_cast %add3A_400 : i32 to index
          %get3A_402 = arith.constant 48 : index
          %get3A_403 = tpu.vector_load %arg10[%get3A_401, %get3A_402] {strides = array<i32>} : memref<256x64xf32, #tpu.memory_space<vmem>>, vector<16xf32>,
          %mul3A_404 = arith.mulf %get3A_403, %gather3A_372 : vector<16xf32>
          %add3A_405 = arith.addi %multiple_of3A_40, %add3A_370 : i32
          %swap3A_406 = arith.index_cast %add3A_405 : i32 to index
          %swap3A_407 = arith.constant 48 : index
          %swap3A_408 = tpu.vector_load %arg10[%swap3A_406, %swap3A_407] {strides = array<i32>} : memref<256x64xf32, #tpu.memory_space<vmem>>, vector<16xf32>,
          tpu.vector_store %arg10[%swap3A_406, %swap3A_407], %mul3A_404 {strides = array<i32>} : memref<256x64xf32, #tpu.memory_space<vmem>>, vector<16xf32>,
          %add3A_409 = arith.constant 2 : i32
          %add3A_410 = arith.addi %mul3A_328, %add3A_409 : i32
          %broadcast_in_dim3A_411 = vector.broadcast %add3A_410 : i32 to vector<16xi32>
          %gather3A_412 = tpu.vector_load_idx %arg9[%broadcast_in_dim3A_411] : memref<128xf32, #tpu.memory_space<vmem>>[vector<16xi32>], vector<16xf32>,
          %add3A_413 = arith.addi %multiple_of3A_40, %add3A_410 : i32
          %get3A_414 = arith.index_cast %add3A_413 : i32 to index
          %get3A_415 = arith.constant 0 : index
          %get3A_416 = tpu.vector_load %arg10[%get3A_414, %get3A_415] {strides = array<i32>} : memref<256x64xf32, #tpu.memory_space<vmem>>, vector<16xf32>,
          %mul3A_417 = arith.mulf %get3A_416, %gather3A_412 : vector<16xf32>
          %add3A_418 = arith.addi %multiple_of3A_40, %add3A_410 : i32
          %swap3A_419 = arith.index_cast %add3A_418 : i32 to index
          %swap3A_420 = arith.constant 0 : index
          %swap3A_421 = tpu.vector_load %arg10[%swap3A_419, %swap3A_420] {strides = array<i32>} : memref<256x64xf32, #tpu.memory_space<vmem>>, vector<16xf32>,
          tpu.vector_store %arg10[%swap3A_419, %swap3A_420], %mul3A_417 {strides = array<i32>} : memref<256x64xf32, #tpu.memory_space<vmem>>, vector<16xf32>,
          %add3A_422 = arith.addi %multiple_of3A_40, %add3A_410 : i32
          %get3A_423 = arith.index_cast %add3A_422 : i32 to index
          %get3A_424 = arith.constant 16 : index
          %get3A_425 = tpu.vector_load %arg10[%get3A_423, %get3A_424] {strides = array<i32>} : memref<256x64xf32, #tpu.memory_space<vmem>>, vector<16xf32>,
          %mul3A_426 = arith.mulf %get3A_425, %gather3A_412 : vector<16xf32>
          %add3A_427 = arith.addi %multiple_of3A_40, %add3A_410 : i32
          %swap3A_428 = arith.index_cast %add3A_427 : i32 to index
          %swap3A_429 = arith.constant 16 : index
          %swap3A_430 = tpu.vector_load %arg10[%swap3A_428, %swap3A_429] {strides = array<i32>} : memref<256x64xf32, #tpu.memory_space<vmem>>, vector<16xf32>,
          tpu.vector_store %arg10[%swap3A_428, %swap3A_429], %mul3A_426 {strides = array<i32>} : memref<256x64xf32, #tpu.memory_space<vmem>>, vector<16xf32>,
          %add3A_431 = arith.addi %multiple_of3A_40, %add3A_410 : i32
          %get3A_432 = arith.index_cast %add3A_431 : i32 to index
          %get3A_433 = arith.constant 32 : index
          %get3A_434 = tpu.vector_load %arg10[%get3A_432, %get3A_433] {strides = array<i32>} : memref<256x64xf32, #tpu.memory_space<vmem>>, vector<16xf32>,
          %mul3A_435 = arith.mulf %get3A_434, %gather3A_412 : vector<16xf32>
          %add3A_436 = arith.addi %multiple_of3A_40, %add3A_410 : i32
          %swap3A_437 = arith.index_cast %add3A_436 : i32 to index
          %swap3A_438 = arith.constant 32 : index
          %swap3A_439 = tpu.vector_load %arg10[%swap3A_437, %swap3A_438] {strides = array<i32>} : memref<256x64xf32, #tpu.memory_space<vmem>>, vector<16xf32>,
          tpu.vector_store %arg10[%swap3A_437, %swap3A_438], %mul3A_435 {strides = array<i32>} : memref<256x64xf32, #tpu.memory_space<vmem>>, vector<16xf32>,
          %add3A_440 = arith.addi %multiple_of3A_40, %add3A_410 : i32
          %get3A_441 = arith.index_cast %add3A_440 : i32 to index
          %get3A_442 = arith.constant 48 : index
          %get3A_443 = tpu.vector_load %arg10[%get3A_441, %get3A_442] {strides = array<i32>} : memref<256x64xf32, #tpu.memory_space<vmem>>, vector<16xf32>,
          %mul3A_444 = arith.mulf %get3A_443, %gather3A_412 : vector<16xf32>
          %add3A_445 = arith.addi %multiple_of3A_40, %add3A_410 : i32
          %swap3A_446 = arith.index_cast %add3A_445 : i32 to index
          %swap3A_447 = arith.constant 48 : index
          %swap3A_448 = tpu.vector_load %arg10[%swap3A_446, %swap3A_447] {strides = array<i32>} : memref<256x64xf32, #tpu.memory_space<vmem>>, vector<16xf32>,
          tpu.vector_store %arg10[%swap3A_446, %swap3A_447], %mul3A_444 {strides = array<i32>} : memref<256x64xf32, #tpu.memory_space<vmem>>, vector<16xf32>,
          %add3A_449 = arith.constant 3 : i32
          %add3A_450 = arith.addi %mul3A_328, %add3A_449 : i32
          %broadcast_in_dim3A_451 = vector.broadcast %add3A_450 : i32 to vector<16xi32>
          %gather3A_452 = tpu.vector_load_idx %arg9[%broadcast_in_dim3A_451] : memref<128xf32, #tpu.memory_space<vmem>>[vector<16xi32>], vector<16xf32>,
          %add3A_453 = arith.addi %multiple_of3A_40, %add3A_450 : i32
          %get3A_454 = arith.index_cast %add3A_453 : i32 to index
          %get3A_455 = arith.constant 0 : index
          %get3A_456 = tpu.vector_load %arg10[%get3A_454, %get3A_455] {strides = array<i32>} : memref<256x64xf32, #tpu.memory_space<vmem>>, vector<16xf32>,
          %mul3A_457 = arith.mulf %get3A_456, %gather3A_452 : vector<16xf32>
          %add3A_458 = arith.addi %multiple_of3A_40, %add3A_450 : i32
          %swap3A_459 = arith.index_cast %add3A_458 : i32 to index
          %swap3A_460 = arith.constant 0 : index
          %swap3A_461 = tpu.vector_load %arg10[%swap3A_459, %swap3A_460] {strides = array<i32>} : memref<256x64xf32, #tpu.memory_space<vmem>>, vector<16xf32>,
          tpu.vector_store %arg10[%swap3A_459, %swap3A_460], %mul3A_457 {strides = array<i32>} : memref<256x64xf32, #tpu.memory_space<vmem>>, vector<16xf32>,
          %add3A_462 = arith.addi %multiple_of3A_40, %add3A_450 : i32
          %get3A_463 = arith.index_cast %add3A_462 : i32 to index
          %get3A_464 = arith.constant 16 : index
          %get3A_465 = tpu.vector_load %arg10[%get3A_463, %get3A_464] {strides = array<i32>} : memref<256x64xf32, #tpu.memory_space<vmem>>, vector<16xf32>,
          %mul3A_466 = arith.mulf %get3A_465, %gather3A_452 : vector<16xf32>
          %add3A_467 = arith.addi %multiple_of3A_40, %add3A_450 : i32
          %swap3A_468 = arith.index_cast %add3A_467 : i32 to index
          %swap3A_469 = arith.constant 16 : index
          %swap3A_470 = tpu.vector_load %arg10[%swap3A_468, %swap3A_469] {strides = array<i32>} : memref<256x64xf32, #tpu.memory_space<vmem>>, vector<16xf32>,
          tpu.vector_store %arg10[%swap3A_468, %swap3A_469], %mul3A_466 {strides = array<i32>} : memref<256x64xf32, #tpu.memory_space<vmem>>, vector<16xf32>,
          %add3A_471 = arith.addi %multiple_of3A_40, %add3A_450 : i32
          %get3A_472 = arith.index_cast %add3A_471 : i32 to index
          %get3A_473 = arith.constant 32 : index
          %get3A_474 = tpu.vector_load %arg10[%get3A_472, %get3A_473] {strides = array<i32>} : memref<256x64xf32, #tpu.memory_space<vmem>>, vector<16xf32>,
          %mul3A_475 = arith.mulf %get3A_474, %gather3A_452 : vector<16xf32>
          %add3A_476 = arith.addi %multiple_of3A_40, %add3A_450 : i32
          %swap3A_477 = arith.index_cast %add3A_476 : i32 to index
          %swap3A_478 = arith.constant 32 : index
          %swap3A_479 = tpu.vector_load %arg10[%swap3A_477, %swap3A_478] {strides = array<i32>} : memref<256x64xf32, #tpu.memory_space<vmem>>, vector<16xf32>,
          tpu.vector_store %arg10[%swap3A_477, %swap3A_478], %mul3A_475 {strides = array<i32>} : memref<256x64xf32, #tpu.memory_space<vmem>>, vector<16xf32>,
          %add3A_480 = arith.addi %multiple_of3A_40, %add3A_450 : i32
          %get3A_481 = arith.index_cast %add3A_480 : i32 to index
          %get3A_482 = arith.constant 48 : index
          %get3A_483 = tpu.vector_load %arg10[%get3A_481, %get3A_482] {strides = array<i32>} : memref<256x64xf32, #tpu.memory_space<vmem>>, vector<16xf32>,
          %mul3A_484 = arith.mulf %get3A_483, %gather3A_452 : vector<16xf32>
          %add3A_485 = arith.addi %multiple_of3A_40, %add3A_450 : i32
          %swap3A_486 = arith.index_cast %add3A_485 : i32 to index
          %swap3A_487 = arith.constant 48 : index
          %swap3A_488 = tpu.vector_load %arg10[%swap3A_486, %swap3A_487] {strides = array<i32>} : memref<256x64xf32, #tpu.memory_space<vmem>>, vector<16xf32>,
          tpu.vector_store %arg10[%swap3A_486, %swap3A_487], %mul3A_484 {strides = array<i32>} : memref<256x64xf32, #tpu.memory_space<vmem>>, vector<16xf32>,
          %add3A_489 = arith.constant 4 : i32
          %add3A_490 = arith.addi %mul3A_328, %add3A_489 : i32
          %broadcast_in_dim3A_491 = vector.broadcast %add3A_490 : i32 to vector<16xi32>
          %gather3A_492 = tpu.vector_load_idx %arg9[%broadcast_in_dim3A_491] : memref<128xf32, #tpu.memory_space<vmem>>[vector<16xi32>], vector<16xf32>,
          %add3A_493 = arith.addi %multiple_of3A_40, %add3A_490 : i32
          %get3A_494 = arith.index_cast %add3A_493 : i32 to index
          %get3A_495 = arith.constant 0 : index
          %get3A_496 = tpu.vector_load %arg10[%get3A_494, %get3A_495] {strides = array<i32>} : memref<256x64xf32, #tpu.memory_space<vmem>>, vector<16xf32>,
          %mul3A_497 = arith.mulf %get3A_496, %gather3A_492 : vector<16xf32>
          %add3A_498 = arith.addi %multiple_of3A_40, %add3A_490 : i32
          %swap3A_499 = arith.index_cast %add3A_498 : i32 to index
          %swap3A_500 = arith.constant 0 : index
          %swap3A_501 = tpu.vector_load %arg10[%swap3A_499, %swap3A_500] {strides = array<i32>} : memref<256x64xf32, #tpu.memory_space<vmem>>, vector<16xf32>,
          tpu.vector_store %arg10[%swap3A_499, %swap3A_500], %mul3A_497 {strides = array<i32>} : memref<256x64xf32, #tpu.memory_space<vmem>>, vector<16xf32>,
          %add3A_502 = arith.addi %multiple_of3A_40, %add3A_490 : i32
          %get3A_503 = arith.index_cast %add3A_502 : i32 to index
          %get3A_504 = arith.constant 16 : index
          %get3A_505 = tpu.vector_load %arg10[%get3A_503, %get3A_504] {strides = array<i32>} : memref<256x64xf32, #tpu.memory_space<vmem>>, vector<16xf32>,
          %mul3A_506 = arith.mulf %get3A_505, %gather3A_492 : vector<16xf32>
          %add3A_507 = arith.addi %multiple_of3A_40, %add3A_490 : i32
          %swap3A_508 = arith.index_cast %add3A_507 : i32 to index
          %swap3A_509 = arith.constant 16 : index
          %swap3A_510 = tpu.vector_load %arg10[%swap3A_508, %swap3A_509] {strides = array<i32>} : memref<256x64xf32, #tpu.memory_space<vmem>>, vector<16xf32>,
          tpu.vector_store %arg10[%swap3A_508, %swap3A_509], %mul3A_506 {strides = array<i32>} : memref<256x64xf32, #tpu.memory_space<vmem>>, vector<16xf32>,
          %add3A_511 = arith.addi %multiple_of3A_40, %add3A_490 : i32
          %get3A_512 = arith.index_cast %add3A_511 : i32 to index
          %get3A_513 = arith.constant 32 : index
          %get3A_514 = tpu.vector_load %arg10[%get3A_512, %get3A_513] {strides = array<i32>} : memref<256x64xf32, #tpu.memory_space<vmem>>, vector<16xf32>,
          %mul3A_515 = arith.mulf %get3A_514, %gather3A_492 : vector<16xf32>
          %add3A_516 = arith.addi %multiple_of3A_40, %add3A_490 : i32
          %swap3A_517 = arith.index_cast %add3A_516 : i32 to index
          %swap3A_518 = arith.constant 32 : index
          %swap3A_519 = tpu.vector_load %arg10[%swap3A_517, %swap3A_518] {strides = array<i32>} : memref<256x64xf32, #tpu.memory_space<vmem>>, vector<16xf32>,
          tpu.vector_store %arg10[%swap3A_517, %swap3A_518], %mul3A_515 {strides = array<i32>} : memref<256x64xf32, #tpu.memory_space<vmem>>, vector<16xf32>,
          %add3A_520 = arith.addi %multiple_of3A_40, %add3A_490 : i32
          %get3A_521 = arith.index_cast %add3A_520 : i32 to index
          %get3A_522 = arith.constant 48 : index
          %get3A_523 = tpu.vector_load %arg10[%get3A_521, %get3A_522] {strides = array<i32>} : memref<256x64xf32, #tpu.memory_space<vmem>>, vector<16xf32>,
          %mul3A_524 = arith.mulf %get3A_523, %gather3A_492 : vector<16xf32>
          %add3A_525 = arith.addi %multiple_of3A_40, %add3A_490 : i32
          %swap3A_526 = arith.index_cast %add3A_525 : i32 to index
          %swap3A_527 = arith.constant 48 : index
          %swap3A_528 = tpu.vector_load %arg10[%swap3A_526, %swap3A_527] {strides = array<i32>} : memref<256x64xf32, #tpu.memory_space<vmem>>, vector<16xf32>,
          tpu.vector_store %arg10[%swap3A_526, %swap3A_527], %mul3A_524 {strides = array<i32>} : memref<256x64xf32, #tpu.memory_space<vmem>>, vector<16xf32>,
          %add3A_529 = arith.constant 5 : i32
          %add3A_530 = arith.addi %mul3A_328, %add3A_529 : i32
          %broadcast_in_dim3A_531 = vector.broadcast %add3A_530 : i32 to vector<16xi32>
          %gather3A_532 = tpu.vector_load_idx %arg9[%broadcast_in_dim3A_531] : memref<128xf32, #tpu.memory_space<vmem>>[vector<16xi32>], vector<16xf32>,
          %add3A_533 = arith.addi %multiple_of3A_40, %add3A_530 : i32
          %get3A_534 = arith.index_cast %add3A_533 : i32 to index
          %get3A_535 = arith.constant 0 : index
          %get3A_536 = tpu.vector_load %arg10[%get3A_534, %get3A_535] {strides = array<i32>} : memref<256x64xf32, #tpu.memory_space<vmem>>, vector<16xf32>,
          %mul3A_537 = arith.mulf %get3A_536, %gather3A_532 : vector<16xf32>
          %add3A_538 = arith.addi %multiple_of3A_40, %add3A_530 : i32
          %swap3A_539 = arith.index_cast %add3A_538 : i32 to index
          %swap3A_540 = arith.constant 0 : index
          %swap3A_541 = tpu.vector_load %arg10[%swap3A_539, %swap3A_540] {strides = array<i32>} : memref<256x64xf32, #tpu.memory_space<vmem>>, vector<16xf32>,
          tpu.vector_store %arg10[%swap3A_539, %swap3A_540], %mul3A_537 {strides = array<i32>} : memref<256x64xf32, #tpu.memory_space<vmem>>, vector<16xf32>,
          %add3A_542 = arith.addi %multiple_of3A_40, %add3A_530 : i32
          %get3A_543 = arith.index_cast %add3A_542 : i32 to index
          %get3A_544 = arith.constant 16 : index
          %get3A_545 = tpu.vector_load %arg10[%get3A_543, %get3A_544] {strides = array<i32>} : memref<256x64xf32, #tpu.memory_space<vmem>>, vector<16xf32>,
          %mul3A_546 = arith.mulf %get3A_545, %gather3A_532 : vector<16xf32>
          %add3A_547 = arith.addi %multiple_of3A_40, %add3A_530 : i32
          %swap3A_548 = arith.index_cast %add3A_547 : i32 to index
          %swap3A_549 = arith.constant 16 : index
          %swap3A_550 = tpu.vector_load %arg10[%swap3A_548, %swap3A_549] {strides = array<i32>} : memref<256x64xf32, #tpu.memory_space<vmem>>, vector<16xf32>,
          tpu.vector_store %arg10[%swap3A_548, %swap3A_549], %mul3A_546 {strides = array<i32>} : memref<256x64xf32, #tpu.memory_space<vmem>>, vector<16xf32>,
          %add3A_551 = arith.addi %multiple_of3A_40, %add3A_530 : i32
          %get3A_552 = arith.index_cast %add3A_551 : i32 to index
          %get3A_553 = arith.constant 32 : index
          %get3A_554 = tpu.vector_load %arg10[%get3A_552, %get3A_553] {strides = array<i32>} : memref<256x64xf32, #tpu.memory_space<vmem>>, vector<16xf32>,
          %mul3A_555 = arith.mulf %get3A_554, %gather3A_532 : vector<16xf32>
          %add3A_556 = arith.addi %multiple_of3A_40, %add3A_530 : i32
          %swap3A_557 = arith.index_cast %add3A_556 : i32 to index
          %swap3A_558 = arith.constant 32 : index
          %swap3A_559 = tpu.vector_load %arg10[%swap3A_557, %swap3A_558] {strides = array<i32>} : memref<256x64xf32, #tpu.memory_space<vmem>>, vector<16xf32>,
          tpu.vector_store %arg10[%swap3A_557, %swap3A_558], %mul3A_555 {strides = array<i32>} : memref<256x64xf32, #tpu.memory_space<vmem>>, vector<16xf32>,
          %add3A_560 = arith.addi %multiple_of3A_40, %add3A_530 : i32
          %get3A_561 = arith.index_cast %add3A_560 : i32 to index
          %get3A_562 = arith.constant 48 : index
          %get3A_563 = tpu.vector_load %arg10[%get3A_561, %get3A_562] {strides = array<i32>} : memref<256x64xf32, #tpu.memory_space<vmem>>, vector<16xf32>,
          %mul3A_564 = arith.mulf %get3A_563, %gather3A_532 : vector<16xf32>
          %add3A_565 = arith.addi %multiple_of3A_40, %add3A_530 : i32
          %swap3A_566 = arith.index_cast %add3A_565 : i32 to index
          %swap3A_567 = arith.constant 48 : index
          %swap3A_568 = tpu.vector_load %arg10[%swap3A_566, %swap3A_567] {strides = array<i32>} : memref<256x64xf32, #tpu.memory_space<vmem>>, vector<16xf32>,
          tpu.vector_store %arg10[%swap3A_566, %swap3A_567], %mul3A_564 {strides = array<i32>} : memref<256x64xf32, #tpu.memory_space<vmem>>, vector<16xf32>,
          %add3A_569 = arith.constant 6 : i32
          %add3A_570 = arith.addi %mul3A_328, %add3A_569 : i32
          %broadcast_in_dim3A_571 = vector.broadcast %add3A_570 : i32 to vector<16xi32>
          %gather3A_572 = tpu.vector_load_idx %arg9[%broadcast_in_dim3A_571] : memref<128xf32, #tpu.memory_space<vmem>>[vector<16xi32>], vector<16xf32>,
          %add3A_573 = arith.addi %multiple_of3A_40, %add3A_570 : i32
          %get3A_574 = arith.index_cast %add3A_573 : i32 to index
          %get3A_575 = arith.constant 0 : index
          %get3A_576 = tpu.vector_load %arg10[%get3A_574, %get3A_575] {strides = array<i32>} : memref<256x64xf32, #tpu.memory_space<vmem>>, vector<16xf32>,
          %mul3A_577 = arith.mulf %get3A_576, %gather3A_572 : vector<16xf32>
          %add3A_578 = arith.addi %multiple_of3A_40, %add3A_570 : i32
          %swap3A_579 = arith.index_cast %add3A_578 : i32 to index
          %swap3A_580 = arith.constant 0 : index
          %swap3A_581 = tpu.vector_load %arg10[%swap3A_579, %swap3A_580] {strides = array<i32>} : memref<256x64xf32, #tpu.memory_space<vmem>>, vector<16xf32>,
          tpu.vector_store %arg10[%swap3A_579, %swap3A_580], %mul3A_577 {strides = array<i32>} : memref<256x64xf32, #tpu.memory_space<vmem>>, vector<16xf32>,
          %add3A_582 = arith.addi %multiple_of3A_40, %add3A_570 : i32
          %get3A_583 = arith.index_cast %add3A_582 : i32 to index
          %get3A_584 = arith.constant 16 : index
          %get3A_585 = tpu.vector_load %arg10[%get3A_583, %get3A_584] {strides = array<i32>} : memref<256x64xf32, #tpu.memory_space<vmem>>, vector<16xf32>,
          %mul3A_586 = arith.mulf %get3A_585, %gather3A_572 : vector<16xf32>
          %add3A_587 = arith.addi %multiple_of3A_40, %add3A_570 : i32
          %swap3A_588 = arith.index_cast %add3A_587 : i32 to index
          %swap3A_589 = arith.constant 16 : index
          %swap3A_590 = tpu.vector_load %arg10[%swap3A_588, %swap3A_589] {strides = array<i32>} : memref<256x64xf32, #tpu.memory_space<vmem>>, vector<16xf32>,
          tpu.vector_store %arg10[%swap3A_588, %swap3A_589], %mul3A_586 {strides = array<i32>} : memref<256x64xf32, #tpu.memory_space<vmem>>, vector<16xf32>,
          %add3A_591 = arith.addi %multiple_of3A_40, %add3A_570 : i32
          %get3A_592 = arith.index_cast %add3A_591 : i32 to index
          %get3A_593 = arith.constant 32 : index
          %get3A_594 = tpu.vector_load %arg10[%get3A_592, %get3A_593] {strides = array<i32>} : memref<256x64xf32, #tpu.memory_space<vmem>>, vector<16xf32>,
          %mul3A_595 = arith.mulf %get3A_594, %gather3A_572 : vector<16xf32>
          %add3A_596 = arith.addi %multiple_of3A_40, %add3A_570 : i32
          %swap3A_597 = arith.index_cast %add3A_596 : i32 to index
          %swap3A_598 = arith.constant 32 : index
          %swap3A_599 = tpu.vector_load %arg10[%swap3A_597, %swap3A_598] {strides = array<i32>} : memref<256x64xf32, #tpu.memory_space<vmem>>, vector<16xf32>,
          tpu.vector_store %arg10[%swap3A_597, %swap3A_598], %mul3A_595 {strides = array<i32>} : memref<256x64xf32, #tpu.memory_space<vmem>>, vector<16xf32>,
          %add3A_600 = arith.addi %multiple_of3A_40, %add3A_570 : i32
          %get3A_601 = arith.index_cast %add3A_600 : i32 to index
          %get3A_602 = arith.constant 48 : index
          %get3A_603 = tpu.vector_load %arg10[%get3A_601, %get3A_602] {strides = array<i32>} : memref<256x64xf32, #tpu.memory_space<vmem>>, vector<16xf32>,
          %mul3A_604 = arith.mulf %get3A_603, %gather3A_572 : vector<16xf32>
          %add3A_605 = arith.addi %multiple_of3A_40, %add3A_570 : i32
          %swap3A_606 = arith.index_cast %add3A_605 : i32 to index
          %swap3A_607 = arith.constant 48 : index
          %swap3A_608 = tpu.vector_load %arg10[%swap3A_606, %swap3A_607] {strides = array<i32>} : memref<256x64xf32, #tpu.memory_space<vmem>>, vector<16xf32>,
          tpu.vector_store %arg10[%swap3A_606, %swap3A_607], %mul3A_604 {strides = array<i32>} : memref<256x64xf32, #tpu.memory_space<vmem>>, vector<16xf32>,
          %add3A_609 = arith.constant 7 : i32
          %add3A_610 = arith.addi %mul3A_328, %add3A_609 : i32
          %broadcast_in_dim3A_611 = vector.broadcast %add3A_610 : i32 to vector<16xi32>
          %gather3A_612 = tpu.vector_load_idx %arg9[%broadcast_in_dim3A_611] : memref<128xf32, #tpu.memory_space<vmem>>[vector<16xi32>], vector<16xf32>,
          %add3A_613 = arith.addi %multiple_of3A_40, %add3A_610 : i32
          %get3A_614 = arith.index_cast %add3A_613 : i32 to index
          %get3A_615 = arith.constant 0 : index
          %get3A_616 = tpu.vector_load %arg10[%get3A_614, %get3A_615] {strides = array<i32>} : memref<256x64xf32, #tpu.memory_space<vmem>>, vector<16xf32>,
          %mul3A_617 = arith.mulf %get3A_616, %gather3A_612 : vector<16xf32>
          %add3A_618 = arith.addi %multiple_of3A_40, %add3A_610 : i32
          %swap3A_619 = arith.index_cast %add3A_618 : i32 to index
          %swap3A_620 = arith.constant 0 : index
          %swap3A_621 = tpu.vector_load %arg10[%swap3A_619, %swap3A_620] {strides = array<i32>} : memref<256x64xf32, #tpu.memory_space<vmem>>, vector<16xf32>,
          tpu.vector_store %arg10[%swap3A_619, %swap3A_620], %mul3A_617 {strides = array<i32>} : memref<256x64xf32, #tpu.memory_space<vmem>>, vector<16xf32>,
          %add3A_622 = arith.addi %multiple_of3A_40, %add3A_610 : i32
          %get3A_623 = arith.index_cast %add3A_622 : i32 to index
          %get3A_624 = arith.constant 16 : index
          %get3A_625 = tpu.vector_load %arg10[%get3A_623, %get3A_624] {strides = array<i32>} : memref<256x64xf32, #tpu.memory_space<vmem>>, vector<16xf32>,
          %mul3A_626 = arith.mulf %get3A_625, %gather3A_612 : vector<16xf32>
          %add3A_627 = arith.addi %multiple_of3A_40, %add3A_610 : i32
          %swap3A_628 = arith.index_cast %add3A_627 : i32 to index
          %swap3A_629 = arith.constant 16 : index
          %swap3A_630 = tpu.vector_load %arg10[%swap3A_628, %swap3A_629] {strides = array<i32>} : memref<256x64xf32, #tpu.memory_space<vmem>>, vector<16xf32>,
          tpu.vector_store %arg10[%swap3A_628, %swap3A_629], %mul3A_626 {strides = array<i32>} : memref<256x64xf32, #tpu.memory_space<vmem>>, vector<16xf32>,
          %add3A_631 = arith.addi %multiple_of3A_40, %add3A_610 : i32
          %get3A_632 = arith.index_cast %add3A_631 : i32 to index
          %get3A_633 = arith.constant 32 : index
          %get3A_634 = tpu.vector_load %arg10[%get3A_632, %get3A_633] {strides = array<i32>} : memref<256x64xf32, #tpu.memory_space<vmem>>, vector<16xf32>,
          %mul3A_635 = arith.mulf %get3A_634, %gather3A_612 : vector<16xf32>
          %add3A_636 = arith.addi %multiple_of3A_40, %add3A_610 : i32
          %swap3A_637 = arith.index_cast %add3A_636 : i32 to index
          %swap3A_638 = arith.constant 32 : index
          %swap3A_639 = tpu.vector_load %arg10[%swap3A_637, %swap3A_638] {strides = array<i32>} : memref<256x64xf32, #tpu.memory_space<vmem>>, vector<16xf32>,
          tpu.vector_store %arg10[%swap3A_637, %swap3A_638], %mul3A_635 {strides = array<i32>} : memref<256x64xf32, #tpu.memory_space<vmem>>, vector<16xf32>,
          %add3A_640 = arith.addi %multiple_of3A_40, %add3A_610 : i32
          %get3A_641 = arith.index_cast %add3A_640 : i32 to index
          %get3A_642 = arith.constant 48 : index
          %get3A_643 = tpu.vector_load %arg10[%get3A_641, %get3A_642] {strides = array<i32>} : memref<256x64xf32, #tpu.memory_space<vmem>>, vector<16xf32>,
          %mul3A_644 = arith.mulf %get3A_643, %gather3A_612 : vector<16xf32>
          %add3A_645 = arith.addi %multiple_of3A_40, %add3A_610 : i32
          %swap3A_646 = arith.index_cast %add3A_645 : i32 to index
          %swap3A_647 = arith.constant 48 : index
          %swap3A_648 = tpu.vector_load %arg10[%swap3A_646, %swap3A_647] {strides = array<i32>} : memref<256x64xf32, #tpu.memory_space<vmem>>, vector<16xf32>,
          tpu.vector_store %arg10[%swap3A_646, %swap3A_647], %mul3A_644 {strides = array<i32>} : memref<256x64xf32, #tpu.memory_space<vmem>>, vector<16xf32>,
          %add3A_649 = arith.constant 8 : i32
          %add3A_650 = arith.addi %mul3A_328, %add3A_649 : i32
          %broadcast_in_dim3A_651 = vector.broadcast %add3A_650 : i32 to vector<16xi32>
          %gather3A_652 = tpu.vector_load_idx %arg9[%broadcast_in_dim3A_651] : memref<128xf32, #tpu.memory_space<vmem>>[vector<16xi32>], vector<16xf32>,
          %add3A_653 = arith.addi %multiple_of3A_40, %add3A_650 : i32
          %get3A_654 = arith.index_cast %add3A_653 : i32 to index
          %get3A_655 = arith.constant 0 : index
          %get3A_656 = tpu.vector_load %arg10[%get3A_654, %get3A_655] {strides = array<i32>} : memref<256x64xf32, #tpu.memory_space<vmem>>, vector<16xf32>,
          %mul3A_657 = arith.mulf %get3A_656, %gather3A_652 : vector<16xf32>
          %add3A_658 = arith.addi %multiple_of3A_40, %add3A_650 : i32
          %swap3A_659 = arith.index_cast %add3A_658 : i32 to index
          %swap3A_660 = arith.constant 0 : index
          %swap3A_661 = tpu.vector_load %arg10[%swap3A_659, %swap3A_660] {strides = array<i32>} : memref<256x64xf32, #tpu.memory_space<vmem>>, vector<16xf32>,
          tpu.vector_store %arg10[%swap3A_659, %swap3A_660], %mul3A_657 {strides = array<i32>} : memref<256x64xf32, #tpu.memory_space<vmem>>, vector<16xf32>,
          %add3A_662 = arith.addi %multiple_of3A_40, %add3A_650 : i32
          %get3A_663 = arith.index_cast %add3A_662 : i32 to index
          %get3A_664 = arith.constant 16 : index
          %get3A_665 = tpu.vector_load %arg10[%get3A_663, %get3A_664] {strides = array<i32>} : memref<256x64xf32, #tpu.memory_space<vmem>>, vector<16xf32>,
          %mul3A_666 = arith.mulf %get3A_665, %gather3A_652 : vector<16xf32>
          %add3A_667 = arith.addi %multiple_of3A_40, %add3A_650 : i32
          %swap3A_668 = arith.index_cast %add3A_667 : i32 to index
          %swap3A_669 = arith.constant 16 : index
          %swap3A_670 = tpu.vector_load %arg10[%swap3A_668, %swap3A_669] {strides = array<i32>} : memref<256x64xf32, #tpu.memory_space<vmem>>, vector<16xf32>,
          tpu.vector_store %arg10[%swap3A_668, %swap3A_669], %mul3A_666 {strides = array<i32>} : memref<256x64xf32, #tpu.memory_space<vmem>>, vector<16xf32>,
          %add3A_671 = arith.addi %multiple_of3A_40, %add3A_650 : i32
          %get3A_672 = arith.index_cast %add3A_671 : i32 to index
          %get3A_673 = arith.constant 32 : index
          %get3A_674 = tpu.vector_load %arg10[%get3A_672, %get3A_673] {strides = array<i32>} : memref<256x64xf32, #tpu.memory_space<vmem>>, vector<16xf32>,
          %mul3A_675 = arith.mulf %get3A_674, %gather3A_652 : vector<16xf32>
          %add3A_676 = arith.addi %multiple_of3A_40, %add3A_650 : i32
          %swap3A_677 = arith.index_cast %add3A_676 : i32 to index
          %swap3A_678 = arith.constant 32 : index
          %swap3A_679 = tpu.vector_load %arg10[%swap3A_677, %swap3A_678] {strides = array<i32>} : memref<256x64xf32, #tpu.memory_space<vmem>>, vector<16xf32>,
          tpu.vector_store %arg10[%swap3A_677, %swap3A_678], %mul3A_675 {strides = array<i32>} : memref<256x64xf32, #tpu.memory_space<vmem>>, vector<16xf32>,
          %add3A_680 = arith.addi %multiple_of3A_40, %add3A_650 : i32
          %get3A_681 = arith.index_cast %add3A_680 : i32 to index
          %get3A_682 = arith.constant 48 : index
          %get3A_683 = tpu.vector_load %arg10[%get3A_681, %get3A_682] {strides = array<i32>} : memref<256x64xf32, #tpu.memory_space<vmem>>, vector<16xf32>,
          %mul3A_684 = arith.mulf %get3A_683, %gather3A_652 : vector<16xf32>
          %add3A_685 = arith.addi %multiple_of3A_40, %add3A_650 : i32
          %swap3A_686 = arith.index_cast %add3A_685 : i32 to index
          %swap3A_687 = arith.constant 48 : index
          %swap3A_688 = tpu.vector_load %arg10[%swap3A_686, %swap3A_687] {strides = array<i32>} : memref<256x64xf32, #tpu.memory_space<vmem>>, vector<16xf32>,
          tpu.vector_store %arg10[%swap3A_686, %swap3A_687], %mul3A_684 {strides = array<i32>} : memref<256x64xf32, #tpu.memory_space<vmem>>, vector<16xf32>,
          %add3A_689 = arith.constant 9 : i32
          %add3A_690 = arith.addi %mul3A_328, %add3A_689 : i32
          %broadcast_in_dim3A_691 = vector.broadcast %add3A_690 : i32 to vector<16xi32>
          %gather3A_692 = tpu.vector_load_idx %arg9[%broadcast_in_dim3A_691] : memref<128xf32, #tpu.memory_space<vmem>>[vector<16xi32>], vector<16xf32>,
          %add3A_693 = arith.addi %multiple_of3A_40, %add3A_690 : i32
          %get3A_694 = arith.index_cast %add3A_693 : i32 to index
          %get3A_695 = arith.constant 0 : index
          %get3A_696 = tpu.vector_load %arg10[%get3A_694, %get3A_695] {strides = array<i32>} : memref<256x64xf32, #tpu.memory_space<vmem>>, vector<16xf32>,
          %mul3A_697 = arith.mulf %get3A_696, %gather3A_692 : vector<16xf32>
          %add3A_698 = arith.addi %multiple_of3A_40, %add3A_690 : i32
          %swap3A_699 = arith.index_cast %add3A_698 : i32 to index
          %swap3A_700 = arith.constant 0 : index
          %swap3A_701 = tpu.vector_load %arg10[%swap3A_699, %swap3A_700] {strides = array<i32>} : memref<256x64xf32, #tpu.memory_space<vmem>>, vector<16xf32>,
          tpu.vector_store %arg10[%swap3A_699, %swap3A_700], %mul3A_697 {strides = array<i32>} : memref<256x64xf32, #tpu.memory_space<vmem>>, vector<16xf32>,
          %add3A_702 = arith.addi %multiple_of3A_40, %add3A_690 : i32
          %get3A_703 = arith.index_cast %add3A_702 : i32 to index
          %get3A_704 = arith.constant 16 : index
          %get3A_705 = tpu.vector_load %arg10[%get3A_703, %get3A_704] {strides = array<i32>} : memref<256x64xf32, #tpu.memory_space<vmem>>, vector<16xf32>,
          %mul3A_706 = arith.mulf %get3A_705, %gather3A_692 : vector<16xf32>
          %add3A_707 = arith.addi %multiple_of3A_40, %add3A_690 : i32
          %swap3A_708 = arith.index_cast %add3A_707 : i32 to index
          %swap3A_709 = arith.constant 16 : index
          %swap3A_710 = tpu.vector_load %arg10[%swap3A_708, %swap3A_709] {strides = array<i32>} : memref<256x64xf32, #tpu.memory_space<vmem>>, vector<16xf32>,
          tpu.vector_store %arg10[%swap3A_708, %swap3A_709], %mul3A_706 {strides = array<i32>} : memref<256x64xf32, #tpu.memory_space<vmem>>, vector<16xf32>,
          %add3A_711 = arith.addi %multiple_of3A_40, %add3A_690 : i32
          %get3A_712 = arith.index_cast %add3A_711 : i32 to index
          %get3A_713 = arith.constant 32 : index
          %get3A_714 = tpu.vector_load %arg10[%get3A_712, %get3A_713] {strides = array<i32>} : memref<256x64xf32, #tpu.memory_space<vmem>>, vector<16xf32>,
          %mul3A_715 = arith.mulf %get3A_714, %gather3A_692 : vector<16xf32>
          %add3A_716 = arith.addi %multiple_of3A_40, %add3A_690 : i32
          %swap3A_717 = arith.index_cast %add3A_716 : i32 to index
          %swap3A_718 = arith.constant 32 : index
          %swap3A_719 = tpu.vector_load %arg10[%swap3A_717, %swap3A_718] {strides = array<i32>} : memref<256x64xf32, #tpu.memory_space<vmem>>, vector<16xf32>,
          tpu.vector_store %arg10[%swap3A_717, %swap3A_718], %mul3A_715 {strides = array<i32>} : memref<256x64xf32, #tpu.memory_space<vmem>>, vector<16xf32>,
          %add3A_720 = arith.addi %multiple_of3A_40, %add3A_690 : i32
          %get3A_721 = arith.index_cast %add3A_720 : i32 to index
          %get3A_722 = arith.constant 48 : index
          %get3A_723 = tpu.vector_load %arg10[%get3A_721, %get3A_722] {strides = array<i32>} : memref<256x64xf32, #tpu.memory_space<vmem>>, vector<16xf32>,
          %mul3A_724 = arith.mulf %get3A_723, %gather3A_692 : vector<16xf32>
          %add3A_725 = arith.addi %multiple_of3A_40, %add3A_690 : i32
          %swap3A_726 = arith.index_cast %add3A_725 : i32 to index
          %swap3A_727 = arith.constant 48 : index
          %swap3A_728 = tpu.vector_load %arg10[%swap3A_726, %swap3A_727] {strides = array<i32>} : memref<256x64xf32, #tpu.memory_space<vmem>>, vector<16xf32>,
          tpu.vector_store %arg10[%swap3A_726, %swap3A_727], %mul3A_724 {strides = array<i32>} : memref<256x64xf32, #tpu.memory_space<vmem>>, vector<16xf32>,
          %add3A_729 = arith.constant 10 : i32
          %add3A_730 = arith.addi %mul3A_328, %add3A_729 : i32
          %broadcast_in_dim3A_731 = vector.broadcast %add3A_730 : i32 to vector<16xi32>
          %gather3A_732 = tpu.vector_load_idx %arg9[%broadcast_in_dim3A_731] : memref<128xf32, #tpu.memory_space<vmem>>[vector<16xi32>], vector<16xf32>,
          %add3A_733 = arith.addi %multiple_of3A_40, %add3A_730 : i32
          %get3A_734 = arith.index_cast %add3A_733 : i32 to index
          %get3A_735 = arith.constant 0 : index
          %get3A_736 = tpu.vector_load %arg10[%get3A_734, %get3A_735] {strides = array<i32>} : memref<256x64xf32, #tpu.memory_space<vmem>>, vector<16xf32>,
          %mul3A_737 = arith.mulf %get3A_736, %gather3A_732 : vector<16xf32>
          %add3A_738 = arith.addi %multiple_of3A_40, %add3A_730 : i32
          %swap3A_739 = arith.index_cast %add3A_738 : i32 to index
          %swap3A_740 = arith.constant 0 : index
          %swap3A_741 = tpu.vector_load %arg10[%swap3A_739, %swap3A_740] {strides = array<i32>} : memref<256x64xf32, #tpu.memory_space<vmem>>, vector<16xf32>,
          tpu.vector_store %arg10[%swap3A_739, %swap3A_740], %mul3A_737 {strides = array<i32>} : memref<256x64xf32, #tpu.memory_space<vmem>>, vector<16xf32>,
          %add3A_742 = arith.addi %multiple_of3A_40, %add3A_730 : i32
          %get3A_743 = arith.index_cast %add3A_742 : i32 to index
          %get3A_744 = arith.constant 16 : index
          %get3A_745 = tpu.vector_load %arg10[%get3A_743, %get3A_744] {strides = array<i32>} : memref<256x64xf32, #tpu.memory_space<vmem>>, vector<16xf32>,
          %mul3A_746 = arith.mulf %get3A_745, %gather3A_732 : vector<16xf32>
          %add3A_747 = arith.addi %multiple_of3A_40, %add3A_730 : i32
          %swap3A_748 = arith.index_cast %add3A_747 : i32 to index
          %swap3A_749 = arith.constant 16 : index
          %swap3A_750 = tpu.vector_load %arg10[%swap3A_748, %swap3A_749] {strides = array<i32>} : memref<256x64xf32, #tpu.memory_space<vmem>>, vector<16xf32>,
          tpu.vector_store %arg10[%swap3A_748, %swap3A_749], %mul3A_746 {strides = array<i32>} : memref<256x64xf32, #tpu.memory_space<vmem>>, vector<16xf32>,
          %add3A_751 = arith.addi %multiple_of3A_40, %add3A_730 : i32
          %get3A_752 = arith.index_cast %add3A_751 : i32 to index
          %get3A_753 = arith.constant 32 : index
          %get3A_754 = tpu.vector_load %arg10[%get3A_752, %get3A_753] {strides = array<i32>} : memref<256x64xf32, #tpu.memory_space<vmem>>, vector<16xf32>,
          %mul3A_755 = arith.mulf %get3A_754, %gather3A_732 : vector<16xf32>
          %add3A_756 = arith.addi %multiple_of3A_40, %add3A_730 : i32
          %swap3A_757 = arith.index_cast %add3A_756 : i32 to index
          %swap3A_758 = arith.constant 32 : index
          %swap3A_759 = tpu.vector_load %arg10[%swap3A_757, %swap3A_758] {strides = array<i32>} : memref<256x64xf32, #tpu.memory_space<vmem>>, vector<16xf32>,
          tpu.vector_store %arg10[%swap3A_757, %swap3A_758], %mul3A_755 {strides = array<i32>} : memref<256x64xf32, #tpu.memory_space<vmem>>, vector<16xf32>,
          %add3A_760 = arith.addi %multiple_of3A_40, %add3A_730 : i32
          %get3A_761 = arith.index_cast %add3A_760 : i32 to index
          %get3A_762 = arith.constant 48 : index
          %get3A_763 = tpu.vector_load %arg10[%get3A_761, %get3A_762] {strides = array<i32>} : memref<256x64xf32, #tpu.memory_space<vmem>>, vector<16xf32>,
          %mul3A_764 = arith.mulf %get3A_763, %gather3A_732 : vector<16xf32>
          %add3A_765 = arith.addi %multiple_of3A_40, %add3A_730 : i32
          %swap3A_766 = arith.index_cast %add3A_765 : i32 to index
          %swap3A_767 = arith.constant 48 : index
          %swap3A_768 = tpu.vector_load %arg10[%swap3A_766, %swap3A_767] {strides = array<i32>} : memref<256x64xf32, #tpu.memory_space<vmem>>, vector<16xf32>,
          tpu.vector_store %arg10[%swap3A_766, %swap3A_767], %mul3A_764 {strides = array<i32>} : memref<256x64xf32, #tpu.memory_space<vmem>>, vector<16xf32>,
          %add3A_769 = arith.constant 11 : i32
          %add3A_770 = arith.addi %mul3A_328, %add3A_769 : i32
          %broadcast_in_dim3A_771 = vector.broadcast %add3A_770 : i32 to vector<16xi32>
          %gather3A_772 = tpu.vector_load_idx %arg9[%broadcast_in_dim3A_771] : memref<128xf32, #tpu.memory_space<vmem>>[vector<16xi32>], vector<16xf32>,
          %add3A_773 = arith.addi %multiple_of3A_40, %add3A_770 : i32
          %get3A_774 = arith.index_cast %add3A_773 : i32 to index
          %get3A_775 = arith.constant 0 : index
          %get3A_776 = tpu.vector_load %arg10[%get3A_774, %get3A_775] {strides = array<i32>} : memref<256x64xf32, #tpu.memory_space<vmem>>, vector<16xf32>,
          %mul3A_777 = arith.mulf %get3A_776, %gather3A_772 : vector<16xf32>
          %add3A_778 = arith.addi %multiple_of3A_40, %add3A_770 : i32
          %swap3A_779 = arith.index_cast %add3A_778 : i32 to index
          %swap3A_780 = arith.constant 0 : index
          %swap3A_781 = tpu.vector_load %arg10[%swap3A_779, %swap3A_780] {strides = array<i32>} : memref<256x64xf32, #tpu.memory_space<vmem>>, vector<16xf32>,
          tpu.vector_store %arg10[%swap3A_779, %swap3A_780], %mul3A_777 {strides = array<i32>} : memref<256x64xf32, #tpu.memory_space<vmem>>, vector<16xf32>,
          %add3A_782 = arith.addi %multiple_of3A_40, %add3A_770 : i32
          %get3A_783 = arith.index_cast %add3A_782 : i32 to index
          %get3A_784 = arith.constant 16 : index
          %get3A_785 = tpu.vector_load %arg10[%get3A_783, %get3A_784] {strides = array<i32>} : memref<256x64xf32, #tpu.memory_space<vmem>>, vector<16xf32>,
          %mul3A_786 = arith.mulf %get3A_785, %gather3A_772 : vector<16xf32>
          %add3A_787 = arith.addi %multiple_of3A_40, %add3A_770 : i32
          %swap3A_788 = arith.index_cast %add3A_787 : i32 to index
          %swap3A_789 = arith.constant 16 : index
          %swap3A_790 = tpu.vector_load %arg10[%swap3A_788, %swap3A_789] {strides = array<i32>} : memref<256x64xf32, #tpu.memory_space<vmem>>, vector<16xf32>,
          tpu.vector_store %arg10[%swap3A_788, %swap3A_789], %mul3A_786 {strides = array<i32>} : memref<256x64xf32, #tpu.memory_space<vmem>>, vector<16xf32>,
          %add3A_791 = arith.addi %multiple_of3A_40, %add3A_770 : i32
          %get3A_792 = arith.index_cast %add3A_791 : i32 to index
          %get3A_793 = arith.constant 32 : index
          %get3A_794 = tpu.vector_load %arg10[%get3A_792, %get3A_793] {strides = array<i32>} : memref<256x64xf32, #tpu.memory_space<vmem>>, vector<16xf32>,
          %mul3A_795 = arith.mulf %get3A_794, %gather3A_772 : vector<16xf32>
          %add3A_796 = arith.addi %multiple_of3A_40, %add3A_770 : i32
          %swap3A_797 = arith.index_cast %add3A_796 : i32 to index
          %swap3A_798 = arith.constant 32 : index
          %swap3A_799 = tpu.vector_load %arg10[%swap3A_797, %swap3A_798] {strides = array<i32>} : memref<256x64xf32, #tpu.memory_space<vmem>>, vector<16xf32>,
          tpu.vector_store %arg10[%swap3A_797, %swap3A_798], %mul3A_795 {strides = array<i32>} : memref<256x64xf32, #tpu.memory_space<vmem>>, vector<16xf32>,
          %add3A_800 = arith.addi %multiple_of3A_40, %add3A_770 : i32
          %get3A_801 = arith.index_cast %add3A_800 : i32 to index
          %get3A_802 = arith.constant 48 : index
          %get3A_803 = tpu.vector_load %arg10[%get3A_801, %get3A_802] {strides = array<i32>} : memref<256x64xf32, #tpu.memory_space<vmem>>, vector<16xf32>,
          %mul3A_804 = arith.mulf %get3A_803, %gather3A_772 : vector<16xf32>
          %add3A_805 = arith.addi %multiple_of3A_40, %add3A_770 : i32
          %swap3A_806 = arith.index_cast %add3A_805 : i32 to index
          %swap3A_807 = arith.constant 48 : index
          %swap3A_808 = tpu.vector_load %arg10[%swap3A_806, %swap3A_807] {strides = array<i32>} : memref<256x64xf32, #tpu.memory_space<vmem>>, vector<16xf32>,
          tpu.vector_store %arg10[%swap3A_806, %swap3A_807], %mul3A_804 {strides = array<i32>} : memref<256x64xf32, #tpu.memory_space<vmem>>, vector<16xf32>,
          %add3A_809 = arith.constant 12 : i32
          %add3A_810 = arith.addi %mul3A_328, %add3A_809 : i32
          %broadcast_in_dim3A_811 = vector.broadcast %add3A_810 : i32 to vector<16xi32>
          %gather3A_812 = tpu.vector_load_idx %arg9[%broadcast_in_dim3A_811] : memref<128xf32, #tpu.memory_space<vmem>>[vector<16xi32>], vector<16xf32>,
          %add3A_813 = arith.addi %multiple_of3A_40, %add3A_810 : i32
          %get3A_814 = arith.index_cast %add3A_813 : i32 to index
          %get3A_815 = arith.constant 0 : index
          %get3A_816 = tpu.vector_load %arg10[%get3A_814, %get3A_815] {strides = array<i32>} : memref<256x64xf32, #tpu.memory_space<vmem>>, vector<16xf32>,
          %mul3A_817 = arith.mulf %get3A_816, %gather3A_812 : vector<16xf32>
          %add3A_818 = arith.addi %multiple_of3A_40, %add3A_810 : i32
          %swap3A_819 = arith.index_cast %add3A_818 : i32 to index
          %swap3A_820 = arith.constant 0 : index
          %swap3A_821 = tpu.vector_load %arg10[%swap3A_819, %swap3A_820] {strides = array<i32>} : memref<256x64xf32, #tpu.memory_space<vmem>>, vector<16xf32>,
          tpu.vector_store %arg10[%swap3A_819, %swap3A_820], %mul3A_817 {strides = array<i32>} : memref<256x64xf32, #tpu.memory_space<vmem>>, vector<16xf32>,
          %add3A_822 = arith.addi %multiple_of3A_40, %add3A_810 : i32
          %get3A_823 = arith.index_cast %add3A_822 : i32 to index
          %get3A_824 = arith.constant 16 : index
          %get3A_825 = tpu.vector_load %arg10[%get3A_823, %get3A_824] {strides = array<i32>} : memref<256x64xf32, #tpu.memory_space<vmem>>, vector<16xf32>,
          %mul3A_826 = arith.mulf %get3A_825, %gather3A_812 : vector<16xf32>
          %add3A_827 = arith.addi %multiple_of3A_40, %add3A_810 : i32
          %swap3A_828 = arith.index_cast %add3A_827 : i32 to index
          %swap3A_829 = arith.constant 16 : index
          %swap3A_830 = tpu.vector_load %arg10[%swap3A_828, %swap3A_829] {strides = array<i32>} : memref<256x64xf32, #tpu.memory_space<vmem>>, vector<16xf32>,
          tpu.vector_store %arg10[%swap3A_828, %swap3A_829], %mul3A_826 {strides = array<i32>} : memref<256x64xf32, #tpu.memory_space<vmem>>, vector<16xf32>,
          %add3A_831 = arith.addi %multiple_of3A_40, %add3A_810 : i32
          %get3A_832 = arith.index_cast %add3A_831 : i32 to index
          %get3A_833 = arith.constant 32 : index
          %get3A_834 = tpu.vector_load %arg10[%get3A_832, %get3A_833] {strides = array<i32>} : memref<256x64xf32, #tpu.memory_space<vmem>>, vector<16xf32>,
          %mul3A_835 = arith.mulf %get3A_834, %gather3A_812 : vector<16xf32>
          %add3A_836 = arith.addi %multiple_of3A_40, %add3A_810 : i32
          %swap3A_837 = arith.index_cast %add3A_836 : i32 to index
          %swap3A_838 = arith.constant 32 : index
          %swap3A_839 = tpu.vector_load %arg10[%swap3A_837, %swap3A_838] {strides = array<i32>} : memref<256x64xf32, #tpu.memory_space<vmem>>, vector<16xf32>,
          tpu.vector_store %arg10[%swap3A_837, %swap3A_838], %mul3A_835 {strides = array<i32>} : memref<256x64xf32, #tpu.memory_space<vmem>>, vector<16xf32>,
          %add3A_840 = arith.addi %multiple_of3A_40, %add3A_810 : i32
          %get3A_841 = arith.index_cast %add3A_840 : i32 to index
          %get3A_842 = arith.constant 48 : index
          %get3A_843 = tpu.vector_load %arg10[%get3A_841, %get3A_842] {strides = array<i32>} : memref<256x64xf32, #tpu.memory_space<vmem>>, vector<16xf32>,
          %mul3A_844 = arith.mulf %get3A_843, %gather3A_812 : vector<16xf32>
          %add3A_845 = arith.addi %multiple_of3A_40, %add3A_810 : i32
          %swap3A_846 = arith.index_cast %add3A_845 : i32 to index
          %swap3A_847 = arith.constant 48 : index
          %swap3A_848 = tpu.vector_load %arg10[%swap3A_846, %swap3A_847] {strides = array<i32>} : memref<256x64xf32, #tpu.memory_space<vmem>>, vector<16xf32>,
          tpu.vector_store %arg10[%swap3A_846, %swap3A_847], %mul3A_844 {strides = array<i32>} : memref<256x64xf32, #tpu.memory_space<vmem>>, vector<16xf32>,
          %add3A_849 = arith.constant 13 : i32
          %add3A_850 = arith.addi %mul3A_328, %add3A_849 : i32
          %broadcast_in_dim3A_851 = vector.broadcast %add3A_850 : i32 to vector<16xi32>
          %gather3A_852 = tpu.vector_load_idx %arg9[%broadcast_in_dim3A_851] : memref<128xf32, #tpu.memory_space<vmem>>[vector<16xi32>], vector<16xf32>,
          %add3A_853 = arith.addi %multiple_of3A_40, %add3A_850 : i32
          %get3A_854 = arith.index_cast %add3A_853 : i32 to index
          %get3A_855 = arith.constant 0 : index
          %get3A_856 = tpu.vector_load %arg10[%get3A_854, %get3A_855] {strides = array<i32>} : memref<256x64xf32, #tpu.memory_space<vmem>>, vector<16xf32>,
          %mul3A_857 = arith.mulf %get3A_856, %gather3A_852 : vector<16xf32>
          %add3A_858 = arith.addi %multiple_of3A_40, %add3A_850 : i32
          %swap3A_859 = arith.index_cast %add3A_858 : i32 to index
          %swap3A_860 = arith.constant 0 : index
          %swap3A_861 = tpu.vector_load %arg10[%swap3A_859, %swap3A_860] {strides = array<i32>} : memref<256x64xf32, #tpu.memory_space<vmem>>, vector<16xf32>,
          tpu.vector_store %arg10[%swap3A_859, %swap3A_860], %mul3A_857 {strides = array<i32>} : memref<256x64xf32, #tpu.memory_space<vmem>>, vector<16xf32>,
          %add3A_862 = arith.addi %multiple_of3A_40, %add3A_850 : i32
          %get3A_863 = arith.index_cast %add3A_862 : i32 to index
          %get3A_864 = arith.constant 16 : index
          %get3A_865 = tpu.vector_load %arg10[%get3A_863, %get3A_864] {strides = array<i32>} : memref<256x64xf32, #tpu.memory_space<vmem>>, vector<16xf32>,
          %mul3A_866 = arith.mulf %get3A_865, %gather3A_852 : vector<16xf32>
          %add3A_867 = arith.addi %multiple_of3A_40, %add3A_850 : i32
          %swap3A_868 = arith.index_cast %add3A_867 : i32 to index
          %swap3A_869 = arith.constant 16 : index
          %swap3A_870 = tpu.vector_load %arg10[%swap3A_868, %swap3A_869] {strides = array<i32>} : memref<256x64xf32, #tpu.memory_space<vmem>>, vector<16xf32>,
          tpu.vector_store %arg10[%swap3A_868, %swap3A_869], %mul3A_866 {strides = array<i32>} : memref<256x64xf32, #tpu.memory_space<vmem>>, vector<16xf32>,
          %add3A_871 = arith.addi %multiple_of3A_40, %add3A_850 : i32
          %get3A_872 = arith.index_cast %add3A_871 : i32 to index
          %get3A_873 = arith.constant 32 : index
          %get3A_874 = tpu.vector_load %arg10[%get3A_872, %get3A_873] {strides = array<i32>} : memref<256x64xf32, #tpu.memory_space<vmem>>, vector<16xf32>,
          %mul3A_875 = arith.mulf %get3A_874, %gather3A_852 : vector<16xf32>
          %add3A_876 = arith.addi %multiple_of3A_40, %add3A_850 : i32
          %swap3A_877 = arith.index_cast %add3A_876 : i32 to index
          %swap3A_878 = arith.constant 32 : index
          %swap3A_879 = tpu.vector_load %arg10[%swap3A_877, %swap3A_878] {strides = array<i32>} : memref<256x64xf32, #tpu.memory_space<vmem>>, vector<16xf32>,
          tpu.vector_store %arg10[%swap3A_877, %swap3A_878], %mul3A_875 {strides = array<i32>} : memref<256x64xf32, #tpu.memory_space<vmem>>, vector<16xf32>,
          %add3A_880 = arith.addi %multiple_of3A_40, %add3A_850 : i32
          %get3A_881 = arith.index_cast %add3A_880 : i32 to index
          %get3A_882 = arith.constant 48 : index
          %get3A_883 = tpu.vector_load %arg10[%get3A_881, %get3A_882] {strides = array<i32>} : memref<256x64xf32, #tpu.memory_space<vmem>>, vector<16xf32>,
          %mul3A_884 = arith.mulf %get3A_883, %gather3A_852 : vector<16xf32>
          %add3A_885 = arith.addi %multiple_of3A_40, %add3A_850 : i32
          %swap3A_886 = arith.index_cast %add3A_885 : i32 to index
          %swap3A_887 = arith.constant 48 : index
          %swap3A_888 = tpu.vector_load %arg10[%swap3A_886, %swap3A_887] {strides = array<i32>} : memref<256x64xf32, #tpu.memory_space<vmem>>, vector<16xf32>,
          tpu.vector_store %arg10[%swap3A_886, %swap3A_887], %mul3A_884 {strides = array<i32>} : memref<256x64xf32, #tpu.memory_space<vmem>>, vector<16xf32>,
          %add3A_889 = arith.constant 14 : i32
          %add3A_890 = arith.addi %mul3A_328, %add3A_889 : i32
          %broadcast_in_dim3A_891 = vector.broadcast %add3A_890 : i32 to vector<16xi32>
          %gather3A_892 = tpu.vector_load_idx %arg9[%broadcast_in_dim3A_891] : memref<128xf32, #tpu.memory_space<vmem>>[vector<16xi32>], vector<16xf32>,
          %add3A_893 = arith.addi %multiple_of3A_40, %add3A_890 : i32
          %get3A_894 = arith.index_cast %add3A_893 : i32 to index
          %get3A_895 = arith.constant 0 : index
          %get3A_896 = tpu.vector_load %arg10[%get3A_894, %get3A_895] {strides = array<i32>} : memref<256x64xf32, #tpu.memory_space<vmem>>, vector<16xf32>,
          %mul3A_897 = arith.mulf %get3A_896, %gather3A_892 : vector<16xf32>
          %add3A_898 = arith.addi %multiple_of3A_40, %add3A_890 : i32
          %swap3A_899 = arith.index_cast %add3A_898 : i32 to index
          %swap3A_900 = arith.constant 0 : index
          %swap3A_901 = tpu.vector_load %arg10[%swap3A_899, %swap3A_900] {strides = array<i32>} : memref<256x64xf32, #tpu.memory_space<vmem>>, vector<16xf32>,
          tpu.vector_store %arg10[%swap3A_899, %swap3A_900], %mul3A_897 {strides = array<i32>} : memref<256x64xf32, #tpu.memory_space<vmem>>, vector<16xf32>,
          %add3A_902 = arith.addi %multiple_of3A_40, %add3A_890 : i32
          %get3A_903 = arith.index_cast %add3A_902 : i32 to index
          %get3A_904 = arith.constant 16 : index
          %get3A_905 = tpu.vector_load %arg10[%get3A_903, %get3A_904] {strides = array<i32>} : memref<256x64xf32, #tpu.memory_space<vmem>>, vector<16xf32>,
          %mul3A_906 = arith.mulf %get3A_905, %gather3A_892 : vector<16xf32>
          %add3A_907 = arith.addi %multiple_of3A_40, %add3A_890 : i32
          %swap3A_908 = arith.index_cast %add3A_907 : i32 to index
          %swap3A_909 = arith.constant 16 : index
          %swap3A_910 = tpu.vector_load %arg10[%swap3A_908, %swap3A_909] {strides = array<i32>} : memref<256x64xf32, #tpu.memory_space<vmem>>, vector<16xf32>,
          tpu.vector_store %arg10[%swap3A_908, %swap3A_909], %mul3A_906 {strides = array<i32>} : memref<256x64xf32, #tpu.memory_space<vmem>>, vector<16xf32>,
          %add3A_911 = arith.addi %multiple_of3A_40, %add3A_890 : i32
          %get3A_912 = arith.index_cast %add3A_911 : i32 to index
          %get3A_913 = arith.constant 32 : index
          %get3A_914 = tpu.vector_load %arg10[%get3A_912, %get3A_913] {strides = array<i32>} : memref<256x64xf32, #tpu.memory_space<vmem>>, vector<16xf32>,
          %mul3A_915 = arith.mulf %get3A_914, %gather3A_892 : vector<16xf32>
          %add3A_916 = arith.addi %multiple_of3A_40, %add3A_890 : i32
          %swap3A_917 = arith.index_cast %add3A_916 : i32 to index
          %swap3A_918 = arith.constant 32 : index
          %swap3A_919 = tpu.vector_load %arg10[%swap3A_917, %swap3A_918] {strides = array<i32>} : memref<256x64xf32, #tpu.memory_space<vmem>>, vector<16xf32>,
          tpu.vector_store %arg10[%swap3A_917, %swap3A_918], %mul3A_915 {strides = array<i32>} : memref<256x64xf32, #tpu.memory_space<vmem>>, vector<16xf32>,
          %add3A_920 = arith.addi %multiple_of3A_40, %add3A_890 : i32
          %get3A_921 = arith.index_cast %add3A_920 : i32 to index
          %get3A_922 = arith.constant 48 : index
          %get3A_923 = tpu.vector_load %arg10[%get3A_921, %get3A_922] {strides = array<i32>} : memref<256x64xf32, #tpu.memory_space<vmem>>, vector<16xf32>,
          %mul3A_924 = arith.mulf %get3A_923, %gather3A_892 : vector<16xf32>
          %add3A_925 = arith.addi %multiple_of3A_40, %add3A_890 : i32
          %swap3A_926 = arith.index_cast %add3A_925 : i32 to index
          %swap3A_927 = arith.constant 48 : index
          %swap3A_928 = tpu.vector_load %arg10[%swap3A_926, %swap3A_927] {strides = array<i32>} : memref<256x64xf32, #tpu.memory_space<vmem>>, vector<16xf32>,
          tpu.vector_store %arg10[%swap3A_926, %swap3A_927], %mul3A_924 {strides = array<i32>} : memref<256x64xf32, #tpu.memory_space<vmem>>, vector<16xf32>,
          %add3A_929 = arith.constant 15 : i32
          %add3A_930 = arith.addi %mul3A_328, %add3A_929 : i32
          %broadcast_in_dim3A_931 = vector.broadcast %add3A_930 : i32 to vector<16xi32>
          %gather3A_932 = tpu.vector_load_idx %arg9[%broadcast_in_dim3A_931] : memref<128xf32, #tpu.memory_space<vmem>>[vector<16xi32>], vector<16xf32>,
          %add3A_933 = arith.addi %multiple_of3A_40, %add3A_930 : i32
          %get3A_934 = arith.index_cast %add3A_933 : i32 to index
          %get3A_935 = arith.constant 0 : index
          %get3A_936 = tpu.vector_load %arg10[%get3A_934, %get3A_935] {strides = array<i32>} : memref<256x64xf32, #tpu.memory_space<vmem>>, vector<16xf32>,
          %mul3A_937 = arith.mulf %get3A_936, %gather3A_932 : vector<16xf32>
          %add3A_938 = arith.addi %multiple_of3A_40, %add3A_930 : i32
          %swap3A_939 = arith.index_cast %add3A_938 : i32 to index
          %swap3A_940 = arith.constant 0 : index
          %swap3A_941 = tpu.vector_load %arg10[%swap3A_939, %swap3A_940] {strides = array<i32>} : memref<256x64xf32, #tpu.memory_space<vmem>>, vector<16xf32>,
          tpu.vector_store %arg10[%swap3A_939, %swap3A_940], %mul3A_937 {strides = array<i32>} : memref<256x64xf32, #tpu.memory_space<vmem>>, vector<16xf32>,
          %add3A_942 = arith.addi %multiple_of3A_40, %add3A_930 : i32
          %get3A_943 = arith.index_cast %add3A_942 : i32 to index
          %get3A_944 = arith.constant 16 : index
          %get3A_945 = tpu.vector_load %arg10[%get3A_943, %get3A_944] {strides = array<i32>} : memref<256x64xf32, #tpu.memory_space<vmem>>, vector<16xf32>,
          %mul3A_946 = arith.mulf %get3A_945, %gather3A_932 : vector<16xf32>
          %add3A_947 = arith.addi %multiple_of3A_40, %add3A_930 : i32
          %swap3A_948 = arith.index_cast %add3A_947 : i32 to index
          %swap3A_949 = arith.constant 16 : index
          %swap3A_950 = tpu.vector_load %arg10[%swap3A_948, %swap3A_949] {strides = array<i32>} : memref<256x64xf32, #tpu.memory_space<vmem>>, vector<16xf32>,
          tpu.vector_store %arg10[%swap3A_948, %swap3A_949], %mul3A_946 {strides = array<i32>} : memref<256x64xf32, #tpu.memory_space<vmem>>, vector<16xf32>,
          %add3A_951 = arith.addi %multiple_of3A_40, %add3A_930 : i32
          %get3A_952 = arith.index_cast %add3A_951 : i32 to index
          %get3A_953 = arith.constant 32 : index
          %get3A_954 = tpu.vector_load %arg10[%get3A_952, %get3A_953] {strides = array<i32>} : memref<256x64xf32, #tpu.memory_space<vmem>>, vector<16xf32>,
          %mul3A_955 = arith.mulf %get3A_954, %gather3A_932 : vector<16xf32>
          %add3A_956 = arith.addi %multiple_of3A_40, %add3A_930 : i32
          %swap3A_957 = arith.index_cast %add3A_956 : i32 to index
          %swap3A_958 = arith.constant 32 : index
          %swap3A_959 = tpu.vector_load %arg10[%swap3A_957, %swap3A_958] {strides = array<i32>} : memref<256x64xf32, #tpu.memory_space<vmem>>, vector<16xf32>,
          tpu.vector_store %arg10[%swap3A_957, %swap3A_958], %mul3A_955 {strides = array<i32>} : memref<256x64xf32, #tpu.memory_space<vmem>>, vector<16xf32>,
          %add3A_960 = arith.addi %multiple_of3A_40, %add3A_930 : i32
          %get3A_961 = arith.index_cast %add3A_960 : i32 to index
          %get3A_962 = arith.constant 48 : index
          %get3A_963 = tpu.vector_load %arg10[%get3A_961, %get3A_962] {strides = array<i32>} : memref<256x64xf32, #tpu.memory_space<vmem>>, vector<16xf32>,
          %mul3A_964 = arith.mulf %get3A_963, %gather3A_932 : vector<16xf32>
          %add3A_965 = arith.addi %multiple_of3A_40, %add3A_930 : i32
          %swap3A_966 = arith.index_cast %add3A_965 : i32 to index
          %swap3A_967 = arith.constant 48 : index
          %swap3A_968 = tpu.vector_load %arg10[%swap3A_966, %swap3A_967] {strides = array<i32>} : memref<256x64xf32, #tpu.memory_space<vmem>>, vector<16xf32>,
          tpu.vector_store %arg10[%swap3A_966, %swap3A_967], %mul3A_964 {strides = array<i32>} : memref<256x64xf32, #tpu.memory_space<vmem>>, vector<16xf32>,
        }
        %scan3A_325 = arith.constant 8 : i32
        %run_scoped3A = arith.constant 1 : i32
        "tpu.region"() ({
          %run_scoped3A_326 = tpu.sem_alloc : memref<!tpu.dma_semaphore, #tpu.memory_space<semaphore_mem>>
          %dma_start3A = arith.constant 0 : i32
          %dma_start3A_327 = tpu.memref_slice %arg10[%multiple_of3A_40, %dma_start3A] : memref<256x64xf32, #tpu.memory_space<vmem>> -> memref<128x64xf32, #tpu.memory_space<vmem>>
          %dma_start3A_328 = arith.constant 0 : i32
          %dma_start3A_329 = tpu.memref_slice %arg8[%rem3A_37, %run_scoped3A, %dma_start3A_328] : memref<2x2x128xi32, #tpu.memory_space<vmem>> -> memref<1x1x128xi32, #tpu.memory_space<vmem>>
          %dma_start3A_330 = tpu.memref_squeeze %dma_start3A_329 : memref<1x1x128xi32, #tpu.memory_space<vmem>> -> memref<128xi32, #tpu.memory_space<vmem>>
          %dma_start3A_331 = arith.constant 0 : i32
          %dma_start3A_332 = arith.constant 0 : i32
          %dma_start3A_333 = tpu.memref_slice %arg14[%dma_start3A_331, %dma_start3A_332] : memref<10000x64xf32, #tpu.memory_space<vmem_shared>> -> memref<10000x64xf32, #tpu.memory_space<vmem_shared>>
          tpu.enqueue_indirect_dma source(%dma_start3A_327 : memref<128x64xf32, #tpu.memory_space<vmem>>) target(%dma_start3A_333 : memref<10000x64xf32, #tpu.memory_space<vmem_shared>>) offsets(%dma_start3A_330 : memref<128xi32, #tpu.memory_space<vmem>>) semaphore(%run_scoped3A_326 : memref<!tpu.dma_semaphore, #tpu.memory_space<semaphore_mem>>) {add = true}
          %dma_wait3A_334 = arith.constant 0 : i32
          %dma_wait3A_335 = tpu.memref_slice %arg10[%multiple_of3A_40, %dma_wait3A_334] : memref<256x64xf32, #tpu.memory_space<vmem>> -> memref<128x64xf32, #tpu.memory_space<vmem>>
          %dma_wait3A_336 = arith.constant 0 : i32
          %dma_wait3A_337 = tpu.memref_slice %arg8[%rem3A_37, %run_scoped3A, %dma_wait3A_336] : memref<2x2x128xi32, #tpu.memory_space<vmem>> -> memref<1x1x128xi32, #tpu.memory_space<vmem>>
          %dma_wait3A_338 = tpu.memref_squeeze %dma_wait3A_337 : memref<1x1x128xi32, #tpu.memory_space<vmem>> -> memref<128xi32, #tpu.memory_space<vmem>>
          %dma_wait3A_339 = arith.constant 0 : i32
          %dma_wait3A_340 = arith.constant 0 : i32
          %dma_wait3A_341 = tpu.memref_slice %arg14[%dma_wait3A_339, %dma_wait3A_340] : memref<10000x64xf32, #tpu.memory_space<vmem_shared>> -> memref<10000x64xf32, #tpu.memory_space<vmem_shared>>
          tpu.wait_indirect_dma semaphore(%run_scoped3A_326 : memref<!tpu.dma_semaphore, #tpu.memory_space<semaphore_mem>>) src(%dma_wait3A_335 : memref<128x64xf32, #tpu.memory_space<vmem>>) dst(%dma_wait3A_341 : memref<10000x64xf32, #tpu.memory_space<vmem_shared>>)
          tpu.yield
        }) : () -> ()
      } else {
      }
      %mul3A_50 = arith.constant 32 : i32
      %mul3A_51 = arith.muli %scan3A_36, %mul3A_50 : i32
      %add3A_52 = arith.addi %mul3A_51, %add3A : i32
      %lt3A_53 = arith.constant 40 : i32
      %lt3A_54 = arith.cmpi slt, %scan3A_36, %lt3A_53 : i32
      %lt3A_55 = arith.constant 1250 : i32
      %lt3A_56 = arith.cmpi slt, %add3A_52, %lt3A_55 : i32
      %and3A_57 = arith.andi %lt3A_54, %lt3A_56 : i1
      %convert_element_type3A_58 = arith.extui %and3A_57 : i1 to i32
      %cond3A_59 = arith.constant 0 : i32
      %cond3A_60 = arith.cmpi ne, %convert_element_type3A_58, %cond3A_59 : i32
      scf.if %cond3A_60 {
        %mul3A_61 = arith.constant 128 : i32
        %mul3A_62 = arith.muli %add3A_52, %mul3A_61 : i32
        %multiple_of3A_63 = tpu.assume_multiple %mul3A_62, 128 : i32
        "tpu.region"() ({
          %run_scoped3A = tpu.sem_alloc : memref<!tpu.dma_semaphore, #tpu.memory_space<semaphore_mem>>
          %dma_start3A_72 = arith.constant 0 : i32
          %dma_start3A_73 = arith.constant 0 : i32
          %dma_start3A_74 = tpu.memref_slice %arg8[%rem3A_37, %dma_start3A_72, %dma_start3A_73] : memref<2x2x128xi32, #tpu.memory_space<vmem>> -> memref<1x2x128xi32, #tpu.memory_space<vmem>>
          %dma_start3A_75 = tpu.memref_squeeze %dma_start3A_74 : memref<1x2x128xi32, #tpu.memory_space<vmem>> -> memref<2x128xi32, #tpu.memory_space<vmem>>
          %dma_start3A_76 = arith.constant 0 : i32
          %dma_start3A_77 = tpu.memref_slice %arg4[%dma_start3A_76, %multiple_of3A_63] : memref<2x160000xi32, #tpu.memory_space<hbm>> -> memref<2x128xi32, #tpu.memory_space<hbm>>
          %dma_start3A_78 = arith.constant 0 : i32
          %dma_start3A_79 = arith.constant 0 : i32
          %dma_start3A_80 = tpu.memref_slice %arg8[%rem3A_37, %dma_start3A_78, %dma_start3A_79] : memref<2x2x128xi32, #tpu.memory_space<vmem>> -> memref<1x2x128xi32, #tpu.memory_space<vmem>>
          %dma_start3A_81 = tpu.memref_squeeze %dma_start3A_80 : memref<1x2x128xi32, #tpu.memory_space<vmem>> -> memref<2x128xi32, #tpu.memory_space<vmem>>
          %dma_start3A_82 = arith.constant 0 : i32
          %dma_start3A_83 = tpu.memref_slice %arg4[%dma_start3A_82, %multiple_of3A_63] : memref<2x160000xi32, #tpu.memory_space<hbm>> -> memref<2x128xi32, #tpu.memory_space<hbm>>
          tpu.enqueue_dma source(%dma_start3A_83 : memref<2x128xi32, #tpu.memory_space<hbm>>) target(%dma_start3A_81 : memref<2x128xi32, #tpu.memory_space<vmem>>) target_semaphore(%run_scoped3A : memref<!tpu.dma_semaphore, #tpu.memory_space<semaphore_mem>>)
          %dma_wait3A = arith.constant 0 : i32
          %dma_wait3A_84 = arith.constant 0 : i32
          %dma_wait3A_85 = tpu.memref_slice %arg8[%rem3A_37, %dma_wait3A, %dma_wait3A_84] : memref<2x2x128xi32, #tpu.memory_space<vmem>> -> memref<1x2x128xi32, #tpu.memory_space<vmem>>
          %dma_wait3A_86 = tpu.memref_squeeze %dma_wait3A_85 : memref<1x2x128xi32, #tpu.memory_space<vmem>> -> memref<2x128xi32, #tpu.memory_space<vmem>>
          %dma_wait3A_87 = arith.constant 0 : i32
          %dma_wait3A_88 = tpu.memref_slice %arg4[%dma_wait3A_87, %multiple_of3A_63] : memref<2x160000xi32, #tpu.memory_space<hbm>> -> memref<2x128xi32, #tpu.memory_space<hbm>>
          %dma_wait3A_89 = arith.constant 0 : i32
          %dma_wait3A_90 = arith.constant 0 : i32
          %dma_wait3A_91 = tpu.memref_slice %arg8[%rem3A_37, %dma_wait3A_89, %dma_wait3A_90] : memref<2x2x128xi32, #tpu.memory_space<vmem>> -> memref<1x2x128xi32, #tpu.memory_space<vmem>>
          %dma_wait3A_92 = tpu.memref_squeeze %dma_wait3A_91 : memref<1x2x128xi32, #tpu.memory_space<vmem>> -> memref<2x128xi32, #tpu.memory_space<vmem>>
          %dma_wait3A_93 = arith.constant 0 : i32
          %dma_wait3A_94 = tpu.memref_slice %arg4[%dma_wait3A_93, %multiple_of3A_63] : memref<2x160000xi32, #tpu.memory_space<hbm>> -> memref<2x128xi32, #tpu.memory_space<hbm>>
          tpu.wait_dma2 semaphore(%run_scoped3A : memref<!tpu.dma_semaphore, #tpu.memory_space<semaphore_mem>>) src(%dma_wait3A_94 : memref<2x128xi32, #tpu.memory_space<hbm>>) dst(%dma_wait3A_92 : memref<2x128xi32, #tpu.memory_space<vmem>>)
          tpu.yield
        }) : () -> ()
        %dma_start3A = arith.constant 0 : i32
        %dma_start3A_64 = arith.constant 0 : i32
        %dma_start3A_65 = tpu.memref_slice %arg10[%multiple_of3A_40, %dma_start3A_64] : memref<256x64xf32, #tpu.memory_space<vmem>> -> memref<128x64xf32, #tpu.memory_space<vmem>>
        %dma_start3A_66 = arith.constant 0 : i32
        %dma_start3A_67 = tpu.memref_slice %arg8[%rem3A_37, %dma_start3A, %dma_start3A_66] : memref<2x2x128xi32, #tpu.memory_space<vmem>> -> memref<1x1x128xi32, #tpu.memory_space<vmem>>
        %dma_start3A_68 = tpu.memref_squeeze %dma_start3A_67 : memref<1x1x128xi32, #tpu.memory_space<vmem>> -> memref<128xi32, #tpu.memory_space<vmem>>
        %dma_start3A_69 = arith.constant 0 : i32
        %dma_start3A_70 = arith.constant 0 : i32
        %dma_start3A_71 = tpu.memref_slice %arg2[%dma_start3A_69, %dma_start3A_70] : memref<10000x64xf32, #tpu.memory_space<hbm>> -> memref<10000x64xf32, #tpu.memory_space<hbm>>
        tpu.enqueue_indirect_dma source(%dma_start3A_71 : memref<10000x64xf32, #tpu.memory_space<hbm>>) target(%dma_start3A_65 : memref<128x64xf32, #tpu.memory_space<vmem>>) offsets(%dma_start3A_68 : memref<128xi32, #tpu.memory_space<vmem>>) semaphore(%arg16 : memref<!tpu.dma_semaphore, #tpu.memory_space<semaphore_mem>>)
      } else {
      }
    }
    %scan3A_16 = arith.constant 42 : i32
    "tpu.region"() ({
      %run_scoped3A = tpu.sem_alloc : memref<!tpu.dma_semaphore, #tpu.memory_space<semaphore_mem>>
      %dma_start3A = arith.constant 0 : i32
      %dma_start3A_36 = tpu.memref_slice %arg15[%arg1, %dma_start3A] : memref<16x10240xf32, #tpu.memory_space<vmem_shared>> -> memref<1x10240xf32, #tpu.memory_space<vmem_shared>>
      %dma_start3A_37 = tpu.memref_squeeze %dma_start3A_36 : memref<1x10240xf32, #tpu.memory_space<vmem_shared>> -> memref<10240xf32, #tpu.memory_space<vmem_shared>>
      %dma_start3A_38 = arith.constant 0 : i32
      %dma_start3A_39 = tpu.memref_slice %arg15[%arg1, %dma_start3A_38] : memref<16x10240xf32, #tpu.memory_space<vmem_shared>> -> memref<1x10240xf32, #tpu.memory_space<vmem_shared>>
      %dma_start3A_40 = tpu.memref_squeeze %dma_start3A_39 : memref<1x10240xf32, #tpu.memory_space<vmem_shared>> -> memref<10240xf32, #tpu.memory_space<vmem_shared>>
      tpu.enqueue_dma source(%arg12 : memref<10240xf32, #tpu.memory_space<vmem>>) target(%dma_start3A_40 : memref<10240xf32, #tpu.memory_space<vmem_shared>>) target_semaphore(%run_scoped3A : memref<!tpu.dma_semaphore, #tpu.memory_space<semaphore_mem>>)
      %dma_wait3A = arith.constant 0 : i32
      %dma_wait3A_41 = tpu.memref_slice %arg15[%arg1, %dma_wait3A] : memref<16x10240xf32, #tpu.memory_space<vmem_shared>> -> memref<1x10240xf32, #tpu.memory_space<vmem_shared>>
      %dma_wait3A_42 = tpu.memref_squeeze %dma_wait3A_41 : memref<1x10240xf32, #tpu.memory_space<vmem_shared>> -> memref<10240xf32, #tpu.memory_space<vmem_shared>>
      %dma_wait3A_43 = arith.constant 0 : i32
      %dma_wait3A_44 = tpu.memref_slice %arg15[%arg1, %dma_wait3A_43] : memref<16x10240xf32, #tpu.memory_space<vmem_shared>> -> memref<1x10240xf32, #tpu.memory_space<vmem_shared>>
      %dma_wait3A_45 = tpu.memref_squeeze %dma_wait3A_44 : memref<1x10240xf32, #tpu.memory_space<vmem_shared>> -> memref<10240xf32, #tpu.memory_space<vmem_shared>>
      tpu.wait_dma2 semaphore(%run_scoped3A : memref<!tpu.dma_semaphore, #tpu.memory_space<semaphore_mem>>) src(%arg12 : memref<10240xf32, #tpu.memory_space<vmem>>) dst(%dma_wait3A_45 : memref<10240xf32, #tpu.memory_space<vmem_shared>>)
      tpu.yield
    }) : () -> ()
    %barrier3A_17 = arith.constant 0 : index
    tpu.barrier barrier_id(%barrier3A_17)
    "tpu.region"() ({
      %run_scoped3A = tpu.sem_alloc : memref<!tpu.dma_semaphore, #tpu.memory_space<semaphore_mem>>
      %dma_start3A = arith.constant 0 : i32
      %dma_start3A_36 = tpu.memref_slice %arg6[%arg0, %multiple_of3A, %dma_start3A] : memref<2x10000x64xf32, #tpu.memory_space<hbm>> -> memref<1x624x64xf32, #tpu.memory_space<hbm>>
      %dma_start3A_37 = tpu.memref_squeeze %dma_start3A_36 : memref<1x624x64xf32, #tpu.memory_space<hbm>> -> memref<624x64xf32, #tpu.memory_space<hbm>>
      %dma_start3A_38 = arith.constant 0 : i32
      %dma_start3A_39 = tpu.memref_slice %arg14[%multiple_of3A, %dma_start3A_38] : memref<10000x64xf32, #tpu.memory_space<vmem_shared>> -> memref<624x64xf32, #tpu.memory_space<vmem_shared>>
      tpu.enqueue_dma source(%dma_start3A_39 : memref<624x64xf32, #tpu.memory_space<vmem_shared>>) target(%dma_start3A_37 : memref<624x64xf32, #tpu.memory_space<hbm>>) target_semaphore(%run_scoped3A : memref<!tpu.dma_semaphore, #tpu.memory_space<semaphore_mem>>)
      %dma_wait3A = arith.constant 0 : i32
      %dma_wait3A_40 = tpu.memref_slice %arg6[%arg0, %multiple_of3A, %dma_wait3A] : memref<2x10000x64xf32, #tpu.memory_space<hbm>> -> memref<1x624x64xf32, #tpu.memory_space<hbm>>
      %dma_wait3A_41 = tpu.memref_squeeze %dma_wait3A_40 : memref<1x624x64xf32, #tpu.memory_space<hbm>> -> memref<624x64xf32, #tpu.memory_space<hbm>>
      %dma_wait3A_42 = arith.constant 0 : i32
      %dma_wait3A_43 = tpu.memref_slice %arg14[%multiple_of3A, %dma_wait3A_42] : memref<10000x64xf32, #tpu.memory_space<vmem_shared>> -> memref<624x64xf32, #tpu.memory_space<vmem_shared>>
      tpu.wait_dma2 semaphore(%run_scoped3A : memref<!tpu.dma_semaphore, #tpu.memory_space<semaphore_mem>>) src(%dma_wait3A_43 : memref<624x64xf32, #tpu.memory_space<vmem_shared>>) dst(%dma_wait3A_41 : memref<624x64xf32, #tpu.memory_space<hbm>>)
      tpu.yield
    }) : () -> ()
    %eq3A_18 = arith.constant 0 : i32
    %eq3A_19 = arith.cmpi eq, %arg1, %eq3A_18 : i32
    %convert_element_type3A_20 = arith.extui %eq3A_19 : i1 to i32
    %cond3A_21 = arith.constant 0 : i32
    %cond3A_22 = arith.cmpi ne, %convert_element_type3A_20, %cond3A_21 : i32
    scf.if %cond3A_22 {
      "tpu.region"() ({
        %run_scoped3A = tpu.sem_alloc : memref<!tpu.dma_semaphore, #tpu.memory_space<semaphore_mem>>
        %dma_start3A = arith.constant 9984 : i32
        %dma_start3A_36 = arith.constant 0 : i32
        %dma_start3A_37 = tpu.memref_slice %arg6[%arg0, %dma_start3A, %dma_start3A_36] : memref<2x10000x64xf32, #tpu.memory_space<hbm>> -> memref<1x16x64xf32, #tpu.memory_space<hbm>>
        %dma_start3A_38 = tpu.memref_squeeze %dma_start3A_37 : memref<1x16x64xf32, #tpu.memory_space<hbm>> -> memref<16x64xf32, #tpu.memory_space<hbm>>
        %dma_start3A_39 = arith.constant 9984 : i32
        %dma_start3A_40 = arith.constant 0 : i32
        %dma_start3A_41 = tpu.memref_slice %arg14[%dma_start3A_39, %dma_start3A_40] : memref<10000x64xf32, #tpu.memory_space<vmem_shared>> -> memref<16x64xf32, #tpu.memory_space<vmem_shared>>
        tpu.enqueue_dma source(%dma_start3A_41 : memref<16x64xf32, #tpu.memory_space<vmem_shared>>) target(%dma_start3A_38 : memref<16x64xf32, #tpu.memory_space<hbm>>) target_semaphore(%run_scoped3A : memref<!tpu.dma_semaphore, #tpu.memory_space<semaphore_mem>>)
        %dma_wait3A = arith.constant 9984 : i32
        %dma_wait3A_42 = arith.constant 0 : i32
        %dma_wait3A_43 = tpu.memref_slice %arg6[%arg0, %dma_wait3A, %dma_wait3A_42] : memref<2x10000x64xf32, #tpu.memory_space<hbm>> -> memref<1x16x64xf32, #tpu.memory_space<hbm>>
        %dma_wait3A_44 = tpu.memref_squeeze %dma_wait3A_43 : memref<1x16x64xf32, #tpu.memory_space<hbm>> -> memref<16x64xf32, #tpu.memory_space<hbm>>
        %dma_wait3A_45 = arith.constant 9984 : i32
        %dma_wait3A_46 = arith.constant 0 : i32
        %dma_wait3A_47 = tpu.memref_slice %arg14[%dma_wait3A_45, %dma_wait3A_46] : memref<10000x64xf32, #tpu.memory_space<vmem_shared>> -> memref<16x64xf32, #tpu.memory_space<vmem_shared>>
        tpu.wait_dma2 semaphore(%run_scoped3A : memref<!tpu.dma_semaphore, #tpu.memory_space<semaphore_mem>>) src(%dma_wait3A_47 : memref<16x64xf32, #tpu.memory_space<vmem_shared>>) dst(%dma_wait3A_44 : memref<16x64xf32, #tpu.memory_space<hbm>>)
        tpu.yield
      }) : () -> ()
    } else {
    }
    %mul3A_23 = arith.constant 640 : i32
    %mul3A_24 = arith.muli %arg1, %mul3A_23 : i32
    %multiple_of3A_25 = tpu.assume_multiple %mul3A_24, 128 : i32
    "tpu.region"() ({
      %run_scoped3A = tpu.sem_alloc : memref<!tpu.dma_semaphore, #tpu.memory_space<semaphore_mem>>
      %dma_start3A = arith.constant 0 : i32
      %dma_start3A_36 = tpu.memref_slice %arg15[%dma_start3A, %multiple_of3A_25] : memref<16x10240xf32, #tpu.memory_space<vmem_shared>> -> memref<16x640xf32, #tpu.memory_space<vmem_shared>>
      %dma_start3A_37 = arith.constant 0 : i32
      %dma_start3A_38 = tpu.memref_slice %arg15[%dma_start3A_37, %multiple_of3A_25] : memref<16x10240xf32, #tpu.memory_space<vmem_shared>> -> memref<16x640xf32, #tpu.memory_space<vmem_shared>>
      tpu.enqueue_dma source(%dma_start3A_38 : memref<16x640xf32, #tpu.memory_space<vmem_shared>>) target(%arg13 : memref<16x640xf32, #tpu.memory_space<vmem>>) target_semaphore(%run_scoped3A : memref<!tpu.dma_semaphore, #tpu.memory_space<semaphore_mem>>)
      %dma_wait3A = arith.constant 0 : i32
      %dma_wait3A_39 = tpu.memref_slice %arg15[%dma_wait3A, %multiple_of3A_25] : memref<16x10240xf32, #tpu.memory_space<vmem_shared>> -> memref<16x640xf32, #tpu.memory_space<vmem_shared>>
      %dma_wait3A_40 = arith.constant 0 : i32
      %dma_wait3A_41 = tpu.memref_slice %arg15[%dma_wait3A_40, %multiple_of3A_25] : memref<16x10240xf32, #tpu.memory_space<vmem_shared>> -> memref<16x640xf32, #tpu.memory_space<vmem_shared>>
      tpu.wait_dma2 semaphore(%run_scoped3A : memref<!tpu.dma_semaphore, #tpu.memory_space<semaphore_mem>>) src(%dma_wait3A_41 : memref<16x640xf32, #tpu.memory_space<vmem_shared>>) dst(%arg13 : memref<16x640xf32, #tpu.memory_space<vmem>>)
      tpu.yield
    }) : () -> ()
    %scan3A_26 = arith.constant 0 : i32
    %scan3A_27 = arith.constant 0 : i32
    %scan3A_28 = arith.constant 40 : i32
    %scan3A_29 = arith.addi %scan3A_27, %scan3A_28 : i32
    %scan3A_30 = arith.constant 1 : i32
    scf.for %scan3A_36 = %scan3A_27 to %scan3A_29 step %scan3A_30  : i32 {
      %mul3A_37 = arith.constant 16 : i32
      %mul3A_38 = arith.muli %scan3A_36, %mul3A_37 : i32
      %get3A = arith.constant 0 : i32
      %get3A_39 = arith.index_cast %get3A : i32 to index
      %get3A_40 = arith.index_cast %mul3A_38 : i32 to index
      %get3A_41 = tpu.vector_load %arg13[%get3A_39, %get3A_40] {strides = array<i32>} : memref<16x640xf32, #tpu.memory_space<vmem>>, vector<16xf32>,
      %get3A_42 = arith.constant 1 : i32
      %get3A_43 = arith.index_cast %get3A_42 : i32 to index
      %get3A_44 = arith.index_cast %mul3A_38 : i32 to index
      %get3A_45 = tpu.vector_load %arg13[%get3A_43, %get3A_44] {strides = array<i32>} : memref<16x640xf32, #tpu.memory_space<vmem>>, vector<16xf32>,
      %add3A_46 = arith.addf %get3A_41, %get3A_45 : vector<16xf32>
      %get3A_47 = arith.constant 2 : i32
      %get3A_48 = arith.index_cast %get3A_47 : i32 to index
      %get3A_49 = arith.index_cast %mul3A_38 : i32 to index
      %get3A_50 = tpu.vector_load %arg13[%get3A_48, %get3A_49] {strides = array<i32>} : memref<16x640xf32, #tpu.memory_space<vmem>>, vector<16xf32>,
      %add3A_51 = arith.addf %add3A_46, %get3A_50 : vector<16xf32>
      %get3A_52 = arith.constant 3 : i32
      %get3A_53 = arith.index_cast %get3A_52 : i32 to index
      %get3A_54 = arith.index_cast %mul3A_38 : i32 to index
      %get3A_55 = tpu.vector_load %arg13[%get3A_53, %get3A_54] {strides = array<i32>} : memref<16x640xf32, #tpu.memory_space<vmem>>, vector<16xf32>,
      %add3A_56 = arith.addf %add3A_51, %get3A_55 : vector<16xf32>
      %get3A_57 = arith.constant 4 : i32
      %get3A_58 = arith.index_cast %get3A_57 : i32 to index
      %get3A_59 = arith.index_cast %mul3A_38 : i32 to index
      %get3A_60 = tpu.vector_load %arg13[%get3A_58, %get3A_59] {strides = array<i32>} : memref<16x640xf32, #tpu.memory_space<vmem>>, vector<16xf32>,
      %add3A_61 = arith.addf %add3A_56, %get3A_60 : vector<16xf32>
      %get3A_62 = arith.constant 5 : i32
      %get3A_63 = arith.index_cast %get3A_62 : i32 to index
      %get3A_64 = arith.index_cast %mul3A_38 : i32 to index
      %get3A_65 = tpu.vector_load %arg13[%get3A_63, %get3A_64] {strides = array<i32>} : memref<16x640xf32, #tpu.memory_space<vmem>>, vector<16xf32>,
      %add3A_66 = arith.addf %add3A_61, %get3A_65 : vector<16xf32>
      %get3A_67 = arith.constant 6 : i32
      %get3A_68 = arith.index_cast %get3A_67 : i32 to index
      %get3A_69 = arith.index_cast %mul3A_38 : i32 to index
      %get3A_70 = tpu.vector_load %arg13[%get3A_68, %get3A_69] {strides = array<i32>} : memref<16x640xf32, #tpu.memory_space<vmem>>, vector<16xf32>,
      %add3A_71 = arith.addf %add3A_66, %get3A_70 : vector<16xf32>
      %get3A_72 = arith.constant 7 : i32
      %get3A_73 = arith.index_cast %get3A_72 : i32 to index
      %get3A_74 = arith.index_cast %mul3A_38 : i32 to index
      %get3A_75 = tpu.vector_load %arg13[%get3A_73, %get3A_74] {strides = array<i32>} : memref<16x640xf32, #tpu.memory_space<vmem>>, vector<16xf32>,
      %add3A_76 = arith.addf %add3A_71, %get3A_75 : vector<16xf32>
      %get3A_77 = arith.constant 8 : i32
      %get3A_78 = arith.index_cast %get3A_77 : i32 to index
      %get3A_79 = arith.index_cast %mul3A_38 : i32 to index
      %get3A_80 = tpu.vector_load %arg13[%get3A_78, %get3A_79] {strides = array<i32>} : memref<16x640xf32, #tpu.memory_space<vmem>>, vector<16xf32>,
      %add3A_81 = arith.addf %add3A_76, %get3A_80 : vector<16xf32>
      %get3A_82 = arith.constant 9 : i32
      %get3A_83 = arith.index_cast %get3A_82 : i32 to index
      %get3A_84 = arith.index_cast %mul3A_38 : i32 to index
      %get3A_85 = tpu.vector_load %arg13[%get3A_83, %get3A_84] {strides = array<i32>} : memref<16x640xf32, #tpu.memory_space<vmem>>, vector<16xf32>,
      %add3A_86 = arith.addf %add3A_81, %get3A_85 : vector<16xf32>
      %get3A_87 = arith.constant 10 : i32
      %get3A_88 = arith.index_cast %get3A_87 : i32 to index
      %get3A_89 = arith.index_cast %mul3A_38 : i32 to index
      %get3A_90 = tpu.vector_load %arg13[%get3A_88, %get3A_89] {strides = array<i32>} : memref<16x640xf32, #tpu.memory_space<vmem>>, vector<16xf32>,
      %add3A_91 = arith.addf %add3A_86, %get3A_90 : vector<16xf32>
      %get3A_92 = arith.constant 11 : i32
      %get3A_93 = arith.index_cast %get3A_92 : i32 to index
      %get3A_94 = arith.index_cast %mul3A_38 : i32 to index
      %get3A_95 = tpu.vector_load %arg13[%get3A_93, %get3A_94] {strides = array<i32>} : memref<16x640xf32, #tpu.memory_space<vmem>>, vector<16xf32>,
      %add3A_96 = arith.addf %add3A_91, %get3A_95 : vector<16xf32>
      %get3A_97 = arith.constant 12 : i32
      %get3A_98 = arith.index_cast %get3A_97 : i32 to index
      %get3A_99 = arith.index_cast %mul3A_38 : i32 to index
      %get3A_100 = tpu.vector_load %arg13[%get3A_98, %get3A_99] {strides = array<i32>} : memref<16x640xf32, #tpu.memory_space<vmem>>, vector<16xf32>,
      %add3A_101 = arith.addf %add3A_96, %get3A_100 : vector<16xf32>
      %get3A_102 = arith.constant 13 : i32
      %get3A_103 = arith.index_cast %get3A_102 : i32 to index
      %get3A_104 = arith.index_cast %mul3A_38 : i32 to index
      %get3A_105 = tpu.vector_load %arg13[%get3A_103, %get3A_104] {strides = array<i32>} : memref<16x640xf32, #tpu.memory_space<vmem>>, vector<16xf32>,
      %add3A_106 = arith.addf %add3A_101, %get3A_105 : vector<16xf32>
      %get3A_107 = arith.constant 14 : i32
      %get3A_108 = arith.index_cast %get3A_107 : i32 to index
      %get3A_109 = arith.index_cast %mul3A_38 : i32 to index
      %get3A_110 = tpu.vector_load %arg13[%get3A_108, %get3A_109] {strides = array<i32>} : memref<16x640xf32, #tpu.memory_space<vmem>>, vector<16xf32>,
      %add3A_111 = arith.addf %add3A_106, %get3A_110 : vector<16xf32>
      %get3A_112 = arith.constant 15 : i32
      %get3A_113 = arith.index_cast %get3A_112 : i32 to index
      %get3A_114 = arith.index_cast %mul3A_38 : i32 to index
      %get3A_115 = tpu.vector_load %arg13[%get3A_113, %get3A_114] {strides = array<i32>} : memref<16x640xf32, #tpu.memory_space<vmem>>, vector<16xf32>,
      %add3A_116 = arith.addf %add3A_111, %get3A_115 : vector<16xf32>
      %swap3A = arith.index_cast %mul3A_38 : i32 to index
      %swap3A_117 = tpu.vector_load %arg12[%swap3A] {strides = array<i32>} : memref<10240xf32, #tpu.memory_space<vmem>>, vector<16xf32>,
      tpu.vector_store %arg12[%swap3A], %add3A_116 {strides = array<i32>} : memref<10240xf32, #tpu.memory_space<vmem>>, vector<16xf32>,
    }
    %scan3A_31 = arith.constant 40 : i32
    %mul3A_32 = arith.constant 10240 : i32
    %mul3A_33 = arith.muli %arg0, %mul3A_32 : i32
    %add3A_34 = arith.addi %mul3A_33, %multiple_of3A_25 : i32
    %multiple_of3A_35 = tpu.assume_multiple %add3A_34, 128 : i32
    "tpu.region"() ({
      %run_scoped3A = tpu.sem_alloc : memref<!tpu.dma_semaphore, #tpu.memory_space<semaphore_mem>>
      %dma_start3A = arith.constant 0 : i32
      %dma_start3A_36 = tpu.memref_slice %arg12[%dma_start3A] : memref<10240xf32, #tpu.memory_space<vmem>> -> memref<640xf32, #tpu.memory_space<vmem>>
      %dma_start3A_37 = tpu.memref_slice %arg7[%multiple_of3A_35] : memref<20480xf32, #tpu.memory_space<hbm>> -> memref<640xf32, #tpu.memory_space<hbm>>
      %dma_start3A_38 = tpu.memref_slice %arg7[%multiple_of3A_35] : memref<20480xf32, #tpu.memory_space<hbm>> -> memref<640xf32, #tpu.memory_space<hbm>>
      %dma_start3A_39 = arith.constant 0 : i32
      %dma_start3A_40 = tpu.memref_slice %arg12[%dma_start3A_39] : memref<10240xf32, #tpu.memory_space<vmem>> -> memref<640xf32, #tpu.memory_space<vmem>>
      tpu.enqueue_dma source(%dma_start3A_40 : memref<640xf32, #tpu.memory_space<vmem>>) target(%dma_start3A_38 : memref<640xf32, #tpu.memory_space<hbm>>) target_semaphore(%run_scoped3A : memref<!tpu.dma_semaphore, #tpu.memory_space<semaphore_mem>>)
      %dma_wait3A = arith.constant 0 : i32
      %dma_wait3A_41 = tpu.memref_slice %arg12[%dma_wait3A] : memref<10240xf32, #tpu.memory_space<vmem>> -> memref<640xf32, #tpu.memory_space<vmem>>
      %dma_wait3A_42 = tpu.memref_slice %arg7[%multiple_of3A_35] : memref<20480xf32, #tpu.memory_space<hbm>> -> memref<640xf32, #tpu.memory_space<hbm>>
      %dma_wait3A_43 = tpu.memref_slice %arg7[%multiple_of3A_35] : memref<20480xf32, #tpu.memory_space<hbm>> -> memref<640xf32, #tpu.memory_space<hbm>>
      %dma_wait3A_44 = arith.constant 0 : i32
      %dma_wait3A_45 = tpu.memref_slice %arg12[%dma_wait3A_44] : memref<10240xf32, #tpu.memory_space<vmem>> -> memref<640xf32, #tpu.memory_space<vmem>>
      tpu.wait_dma2 semaphore(%run_scoped3A : memref<!tpu.dma_semaphore, #tpu.memory_space<semaphore_mem>>) src(%dma_wait3A_45 : memref<640xf32, #tpu.memory_space<vmem>>) dst(%dma_wait3A_43 : memref<640xf32, #tpu.memory_space<hbm>>)
      tpu.yield
    }) : () -> ()
    return
  }
}

module attributes {stable_mosaic.version = 14 : i64} {
  func.func @_tc1_body(%arg0: i32, %arg1: memref<2000x256xf32, #tpu.memory_space<vmem>>, %arg2: memref<128x256xf32, #tpu.memory_space<vmem>>, %arg3: memref<1x128xf32, #tpu.memory_space<vmem>>, %arg4: memref<64x256xf32, #tpu.memory_space<vmem>>, %arg5: memref<64x256xf32, #tpu.memory_space<vmem>>, %arg6: memref<1x64xf32, #tpu.memory_space<vmem>>, %arg7: memref<1x64xf32, #tpu.memory_space<vmem>>, %arg8: memref<2000x128xf32, #tpu.memory_space<vmem>>, %arg9: memref<2000x64xf32, #tpu.memory_space<vmem>>, %arg10: memref<2000x128xf32, #tpu.memory_space<vmem>>) attributes {dimension_semantics = [#tpu.dimension_semantics<arbitrary>], iteration_bounds = array<i64: 5>, scalar_prefetch = 0 : i64, scratch_operands = 0 : i64, tpu.core_type = #tpu.core_type<tc>, window_params = [{transform_indices = @transform_0, window_bounds = array<i64: 2000, 256>}, {pipeline_mode = #tpu.pipeline_mode<synchronous>, transform_indices = @transform_1, window_bounds = array<i64: 128, 256>}, {pipeline_mode = #tpu.pipeline_mode<synchronous>, transform_indices = @transform_2, window_bounds = array<i64: 1, 128>}, {pipeline_mode = #tpu.pipeline_mode<synchronous>, transform_indices = @transform_3, window_bounds = array<i64: 64, 256>}, {pipeline_mode = #tpu.pipeline_mode<synchronous>, transform_indices = @transform_4, window_bounds = array<i64: 64, 256>}, {pipeline_mode = #tpu.pipeline_mode<synchronous>, transform_indices = @transform_5, window_bounds = array<i64: 1, 64>}, {pipeline_mode = #tpu.pipeline_mode<synchronous>, transform_indices = @transform_6, window_bounds = array<i64: 1, 64>}, {transform_indices = @transform_7, window_bounds = array<i64: 2000, 128>}, {transform_indices = @transform_8, window_bounds = array<i64: 2000, 64>}, {transform_indices = @transform_9, window_bounds = array<i64: 2000, 128>}]} {
    %get3A = arith.constant 0 : index
    %get3A_0 = arith.constant 0 : index
    %get3A_1 = vector.load %arg1[%get3A, %get3A_0] : memref<2000x256xf32, #tpu.memory_space<vmem>>, vector<2000x256xf32>
    %get3A_2 = arith.constant 0 : index
    %get3A_3 = arith.constant 0 : index
    %get3A_4 = vector.load %arg2[%get3A_2, %get3A_3] : memref<128x256xf32, #tpu.memory_space<vmem>>, vector<128x256xf32>
    %dot_general3A = arith.constant dense<0.000000e+00> : vector<2000x128xf32>
    %dot_general3A_5 = tpu.matmul %get3A_1, %get3A_4, %dot_general3A {dimension_numbers = #tpu.dot_dimension_numbers<[1], [1], [0], [0], [0, 0, 1, 0], [], []>, transpose_lhs_hint = false} : vector<2000x256xf32>, vector<128x256xf32>, vector<2000x128xf32> -> vector<2000x128xf32>
    %get3A_6 = arith.constant 0 : index
    %get3A_7 = arith.constant 0 : index
    %get3A_8 = vector.load %arg3[%get3A_6, %get3A_7] : memref<1x128xf32, #tpu.memory_space<vmem>>, vector<1x128xf32>
    %add3A = vector.broadcast %get3A_8 : vector<1x128xf32> to vector<2000x128xf32>
    %add3A_9 = arith.addf %dot_general3A_5, %add3A : vector<2000x128xf32>
    %swap3A = arith.constant 0 : index
    %swap3A_10 = arith.constant 0 : index
    %swap3A_11 = vector.load %arg8[%swap3A, %swap3A_10] : memref<2000x128xf32, #tpu.memory_space<vmem>>, vector<2000x128xf32>
    tpu.vector_store %arg8[%swap3A, %swap3A_10], %add3A_9 {strides = array<i32>} : memref<2000x128xf32, #tpu.memory_space<vmem>>, vector<2000x128xf32>,
    %get3A_12 = arith.constant 0 : index
    %get3A_13 = arith.constant 0 : index
    %get3A_14 = vector.load %arg4[%get3A_12, %get3A_13] : memref<64x256xf32, #tpu.memory_space<vmem>>, vector<64x256xf32>
    %dot_general3A_15 = arith.constant dense<0.000000e+00> : vector<2000x64xf32>
    %dot_general3A_16 = tpu.matmul %get3A_1, %get3A_14, %dot_general3A_15 {dimension_numbers = #tpu.dot_dimension_numbers<[1], [1], [0], [0], [0, 0, 1, 0], [], []>, transpose_lhs_hint = false} : vector<2000x256xf32>, vector<64x256xf32>, vector<2000x64xf32> -> vector<2000x64xf32>
    %get3A_17 = arith.constant 0 : index
    %get3A_18 = arith.constant 0 : index
    %get3A_19 = vector.load %arg5[%get3A_17, %get3A_18] : memref<64x256xf32, #tpu.memory_space<vmem>>, vector<64x256xf32>
    %dot_general3A_20 = arith.constant dense<0.000000e+00> : vector<2000x64xf32>
    %dot_general3A_21 = tpu.matmul %get3A_1, %get3A_19, %dot_general3A_20 {dimension_numbers = #tpu.dot_dimension_numbers<[1], [1], [0], [0], [0, 0, 1, 0], [], []>, transpose_lhs_hint = false} : vector<2000x256xf32>, vector<64x256xf32>, vector<2000x64xf32> -> vector<2000x64xf32>
    %swap3A_22 = arith.constant 0 : index
    %swap3A_23 = arith.constant 0 : index
    %swap3A_24 = vector.load %arg9[%swap3A_22, %swap3A_23] : memref<2000x64xf32, #tpu.memory_space<vmem>>, vector<2000x64xf32>
    tpu.vector_store %arg9[%swap3A_22, %swap3A_23], %dot_general3A_16 {strides = array<i32>} : memref<2000x64xf32, #tpu.memory_space<vmem>>, vector<2000x64xf32>,
    %get3A_25 = arith.constant 0 : index
    %get3A_26 = arith.constant 0 : index
    %get3A_27 = vector.load %arg6[%get3A_25, %get3A_26] : memref<1x64xf32, #tpu.memory_space<vmem>>, vector<1x64xf32>
    %mul3A = vector.broadcast %get3A_27 : vector<1x64xf32> to vector<2000x64xf32>
    %mul3A_28 = arith.mulf %dot_general3A_16, %mul3A : vector<2000x64xf32>
    %reduce_sum3A = arith.constant dense<0.000000e+00> : vector<2000xf32>
    %reduce_sum3A_29 = vector.multi_reduction <add>, %mul3A_28, %reduce_sum3A [1] : vector<2000x64xf32> to vector<2000xf32>
    %broadcast_in_dim3A = vector.shape_cast %reduce_sum3A_29 : vector<2000xf32> to vector<2000x1xf32>
    %get3A_30 = arith.constant 0 : index
    %get3A_31 = arith.constant 0 : index
    %get3A_32 = vector.load %arg7[%get3A_30, %get3A_31] : memref<1x64xf32, #tpu.memory_space<vmem>>, vector<1x64xf32>
    %mul3A_33 = vector.broadcast %get3A_32 : vector<1x64xf32> to vector<2000x64xf32>
    %mul3A_34 = arith.mulf %dot_general3A_21, %mul3A_33 : vector<2000x64xf32>
    %reduce_sum3A_35 = arith.constant dense<0.000000e+00> : vector<2000xf32>
    %reduce_sum3A_36 = vector.multi_reduction <add>, %mul3A_34, %reduce_sum3A_35 [1] : vector<2000x64xf32> to vector<2000xf32>
    %broadcast_in_dim3A_37 = vector.shape_cast %reduce_sum3A_36 : vector<2000xf32> to vector<2000x1xf32>
    %broadcast_in_dim3A_38 = arith.constant 0.000000e+00 : f32
    %broadcast_in_dim3A_39 = vector.broadcast %broadcast_in_dim3A_38 : f32 to vector<2000x126xf32>
    %concatenate3A = tpu.concatenate %broadcast_in_dim3A, %broadcast_in_dim3A_37, %broadcast_in_dim3A_39 in 1 : vector<2000x1xf32>, vector<2000x1xf32>, vector<2000x126xf32> -> vector<2000x128xf32>
    %swap3A_40 = arith.constant 0 : index
    %swap3A_41 = arith.constant 0 : index
    %swap3A_42 = vector.load %arg10[%swap3A_40, %swap3A_41] : memref<2000x128xf32, #tpu.memory_space<vmem>>, vector<2000x128xf32>
    tpu.vector_store %arg10[%swap3A_40, %swap3A_41], %concatenate3A {strides = array<i32>} : memref<2000x128xf32, #tpu.memory_space<vmem>>, vector<2000x128xf32>,
    return
  }
  func.func @transform_0(%arg0: i32) -> (i32, i32) {
    %c0_i32 = arith.constant 0 : i32
    %c0_i32_0 = arith.constant 0 : i32
    return %arg0, %c0_i32 : i32, i32
  }
  func.func @transform_1(%arg0: i32) -> (i32, i32) {
    %c0_i32 = arith.constant 0 : i32
    %c0_i32_0 = arith.constant 0 : i32
    %c0_i32_1 = arith.constant 0 : i32
    return %c0_i32, %c0_i32_0 : i32, i32
  }
  func.func @transform_2(%arg0: i32) -> (i32, i32) {
    %c0_i32 = arith.constant 0 : i32
    %c0_i32_0 = arith.constant 0 : i32
    %c0_i32_1 = arith.constant 0 : i32
    return %c0_i32, %c0_i32_0 : i32, i32
  }
  func.func @transform_3(%arg0: i32) -> (i32, i32) {
    %c0_i32 = arith.constant 0 : i32
    %c0_i32_0 = arith.constant 0 : i32
    %c0_i32_1 = arith.constant 0 : i32
    return %c0_i32, %c0_i32_0 : i32, i32
  }
  func.func @transform_4(%arg0: i32) -> (i32, i32) {
    %c0_i32 = arith.constant 0 : i32
    %c0_i32_0 = arith.constant 0 : i32
    %c0_i32_1 = arith.constant 0 : i32
    return %c0_i32, %c0_i32_0 : i32, i32
  }
  func.func @transform_5(%arg0: i32) -> (i32, i32) {
    %c0_i32 = arith.constant 0 : i32
    %c0_i32_0 = arith.constant 0 : i32
    %c0_i32_1 = arith.constant 0 : i32
    return %c0_i32, %c0_i32_0 : i32, i32
  }
  func.func @transform_6(%arg0: i32) -> (i32, i32) {
    %c0_i32 = arith.constant 0 : i32
    %c0_i32_0 = arith.constant 0 : i32
    %c0_i32_1 = arith.constant 0 : i32
    return %c0_i32, %c0_i32_0 : i32, i32
  }
  func.func @transform_7(%arg0: i32) -> (i32, i32) {
    %c0_i32 = arith.constant 0 : i32
    %c0_i32_0 = arith.constant 0 : i32
    return %arg0, %c0_i32 : i32, i32
  }
  func.func @transform_8(%arg0: i32) -> (i32, i32) {
    %c0_i32 = arith.constant 0 : i32
    %c0_i32_0 = arith.constant 0 : i32
    return %arg0, %c0_i32 : i32, i32
  }
  func.func @transform_9(%arg0: i32) -> (i32, i32) {
    %c0_i32 = arith.constant 0 : i32
    %c0_i32_0 = arith.constant 0 : i32
    return %arg0, %c0_i32 : i32, i32
  }
}

module attributes {stable_mosaic.version = 14 : i64} {
  func.func @_tc2_body(%arg0: i32, %arg1: memref<2x2000x64xf32, #tpu.memory_space<vmem>>, %arg2: memref<2x2000x1xf32, #tpu.memory_space<vmem>>, %arg3: memref<1x64xf32, #tpu.memory_space<vmem>>, %arg4: memref<128x64xf32, #tpu.memory_space<vmem>>, %arg5: memref<128x64xf32, #tpu.memory_space<vmem>>, %arg6: memref<1x128xf32, #tpu.memory_space<vmem>>, %arg7: memref<1x128xf32, #tpu.memory_space<vmem>>, %arg8: memref<2000x128xf32, #tpu.memory_space<vmem>>, %arg9: memref<2000x128xf32, #tpu.memory_space<vmem>>) attributes {dimension_semantics = [#tpu.dimension_semantics<arbitrary>], iteration_bounds = array<i64: 5>, scalar_prefetch = 0 : i64, scratch_operands = 0 : i64, tpu.core_type = #tpu.core_type<tc>, window_params = [{transform_indices = @transform_0, window_bounds = array<i64: 2, 2000, 64>}, {transform_indices = @transform_1, window_bounds = array<i64: 2, 2000, 1>}, {pipeline_mode = #tpu.pipeline_mode<synchronous>, transform_indices = @transform_2, window_bounds = array<i64: 1, 64>}, {pipeline_mode = #tpu.pipeline_mode<synchronous>, transform_indices = @transform_3, window_bounds = array<i64: 128, 64>}, {pipeline_mode = #tpu.pipeline_mode<synchronous>, transform_indices = @transform_4, window_bounds = array<i64: 128, 64>}, {pipeline_mode = #tpu.pipeline_mode<synchronous>, transform_indices = @transform_5, window_bounds = array<i64: 1, 128>}, {pipeline_mode = #tpu.pipeline_mode<synchronous>, transform_indices = @transform_6, window_bounds = array<i64: 1, 128>}, {transform_indices = @transform_7, window_bounds = array<i64: 2000, 128>}, {transform_indices = @transform_8, window_bounds = array<i64: 2000, 128>}]} {
    %get3A = arith.constant 0 : index
    %get3A_0 = arith.constant 0 : index
    %get3A_1 = arith.constant 0 : index
    %get3A_2 = vector.load %arg1[%get3A, %get3A_0, %get3A_1] : memref<2x2000x64xf32, #tpu.memory_space<vmem>>, vector<1x2000x64xf32>
    %get3A_3 = vector.shape_cast %get3A_2 : vector<1x2000x64xf32> to vector<2000x64xf32>
    %get3A_4 = arith.constant 1 : index
    %get3A_5 = arith.constant 0 : index
    %get3A_6 = arith.constant 0 : index
    %get3A_7 = vector.load %arg1[%get3A_4, %get3A_5, %get3A_6] : memref<2x2000x64xf32, #tpu.memory_space<vmem>>, vector<1x2000x64xf32>
    %get3A_8 = vector.shape_cast %get3A_7 : vector<1x2000x64xf32> to vector<2000x64xf32>
    %add3A = arith.addf %get3A_3, %get3A_8 : vector<2000x64xf32>
    %get3A_9 = arith.constant 0 : index
    %get3A_10 = arith.constant 0 : index
    %get3A_11 = arith.constant 0 : index
    %get3A_12 = vector.load %arg2[%get3A_9, %get3A_10, %get3A_11] : memref<2x2000x1xf32, #tpu.memory_space<vmem>>, vector<1x2000x1xf32>
    %get3A_13 = vector.shape_cast %get3A_12 : vector<1x2000x1xf32> to vector<2000x1xf32>
    %get3A_14 = arith.constant 1 : index
    %get3A_15 = arith.constant 0 : index
    %get3A_16 = arith.constant 0 : index
    %get3A_17 = vector.load %arg2[%get3A_14, %get3A_15, %get3A_16] : memref<2x2000x1xf32, #tpu.memory_space<vmem>>, vector<1x2000x1xf32>
    %get3A_18 = vector.shape_cast %get3A_17 : vector<1x2000x1xf32> to vector<2000x1xf32>
    %add3A_19 = arith.addf %get3A_13, %get3A_18 : vector<2000x1xf32>
    %gt3A = arith.constant 0.000000e+00 : f32
    %gt3A_20 = vector.broadcast %gt3A : f32 to vector<2000x1xf32>
    %gt3A_21 = arith.cmpf ogt, %add3A_19, %gt3A_20 : vector<2000x1xf32>
    %jit3A = arith.constant 1.000000e+00 : f32
    %broadcast_in_dim3A = vector.broadcast %jit3A : f32 to vector<2000x1xf32>
    %select_n3A = arith.select %gt3A_21, %add3A_19, %broadcast_in_dim3A : vector<2000x1xi1>, vector<2000x1xf32>
    %gt3A_22 = arith.constant 0.000000e+00 : f32
    %gt3A_23 = vector.broadcast %gt3A_22 : f32 to vector<2000x1xf32>
    %gt3A_24 = arith.cmpf ogt, %add3A_19, %gt3A_23 : vector<2000x1xf32>
    %div3A = vector.broadcast %select_n3A : vector<2000x1xf32> to vector<2000x64xf32>
    %div3A_25 = arith.divf %add3A, %div3A : vector<2000x64xf32>
    %jit3A_26 = arith.constant 0.000000e+00 : f32
    %broadcast_in_dim3A_27 = vector.shape_cast %gt3A_24 : vector<2000x1xi1> to vector<2000x1xi1>
    %broadcast_in_dim3A_28 = vector.broadcast %broadcast_in_dim3A_27 : vector<2000x1xi1> to vector<2000x64xi1>
    %broadcast_in_dim3A_29 = vector.broadcast %jit3A_26 : f32 to vector<2000x64xf32>
    %select_n3A_30 = arith.select %broadcast_in_dim3A_28, %div3A_25, %broadcast_in_dim3A_29 : vector<2000x64xi1>, vector<2000x64xf32>
    %get3A_31 = arith.constant 0 : index
    %get3A_32 = arith.constant 0 : index
    %get3A_33 = vector.load %arg3[%get3A_31, %get3A_32] : memref<1x64xf32, #tpu.memory_space<vmem>>, vector<1x64xf32>
    %add3A_34 = vector.broadcast %get3A_33 : vector<1x64xf32> to vector<2000x64xf32>
    %add3A_35 = arith.addf %select_n3A_30, %add3A_34 : vector<2000x64xf32>
    %gt3A_36 = arith.constant 0.000000e+00 : f32
    %gt3A_37 = vector.broadcast %gt3A_36 : f32 to vector<2000x64xf32>
    %gt3A_38 = arith.cmpf ogt, %add3A_35, %gt3A_37 : vector<2000x64xf32>
    %exp3A = math.exp %add3A_35 : vector<2000x64xf32>
    %sub3A = arith.constant 1.000000e+00 : f32
    %sub3A_39 = vector.broadcast %sub3A : f32 to vector<2000x64xf32>
    %sub3A_40 = arith.subf %exp3A, %sub3A_39 : vector<2000x64xf32>
    %select_n3A_41 = arith.select %gt3A_38, %add3A_35, %sub3A_40 : vector<2000x64xi1>, vector<2000x64xf32>
    %get3A_42 = arith.constant 0 : index
    %get3A_43 = arith.constant 0 : index
    %get3A_44 = vector.load %arg4[%get3A_42, %get3A_43] : memref<128x64xf32, #tpu.memory_space<vmem>>, vector<128x64xf32>
    %dot_general3A = arith.constant dense<0.000000e+00> : vector<2000x128xf32>
    %dot_general3A_45 = tpu.matmul %select_n3A_41, %get3A_44, %dot_general3A {dimension_numbers = #tpu.dot_dimension_numbers<[1], [1], [0], [0], [0, 0, 1, 0], [], []>, transpose_lhs_hint = false} : vector<2000x64xf32>, vector<128x64xf32>, vector<2000x128xf32> -> vector<2000x128xf32>
    %get3A_46 = arith.constant 0 : index
    %get3A_47 = arith.constant 0 : index
    %get3A_48 = vector.load %arg5[%get3A_46, %get3A_47] : memref<128x64xf32, #tpu.memory_space<vmem>>, vector<128x64xf32>
    %dot_general3A_49 = arith.constant dense<0.000000e+00> : vector<2000x128xf32>
    %dot_general3A_50 = tpu.matmul %select_n3A_41, %get3A_48, %dot_general3A_49 {dimension_numbers = #tpu.dot_dimension_numbers<[1], [1], [0], [0], [0, 0, 1, 0], [], []>, transpose_lhs_hint = false} : vector<2000x64xf32>, vector<128x64xf32>, vector<2000x128xf32> -> vector<2000x128xf32>
    %swap3A = arith.constant 0 : index
    %swap3A_51 = arith.constant 0 : index
    %swap3A_52 = vector.load %arg8[%swap3A, %swap3A_51] : memref<2000x128xf32, #tpu.memory_space<vmem>>, vector<2000x128xf32>
    tpu.vector_store %arg8[%swap3A, %swap3A_51], %dot_general3A_45 {strides = array<i32>} : memref<2000x128xf32, #tpu.memory_space<vmem>>, vector<2000x128xf32>,
    %get3A_53 = arith.constant 0 : index
    %get3A_54 = arith.constant 0 : index
    %get3A_55 = vector.load %arg6[%get3A_53, %get3A_54] : memref<1x128xf32, #tpu.memory_space<vmem>>, vector<1x128xf32>
    %mul3A = vector.broadcast %get3A_55 : vector<1x128xf32> to vector<2000x128xf32>
    %mul3A_56 = arith.mulf %dot_general3A_45, %mul3A : vector<2000x128xf32>
    %reduce_sum3A = arith.constant dense<0.000000e+00> : vector<2000xf32>
    %reduce_sum3A_57 = vector.multi_reduction <add>, %mul3A_56, %reduce_sum3A [1] : vector<2000x128xf32> to vector<2000xf32>
    %broadcast_in_dim3A_58 = vector.shape_cast %reduce_sum3A_57 : vector<2000xf32> to vector<2000x1xf32>
    %get3A_59 = arith.constant 0 : index
    %get3A_60 = arith.constant 0 : index
    %get3A_61 = vector.load %arg7[%get3A_59, %get3A_60] : memref<1x128xf32, #tpu.memory_space<vmem>>, vector<1x128xf32>
    %mul3A_62 = vector.broadcast %get3A_61 : vector<1x128xf32> to vector<2000x128xf32>
    %mul3A_63 = arith.mulf %dot_general3A_50, %mul3A_62 : vector<2000x128xf32>
    %reduce_sum3A_64 = arith.constant dense<0.000000e+00> : vector<2000xf32>
    %reduce_sum3A_65 = vector.multi_reduction <add>, %mul3A_63, %reduce_sum3A_64 [1] : vector<2000x128xf32> to vector<2000xf32>
    %broadcast_in_dim3A_66 = vector.shape_cast %reduce_sum3A_65 : vector<2000xf32> to vector<2000x1xf32>
    %broadcast_in_dim3A_67 = arith.constant 0.000000e+00 : f32
    %broadcast_in_dim3A_68 = vector.broadcast %broadcast_in_dim3A_67 : f32 to vector<2000x126xf32>
    %concatenate3A = tpu.concatenate %broadcast_in_dim3A_58, %broadcast_in_dim3A_66, %broadcast_in_dim3A_68 in 1 : vector<2000x1xf32>, vector<2000x1xf32>, vector<2000x126xf32> -> vector<2000x128xf32>
    %swap3A_69 = arith.constant 0 : index
    %swap3A_70 = arith.constant 0 : index
    %swap3A_71 = vector.load %arg9[%swap3A_69, %swap3A_70] : memref<2000x128xf32, #tpu.memory_space<vmem>>, vector<2000x128xf32>
    tpu.vector_store %arg9[%swap3A_69, %swap3A_70], %concatenate3A {strides = array<i32>} : memref<2000x128xf32, #tpu.memory_space<vmem>>, vector<2000x128xf32>,
    return
  }
  func.func @transform_0(%arg0: i32) -> (i32, i32, i32) {
    %c0_i32 = arith.constant 0 : i32
    %c0_i32_0 = arith.constant 0 : i32
    %c0_i32_1 = arith.constant 0 : i32
    return %c0_i32, %arg0, %c0_i32_0 : i32, i32, i32
  }
  func.func @transform_1(%arg0: i32) -> (i32, i32, i32) {
    %c0_i32 = arith.constant 0 : i32
    %c0_i32_0 = arith.constant 0 : i32
    %c0_i32_1 = arith.constant 0 : i32
    return %c0_i32, %arg0, %c0_i32_0 : i32, i32, i32
  }
  func.func @transform_2(%arg0: i32) -> (i32, i32) {
    %c0_i32 = arith.constant 0 : i32
    %c0_i32_0 = arith.constant 0 : i32
    %c0_i32_1 = arith.constant 0 : i32
    return %c0_i32, %c0_i32_0 : i32, i32
  }
  func.func @transform_3(%arg0: i32) -> (i32, i32) {
    %c0_i32 = arith.constant 0 : i32
    %c0_i32_0 = arith.constant 0 : i32
    %c0_i32_1 = arith.constant 0 : i32
    return %c0_i32, %c0_i32_0 : i32, i32
  }
  func.func @transform_4(%arg0: i32) -> (i32, i32) {
    %c0_i32 = arith.constant 0 : i32
    %c0_i32_0 = arith.constant 0 : i32
    %c0_i32_1 = arith.constant 0 : i32
    return %c0_i32, %c0_i32_0 : i32, i32
  }
  func.func @transform_5(%arg0: i32) -> (i32, i32) {
    %c0_i32 = arith.constant 0 : i32
    %c0_i32_0 = arith.constant 0 : i32
    %c0_i32_1 = arith.constant 0 : i32
    return %c0_i32, %c0_i32_0 : i32, i32
  }
  func.func @transform_6(%arg0: i32) -> (i32, i32) {
    %c0_i32 = arith.constant 0 : i32
    %c0_i32_0 = arith.constant 0 : i32
    %c0_i32_1 = arith.constant 0 : i32
    return %c0_i32, %c0_i32_0 : i32, i32
  }
  func.func @transform_7(%arg0: i32) -> (i32, i32) {
    %c0_i32 = arith.constant 0 : i32
    %c0_i32_0 = arith.constant 0 : i32
    return %arg0, %c0_i32 : i32, i32
  }
  func.func @transform_8(%arg0: i32) -> (i32, i32) {
    %c0_i32 = arith.constant 0 : i32
    %c0_i32_0 = arith.constant 0 : i32
    return %arg0, %c0_i32 : i32, i32
  }
}

module attributes {stable_mosaic.version = 14 : i64} {
  func.func @_tc3_body(%arg0: memref<2x10000x128xf32, #tpu.memory_space<vmem>>, %arg1: memref<2x10000x1xf32, #tpu.memory_space<vmem>>, %arg2: memref<1x128xf32, #tpu.memory_space<vmem>>, %arg3: memref<10000x128xf32, #tpu.memory_space<vmem>>, %arg4: memref<10000x128xf32, #tpu.memory_space<vmem>>) attributes {dimension_semantics = [], scalar_prefetch = 0 : i64, scratch_operands = 0 : i64, tpu.core_type = #tpu.core_type<tc>} {
    %get3A = arith.constant 0 : index
    %get3A_0 = arith.constant 0 : index
    %get3A_1 = arith.constant 0 : index
    %get3A_2 = vector.load %arg0[%get3A, %get3A_0, %get3A_1] : memref<2x10000x128xf32, #tpu.memory_space<vmem>>, vector<1x10000x128xf32>
    %get3A_3 = vector.shape_cast %get3A_2 : vector<1x10000x128xf32> to vector<10000x128xf32>
    %get3A_4 = arith.constant 1 : index
    %get3A_5 = arith.constant 0 : index
    %get3A_6 = arith.constant 0 : index
    %get3A_7 = vector.load %arg0[%get3A_4, %get3A_5, %get3A_6] : memref<2x10000x128xf32, #tpu.memory_space<vmem>>, vector<1x10000x128xf32>
    %get3A_8 = vector.shape_cast %get3A_7 : vector<1x10000x128xf32> to vector<10000x128xf32>
    %add3A = arith.addf %get3A_3, %get3A_8 : vector<10000x128xf32>
    %get3A_9 = arith.constant 0 : index
    %get3A_10 = arith.constant 0 : index
    %get3A_11 = arith.constant 0 : index
    %get3A_12 = vector.load %arg1[%get3A_9, %get3A_10, %get3A_11] : memref<2x10000x1xf32, #tpu.memory_space<vmem>>, vector<1x10000x1xf32>
    %get3A_13 = vector.shape_cast %get3A_12 : vector<1x10000x1xf32> to vector<10000x1xf32>
    %get3A_14 = arith.constant 1 : index
    %get3A_15 = arith.constant 0 : index
    %get3A_16 = arith.constant 0 : index
    %get3A_17 = vector.load %arg1[%get3A_14, %get3A_15, %get3A_16] : memref<2x10000x1xf32, #tpu.memory_space<vmem>>, vector<1x10000x1xf32>
    %get3A_18 = vector.shape_cast %get3A_17 : vector<1x10000x1xf32> to vector<10000x1xf32>
    %add3A_19 = arith.addf %get3A_13, %get3A_18 : vector<10000x1xf32>
    %gt3A = arith.constant 0.000000e+00 : f32
    %gt3A_20 = vector.broadcast %gt3A : f32 to vector<10000x1xf32>
    %gt3A_21 = arith.cmpf ogt, %add3A_19, %gt3A_20 : vector<10000x1xf32>
    %jit3A = arith.constant 1.000000e+00 : f32
    %broadcast_in_dim3A = vector.broadcast %jit3A : f32 to vector<10000x1xf32>
    %select_n3A = arith.select %gt3A_21, %add3A_19, %broadcast_in_dim3A : vector<10000x1xi1>, vector<10000x1xf32>
    %gt3A_22 = arith.constant 0.000000e+00 : f32
    %gt3A_23 = vector.broadcast %gt3A_22 : f32 to vector<10000x1xf32>
    %gt3A_24 = arith.cmpf ogt, %add3A_19, %gt3A_23 : vector<10000x1xf32>
    %div3A = vector.broadcast %select_n3A : vector<10000x1xf32> to vector<10000x128xf32>
    %div3A_25 = arith.divf %add3A, %div3A : vector<10000x128xf32>
    %jit3A_26 = arith.constant 0.000000e+00 : f32
    %broadcast_in_dim3A_27 = vector.shape_cast %gt3A_24 : vector<10000x1xi1> to vector<10000x1xi1>
    %broadcast_in_dim3A_28 = vector.broadcast %broadcast_in_dim3A_27 : vector<10000x1xi1> to vector<10000x128xi1>
    %broadcast_in_dim3A_29 = vector.broadcast %jit3A_26 : f32 to vector<10000x128xf32>
    %select_n3A_30 = arith.select %broadcast_in_dim3A_28, %div3A_25, %broadcast_in_dim3A_29 : vector<10000x128xi1>, vector<10000x128xf32>
    %get3A_31 = arith.constant 0 : index
    %get3A_32 = arith.constant 0 : index
    %get3A_33 = vector.load %arg2[%get3A_31, %get3A_32] : memref<1x128xf32, #tpu.memory_space<vmem>>, vector<1x128xf32>
    %add3A_34 = vector.broadcast %get3A_33 : vector<1x128xf32> to vector<10000x128xf32>
    %add3A_35 = arith.addf %select_n3A_30, %add3A_34 : vector<10000x128xf32>
    %reduce_max3A = arith.constant dense<0xFF800000> : vector<10000xf32>
    %reduce_max3A_36 = vector.multi_reduction <maximumf>, %add3A_35, %reduce_max3A [1] : vector<10000x128xf32> to vector<10000xf32>
    %broadcast_in_dim3A_37 = vector.shape_cast %reduce_max3A_36 : vector<10000xf32> to vector<10000x1xf32>
    %sub3A = vector.broadcast %broadcast_in_dim3A_37 : vector<10000x1xf32> to vector<10000x128xf32>
    %sub3A_38 = arith.subf %add3A_35, %sub3A : vector<10000x128xf32>
    %exp3A = math.exp %sub3A_38 : vector<10000x128xf32>
    %reduce_sum3A = arith.constant dense<0.000000e+00> : vector<10000xf32>
    %reduce_sum3A_39 = vector.multi_reduction <add>, %exp3A, %reduce_sum3A [1] : vector<10000x128xf32> to vector<10000xf32>
    %broadcast_in_dim3A_40 = vector.shape_cast %reduce_sum3A_39 : vector<10000xf32> to vector<10000x1xf32>
    %div3A_41 = vector.broadcast %broadcast_in_dim3A_40 : vector<10000x1xf32> to vector<10000x128xf32>
    %div3A_42 = arith.divf %exp3A, %div3A_41 : vector<10000x128xf32>
    %get3A_43 = arith.constant 0 : index
    %get3A_44 = arith.constant 0 : index
    %get3A_45 = vector.load %arg3[%get3A_43, %get3A_44] : memref<10000x128xf32, #tpu.memory_space<vmem>>, vector<10000x128xf32>
    %reduce_max3A_46 = arith.constant dense<0xFF800000> : vector<128xf32>
    %reduce_max3A_47 = vector.multi_reduction <maximumf>, %get3A_45, %reduce_max3A_46 [0] : vector<10000x128xf32> to vector<128xf32>
    %broadcast_in_dim3A_48 = vector.shape_cast %reduce_max3A_47 : vector<128xf32> to vector<1x128xf32>
    %sub3A_49 = vector.broadcast %broadcast_in_dim3A_48 : vector<1x128xf32> to vector<10000x128xf32>
    %sub3A_50 = arith.subf %get3A_45, %sub3A_49 : vector<10000x128xf32>
    %exp3A_51 = math.exp %sub3A_50 : vector<10000x128xf32>
    %reduce_sum3A_52 = arith.constant dense<0.000000e+00> : vector<128xf32>
    %reduce_sum3A_53 = vector.multi_reduction <add>, %exp3A_51, %reduce_sum3A_52 [0] : vector<10000x128xf32> to vector<128xf32>
    %broadcast_in_dim3A_54 = vector.shape_cast %reduce_sum3A_53 : vector<128xf32> to vector<1x128xf32>
    %div3A_55 = vector.broadcast %broadcast_in_dim3A_54 : vector<1x128xf32> to vector<10000x128xf32>
    %div3A_56 = arith.divf %exp3A_51, %div3A_55 : vector<10000x128xf32>
    %mul3A = arith.mulf %div3A_56, %div3A_42 : vector<10000x128xf32>
    %swap3A = arith.constant 0 : index
    %swap3A_57 = arith.constant 0 : index
    %swap3A_58 = vector.load %arg4[%swap3A, %swap3A_57] : memref<10000x128xf32, #tpu.memory_space<vmem>>, vector<10000x128xf32>
    tpu.vector_store %arg4[%swap3A, %swap3A_57], %mul3A {strides = array<i32>} : memref<10000x128xf32, #tpu.memory_space<vmem>>, vector<10000x128xf32>,
    return
  }
}

</mosaic_0001>

<sc_bundles>
// kernel: kernel.10.cloned.1.call-start
scs
__scs_entry_jumppad:
0x0: {  	(pc) =	sbr.rel $0x88, $3  }
0x1: {  	(tag) =	ssettag $0x0;
	lr =	simm.s32 $0x1  }
0x2: {  	[smem:$0x3F93] =	sst lr;
	_ =	strace $0xD0000000  }
0x3: {  	_ = 	snop  }
0x4: {  	_ = 	snop  }
0x5: {  	_ = 	snop  }
0x6: {  	_ = 	snop  }
0x7: {  	_ = 	snop  }
__scs_overlays_trampoline_lowered:
0x8: {  	[smem:$0x3FA2] =	sst s0  }
0x9: {  	[smem:$0x3FA3] =	sst s1  }
0xa: {  	[smem:$0x3FA4] =	sst s2  }
0xb: {  	[smem:$0x3FA5] =	sst s3  }
0xc: {  	[smem:$0x3FA6] =	sst s4  }
0xd: {  	[smem:$0x3FA7] =	sst s5  }
0xe: {  	[smem:$0x3FA8] =	sst s6  }
0xf: {  	[smem:$0x3FA9] =	sst s7  }
0x10: {  	[smem:$0x3FAA] =	sst s8  }
0x11: {  	[smem:$0x3FAB] =	sst s9;
	s0 =	simm.s32 @!p0 $0x0  }
0x12: {  	s1 =	sld [smem:$0x3F91];
	s0 =	simm.s32 @p0 $0x1  }
0x13: {  	[smem:$0x3FAC] =	sst s0;
	s0 =	simm.s32 @!p1 $0x0  }
0x14: {  	s2 =	sld [smem:$0x3F90];
	s0 =	simm.s32 @p1 $0x1  }
0x15: {  	[smem:$0x3FAD] =	sst s0;
	s0 =	simm.s32 @!p2 $0x0  }
0x16: {  	s3 =	sld [smem:$0x3FDB];
	s0 =	simm.s32 @p2 $0x1  }
0x17: {  	s4 =	simm.s32 $0x1BF5;
	[smem:$0x3FAF] =	sst s0  }
0x18: {  	s0 =	sld [smem:$0x3F92];
	_ =	swait.ge [sflag:s4], $0x0  }
0x19: {  	s7 =	sld [smem:$0x3F93]  }
0x1a: {  	s8 =	sadd.s32 $0xFFFFE003, lr  }
0x1b: {  	s9 =	sadd.s32 $0xFFFFFEF7, lr;
	s5 =	simm.s32 $0xFFFFFFFF;
	p2 =	slt.u32 s8, $0xFFFFF086  }
0x1c: {  	p1 =	slt.u32 s9, $0xF7A;
	s5 =	simm.s32 @!p2 $0x0  }
0x1d: {  	s5 =	simm.s32 @p1 $0x1;
	p0 =	seq.s32 s7, s2  }
0x1e: {  	s7 =	smul.u32 @!p0 $0xF7A, s2;
	p2 =	seq.s32 @!p0 s5, $0x0  }
0x1f: {  	s9 =	smul.u32 $0xF7A, s1;
	s8 =	simm.s32 @!p0 $0x1BF5;
	p2 =	por !p2, p0  }
0x20: {  	[sflag:s8] =	ssyncset.s32 @!p0 $0xFFFFF086;
	s6 =	sadd.s32 @!p0 s3, s7;
	s7 =	simm.s32 @!p0 $0x108  }
0x21: {  	s3 =	sadd.s32 s3, s9;
	s6 =	sadd.s32 @!p0 $0x88, s6;
	s7 =	simm.s32 @p2 $0x1082  }
0x22: {  	[simem:s7], [sflag:s8] =	dma.local @!p0 [hbm:s6], $0xF7A  }
0x23: {  	s9 =	sor.u32 $0xD0000000, s2;
	s6 =	simm.s32 $0x108;
	_ =	swait.ge @!p0 [sflag:s8], $0x0  }
0x24: {  	s3 =	sadd.s32 $0x88, s3;
	s6 =	simm.s32 @!p1 $0x1082;
	[sflag:s4] =	ssyncset.s32 $0xFFFFF086  }
0x25: {  	[simem:s6], [sflag:s4] =	dma.local [hbm:s3], $0xF7A  }
0x26: {  	[smem:$0x3F93] =	sst s1;
	(tag) =	ssettag s2;
	_ =	strace s9  }
0x27: {  	s1 =	sld [smem:$0x3FA3]  }
0x28: {  	s2 =	sld [smem:$0x3FA4]  }
0x29: {  	s4 =	sld [smem:$0x3FA6]  }
0x2a: {  	p0 =	seq.s32 s5, $0x0;
	s5 =	sld [smem:$0x3FA7]  }
0x2b: {  	s6 =	sld [smem:$0x3FA8]  }
0x2c: {  	s7 =	sld [smem:$0x3FA9]  }
0x2d: {  	s3 =	simm.s32 $0x108;
	s8 =	sld [smem:$0x3FAA]  }
0x2e: {  	s3 =	simm.s32 @!p0 $0x1082;
	s9 =	sld [smem:$0x3FAB]  }
0x2f: {  	lr =	sadd.s32 s0, s3;
	s0 =	sld [smem:$0x3FA2]  }
0x30: {  	s3 =	sld [smem:$0x3FA5]  }
0x31: {  	[smem:$0x3FAE] =	sst s10  }
0x32: {  	s10 =	sld [smem:$0x3FAC];
	_ =	sdelay $0x3  }
0x33: {  	p0 =	seq.s32 s10, $0x1;
	s10 =	sld [smem:$0x3FAE];
	_ =	sdelay $0x3  }
0x34: {  	[smem:$0x3FAE] =	sst s10  }
0x35: {  	s10 =	sld [smem:$0x3FAD];
	_ =	sdelay $0x3  }
0x36: {  	p1 =	seq.s32 s10, $0x1;
	s10 =	sld [smem:$0x3FAE];
	_ =	sdelay $0x3  }
0x37: {  	[smem:$0x3FAE] =	sst s10  }
0x38: {  	s10 =	sld [smem:$0x3FAF]  }
0x39: {  	_ = 	snop;
	(pc) =	sbr.ind lr, $3  }
0x3a: {  	_ = 	snop  }
0x3b: {  	_ = 	snop  }
0x3c: {  	p2 =	seq.s32 s10, $0x1;
	s10 =	sld [smem:$0x3FAE]  }
0x3d: {  	_ =	shalt  }
0x3e: {  	_ =	shalt  }
0x3f: {  	_ =	shalt  }
0x40: {  	_ =	shalt  }
0x41: {  	_ =	shalt  }
0x42: {  	_ =	shalt  }
0x43: {  	_ =	shalt  }
0x44: {  	_ =	shalt  }
0x45: {  	_ =	shalt  }
0x46: {  	_ =	shalt  }
0x47: {  	_ =	shalt  }
0x48: {  	_ =	shalt  }
0x49: {  	_ =	shalt  }
0x4a: {  	_ =	shalt  }
0x4b: {  	_ =	shalt  }
0x4c: {  	_ =	shalt  }
0x4d: {  	_ =	shalt  }
0x4e: {  	_ =	shalt  }
0x4f: {  	_ =	shalt  }
0x50: {  	_ =	shalt  }
0x51: {  	_ =	shalt  }
0x52: {  	_ =	shalt  }
0x53: {  	_ =	shalt  }
0x54: {  	_ =	shalt  }
0x55: {  	_ =	shalt  }
0x56: {  	_ =	shalt  }
0x57: {  	_ =	shalt  }
0x58: {  	_ =	shalt  }
0x59: {  	_ =	shalt  }
0x5a: {  	_ =	shalt  }
0x5b: {  	_ =	shalt  }
0x5c: {  	_ =	shalt  }
0x5d: {  	_ =	shalt  }
0x5e: {  	_ =	shalt  }
0x5f: {  	_ =	shalt  }
0x60: {  	_ =	shalt  }
0x61: {  	_ =	shalt  }
0x62: {  	_ =	shalt  }
0x63: {  	_ =	shalt  }
0x64: {  	_ =	shalt  }
0x65: {  	_ =	shalt  }
0x66: {  	_ =	shalt  }
0x67: {  	_ =	shalt  }
0x68: {  	_ =	shalt  }
0x69: {  	_ =	shalt  }
0x6a: {  	_ =	shalt  }
0x6b: {  	_ =	shalt  }
0x6c: {  	_ =	shalt  }
0x6d: {  	_ =	shalt  }
0x6e: {  	_ =	shalt  }
0x6f: {  	_ =	shalt  }
0x70: {  	_ =	shalt  }
0x71: {  	_ =	shalt  }
0x72: {  	_ =	shalt  }
0x73: {  	_ =	shalt  }
0x74: {  	_ =	shalt  }
0x75: {  	_ =	shalt  }
0x76: {  	_ =	shalt  }
0x77: {  	_ =	shalt  }
0x78: {  	_ =	shalt  }
0x79: {  	_ =	shalt  }
0x7a: {  	_ =	shalt  }
0x7b: {  	_ =	shalt  }
0x7c: {  	_ =	shalt  }
0x7d: {  	_ =	shalt  }
0x7e: {  	_ =	shalt  }
0x7f: {  	_ =	shalt  }
0x80: {  	_ =	shalt  }
0x81: {  	_ =	shalt  }
0x82: {  	_ =	shalt  }
0x83: {  	_ =	shalt  }
0x84: {  	_ =	shalt  }
0x85: {  	_ =	shalt  }
0x86: {  	_ =	shalt  }
0x87: {  	_ =	shalt  }
.Lfunc_end0:
.L_simem_size_0:
called_computation.1_lowered:
.L_overlay_start_0:
0x88: {  	s2 =	sld [smem:$0x3FD9]  }
0x89: {  	s3 =	sld [smem:$0x3FFE];
	_ =	sdelay $0x1  }
0x8a: {  	s1 =	srdreg.scid  }
0x8b: {  	s0 =	sand.u32 $0x1, s1  }
0x8c: {  	s14 =	sshll.u32 s0, $0xA;
	s2 =	sadd.s32 s3, s2  }
0x8d: {  	s2 =	sadd.s32 s2, s14  }
0x8e: {  	[smem:$0x3FBA] =	sst s2  }
0x8f: {  	_ = 	snop  }
0x90: {  	s2 =	sld [smem:$0x3FD0];
	_ =	sdelay $0x2  }
0x91: {  	s15 =	simm.s32 $0xA;
	s4 =	simm.s32 $0x10  }
0x92: {  	[smem:s4], [sflag:s15] =	dma.local [hbm:s2], $0x1  }
0x93: {  	_ =	swait.eq [sflag:s15], $0x1  }
0x94: {  	[sflag:s15] =	ssyncset.done $0x0  }
0x95: {  	s16 =	sld [smem:$0x10];
	[sflag:s15] =	ssyncadd.s32 $0xFFFFFFFF  }
0x96: {  	s17 =	sld [smem:$0x11];
	(tm) =	ssettm $0x1  }
0x97: {  	s18 =	sld [smem:$0x3FFB];
	_ =	sdelay $0x3  }
0x98: {  	_ =	strace s18  }
0x99: {  	s4 =	sld [smem:$0x3FFC];
	_ =	sdelay $0x3  }
0x9a: {  	_ =	strace s4  }
0x9b: {  	s4 =	sld [smem:$0x3FFD];
	_ =	sdelay $0x3  }
0x9c: {  	_ =	strace s4  }
0x9d: {  	_ =	strace $0x8FFFFFFF  }
0x9e: {  	s19 =	sld [smem:$0x3FDB];
	_ =	sdelay $0x1  }
0x9f: {  	s5 =	simm.s32 $_scs_section_size  }
0xa0: {  	s6 =	simm.s32 $_size__tile_overlayer_lowered;
	s7 =	simm.s32 $_tile_overlayer_lowered  }
0xa1: {  	s22 =	simm.s32 $0x1BFF;
	s21 =	sshll.u32 s7, $0x1;
	s4 =	sadd.s32 s5, s19  }
0xa2: {  	s8 =	simm.s32 $0x0;
	s20 =	sshll.u32 s6, $0x1;
	s6 =	sadd.s32 s21, s4  }
0xa3: {  	[timem:s8], [sflag:s22] =	dma.local [hbm:s6], s20  }
0xa4: {  	_ =	swait.ge [sflag:s22], s20  }
0xa5: {  	s5 =	ssub.s32 $0x0, s20;
	[sflag:s22] =	ssyncset.done $0x0  }
0xa6: {  	[sflag:s22] =	ssyncadd.s32 s5;
	_ =	sdelay $0x1  }
0xa7: {  	s23 =	simm.s32 $0x1B8B  }
0xa8: {  	_ =	swait.ge [sflag:s23], $0x1  }
0xa9: {  	[sflag:s23] =	ssyncset.done $0x0  }
0xaa: {  	s25 =	simm.s32 $0x1B8E;
	s24 =	sld [smem:$0x3FFE];
	[sflag:s23] =	ssyncadd.s32 $0xFFFFFFFF  }
0xab: {  	s26 =	simm.s32 $execute0_lowered;
	[smem:$0x3FD2] =	sst s25  }
0xac: {  	s6 =	sshll.u32 s26, $0x1;
	_ =	strace $0x80000049;
	[dreg:$0x1] =	wrdreg $0xFFFFFFFF  }
0xad: {  	s28 =	simm.s32 $_size_execute0_lowered;
	s4 =	sadd.s32 s4, s6;
	[dreg:$0x0] =	wrdreg $0x0  }
0xae: {  	s6 =	sshll.u32 s28, $0x1;
	[dreg:$0x2] =	wrdreg s4  }
0xaf: {  	[dreg:$0x3] =	wrdreg s6  }
0xb0: {  	[dreg:$0x4] =	wrdreg $0xC0  }
0xb1: {  	_ =	task [dreg:s8], $0x5FFFF  }
0xb2: {  	[dreg:$0x1] =	wrdreg $0xFFFFFFFF  }
0xb3: {  	[dreg:$0x0] =	wrdreg $0x60  }
0xb4: {  	[dreg:$0x2] =	wrdreg s16  }
0xb5: {  	[dreg:$0x3] =	wrdreg s24  }
0xb6: {  	[dreg:$0x4] =	wrdreg s17  }
0xb7: {  	[dreg:$0x5] =	wrdreg $0x90000  }
0xb8: {  	[dreg:$0x6] =	wrdreg $0x1C8800  }
0xb9: {  	[dreg:$0x7] =	wrdreg $0x9  }
0xba: {  	_ =	task.clear_ibuf [dreg:s8], $0x8FFFF;
	_ =	strace $0x90000049  }
0xbb: {  	s29 =	simm.s32 $0x9;
	_ =	strace $0x8000004B  }
0xbc: {  	_ =	swait.ge [sflag:s29], $0x1  }
0xbd: {  	[sflag:s29] =	ssyncadd.s32 $0xFFFFFFFF  }
0xbe: {  	_ =	strace $0x9000004B  }
0xbf: {  	_ =	sfence  }
0xc0: {  	s30 =	sld [smem:$0x0];
	_ =	sdelay $0x2  }
0xc1: {  	s31 =	sshll.u32 s1, $0xD;
	s1 =	sshrl.u32 s1, $0x2  }
0xc2: {  	s3 =	sand.u32 $0x4000, s31;
	s1 =	sadd.s32 s1, s30  }
0xc3: {  	s0 =	sor.u32 s3, s0;
	s1 =	sshll.u32 s1, $0x11  }
0xc4: {  	s0 =	sor.u32 s1, s0  }
0xc5: {  	s0 =	sadd.s32 $0x8F2B, s0  }
0xc6: {  	[sflag:s0] =	ssyncadd.remote.s32 $0x1  }
0xc7: {  	_ =	sfence.sel $0xFFFF  }
0xc8: {  	[dreg:$0x0] =	wrdreg $0xFFFFFFFF;
	(pc) =	sbr.abs _section_cstart, $3  }
0xc9: {  	[dreg:$0x1] =	wrdreg $0xFFFFFFFF  }
0xca: {  	_ =	task.clear_ibuf [dreg:s8], $0x2FFFF;
	_ =	strace $0x9FFFFFFF  }
0xcb: {  	(tm) =	ssettm $0x7FFFFFFF  }
tec
execute0_lowered:
.L_overlay_start_1:
0x0: {  	(tag) =	ssettag $0x1  }
0x1: {  	s1 =	rddreg [dreg:$0x0]  }
0x2: {  	s10 =	rddreg [dreg:$0x1]  }
0x3: {  	s2 =	rddreg [dreg:$0x2]  }
0x4: {  	s3 =	rddreg [dreg:$0x3]  }
0x5: {  	s4 =	rddreg [dreg:$0x4]  }
0x6: {  	s6 =	srdreg.scid;
	s16 =	stileid.u32  }
0x7: {  	s5 =	simm.s32 $0x0;
	s23 =	simm.s32 $0x2;
	s24 =	simm.s32 $0x100  }
0x8: {  	s25 =	simm.s32 $0x180;
	s26 =	simm.s32 $0x0;
	s6 =	sand.u32 $0x1, s6  }
0x9: {  	s12 =	smul.u32 $0x280, s16;
	[smem:$0x7FF] =	sst s5;
	s7 =	sadd.s32 $0x3400, s10  }
0xa: {  	s8 =	sadd.s32 $0x16E00, s10;
	s9 =	sadd.s32 $0x3E00, s10;
	s13 =	sadd.s32 $0x20C00, s10  }
0xb: {  	s15 =	smul.u32 $0x13800, s16;
	s29 =	sshll.u32 s16, $0x6;
	s21 =	sadd.s32 $0x138000, s3  }
0xc: {  	p0 =	sne.s32 s16, $0x0;
	s11 =	smul.u32 $0x2800, s6;
	s14 =	ssub.s32 $0x2, s6  }
0xd: {  	_ =	strace $0x8000004A;
	s18 =	smul.u32 $0x138800, s6;
	s28 =	sshrl.u32 s14, $0x1  }
0xe: {  	s20 =	sadd.s32 s15, s3;
	s22 =	sadd.s32 s12, s4;
	s11 =	sadd.s32 s12, s11  }
0xf: {  	s19 =	ssub.s32 s14, s28;
	s30 =	sadd.s32 s15, s18;
	s31 =	sshrl.u32 s18, $0x3  }
0x10: {  	s18 =	sshrl.u32 @!p0 s21, $0x3;
	s21 =	simm.s32 $0x80;
	s11 =	sshrl.u32 s11, $0x3  }
.Ltmp0:
0x11: {  	s14 =	sshrl.u32 s30, $0x3;
	s15 =	smax.u32 s19, $0x1;
	(pc) =	sbr.rel .LBB2_1-.Ltmp0, $4  }
0x12: {  	s19 =	sshrl.u32 s22, $0x3;
	s22 =	simm.s32 $0x27100;
	s17 =	sadd.s32 s11, s10  }
0x13: {  	s10 =	sshll.u32 s16, $0x1;
	s11 =	sor.u32 $0x1C01, s29;
	s12 =	sadd.s32 s13, s14  }
0x14: {  	v0 =	vimm.s32 $0x0;
	vm0 =	vcmask $0x300;
	s13 =	sadd.s32 s13, s31;
	s16 =	sshrl.u32 s20, $0x3;
	s20 =	simm.s32 $0x4180  }
0x15: {  	v0 =	vsel vm0, $0x3, v0;
	s13 =	sadd.s32 $0x27000, s13;
	s14 =	sadd.s32 $0x4000, s17;
	s17 =	simm.s32 $0x1  }
.LBB2_7:
0x16: {  	[bflag:$0x0] =	sbarrier.arrive $0xFFFF  }
0x17: {  	[hbm:s12], [sflag:s11] =	dma.local [spmem:s16], $0x2700  }
0x18: {  	_ =	swait.ge [sflag:s17], $0x2700  }
0x19: {  	[sflag:s17] =	ssyncset.done $0x0  }
0x1a: {  	s0 =	simm.s32 @!p0 $0x1;
	[sflag:s17] =	ssyncadd.s32 $0xFFFFD900  }
0x1b: {  	[hbm:s13], [sflag:s11] =	dma.local @!p0 [spmem:s18], $0x100  }
0x1c: {  	s26 =	sadd.s32 $0x1, s26;
	_ =	swait.ge @!p0 [sflag:s0], $0x100  }
0x1d: {  	p1 =	sne.s32 s26, s15;
	[sflag:s0] =	ssyncset.done @!p0 $0x0  }
.Ltmp1:
0x1e: {  	[sflag:s0] =	ssyncadd.s32 @!p0 $0xFFFFFF00;
	(pc) =	sbr.rel @!p1 .LBB2_8-.Ltmp1, $4  }
0x1f: {  	[hbm:s14], [sflag:s11] =	dma.local [spmem:s19], $0x50  }
0x20: {  	_ =	swait.ge [sflag:s17], $0x50  }
0x21: {  	[sflag:s17] =	ssyncset.done $0x0  }
0x22: {  	[sflag:s17] =	ssyncadd.s32 $0xFFFFFFB0  }
.LBB2_1:
0x23: {  	[spmem:s16], [sflag:s11] =	dma.local [hbm:s2], $0x2700  }
0x24: {  	_ =	swait.ge [sflag:s17], $0x2700  }
0x25: {  	[sflag:s17] =	ssyncset.done $0x0  }
0x26: {  	s28 =	simm.s32 @!p0 $0x1;
	[sflag:s17] =	ssyncadd.s32 $0xFFFFD900  }
0x27: {  	[spmem:s18], [sflag:s11] =	dma.local @!p0 [hbm:s2], $0x100  }
0x28: {  	_ =	swait.ge @!p0 [sflag:s28], $0x100  }
0x29: {  	[sflag:s28] =	ssyncset.done @!p0 $0x0  }
0x2a: {  	[sflag:s28] =	ssyncadd.s32 @!p0 $0xFFFFFF00  }
0x2b: {  	[spmem:s19], [sflag:s11] =	dma.local [hbm:s9], $0x50  }
0x2c: {  	_ =	swait.ge [sflag:s17], $0x50  }
0x2d: {  	[sflag:s17] =	ssyncset.done $0x0  }
0x2e: {  	[sflag:s17] =	ssyncadd.s32 $0xFFFFFFB0  }
0x2f: {  	[tilespmem:s20], [sflag:$0x1] =	stream.linear.gather [hbm4b:s7+s5], $0x4E80, $0x38;
	[tilespmem:$0x1CB00] =	vst v63  }
.Ltmp2:
0x30: {  	_ =	swait.ge [sflag:s17], $0x4E80;
	(pc) =	sbr.rel .LBB2_2-.Ltmp2, $4  }
0x31: {  	[sflag:s17] =	ssyncset.done $0x0  }
0x32: {  	[sflag:s17] =	ssyncadd.s32 $0xFFFFB180  }
0x33: {  	[bflag:$0x0] =	sbarrier.arrive $0xFFFF  }
0x34: {  	s28 =	simm.s32 $0x0  }
.LBB2_6:
0x35: {  	s28 =	sadd.s32 $0x1, s28  }
0x36: {  	p1 =	sne.s32 s28, $0x28  }
.Ltmp3:
0x37: {  	_ = 	snop;
	(pc) =	sbr.rel @!p1 .LBB2_7-.Ltmp3, $1  }
0x38: {  	_ =	sdelay $0x3  }
.LBB2_2:
0x39: {  	s29 =	sshll.u32 s28, $0x5  }
0x3a: {  	s29 =	sor.u32 s10, s29  }
0x3b: {  	p1 =	sgt.u32 s29, $0x4E1  }
.Ltmp4:
0x3c: {  	_ = 	snop;
	(pc) =	sbr.rel @p1 .LBB2_6-.Ltmp4, $1  }
0x3d: {  	_ =	sdelay $0x3  }
0x3e: {  	s29 =	sor.u32 s6, s29  }
0x3f: {  	s29 =	sshll.u32 s29, $0x4  }
0x40: {  	s30 =	sadd.s32 s8, s29;
	s29 =	simm.s32 $0x0  }
0x41: {  	[tilespmem:s29], [sflag:$0x2] =	stream.strided.gather [hbm4b:s30+s21], $0x100, s22, s21, $0x38;
	[tilespmem:$0x1CB00] =	vst v63  }
0x42: {  	_ =	swait.ge [sflag:s23], $0x100  }
0x43: {  	[sflag:s23] =	ssyncset.done $0x0  }
0x44: {  	[sflag:s23] =	ssyncadd.s32 $0xFFFFFF00  }
0x45: {  	v1 =	vld [tilespmem:$0x0]  }
0x46: {  	v2 =	vld [tilespmem:$0x80];
	_ =	sdelay $0x4  }
0x47: {  	v1 =	vshll.u32 v1, $0x1;
	v2 =	vshll.u32 v2, $0x1  }
0x48: {  	v2 =	vor.u32 $0x1, v2;
	_ =	sdelay $0x3  }
0x49: {  	v1 =	vld.idx.msk [tilespmem:v1+s20+$0x0], $0xffff  }
0x4a: {  	v2 =	vld.idx.msk [tilespmem:v2+s20+$0x0], $0xffff;
	_ =	sdelay $0x4  }
0x4b: {  	v1 =	vadd.f32 v2, v1;
	_ =	sdelay $0x1  }
0x4c: {  	v2 =	vmul.f32 $2.000000030e-01, v1  }
0x4d: {  	vm0 =	vge.f32 v1, $0.0e+00  }
0x4e: {  	v1 =	vsel vm0, v1, v2  }
0x4f: {  	v1 =	vmul.f32 $1.442695020e+00, v1;
	_ =	sdelay $0x1  }
0x50: {  	v2 =	vld [tilespmem:$0x90];
	(erf) = vpow2.f32 v1  }
0x51: {  	v1 =	vld [tilespmem:$0x10];
	_ =	sdelay $0x4  }
0x52: {  	v2 =	vshll.u32 v2, $0x1;
	v1 =	vshll.u32 v1, $0x1  }
0x53: {  	v2 =	vor.u32 $0x1, v2;
	_ =	sdelay $0x1  }
0x54: {  	v3 =	vpop (erf)  }
0x55: {  	[tilespmem:$0x100] =	vst v3  }
0x56: {  	v1 =	vld.idx.msk [tilespmem:v1+s20+$0x0], $0xffff  }
0x57: {  	v2 =	vld.idx.msk [tilespmem:v2+s20+$0x0], $0xffff;
	_ =	sdelay $0x4  }
0x58: {  	v1 =	vadd.f32 v2, v1;
	_ =	sdelay $0x1  }
0x59: {  	v2 =	vmul.f32 $2.000000030e-01, v1  }
0x5a: {  	vm9 =	vge.f32 v1, $0.0e+00  }
0x5b: {  	v1 =	vsel vm9, v1, v2  }
0x5c: {  	v1 =	vmul.f32 $1.442695020e+00, v1;
	_ =	sdelay $0x1  }
0x5d: {  	v2 =	vld [tilespmem:$0xA0];
	(erf) = vpow2.f32 v1  }
0x5e: {  	v1 =	vld [tilespmem:$0x20];
	_ =	sdelay $0x4  }
0x5f: {  	v2 =	vshll.u32 v2, $0x1;
	v1 =	vshll.u32 v1, $0x1  }
0x60: {  	v2 =	vor.u32 $0x1, v2;
	_ =	sdelay $0x1  }
0x61: {  	v3 =	vpop (erf)  }
0x62: {  	[tilespmem:$0x110] =	vst v3  }
0x63: {  	v1 =	vld.idx.msk [tilespmem:v1+s20+$0x0], $0xffff  }
0x64: {  	v2 =	vld.idx.msk [tilespmem:v2+s20+$0x0], $0xffff;
	_ =	sdelay $0x4  }
0x65: {  	v1 =	vadd.f32 v2, v1;
	_ =	sdelay $0x1  }
0x66: {  	v2 =	vmul.f32 $2.000000030e-01, v1  }
0x67: {  	vm10 =	vge.f32 v1, $0.0e+00  }
0x68: {  	v1 =	vsel vm10, v1, v2  }
0x69: {  	v1 =	vmul.f32 $1.442695020e+00, v1;
	_ =	sdelay $0x1  }
0x6a: {  	v2 =	vld [tilespmem:$0xB0];
	(erf) = vpow2.f32 v1  }
0x6b: {  	v1 =	vld [tilespmem:$0x30];
	_ =	sdelay $0x4  }
0x6c: {  	v2 =	vshll.u32 v2, $0x1;
	v1 =	vshll.u32 v1, $0x1  }
0x6d: {  	v2 =	vor.u32 $0x1, v2;
	_ =	sdelay $0x1  }
0x6e: {  	v3 =	vpop (erf)  }
0x6f: {  	[tilespmem:$0x120] =	vst v3  }
0x70: {  	v1 =	vld.idx.msk [tilespmem:v1+s20+$0x0], $0xffff  }
0x71: {  	v2 =	vld.idx.msk [tilespmem:v2+s20+$0x0], $0xffff;
	_ =	sdelay $0x4  }
0x72: {  	v1 =	vadd.f32 v2, v1;
	_ =	sdelay $0x1  }
0x73: {  	v2 =	vmul.f32 $2.000000030e-01, v1  }
0x74: {  	vm11 =	vge.f32 v1, $0.0e+00  }
0x75: {  	v1 =	vsel vm11, v1, v2  }
0x76: {  	v1 =	vmul.f32 $1.442695020e+00, v1;
	_ =	sdelay $0x1  }
0x77: {  	v2 =	vld [tilespmem:$0xC0];
	(erf) = vpow2.f32 v1  }
0x78: {  	v1 =	vld [tilespmem:$0x40];
	_ =	sdelay $0x4  }
0x79: {  	v2 =	vshll.u32 v2, $0x1;
	v1 =	vshll.u32 v1, $0x1  }
0x7a: {  	v2 =	vor.u32 $0x1, v2;
	_ =	sdelay $0x1  }
0x7b: {  	v3 =	vpop (erf)  }
0x7c: {  	[tilespmem:$0x130] =	vst v3  }
0x7d: {  	v1 =	vld.idx.msk [tilespmem:v1+s20+$0x0], $0xffff  }
0x7e: {  	v2 =	vld.idx.msk [tilespmem:v2+s20+$0x0], $0xffff;
	_ =	sdelay $0x4  }
0x7f: {  	v1 =	vadd.f32 v2, v1;
	_ =	sdelay $0x1  }
0x80: {  	v2 =	vmul.f32 $2.000000030e-01, v1  }
0x81: {  	vm12 =	vge.f32 v1, $0.0e+00  }
0x82: {  	v1 =	vsel vm12, v1, v2  }
0x83: {  	v1 =	vmul.f32 $1.442695020e+00, v1;
	_ =	sdelay $0x1  }
0x84: {  	v2 =	vld [tilespmem:$0xD0];
	(erf) = vpow2.f32 v1  }
0x85: {  	v1 =	vld [tilespmem:$0x50];
	_ =	sdelay $0x4  }
0x86: {  	v2 =	vshll.u32 v2, $0x1;
	v1 =	vshll.u32 v1, $0x1  }
0x87: {  	v2 =	vor.u32 $0x1, v2;
	_ =	sdelay $0x1  }
0x88: {  	v3 =	vpop (erf)  }
0x89: {  	[tilespmem:$0x140] =	vst v3  }
0x8a: {  	v1 =	vld.idx.msk [tilespmem:v1+s20+$0x0], $0xffff  }
0x8b: {  	v2 =	vld.idx.msk [tilespmem:v2+s20+$0x0], $0xffff;
	_ =	sdelay $0x4  }
0x8c: {  	v1 =	vadd.f32 v2, v1;
	_ =	sdelay $0x1  }
0x8d: {  	v2 =	vmul.f32 $2.000000030e-01, v1  }
0x8e: {  	vm13 =	vge.f32 v1, $0.0e+00  }
0x8f: {  	v1 =	vsel vm13, v1, v2  }
0x90: {  	v1 =	vmul.f32 $1.442695020e+00, v1;
	_ =	sdelay $0x1  }
0x91: {  	v2 =	vld [tilespmem:$0xE0];
	(erf) = vpow2.f32 v1  }
0x92: {  	v1 =	vld [tilespmem:$0x60];
	_ =	sdelay $0x4  }
0x93: {  	v2 =	vshll.u32 v2, $0x1;
	v1 =	vshll.u32 v1, $0x1  }
0x94: {  	v2 =	vor.u32 $0x1, v2;
	_ =	sdelay $0x1  }
0x95: {  	v3 =	vpop (erf)  }
0x96: {  	[tilespmem:$0x150] =	vst v3  }
0x97: {  	v1 =	vld.idx.msk [tilespmem:v1+s20+$0x0], $0xffff  }
0x98: {  	v2 =	vld.idx.msk [tilespmem:v2+s20+$0x0], $0xffff;
	_ =	sdelay $0x4  }
0x99: {  	v1 =	vadd.f32 v2, v1;
	_ =	sdelay $0x1  }
0x9a: {  	v2 =	vmul.f32 $2.000000030e-01, v1  }
0x9b: {  	vm14 =	vge.f32 v1, $0.0e+00  }
0x9c: {  	v1 =	vsel vm14, v1, v2  }
0x9d: {  	v1 =	vmul.f32 $1.442695020e+00, v1;
	_ =	sdelay $0x1  }
0x9e: {  	v2 =	vld [tilespmem:$0xF0];
	(erf) = vpow2.f32 v1  }
0x9f: {  	v1 =	vld [tilespmem:$0x70];
	_ =	sdelay $0x4  }
0xa0: {  	v2 =	vshll.u32 v2, $0x1;
	v1 =	vshll.u32 v1, $0x1  }
0xa1: {  	v2 =	vor.u32 $0x1, v2;
	_ =	sdelay $0x1  }
0xa2: {  	v3 =	vpop (erf)  }
0xa3: {  	[tilespmem:$0x160] =	vst v3  }
0xa4: {  	v1 =	vld.idx.msk [tilespmem:v1+s20+$0x0], $0xffff  }
0xa5: {  	v2 =	vld.idx.msk [tilespmem:v2+s20+$0x0], $0xffff;
	_ =	sdelay $0x4  }
0xa6: {  	v1 =	vadd.f32 v2, v1;
	_ =	sdelay $0x1  }
0xa7: {  	v2 =	vmul.f32 $2.000000030e-01, v1  }
0xa8: {  	vm15 =	vge.f32 v1, $0.0e+00  }
0xa9: {  	v1 =	vsel vm15, v1, v2  }
0xaa: {  	v1 =	vmul.f32 $1.442695020e+00, v1;
	_ =	sdelay $0x1  }
0xab: {  	(erf) = vpow2.f32 v1;
	_ =	sdelay $0x8  }
0xac: {  	v1 =	vpop (erf)  }
0xad: {  	[tilespmem:$0x170] =	vst v1  }
0xae: {  	[spmem:s4] =	stream.indirect.scatter.add.f32 [tilespmem:s24], [sflag:$0x2], $0x1, s21, s21, $0xb8;
	[tilespmem:$0x1CB00] =	vst v63  }
0xaf: {  	_ =	swait.ge [sflag:s23], $0x80  }
0xb0: {  	[sflag:s23] =	ssyncset.done $0x0  }
0xb1: {  	[sflag:s23] =	ssyncadd.s32 $0xFFFFFF80  }
0xb2: {  	[tilespmem:s25], [sflag:$0x2] =	stream.indirect.gather [hbm4b:s1+s21], $0x80, s29, s21, $0xb8;
	[tilespmem:$0x1CB00] =	vst v63  }
0xb3: {  	_ =	swait.ge [sflag:s23], $0x4000  }
0xb4: {  	[sflag:s23] =	ssyncset.done $0x0  }
0xb5: {  	[sflag:s23] =	ssyncadd.s32 $0xFFFFC000  }
.LBB2_4:
0xb6: {  	s30 =	sshll.u32 s29, $0x4  }
0xb7: {  	v1 =	vmov s30  }
0xb8: {  	v1 =	vshrl.u32 v1, $0x3  }
0xb9: {  	v1 =	vshll.u32 v1, v0  }
0xba: {  	v1 =	vbroadcast v1, $0x0;
	_ =	sdelay $0x2  }
0xbb: {  	s31 =	sshll.u32 s29, $0xB  }
0xbc: {  	s31 =	sand.u32 $0x3FFFF800, s31  }
0xbd: {  	v2 =	vld [tilespmem:s31+$0x180]  }
0xbe: {  	v1 =	vld.idx.msk [tilespmem:v1+s24+$0x0], $0xffff  }
0xbf: {  	v3 =	vld [tilespmem:s31+$0x190]  }
0xc0: {  	v4 =	vld [tilespmem:s31+$0x1A0]  }
0xc1: {  	v5 =	vld [tilespmem:s31+$0x1B0]  }
0xc2: {  	s0 =	sor.u32 $0x1, s30;
	v6 =	vld [tilespmem:s31+$0x1C0]  }
0xc3: {  	v7 =	vld [tilespmem:s31+$0x1D0];
	v8 =	vmov s0;
	v2 =	vmul.f32 v2, v1  }
0xc4: {  	v9 =	vld [tilespmem:s31+$0x1E0];
	v8 =	vshrl.u32 v8, $0x3;
	v3 =	vmul.f32 v3, v1  }
0xc5: {  	v48 =	vld [tilespmem:s31+$0x1F0];
	v8 =	vshll.u32 v8, v0;
	[tilespmem:s31+$0x180] =	vst v2;
	v2 =	vmul.f32 v4, v1  }
0xc6: {  	v49 =	vor.u32 $0x1, v8;
	[tilespmem:s31+$0x190] =	vst v3;
	v3 =	vmul.f32 v5, v1  }
0xc7: {  	v5 =	vbroadcast v49, $0x0;
	[tilespmem:s31+$0x1A0] =	vst v2;
	v2 =	vmul.f32 v6, v1  }
0xc8: {  	[tilespmem:s31+$0x1B0] =	vst v3;
	v3 =	vmul.f32 v7, v1  }
0xc9: {  	[tilespmem:s31+$0x1C0] =	vst v2;
	v2 =	vmul.f32 v9, v1  }
0xca: {  	[tilespmem:s31+$0x1D0] =	vst v3;
	v1 =	vmul.f32 v48, v1  }
0xcb: {  	[tilespmem:s31+$0x1E0] =	vst v2  }
0xcc: {  	s0 =	sshll.u32 s0, $0x7;
	[tilespmem:s31+$0x1F0] =	vst v1  }
0xcd: {  	s0 =	sand.u32 $0x3FFFF880, s0;
	v1 =	vld.idx.msk [tilespmem:v5+s24+$0x0], $0xffff  }
0xce: {  	v2 =	vld [tilespmem:s0+$0x180]  }
0xcf: {  	v3 =	vld [tilespmem:s0+$0x190]  }
0xd0: {  	v50 =	vld [tilespmem:s0+$0x1A0]  }
0xd1: {  	v51 =	vld [tilespmem:s0+$0x1B0]  }
0xd2: {  	s31 =	sor.u32 $0x2, s30;
	v52 =	vld [tilespmem:s0+$0x1C0]  }
0xd3: {  	v53 =	vld [tilespmem:s0+$0x1D0];
	v54 =	vmov s31;
	v2 =	vmul.f32 v2, v1  }
0xd4: {  	v55 =	vld [tilespmem:s0+$0x1E0];
	v8 =	vshrl.u32 v54, $0x3;
	v3 =	vmul.f32 v3, v1  }
0xd5: {  	v56 =	vld [tilespmem:s0+$0x1F0];
	v8 =	vshll.u32 v8, v0;
	[tilespmem:s0+$0x180] =	vst v2;
	v2 =	vmul.f32 v50, v1  }
0xd6: {  	v57 =	vadd.s32 $0x2, v8;
	[tilespmem:s0+$0x190] =	vst v3;
	v3 =	vmul.f32 v51, v1  }
0xd7: {  	v5 =	vbroadcast v57, $0x0;
	[tilespmem:s0+$0x1A0] =	vst v2;
	v2 =	vmul.f32 v52, v1  }
0xd8: {  	[tilespmem:s0+$0x1B0] =	vst v3;
	v3 =	vmul.f32 v53, v1  }
0xd9: {  	[tilespmem:s0+$0x1C0] =	vst v2;
	v2 =	vmul.f32 v55, v1  }
0xda: {  	[tilespmem:s0+$0x1D0] =	vst v3;
	v1 =	vmul.f32 v56, v1  }
0xdb: {  	[tilespmem:s0+$0x1E0] =	vst v2  }
0xdc: {  	s31 =	sshll.u32 s31, $0x7;
	[tilespmem:s0+$0x1F0] =	vst v1  }
0xdd: {  	s0 =	sand.u32 $0x3FFFF900, s31;
	v1 =	vld.idx.msk [tilespmem:v5+s24+$0x0], $0xffff  }
0xde: {  	v2 =	vld [tilespmem:s0+$0x180]  }
0xdf: {  	v3 =	vld [tilespmem:s0+$0x190]  }
0xe0: {  	v58 =	vld [tilespmem:s0+$0x1A0]  }
0xe1: {  	v59 =	vld [tilespmem:s0+$0x1B0]  }
0xe2: {  	s31 =	sor.u32 $0x3, s30;
	v60 =	vld [tilespmem:s0+$0x1C0]  }
0xe3: {  	v61 =	vld [tilespmem:s0+$0x1D0];
	v62 =	vmov s31;
	v2 =	vmul.f32 v2, v1  }
0xe4: {  	v63 =	vld [tilespmem:s0+$0x1E0];
	v8 =	vshrl.u32 v62, $0x3;
	v3 =	vmul.f32 v3, v1  }
0xe5: {  	v12 =	vld [tilespmem:s0+$0x1F0];
	v8 =	vshll.u32 v8, v0;
	[tilespmem:s0+$0x180] =	vst v2;
	v2 =	vmul.f32 v58, v1  }
0xe6: {  	v13 =	vadd.s32 $0x3, v8;
	[tilespmem:s0+$0x190] =	vst v3;
	v3 =	vmul.f32 v59, v1  }
0xe7: {  	v5 =	vbroadcast v13, $0x0;
	[tilespmem:s0+$0x1A0] =	vst v2;
	v2 =	vmul.f32 v60, v1  }
0xe8: {  	[tilespmem:s0+$0x1B0] =	vst v3;
	v3 =	vmul.f32 v61, v1  }
0xe9: {  	[tilespmem:s0+$0x1C0] =	vst v2;
	v2 =	vmul.f32 v63, v1  }
0xea: {  	[tilespmem:s0+$0x1D0] =	vst v3;
	v1 =	vmul.f32 v12, v1  }
0xeb: {  	[tilespmem:s0+$0x1E0] =	vst v2  }
0xec: {  	s31 =	sshll.u32 s31, $0x7;
	[tilespmem:s0+$0x1F0] =	vst v1  }
0xed: {  	s0 =	sand.u32 $0x3FFFF980, s31;
	v1 =	vld.idx.msk [tilespmem:v5+s24+$0x0], $0xffff  }
0xee: {  	v2 =	vld [tilespmem:s0+$0x180]  }
0xef: {  	v3 =	vld [tilespmem:s0+$0x190]  }
0xf0: {  	v14 =	vld [tilespmem:s0+$0x1A0]  }
0xf1: {  	v15 =	vld [tilespmem:s0+$0x1B0]  }
0xf2: {  	s31 =	sor.u32 $0x4, s30;
	v16 =	vld [tilespmem:s0+$0x1C0]  }
0xf3: {  	v17 =	vld [tilespmem:s0+$0x1D0];
	v18 =	vmov s31;
	v2 =	vmul.f32 v2, v1  }
0xf4: {  	v19 =	vld [tilespmem:s0+$0x1E0];
	v8 =	vshrl.u32 v18, $0x3;
	v3 =	vmul.f32 v3, v1  }
0xf5: {  	v20 =	vld [tilespmem:s0+$0x1F0];
	v8 =	vshll.u32 v8, v0;
	[tilespmem:s0+$0x180] =	vst v2;
	v2 =	vmul.f32 v14, v1  }
0xf6: {  	v21 =	vadd.s32 $0x4, v8;
	[tilespmem:s0+$0x190] =	vst v3;
	v3 =	vmul.f32 v15, v1  }
0xf7: {  	v5 =	vbroadcast v21, $0x0;
	[tilespmem:s0+$0x1A0] =	vst v2;
	v2 =	vmul.f32 v16, v1  }
0xf8: {  	[tilespmem:s0+$0x1B0] =	vst v3;
	v3 =	vmul.f32 v17, v1  }
0xf9: {  	[tilespmem:s0+$0x1C0] =	vst v2;
	v2 =	vmul.f32 v19, v1  }
0xfa: {  	[tilespmem:s0+$0x1D0] =	vst v3;
	v1 =	vmul.f32 v20, v1  }
0xfb: {  	[tilespmem:s0+$0x1E0] =	vst v2  }
0xfc: {  	s31 =	sshll.u32 s31, $0x7;
	[tilespmem:s0+$0x1F0] =	vst v1  }
0xfd: {  	s0 =	sand.u32 $0x3FFFFA00, s31;
	v1 =	vld.idx.msk [tilespmem:v5+s24+$0x0], $0xffff  }
0xfe: {  	v2 =	vld [tilespmem:s0+$0x180]  }
0xff: {  	v3 =	vld [tilespmem:s0+$0x190]  }
0x100: {  	v22 =	vld [tilespmem:s0+$0x1A0]  }
0x101: {  	v23 =	vld [tilespmem:s0+$0x1B0]  }
0x102: {  	s31 =	sor.u32 $0x5, s30;
	v24 =	vld [tilespmem:s0+$0x1C0]  }
0x103: {  	v25 =	vld [tilespmem:s0+$0x1D0];
	v26 =	vmov s31;
	v2 =	vmul.f32 v2, v1  }
0x104: {  	v27 =	vld [tilespmem:s0+$0x1E0];
	v8 =	vshrl.u32 v26, $0x3;
	v3 =	vmul.f32 v3, v1  }
0x105: {  	v28 =	vld [tilespmem:s0+$0x1F0];
	v8 =	vshll.u32 v8, v0;
	[tilespmem:s0+$0x180] =	vst v2;
	v2 =	vmul.f32 v22, v1  }
0x106: {  	v29 =	vadd.s32 $0x5, v8;
	[tilespmem:s0+$0x190] =	vst v3;
	v3 =	vmul.f32 v23, v1  }
0x107: {  	v5 =	vbroadcast v29, $0x0;
	[tilespmem:s0+$0x1A0] =	vst v2;
	v2 =	vmul.f32 v24, v1  }
0x108: {  	[tilespmem:s0+$0x1B0] =	vst v3;
	v3 =	vmul.f32 v25, v1  }
0x109: {  	[tilespmem:s0+$0x1C0] =	vst v2;
	v2 =	vmul.f32 v27, v1  }
0x10a: {  	[tilespmem:s0+$0x1D0] =	vst v3;
	v1 =	vmul.f32 v28, v1  }
0x10b: {  	[tilespmem:s0+$0x1E0] =	vst v2  }
0x10c: {  	s31 =	sshll.u32 s31, $0x7;
	[tilespmem:s0+$0x1F0] =	vst v1  }
0x10d: {  	s0 =	sand.u32 $0x3FFFFA80, s31;
	v1 =	vld.idx.msk [tilespmem:v5+s24+$0x0], $0xffff  }
0x10e: {  	v2 =	vld [tilespmem:s0+$0x180]  }
0x10f: {  	v3 =	vld [tilespmem:s0+$0x190]  }
0x110: {  	v30 =	vld [tilespmem:s0+$0x1A0]  }
0x111: {  	v31 =	vld [tilespmem:s0+$0x1B0]  }
0x112: {  	s31 =	sor.u32 $0x6, s30;
	v32 =	vld [tilespmem:s0+$0x1C0]  }
0x113: {  	v33 =	vld [tilespmem:s0+$0x1D0];
	v34 =	vmov s31;
	v2 =	vmul.f32 v2, v1  }
0x114: {  	v35 =	vld [tilespmem:s0+$0x1E0];
	v8 =	vshrl.u32 v34, $0x3;
	v3 =	vmul.f32 v3, v1  }
0x115: {  	v36 =	vld [tilespmem:s0+$0x1F0];
	v8 =	vshll.u32 v8, v0;
	[tilespmem:s0+$0x180] =	vst v2;
	v2 =	vmul.f32 v30, v1  }
0x116: {  	v37 =	vadd.s32 $0x6, v8;
	[tilespmem:s0+$0x190] =	vst v3;
	v3 =	vmul.f32 v31, v1  }
0x117: {  	v5 =	vbroadcast v37, $0x0;
	[tilespmem:s0+$0x1A0] =	vst v2;
	v2 =	vmul.f32 v32, v1  }
0x118: {  	[tilespmem:s0+$0x1B0] =	vst v3;
	v3 =	vmul.f32 v33, v1  }
0x119: {  	[tilespmem:s0+$0x1C0] =	vst v2;
	v2 =	vmul.f32 v35, v1  }
0x11a: {  	[tilespmem:s0+$0x1D0] =	vst v3;
	v1 =	vmul.f32 v36, v1  }
0x11b: {  	[tilespmem:s0+$0x1E0] =	vst v2  }
0x11c: {  	s31 =	sshll.u32 s31, $0x7;
	[tilespmem:s0+$0x1F0] =	vst v1  }
0x11d: {  	s0 =	sand.u32 $0x3FFFFB00, s31;
	v1 =	vld.idx.msk [tilespmem:v5+s24+$0x0], $0xffff  }
0x11e: {  	v2 =	vld [tilespmem:s0+$0x180]  }
0x11f: {  	v3 =	vld [tilespmem:s0+$0x190]  }
0x120: {  	v38 =	vld [tilespmem:s0+$0x1A0]  }
0x121: {  	v39 =	vld [tilespmem:s0+$0x1B0]  }
0x122: {  	s31 =	sor.u32 $0x7, s30;
	v40 =	vld [tilespmem:s0+$0x1C0]  }
0x123: {  	v41 =	vld [tilespmem:s0+$0x1D0];
	v42 =	vmov s31;
	v2 =	vmul.f32 v2, v1  }
0x124: {  	v43 =	vld [tilespmem:s0+$0x1E0];
	v8 =	vshrl.u32 v42, $0x3;
	v3 =	vmul.f32 v3, v1  }
0x125: {  	v44 =	vld [tilespmem:s0+$0x1F0];
	v8 =	vshll.u32 v8, v0;
	[tilespmem:s0+$0x180] =	vst v2;
	v2 =	vmul.f32 v38, v1  }
0x126: {  	v45 =	vadd.s32 $0x7, v8;
	[tilespmem:s0+$0x190] =	vst v3;
	v3 =	vmul.f32 v39, v1  }
0x127: {  	v5 =	vbroadcast v45, $0x0;
	[tilespmem:s0+$0x1A0] =	vst v2;
	v2 =	vmul.f32 v40, v1  }
0x128: {  	[tilespmem:s0+$0x1B0] =	vst v3;
	v3 =	vmul.f32 v41, v1  }
0x129: {  	[tilespmem:s0+$0x1C0] =	vst v2;
	v2 =	vmul.f32 v43, v1  }
0x12a: {  	[tilespmem:s0+$0x1D0] =	vst v3;
	v1 =	vmul.f32 v44, v1  }
0x12b: {  	[tilespmem:s0+$0x1E0] =	vst v2  }
0x12c: {  	s31 =	sshll.u32 s31, $0x7;
	[tilespmem:s0+$0x1F0] =	vst v1  }
0x12d: {  	s0 =	sand.u32 $0x3FFFFB80, s31;
	v1 =	vld.idx.msk [tilespmem:v5+s24+$0x0], $0xffff  }
0x12e: {  	v2 =	vld [tilespmem:s0+$0x180]  }
0x12f: {  	v3 =	vld [tilespmem:s0+$0x190]  }
0x130: {  	v46 =	vld [tilespmem:s0+$0x1A0]  }
0x131: {  	v47 =	vld [tilespmem:s0+$0x1B0]  }
0x132: {  	v48 =	vld [tilespmem:s0+$0x1C0]  }
0x133: {  	s31 =	sor.u32 $0x8, s30;
	v49 =	vld [tilespmem:s0+$0x1D0];
	v2 =	vmul.f32 v2, v1  }
0x134: {  	v50 =	vld [tilespmem:s0+$0x1E0];
	v51 =	vmov s31;
	v3 =	vmul.f32 v3, v1  }
0x135: {  	v52 =	vld [tilespmem:s0+$0x1F0];
	v9 =	vshrl.u32 v51, $0x3;
	[tilespmem:s0+$0x180] =	vst v2;
	v2 =	vmul.f32 v46, v1  }
0x136: {  	v53 =	vshll.u32 v9, v0;
	[tilespmem:s0+$0x190] =	vst v3;
	v3 =	vmul.f32 v47, v1  }
0x137: {  	v5 =	vbroadcast v53, $0x0;
	[tilespmem:s0+$0x1A0] =	vst v2;
	v2 =	vmul.f32 v48, v1  }
0x138: {  	[tilespmem:s0+$0x1B0] =	vst v3;
	v3 =	vmul.f32 v49, v1  }
0x139: {  	[tilespmem:s0+$0x1C0] =	vst v2;
	v2 =	vmul.f32 v50, v1  }
0x13a: {  	[tilespmem:s0+$0x1D0] =	vst v3;
	v1 =	vmul.f32 v52, v1  }
0x13b: {  	[tilespmem:s0+$0x1E0] =	vst v2  }
0x13c: {  	s31 =	sshll.u32 s31, $0x7;
	[tilespmem:s0+$0x1F0] =	vst v1  }
0x13d: {  	s0 =	sand.u32 $0x3FFFFC00, s31;
	v1 =	vld.idx.msk [tilespmem:v5+s24+$0x0], $0xffff  }
0x13e: {  	v2 =	vld [tilespmem:s0+$0x180]  }
0x13f: {  	v3 =	vld [tilespmem:s0+$0x190]  }
0x140: {  	v54 =	vld [tilespmem:s0+$0x1A0]  }
0x141: {  	v55 =	vld [tilespmem:s0+$0x1B0]  }
0x142: {  	s31 =	sor.u32 $0x9, s30;
	v56 =	vld [tilespmem:s0+$0x1C0]  }
0x143: {  	v57 =	vld [tilespmem:s0+$0x1D0];
	v58 =	vmov s31;
	v2 =	vmul.f32 v2, v1  }
0x144: {  	v59 =	vld [tilespmem:s0+$0x1E0];
	v8 =	vshrl.u32 v58, $0x3;
	v3 =	vmul.f32 v3, v1  }
0x145: {  	v60 =	vld [tilespmem:s0+$0x1F0];
	v8 =	vshll.u32 v8, v0;
	[tilespmem:s0+$0x180] =	vst v2;
	v2 =	vmul.f32 v54, v1  }
0x146: {  	v61 =	vadd.s32 $0x1, v8;
	[tilespmem:s0+$0x190] =	vst v3;
	v3 =	vmul.f32 v55, v1  }
0x147: {  	v5 =	vbroadcast v61, $0x0;
	[tilespmem:s0+$0x1A0] =	vst v2;
	v2 =	vmul.f32 v56, v1  }
0x148: {  	[tilespmem:s0+$0x1B0] =	vst v3;
	v3 =	vmul.f32 v57, v1  }
0x149: {  	[tilespmem:s0+$0x1C0] =	vst v2;
	v2 =	vmul.f32 v59, v1  }
0x14a: {  	[tilespmem:s0+$0x1D0] =	vst v3;
	v1 =	vmul.f32 v60, v1  }
0x14b: {  	[tilespmem:s0+$0x1E0] =	vst v2  }
0x14c: {  	s31 =	sshll.u32 s31, $0x7;
	[tilespmem:s0+$0x1F0] =	vst v1  }
0x14d: {  	s0 =	sand.u32 $0x3FFFFC80, s31;
	v1 =	vld.idx.msk [tilespmem:v5+s24+$0x0], $0xffff  }
0x14e: {  	v2 =	vld [tilespmem:s0+$0x180]  }
0x14f: {  	v3 =	vld [tilespmem:s0+$0x190]  }
0x150: {  	v62 =	vld [tilespmem:s0+$0x1A0]  }
0x151: {  	v63 =	vld [tilespmem:s0+$0x1B0]  }
0x152: {  	s31 =	sor.u32 $0xA, s30;
	v12 =	vld [tilespmem:s0+$0x1C0]  }
0x153: {  	v13 =	vld [tilespmem:s0+$0x1D0];
	v14 =	vmov s31;
	v2 =	vmul.f32 v2, v1  }
0x154: {  	v15 =	vld [tilespmem:s0+$0x1E0];
	v8 =	vshrl.u32 v14, $0x3;
	v3 =	vmul.f32 v3, v1  }
0x155: {  	v16 =	vld [tilespmem:s0+$0x1F0];
	v8 =	vshll.u32 v8, v0;
	[tilespmem:s0+$0x180] =	vst v2;
	v2 =	vmul.f32 v62, v1  }
0x156: {  	v17 =	vadd.s32 $0x2, v8;
	[tilespmem:s0+$0x190] =	vst v3;
	v3 =	vmul.f32 v63, v1  }
0x157: {  	v5 =	vbroadcast v17, $0x0;
	[tilespmem:s0+$0x1A0] =	vst v2;
	v2 =	vmul.f32 v12, v1  }
0x158: {  	[tilespmem:s0+$0x1B0] =	vst v3;
	v3 =	vmul.f32 v13, v1  }
0x159: {  	[tilespmem:s0+$0x1C0] =	vst v2;
	v2 =	vmul.f32 v15, v1  }
0x15a: {  	[tilespmem:s0+$0x1D0] =	vst v3;
	v1 =	vmul.f32 v16, v1  }
0x15b: {  	[tilespmem:s0+$0x1E0] =	vst v2  }
0x15c: {  	s31 =	sshll.u32 s31, $0x7;
	[tilespmem:s0+$0x1F0] =	vst v1  }
0x15d: {  	s0 =	sand.u32 $0x3FFFFD00, s31;
	v1 =	vld.idx.msk [tilespmem:v5+s24+$0x0], $0xffff  }
0x15e: {  	v2 =	vld [tilespmem:s0+$0x180]  }
0x15f: {  	v3 =	vld [tilespmem:s0+$0x190]  }
0x160: {  	v18 =	vld [tilespmem:s0+$0x1A0]  }
0x161: {  	v19 =	vld [tilespmem:s0+$0x1B0]  }
0x162: {  	s31 =	sor.u32 $0xB, s30;
	v20 =	vld [tilespmem:s0+$0x1C0]  }
0x163: {  	v21 =	vld [tilespmem:s0+$0x1D0];
	v22 =	vmov s31;
	v2 =	vmul.f32 v2, v1  }
0x164: {  	v23 =	vld [tilespmem:s0+$0x1E0];
	v8 =	vshrl.u32 v22, $0x3;
	v3 =	vmul.f32 v3, v1  }
0x165: {  	v24 =	vld [tilespmem:s0+$0x1F0];
	v8 =	vshll.u32 v8, v0;
	[tilespmem:s0+$0x180] =	vst v2;
	v2 =	vmul.f32 v18, v1  }
0x166: {  	v25 =	vadd.s32 $0x3, v8;
	[tilespmem:s0+$0x190] =	vst v3;
	v3 =	vmul.f32 v19, v1  }
0x167: {  	v5 =	vbroadcast v25, $0x0;
	[tilespmem:s0+$0x1A0] =	vst v2;
	v2 =	vmul.f32 v20, v1  }
0x168: {  	[tilespmem:s0+$0x1B0] =	vst v3;
	v3 =	vmul.f32 v21, v1  }
0x169: {  	[tilespmem:s0+$0x1C0] =	vst v2;
	v2 =	vmul.f32 v23, v1  }
0x16a: {  	[tilespmem:s0+$0x1D0] =	vst v3;
	v1 =	vmul.f32 v24, v1  }
0x16b: {  	[tilespmem:s0+$0x1E0] =	vst v2  }
0x16c: {  	s31 =	sshll.u32 s31, $0x7;
	[tilespmem:s0+$0x1F0] =	vst v1  }
0x16d: {  	s0 =	sand.u32 $0x3FFFFD80, s31;
	v1 =	vld.idx.msk [tilespmem:v5+s24+$0x0], $0xffff  }
0x16e: {  	v2 =	vld [tilespmem:s0+$0x180]  }
0x16f: {  	v3 =	vld [tilespmem:s0+$0x190]  }
0x170: {  	v26 =	vld [tilespmem:s0+$0x1A0]  }
0x171: {  	v27 =	vld [tilespmem:s0+$0x1B0]  }
0x172: {  	s31 =	sor.u32 $0xC, s30;
	v28 =	vld [tilespmem:s0+$0x1C0]  }
0x173: {  	v29 =	vld [tilespmem:s0+$0x1D0];
	v30 =	vmov s31;
	v2 =	vmul.f32 v2, v1  }
0x174: {  	v31 =	vld [tilespmem:s0+$0x1E0];
	v8 =	vshrl.u32 v30, $0x3;
	v3 =	vmul.f32 v3, v1  }
0x175: {  	v32 =	vld [tilespmem:s0+$0x1F0];
	v8 =	vshll.u32 v8, v0;
	[tilespmem:s0+$0x180] =	vst v2;
	v2 =	vmul.f32 v26, v1  }
0x176: {  	v33 =	vadd.s32 $0x4, v8;
	[tilespmem:s0+$0x190] =	vst v3;
	v3 =	vmul.f32 v27, v1  }
0x177: {  	v5 =	vbroadcast v33, $0x0;
	[tilespmem:s0+$0x1A0] =	vst v2;
	v2 =	vmul.f32 v28, v1  }
0x178: {  	[tilespmem:s0+$0x1B0] =	vst v3;
	v3 =	vmul.f32 v29, v1  }
0x179: {  	[tilespmem:s0+$0x1C0] =	vst v2;
	v2 =	vmul.f32 v31, v1  }
0x17a: {  	[tilespmem:s0+$0x1D0] =	vst v3;
	v1 =	vmul.f32 v32, v1  }
0x17b: {  	[tilespmem:s0+$0x1E0] =	vst v2  }
0x17c: {  	s31 =	sshll.u32 s31, $0x7;
	[tilespmem:s0+$0x1F0] =	vst v1  }
0x17d: {  	s0 =	sand.u32 $0x3FFFFE00, s31;
	v1 =	vld.idx.msk [tilespmem:v5+s24+$0x0], $0xffff  }
0x17e: {  	v2 =	vld [tilespmem:s0+$0x180]  }
0x17f: {  	v3 =	vld [tilespmem:s0+$0x190]  }
0x180: {  	v34 =	vld [tilespmem:s0+$0x1A0]  }
0x181: {  	v35 =	vld [tilespmem:s0+$0x1B0]  }
0x182: {  	s31 =	sor.u32 $0xD, s30;
	v36 =	vld [tilespmem:s0+$0x1C0]  }
0x183: {  	v37 =	vld [tilespmem:s0+$0x1D0];
	v38 =	vmov s31;
	v2 =	vmul.f32 v2, v1  }
0x184: {  	v39 =	vld [tilespmem:s0+$0x1E0];
	v8 =	vshrl.u32 v38, $0x3;
	v3 =	vmul.f32 v3, v1  }
0x185: {  	v40 =	vld [tilespmem:s0+$0x1F0];
	v8 =	vshll.u32 v8, v0;
	[tilespmem:s0+$0x180] =	vst v2;
	v2 =	vmul.f32 v34, v1  }
0x186: {  	v41 =	vadd.s32 $0x5, v8;
	[tilespmem:s0+$0x190] =	vst v3;
	v3 =	vmul.f32 v35, v1  }
0x187: {  	v5 =	vbroadcast v41, $0x0;
	[tilespmem:s0+$0x1A0] =	vst v2;
	v2 =	vmul.f32 v36, v1  }
0x188: {  	[tilespmem:s0+$0x1B0] =	vst v3;
	v3 =	vmul.f32 v37, v1  }
0x189: {  	[tilespmem:s0+$0x1C0] =	vst v2;
	v2 =	vmul.f32 v39, v1  }
0x18a: {  	[tilespmem:s0+$0x1D0] =	vst v3;
	v1 =	vmul.f32 v40, v1  }
0x18b: {  	[tilespmem:s0+$0x1E0] =	vst v2  }
0x18c: {  	s31 =	sshll.u32 s31, $0x7;
	[tilespmem:s0+$0x1F0] =	vst v1  }
0x18d: {  	s0 =	sand.u32 $0x3FFFFE80, s31;
	v1 =	vld.idx.msk [tilespmem:v5+s24+$0x0], $0xffff  }
0x18e: {  	v2 =	vld [tilespmem:s0+$0x180]  }
0x18f: {  	v3 =	vld [tilespmem:s0+$0x190]  }
0x190: {  	v42 =	vld [tilespmem:s0+$0x1A0]  }
0x191: {  	v43 =	vld [tilespmem:s0+$0x1B0]  }
0x192: {  	s30 =	sor.u32 $0xE, s30;
	v44 =	vld [tilespmem:s0+$0x1C0]  }
0x193: {  	v46 =	vmov s30;
	v45 =	vld [tilespmem:s0+$0x1D0];
	v2 =	vmul.f32 v2, v1  }
0x194: {  	v8 =	vshrl.u32 v46, $0x3;
	v47 =	vld [tilespmem:s0+$0x1E0];
	v3 =	vmul.f32 v3, v1  }
0x195: {  	v8 =	vshll.u32 v8, v0;
	v48 =	vld [tilespmem:s0+$0x1F0];
	[tilespmem:s0+$0x180] =	vst v2;
	v2 =	vmul.f32 v42, v1  }
0x196: {  	v49 =	vadd.s32 $0x6, v8;
	[tilespmem:s0+$0x190] =	vst v3;
	v3 =	vmul.f32 v43, v1  }
0x197: {  	v5 =	vbroadcast v49, $0x0;
	[tilespmem:s0+$0x1A0] =	vst v2;
	v2 =	vmul.f32 v44, v1  }
0x198: {  	[tilespmem:s0+$0x1B0] =	vst v3;
	v3 =	vmul.f32 v45, v1  }
0x199: {  	[tilespmem:s0+$0x1C0] =	vst v2;
	v2 =	vmul.f32 v47, v1  }
0x19a: {  	[tilespmem:s0+$0x1D0] =	vst v3;
	v1 =	vmul.f32 v48, v1  }
0x19b: {  	[tilespmem:s0+$0x1E0] =	vst v2  }
0x19c: {  	s30 =	sshll.u32 s30, $0x7;
	[tilespmem:s0+$0x1F0] =	vst v1  }
0x19d: {  	s0 =	sand.u32 $0x3FFFFF00, s30;
	v1 =	vld.idx.msk [tilespmem:v5+s24+$0x0], $0xffff  }
0x19e: {  	v2 =	vld [tilespmem:s0+$0x180]  }
0x19f: {  	v3 =	vld [tilespmem:s0+$0x190]  }
0x1a0: {  	v50 =	vld [tilespmem:s0+$0x1A0]  }
0x1a1: {  	v51 =	vld [tilespmem:s0+$0x1B0]  }
0x1a2: {  	s31 =	sshllo.u32 s29, $0x4;
	v52 =	vld [tilespmem:s0+$0x1C0]  }
0x1a3: {  	v54 =	vmov s31;
	v53 =	vld [tilespmem:s0+$0x1D0];
	v2 =	vmul.f32 v2, v1  }
0x1a4: {  	v8 =	vshrl.u32 v54, $0x3;
	v55 =	vld [tilespmem:s0+$0x1E0];
	v3 =	vmul.f32 v3, v1  }
0x1a5: {  	v8 =	vshll.u32 v8, v0;
	v56 =	vld [tilespmem:s0+$0x1F0];
	[tilespmem:s0+$0x180] =	vst v2;
	v2 =	vmul.f32 v50, v1  }
0x1a6: {  	v57 =	vadd.s32 $0x7, v8;
	[tilespmem:s0+$0x190] =	vst v3;
	v3 =	vmul.f32 v51, v1  }
0x1a7: {  	v5 =	vbroadcast v57, $0x0;
	[tilespmem:s0+$0x1A0] =	vst v2;
	v2 =	vmul.f32 v52, v1  }
0x1a8: {  	[tilespmem:s0+$0x1B0] =	vst v3;
	v3 =	vmul.f32 v53, v1  }
0x1a9: {  	[tilespmem:s0+$0x1C0] =	vst v2;
	v2 =	vmul.f32 v55, v1  }
0x1aa: {  	[tilespmem:s0+$0x1D0] =	vst v3;
	v1 =	vmul.f32 v56, v1  }
0x1ab: {  	[tilespmem:s0+$0x1E0] =	vst v2  }
0x1ac: {  	s31 =	sshll.u32 s31, $0x7;
	[tilespmem:s0+$0x1F0] =	vst v1  }
0x1ad: {  	s0 =	sand.u32 $0x3FFFFF80, s31;
	v1 =	vld.idx.msk [tilespmem:v5+s24+$0x0], $0xffff  }
0x1ae: {  	v2 =	vld [tilespmem:s0+$0x180]  }
0x1af: {  	v3 =	vld [tilespmem:s0+$0x190]  }
0x1b0: {  	v58 =	vld [tilespmem:s0+$0x1A0]  }
0x1b1: {  	v59 =	vld [tilespmem:s0+$0x1B0]  }
0x1b2: {  	v60 =	vld [tilespmem:s0+$0x1C0]  }
0x1b3: {  	v61 =	vld [tilespmem:s0+$0x1D0];
	v2 =	vmul.f32 v2, v1  }
0x1b4: {  	v62 =	vld [tilespmem:s0+$0x1E0];
	v3 =	vmul.f32 v3, v1  }
0x1b5: {  	v63 =	vld [tilespmem:s0+$0x1F0];
	[tilespmem:s0+$0x180] =	vst v2;
	v2 =	vmul.f32 v58, v1  }
0x1b6: {  	[tilespmem:s0+$0x190] =	vst v3;
	v3 =	vmul.f32 v59, v1  }
0x1b7: {  	p1 =	sne.s32 s29, $0x7;
	[tilespmem:s0+$0x1A0] =	vst v2;
	v2 =	vmul.f32 v60, v1  }
.Ltmp5:
0x1b8: {  	[tilespmem:s0+$0x1B0] =	vst v3;
	v3 =	vmul.f32 v61, v1;
	(pc) =	sbr.rel @p1 .LBB2_4-.Ltmp5, $4  }
0x1b9: {  	[tilespmem:s0+$0x1C0] =	vst v2;
	v2 =	vmul.f32 v62, v1  }
0x1ba: {  	[tilespmem:s0+$0x1D0] =	vst v3;
	v1 =	vmul.f32 v63, v1  }
0x1bb: {  	[tilespmem:s0+$0x1E0] =	vst v2  }
0x1bc: {  	s29 =	sadd.s32 $0x1, s29;
	[tilespmem:s0+$0x1F0] =	vst v1  }
.Ltmp6:
0x1bd: {  	(pc) =	sbr.rel .LBB2_6-.Ltmp6, $4  }
0x1be: {  	[spmem:s3] =	stream.indirect.scatter.add.f32 [tilespmem:s25], [sflag:$0x1], $0x80, s21, s21, $0xb8;
	[tilespmem:$0x1CB00] =	vst v63  }
0x1bf: {  	_ =	swait.ge [sflag:s17], $0x4000  }
0x1c0: {  	[sflag:s17] =	ssyncset.done $0x0  }
0x1c1: {  	[sflag:s17] =	ssyncadd.s32 $0xFFFFC000  }
.LBB2_8:
0x1c2: {  	_ =	sfence.sel $0x180000  }
0x1c3: {  	[bflag:$0x0] =	sbarrier.arrive $0xFFFF  }
0x1c4: {  	_ =	strace $0x9000004A  }
0x1c5: {  	[bflag:$0x2] =	sbarrier.arrive $0xFFFF  }
0x1c6: {  	s0 =	rddreg [dreg:$0x5]  }
0x1c7: {  	s0 =	sadd.s32 @!p0 $0x100000, s0  }
0x1c8: {  	[sflag:s0] =	ssyncadd.tile.s32 @!p0 $0x1;
	_ =	shalt  }
.Lfunc_end2:
_tile_overlayer_lowered:
.L_overlay_start_2:
0x1c9: {  	(tag) =	ssettag $0x2  }
0x1ca: {  	s0 =	rddreg [dreg:$0x0];
	s2 =	stileid.u32  }
0x1cb: {  	s1 =	rddreg [dreg:$0x1];
	p0 =	sne.s32 s2, $0x0  }
0x1cc: {  	s3 =	rddreg [dreg:$0x2];
	[bflag:$0x3] =	sbarrier.arrive $0xFFFF;
	s2 =	simm.s32 @!p0 $0x1C01  }
0x1cd: {  	[timem:s3], [sflag:s2] =	dma.local @!p0 [hbm:s0], s1  }
0x1ce: {  	s0 =	simm.s32 @!p0 $0x1  }
0x1cf: {  	_ =	swait.ge @!p0 [sflag:s0], s1  }
0x1d0: {  	s1 =	ssub.s32 @!p0 $0x0, s1;
	[sflag:s0] =	ssyncset.done @!p0 $0x0  }
0x1d1: {  	[sflag:s0] =	ssyncadd.s32 @!p0 s1  }
0x1d2: {  	[bflag:$0x3] =	sbarrier.arrive $0xFFFF  }
0x1d3: {  	_ =	shalt  }

// kernel: kernel.7.cloned.1.call-start
scs
__scs_entry_jumppad:
0x0: {  	(pc) =	sbr.rel $0x88, $3  }
0x1: {  	(tag) =	ssettag $0x0;
	lr =	simm.s32 $0x1  }
0x2: {  	[smem:$0x3F93] =	sst lr;
	_ =	strace $0xD0000000  }
0x3: {  	_ = 	snop  }
0x4: {  	_ = 	snop  }
0x5: {  	_ = 	snop  }
0x6: {  	_ = 	snop  }
0x7: {  	_ = 	snop  }
__scs_overlays_trampoline_lowered:
0x8: {  	[smem:$0x3FA2] =	sst s0  }
0x9: {  	[smem:$0x3FA3] =	sst s1  }
0xa: {  	[smem:$0x3FA4] =	sst s2  }
0xb: {  	[smem:$0x3FA5] =	sst s3  }
0xc: {  	[smem:$0x3FA6] =	sst s4  }
0xd: {  	[smem:$0x3FA7] =	sst s5  }
0xe: {  	[smem:$0x3FA8] =	sst s6  }
0xf: {  	[smem:$0x3FA9] =	sst s7  }
0x10: {  	[smem:$0x3FAA] =	sst s8  }
0x11: {  	[smem:$0x3FAB] =	sst s9;
	s0 =	simm.s32 @!p0 $0x0  }
0x12: {  	s1 =	sld [smem:$0x3F91];
	s0 =	simm.s32 @p0 $0x1  }
0x13: {  	[smem:$0x3FAC] =	sst s0;
	s0 =	simm.s32 @!p1 $0x0  }
0x14: {  	s2 =	sld [smem:$0x3F90];
	s0 =	simm.s32 @p1 $0x1  }
0x15: {  	[smem:$0x3FAD] =	sst s0;
	s0 =	simm.s32 @!p2 $0x0  }
0x16: {  	s3 =	sld [smem:$0x3FDB];
	s0 =	simm.s32 @p2 $0x1  }
0x17: {  	s4 =	simm.s32 $0x1BF5;
	[smem:$0x3FAF] =	sst s0  }
0x18: {  	s0 =	sld [smem:$0x3F92];
	_ =	swait.ge [sflag:s4], $0x0  }
0x19: {  	s7 =	sld [smem:$0x3F93]  }
0x1a: {  	s8 =	sadd.s32 $0xFFFFE003, lr  }
0x1b: {  	s9 =	sadd.s32 $0xFFFFFEF7, lr;
	s5 =	simm.s32 $0xFFFFFFFF;
	p2 =	slt.u32 s8, $0xFFFFF086  }
0x1c: {  	p1 =	slt.u32 s9, $0xF7A;
	s5 =	simm.s32 @!p2 $0x0  }
0x1d: {  	s5 =	simm.s32 @p1 $0x1;
	p0 =	seq.s32 s7, s2  }
0x1e: {  	s7 =	smul.u32 @!p0 $0xF7A, s2;
	p2 =	seq.s32 @!p0 s5, $0x0  }
0x1f: {  	s9 =	smul.u32 $0xF7A, s1;
	s8 =	simm.s32 @!p0 $0x1BF5;
	p2 =	por !p2, p0  }
0x20: {  	[sflag:s8] =	ssyncset.s32 @!p0 $0xFFFFF086;
	s6 =	sadd.s32 @!p0 s3, s7;
	s7 =	simm.s32 @!p0 $0x108  }
0x21: {  	s3 =	sadd.s32 s3, s9;
	s6 =	sadd.s32 @!p0 $0x88, s6;
	s7 =	simm.s32 @p2 $0x1082  }
0x22: {  	[simem:s7], [sflag:s8] =	dma.local @!p0 [hbm:s6], $0xF7A  }
0x23: {  	s9 =	sor.u32 $0xD0000000, s2;
	s6 =	simm.s32 $0x108;
	_ =	swait.ge @!p0 [sflag:s8], $0x0  }
0x24: {  	s3 =	sadd.s32 $0x88, s3;
	s6 =	simm.s32 @!p1 $0x1082;
	[sflag:s4] =	ssyncset.s32 $0xFFFFF086  }
0x25: {  	[simem:s6], [sflag:s4] =	dma.local [hbm:s3], $0xF7A  }
0x26: {  	[smem:$0x3F93] =	sst s1;
	(tag) =	ssettag s2;
	_ =	strace s9  }
0x27: {  	s1 =	sld [smem:$0x3FA3]  }
0x28: {  	s2 =	sld [smem:$0x3FA4]  }
0x29: {  	s4 =	sld [smem:$0x3FA6]  }
0x2a: {  	p0 =	seq.s32 s5, $0x0;
	s5 =	sld [smem:$0x3FA7]  }
0x2b: {  	s6 =	sld [smem:$0x3FA8]  }
0x2c: {  	s7 =	sld [smem:$0x3FA9]  }
0x2d: {  	s3 =	simm.s32 $0x108;
	s8 =	sld [smem:$0x3FAA]  }
0x2e: {  	s3 =	simm.s32 @!p0 $0x1082;
	s9 =	sld [smem:$0x3FAB]  }
0x2f: {  	lr =	sadd.s32 s0, s3;
	s0 =	sld [smem:$0x3FA2]  }
0x30: {  	s3 =	sld [smem:$0x3FA5]  }
0x31: {  	[smem:$0x3FAE] =	sst s10  }
0x32: {  	s10 =	sld [smem:$0x3FAC];
	_ =	sdelay $0x3  }
0x33: {  	p0 =	seq.s32 s10, $0x1;
	s10 =	sld [smem:$0x3FAE];
	_ =	sdelay $0x3  }
0x34: {  	[smem:$0x3FAE] =	sst s10  }
0x35: {  	s10 =	sld [smem:$0x3FAD];
	_ =	sdelay $0x3  }
0x36: {  	p1 =	seq.s32 s10, $0x1;
	s10 =	sld [smem:$0x3FAE];
	_ =	sdelay $0x3  }
0x37: {  	[smem:$0x3FAE] =	sst s10  }
0x38: {  	s10 =	sld [smem:$0x3FAF]  }
0x39: {  	_ = 	snop;
	(pc) =	sbr.ind lr, $3  }
0x3a: {  	_ = 	snop  }
0x3b: {  	_ = 	snop  }
0x3c: {  	p2 =	seq.s32 s10, $0x1;
	s10 =	sld [smem:$0x3FAE]  }
0x3d: {  	_ =	shalt  }
0x3e: {  	_ =	shalt  }
0x3f: {  	_ =	shalt  }
0x40: {  	_ =	shalt  }
0x41: {  	_ =	shalt  }
0x42: {  	_ =	shalt  }
0x43: {  	_ =	shalt  }
0x44: {  	_ =	shalt  }
0x45: {  	_ =	shalt  }
0x46: {  	_ =	shalt  }
0x47: {  	_ =	shalt  }
0x48: {  	_ =	shalt  }
0x49: {  	_ =	shalt  }
0x4a: {  	_ =	shalt  }
0x4b: {  	_ =	shalt  }
0x4c: {  	_ =	shalt  }
0x4d: {  	_ =	shalt  }
0x4e: {  	_ =	shalt  }
0x4f: {  	_ =	shalt  }
0x50: {  	_ =	shalt  }
0x51: {  	_ =	shalt  }
0x52: {  	_ =	shalt  }
0x53: {  	_ =	shalt  }
0x54: {  	_ =	shalt  }
0x55: {  	_ =	shalt  }
0x56: {  	_ =	shalt  }
0x57: {  	_ =	shalt  }
0x58: {  	_ =	shalt  }
0x59: {  	_ =	shalt  }
0x5a: {  	_ =	shalt  }
0x5b: {  	_ =	shalt  }
0x5c: {  	_ =	shalt  }
0x5d: {  	_ =	shalt  }
0x5e: {  	_ =	shalt  }
0x5f: {  	_ =	shalt  }
0x60: {  	_ =	shalt  }
0x61: {  	_ =	shalt  }
0x62: {  	_ =	shalt  }
0x63: {  	_ =	shalt  }
0x64: {  	_ =	shalt  }
0x65: {  	_ =	shalt  }
0x66: {  	_ =	shalt  }
0x67: {  	_ =	shalt  }
0x68: {  	_ =	shalt  }
0x69: {  	_ =	shalt  }
0x6a: {  	_ =	shalt  }
0x6b: {  	_ =	shalt  }
0x6c: {  	_ =	shalt  }
0x6d: {  	_ =	shalt  }
0x6e: {  	_ =	shalt  }
0x6f: {  	_ =	shalt  }
0x70: {  	_ =	shalt  }
0x71: {  	_ =	shalt  }
0x72: {  	_ =	shalt  }
0x73: {  	_ =	shalt  }
0x74: {  	_ =	shalt  }
0x75: {  	_ =	shalt  }
0x76: {  	_ =	shalt  }
0x77: {  	_ =	shalt  }
0x78: {  	_ =	shalt  }
0x79: {  	_ =	shalt  }
0x7a: {  	_ =	shalt  }
0x7b: {  	_ =	shalt  }
0x7c: {  	_ =	shalt  }
0x7d: {  	_ =	shalt  }
0x7e: {  	_ =	shalt  }
0x7f: {  	_ =	shalt  }
0x80: {  	_ =	shalt  }
0x81: {  	_ =	shalt  }
0x82: {  	_ =	shalt  }
0x83: {  	_ =	shalt  }
0x84: {  	_ =	shalt  }
0x85: {  	_ =	shalt  }
0x86: {  	_ =	shalt  }
0x87: {  	_ =	shalt  }
.Lfunc_end0:
.L_simem_size_0:
called_computation_lowered:
.L_overlay_start_0:
0x88: {  	s2 =	sld [smem:$0x3FD9]  }
0x89: {  	s3 =	sld [smem:$0x3FFE];
	_ =	sdelay $0x1  }
0x8a: {  	s1 =	srdreg.scid  }
0x8b: {  	s0 =	sand.u32 $0x1, s1  }
0x8c: {  	s14 =	sshll.u32 s0, $0xA;
	s2 =	sadd.s32 s3, s2  }
0x8d: {  	s2 =	sadd.s32 s2, s14  }
0x8e: {  	[smem:$0x3FBA] =	sst s2  }
0x8f: {  	_ = 	snop  }
0x90: {  	s2 =	sld [smem:$0x3FD0];
	_ =	sdelay $0x2  }
0x91: {  	s15 =	simm.s32 $0xA;
	s4 =	simm.s32 $0x10  }
0x92: {  	[smem:s4], [sflag:s15] =	dma.local [hbm:s2], $0x1  }
0x93: {  	_ =	swait.eq [sflag:s15], $0x1  }
0x94: {  	[sflag:s15] =	ssyncset.done $0x0  }
0x95: {  	s16 =	sld [smem:$0x10];
	[sflag:s15] =	ssyncadd.s32 $0xFFFFFFFF  }
0x96: {  	s17 =	sld [smem:$0x11];
	(tm) =	ssettm $0x1  }
0x97: {  	s18 =	sld [smem:$0x3FFB];
	_ =	sdelay $0x3  }
0x98: {  	_ =	strace s18  }
0x99: {  	s4 =	sld [smem:$0x3FFC];
	_ =	sdelay $0x3  }
0x9a: {  	_ =	strace s4  }
0x9b: {  	s4 =	sld [smem:$0x3FFD];
	_ =	sdelay $0x3  }
0x9c: {  	_ =	strace s4  }
0x9d: {  	_ =	strace $0x8FFFFFFF  }
0x9e: {  	s19 =	sld [smem:$0x3FDB];
	_ =	sdelay $0x1  }
0x9f: {  	s5 =	simm.s32 $_scs_section_size  }
0xa0: {  	s6 =	simm.s32 $_size__tile_overlayer_lowered;
	s7 =	simm.s32 $_tile_overlayer_lowered  }
0xa1: {  	s22 =	simm.s32 $0x1BFF;
	s21 =	sshll.u32 s7, $0x1;
	s4 =	sadd.s32 s5, s19  }
0xa2: {  	s8 =	simm.s32 $0x0;
	s20 =	sshll.u32 s6, $0x1;
	s6 =	sadd.s32 s21, s4  }
0xa3: {  	[timem:s8], [sflag:s22] =	dma.local [hbm:s6], s20  }
0xa4: {  	_ =	swait.ge [sflag:s22], s20  }
0xa5: {  	s5 =	ssub.s32 $0x0, s20;
	[sflag:s22] =	ssyncset.done $0x0  }
0xa6: {  	[sflag:s22] =	ssyncadd.s32 s5;
	_ =	sdelay $0x1  }
0xa7: {  	s23 =	simm.s32 $0x1B8B  }
0xa8: {  	_ =	swait.ge [sflag:s23], $0x1  }
0xa9: {  	[sflag:s23] =	ssyncset.done $0x0  }
0xaa: {  	s25 =	simm.s32 $0x1B8E;
	s24 =	sld [smem:$0x3FFE];
	[sflag:s23] =	ssyncadd.s32 $0xFFFFFFFF  }
0xab: {  	s26 =	simm.s32 $execute0_lowered;
	[smem:$0x3FD2] =	sst s25  }
0xac: {  	s6 =	sshll.u32 s26, $0x1;
	_ =	strace $0x80000046;
	[dreg:$0x1] =	wrdreg $0xFFFFFFFF  }
0xad: {  	s28 =	simm.s32 $_size_execute0_lowered;
	s4 =	sadd.s32 s4, s6;
	[dreg:$0x0] =	wrdreg $0x0  }
0xae: {  	s6 =	sshll.u32 s28, $0x1;
	[dreg:$0x2] =	wrdreg s4  }
0xaf: {  	[dreg:$0x3] =	wrdreg s6  }
0xb0: {  	[dreg:$0x4] =	wrdreg $0xC0  }
0xb1: {  	_ =	task [dreg:s8], $0x5FFFF  }
0xb2: {  	[dreg:$0x1] =	wrdreg $0xFFFFFFFF  }
0xb3: {  	[dreg:$0x0] =	wrdreg $0x60  }
0xb4: {  	[dreg:$0x2] =	wrdreg s24  }
0xb5: {  	[dreg:$0x3] =	wrdreg s17  }
0xb6: {  	[dreg:$0x4] =	wrdreg s16  }
0xb7: {  	[dreg:$0x5] =	wrdreg $0xE1000  }
0xb8: {  	[dreg:$0x6] =	wrdreg $0x17D400  }
0xb9: {  	[dreg:$0x7] =	wrdreg $0x9  }
0xba: {  	_ =	task.clear_ibuf [dreg:s8], $0x8FFFF;
	_ =	strace $0x90000046  }
0xbb: {  	s29 =	simm.s32 $0x9;
	_ =	strace $0x80000048  }
0xbc: {  	_ =	swait.ge [sflag:s29], $0x1  }
0xbd: {  	[sflag:s29] =	ssyncadd.s32 $0xFFFFFFFF  }
0xbe: {  	_ =	strace $0x90000048  }
0xbf: {  	_ =	sfence  }
0xc0: {  	s30 =	sld [smem:$0x0];
	_ =	sdelay $0x2  }
0xc1: {  	s31 =	sshll.u32 s1, $0xD;
	s1 =	sshrl.u32 s1, $0x2  }
0xc2: {  	s3 =	sand.u32 $0x4000, s31;
	s1 =	sadd.s32 s1, s30  }
0xc3: {  	s0 =	sor.u32 s3, s0;
	s1 =	sshll.u32 s1, $0x11  }
0xc4: {  	s0 =	sor.u32 s1, s0  }
0xc5: {  	s0 =	sadd.s32 $0x8F2B, s0  }
0xc6: {  	[sflag:s0] =	ssyncadd.remote.s32 $0x1  }
0xc7: {  	_ =	sfence.sel $0xFFFF  }
0xc8: {  	[dreg:$0x0] =	wrdreg $0xFFFFFFFF;
	(pc) =	sbr.abs _section_cstart, $3  }
0xc9: {  	[dreg:$0x1] =	wrdreg $0xFFFFFFFF  }
0xca: {  	_ =	task.clear_ibuf [dreg:s8], $0x2FFFF;
	_ =	strace $0x9FFFFFFF  }
0xcb: {  	(tm) =	ssettm $0x7FFFFFFF  }
tec
execute0_lowered:
.L_overlay_start_1:
0x0: {  	(tag) =	ssettag $0x1  }
0x1: {  	s2 =	rddreg [dreg:$0x0]  }
0x2: {  	s0 =	rddreg [dreg:$0x1]  }
0x3: {  	s3 =	rddreg [dreg:$0x2]  }
0x4: {  	s1 =	rddreg [dreg:$0x3]  }
0x5: {  	s4 =	srdreg.scid;
	s16 =	stileid.u32  }
0x6: {  	s12 =	rddreg [dreg:$0x4];
	s5 =	simm.s32 $0x0;
	s19 =	simm.s32 $0x4280  }
0x7: {  	s20 =	simm.s32 $0x1;
	s21 =	simm.s32 $0x9100;
	s22 =	simm.s32 $0x200  }
0x8: {  	s23 =	simm.s32 $0x80;
	s28 =	simm.s32 $0x0;
	s8 =	sand.u32 $0x1, s4  }
0x9: {  	s13 =	smul.u32 $0x280, s16;
	[smem:$0x7FF] =	sst s5;
	s5 =	sadd.s32 $0x20C00, s2  }
0xa: {  	s10 =	sshll.u32 s16, $0x1;
	s11 =	smul.u32 $0x9C00, s16;
	s30 =	sshll.u32 s16, $0x6  }
0xb: {  	s31 =	smul.u32 $0xA000, s16;
	s18 =	sadd.s32 $0x9C000, s1;
	p0 =	sne.s32 s16, $0x0  }
0xc: {  	s4 =	smul.u32 $0x2800, s8;
	_ =	strace $0x80000047;
	s26 =	ssub.s32 $0x2, s8  }
0xd: {  	s29 =	smul.u32 $0x9C400, s8;
	s18 =	sshrl.u32 @!p0 s18, $0x3;
	s9 =	sshrl.u32 s26, $0x1  }
0xe: {  	s17 =	sadd.s32 s11, s1;
	s6 =	sadd.s32 s13, s4;
	s4 =	sadd.s32 $0x3400, s2  }
0xf: {  	s14 =	ssub.s32 s26, s9;
	s11 =	sadd.s32 s11, s29;
	s15 =	sshrl.u32 s29, $0x3  }
0x10: {  	s16 =	sshrl.u32 s17, $0x3;
	s17 =	simm.s32 $0x2;
	s26 =	simm.s32 $0xB900  }
0x11: {  	s7 =	sshrl.u32 s6, $0x3;
	s6 =	sadd.s32 $0x16E00, s2;
	s11 =	sshrl.u32 s11, $0x3  }
0x12: {  	s2 =	sadd.s32 s7, s2;
	s7 =	sor.u32 s8, s10;
	s10 =	sshrl.u32 s31, $0x2  }
0x13: {  	s14 =	smax.u32 s14, $0x1;
	s8 =	sor.u32 $0x1C02, s30;
	s9 =	sadd.s32 s10, s12  }
0x14: {  	v1 =	vimm.s32 $0x0;
	vm0 =	vcmask $0x300;
	s10 =	sadd.s32 s3, s11;
	s3 =	sadd.s32 s3, s15;
	s12 =	sadd.s32 s13, s12  }
0x15: {  	v0 =	vimm.f32 $0.0e+00;
	v1 =	vsel vm0, $0x3, v1;
	s13 =	sadd.s32 $0x21600, s2;
	s15 =	ssub.s32 $0x522, s7;
	s11 =	sadd.s32 $0x13800, s3  }
.LBB2_1:
0x16: {  	[spmem:s16], [sflag:s8] =	dma.local [hbm:s0], $0x1380  }
0x17: {  	_ =	swait.ge [sflag:s17], $0x1380  }
0x18: {  	[sflag:s17] =	ssyncset.done $0x0  }
0x19: {  	s2 =	simm.s32 @!p0 $0x2;
	[sflag:s17] =	ssyncadd.s32 $0xFFFFEC80  }
0x1a: {  	[spmem:s18], [sflag:s8] =	dma.local @!p0 [hbm:s0], $0x80  }
0x1b: {  	_ =	swait.ge @!p0 [sflag:s2], $0x80  }
0x1c: {  	[sflag:s2] =	ssyncset.done @!p0 $0x0  }
0x1d: {  	s3 =	simm.s32 $0x0;
	[sflag:s2] =	ssyncadd.s32 @!p0 $0xFFFFFF80;
	s2 =	simm.s32 $0x40  }
.LBB2_2:
0x1e: {  	p1 =	sne.s32 s2, $0x9FC0;
	[tilespmem:s3+$0x9100] =	vst v0;
	s3 =	smov.u32 s2;
	s2 =	sadd.s32 $0x40, s2  }
.Ltmp0:
0x1f: {  	(pc) =	sbr.rel @p1 .LBB2_2-.Ltmp0, $2  }
0x20: {  	_ =	sdelay $0x2  }
0x21: {  	s3 =	sshra.s32 s3, $0x2  }
0x22: {  	[tilespmem:s3+$0x9100] =	vst v0;
	s29 =	simm.s32 $0x0  }
0x23: {  	[tilespmem:s19], [sflag:$0x2] =	stream.linear.gather [hbm4b:s5+s29], $0x4E80, $0x38;
	[tilespmem:$0x1A540] =	vst v63  }
.Ltmp1:
0x24: {  	_ =	swait.ge [sflag:s17], $0x4E80;
	(pc) =	sbr.rel .LBB2_4-.Ltmp1, $4  }
0x25: {  	[sflag:s17] =	ssyncset.done $0x0  }
0x26: {  	[sflag:s17] =	ssyncadd.s32 $0xFFFFB180  }
0x27: {  	[bflag:$0x0] =	sbarrier.arrive $0xFFFF  }
0x28: {  	p1 =	por $0x0, $0x0  }
.LBB2_8:
0x29: {  	s2 =	sor.u32 s7, s31;
	p2 =	sgt.u32 s29, $0x27  }
0x2a: {  	p3 =	sgt.u32 @!p2 s2, $0x4E1  }
0x2b: {  	p2 =	por p3, p2  }
0x2c: {  	s3 =	sshll.u32 @!p2 s30, $0x8;
	s2 =	sshll.u32 @!p2 s2, $0x4  }
0x2d: {  	s24 =	simm.s32 @!p2 $0x80;
	s25 =	simm.s32 @!p2 $0x27100;
	s2 =	sadd.s32 @!p2 s6, s2  }
0x2e: {  	[tilespmem:s3], [sflag:$0x2] =	stream.strided.gather @!p2 [hbm4b:s2+s24], $0x100, s25, s24, $0x38;
	[tilespmem:$0x1A540] =	vst v63  }
0x2f: {  	s2 =	simm.s32 @!p2 $0x2  }
0x30: {  	_ =	swait.ge @!p2 [sflag:s2], $0x100  }
0x31: {  	s25 =	sshll.u32 @!p2 s30, $0xD;
	[sflag:s2] =	ssyncset.done @!p2 $0x0  }
0x32: {  	s29 =	sadd.s32 $0x1, s29;
	[sflag:s2] =	ssyncadd.s32 @!p2 $0xFFFFFF00;
	s2 =	sor.u32 @!p2 $0x280, s25  }
0x33: {  	[tilespmem:s2], [sflag:$0x1] =	stream.indirect.gather @!p2 [hbm4b:s4+s24], $0x40, s3, s24, $0xb8;
	[tilespmem:$0x1A540] =	vst v63  }
0x34: {  	p2 =	sne.s32 s29, $0x2A  }
.Ltmp2:
0x35: {  	_ = 	snop;
	(pc) =	sbr.rel @!p2 .LBB2_9-.Ltmp2, $2  }
0x36: {  	_ =	sdelay $0x2  }
0x37: {  	p1 =	por !p1, !p1  }
.LBB2_4:
0x38: {  	s31 =	sshll.u32 s29, $0x5;
	p2 =	slt.u32 s29, $0x2  }
0x39: {  	p3 =	sge.u32 @!p2 s31, s15  }
0x3a: {  	p2 =	por p2, p3  }
.Ltmp3:
0x3b: {  	_ = 	snop;
	(pc) =	sbr.rel @p2 .LBB2_8-.Ltmp3, $2  }
0x3c: {  	_ =	sdelay $0x2  }
0x3d: {  	s30 =	sand.u32 $0x1, s29  }
0x3e: {  	s2 =	sshll.u32 s30, $0x8  }
0x3f: {  	v2 =	vld [tilespmem:s2+$0x0]  }
0x40: {  	v3 =	vld [tilespmem:s2+$0x80];
	_ =	sdelay $0x4  }
0x41: {  	v2 =	vshll.u32 v2, $0x1;
	v4 =	vshll.u32 v3, $0x1  }
0x42: {  	v4 =	vor.u32 $0x1, v4;
	_ =	sdelay $0x3  }
0x43: {  	v2 =	vld.idx.msk [tilespmem:v2+s19+$0x0], $0xffff  }
0x44: {  	v4 =	vld.idx.msk [tilespmem:v4+s19+$0x0], $0xffff;
	_ =	sdelay $0x4  }
0x45: {  	v2 =	vadd.f32 v4, v2;
	_ =	sdelay $0x1  }
0x46: {  	v4 =	vmul.f32 $2.000000030e-01, v2  }
0x47: {  	vm0 =	vge.f32 v2, $0.0e+00  }
0x48: {  	v2 =	vsel vm0, v2, v4  }
0x49: {  	v2 =	vmul.f32 $1.442695020e+00, v2;
	_ =	sdelay $0x1  }
0x4a: {  	(erf) = vpow2.f32 v2;
	_ =	sdelay $0x8  }
0x4b: {  	v2 =	vpop (erf)  }
0x4c: {  	[tilespmem:$0x200] =	vst v2  }
0x4d: {  	[tilespmem:v3+s21+$0x0] =	vst.idx.add.f32.msk $0xffff, v2  }
0x4e: {  	v2 =	vld [tilespmem:s2+$0x10]  }
0x4f: {  	v3 =	vld [tilespmem:s2+$0x90];
	_ =	sdelay $0x4  }
0x50: {  	v2 =	vshll.u32 v2, $0x1;
	v57 =	vshll.u32 v3, $0x1  }
0x51: {  	v4 =	vor.u32 $0x1, v57;
	_ =	sdelay $0x3  }
0x52: {  	v2 =	vld.idx.msk [tilespmem:v2+s19+$0x0], $0xffff  }
0x53: {  	v4 =	vld.idx.msk [tilespmem:v4+s19+$0x0], $0xffff;
	_ =	sdelay $0x4  }
0x54: {  	v2 =	vadd.f32 v4, v2;
	_ =	sdelay $0x1  }
0x55: {  	v4 =	vmul.f32 $2.000000030e-01, v2  }
0x56: {  	vm9 =	vge.f32 v2, $0.0e+00  }
0x57: {  	v2 =	vsel vm9, v2, v4  }
0x58: {  	v2 =	vmul.f32 $1.442695020e+00, v2;
	_ =	sdelay $0x1  }
0x59: {  	(erf) = vpow2.f32 v2;
	_ =	sdelay $0x8  }
0x5a: {  	v2 =	vpop (erf)  }
0x5b: {  	[tilespmem:$0x210] =	vst v2  }
0x5c: {  	[tilespmem:v3+s21+$0x0] =	vst.idx.add.f32.msk $0xffff, v2  }
0x5d: {  	v2 =	vld [tilespmem:s2+$0x20]  }
0x5e: {  	v3 =	vld [tilespmem:s2+$0xA0];
	_ =	sdelay $0x4  }
0x5f: {  	v2 =	vshll.u32 v2, $0x1;
	v58 =	vshll.u32 v3, $0x1  }
0x60: {  	v4 =	vor.u32 $0x1, v58;
	_ =	sdelay $0x3  }
0x61: {  	v2 =	vld.idx.msk [tilespmem:v2+s19+$0x0], $0xffff  }
0x62: {  	v4 =	vld.idx.msk [tilespmem:v4+s19+$0x0], $0xffff;
	_ =	sdelay $0x4  }
0x63: {  	v2 =	vadd.f32 v4, v2;
	_ =	sdelay $0x1  }
0x64: {  	v4 =	vmul.f32 $2.000000030e-01, v2  }
0x65: {  	vm10 =	vge.f32 v2, $0.0e+00  }
0x66: {  	v2 =	vsel vm10, v2, v4  }
0x67: {  	v2 =	vmul.f32 $1.442695020e+00, v2;
	_ =	sdelay $0x1  }
0x68: {  	(erf) = vpow2.f32 v2;
	_ =	sdelay $0x8  }
0x69: {  	v2 =	vpop (erf)  }
0x6a: {  	[tilespmem:$0x220] =	vst v2  }
0x6b: {  	[tilespmem:v3+s21+$0x0] =	vst.idx.add.f32.msk $0xffff, v2  }
0x6c: {  	v2 =	vld [tilespmem:s2+$0x30]  }
0x6d: {  	v3 =	vld [tilespmem:s2+$0xB0];
	_ =	sdelay $0x4  }
0x6e: {  	v2 =	vshll.u32 v2, $0x1;
	v59 =	vshll.u32 v3, $0x1  }
0x6f: {  	v4 =	vor.u32 $0x1, v59;
	_ =	sdelay $0x3  }
0x70: {  	v2 =	vld.idx.msk [tilespmem:v2+s19+$0x0], $0xffff  }
0x71: {  	v4 =	vld.idx.msk [tilespmem:v4+s19+$0x0], $0xffff;
	_ =	sdelay $0x4  }
0x72: {  	v2 =	vadd.f32 v4, v2;
	_ =	sdelay $0x1  }
0x73: {  	v4 =	vmul.f32 $2.000000030e-01, v2  }
0x74: {  	vm11 =	vge.f32 v2, $0.0e+00  }
0x75: {  	v2 =	vsel vm11, v2, v4  }
0x76: {  	v2 =	vmul.f32 $1.442695020e+00, v2;
	_ =	sdelay $0x1  }
0x77: {  	(erf) = vpow2.f32 v2;
	_ =	sdelay $0x8  }
0x78: {  	v2 =	vpop (erf)  }
0x79: {  	[tilespmem:$0x230] =	vst v2  }
0x7a: {  	[tilespmem:v3+s21+$0x0] =	vst.idx.add.f32.msk $0xffff, v2  }
0x7b: {  	v2 =	vld [tilespmem:s2+$0x40]  }
0x7c: {  	v3 =	vld [tilespmem:s2+$0xC0];
	_ =	sdelay $0x4  }
0x7d: {  	v2 =	vshll.u32 v2, $0x1;
	v60 =	vshll.u32 v3, $0x1  }
0x7e: {  	v4 =	vor.u32 $0x1, v60;
	_ =	sdelay $0x3  }
0x7f: {  	v2 =	vld.idx.msk [tilespmem:v2+s19+$0x0], $0xffff  }
0x80: {  	v4 =	vld.idx.msk [tilespmem:v4+s19+$0x0], $0xffff;
	_ =	sdelay $0x4  }
0x81: {  	v2 =	vadd.f32 v4, v2;
	_ =	sdelay $0x1  }
0x82: {  	v4 =	vmul.f32 $2.000000030e-01, v2  }
0x83: {  	vm12 =	vge.f32 v2, $0.0e+00  }
0x84: {  	v2 =	vsel vm12, v2, v4  }
0x85: {  	v2 =	vmul.f32 $1.442695020e+00, v2;
	_ =	sdelay $0x1  }
0x86: {  	(erf) = vpow2.f32 v2;
	_ =	sdelay $0x8  }
0x87: {  	v2 =	vpop (erf)  }
0x88: {  	[tilespmem:$0x240] =	vst v2  }
0x89: {  	[tilespmem:v3+s21+$0x0] =	vst.idx.add.f32.msk $0xffff, v2  }
0x8a: {  	v2 =	vld [tilespmem:s2+$0x50]  }
0x8b: {  	v3 =	vld [tilespmem:s2+$0xD0];
	_ =	sdelay $0x4  }
0x8c: {  	v2 =	vshll.u32 v2, $0x1;
	v61 =	vshll.u32 v3, $0x1  }
0x8d: {  	v4 =	vor.u32 $0x1, v61;
	_ =	sdelay $0x3  }
0x8e: {  	v2 =	vld.idx.msk [tilespmem:v2+s19+$0x0], $0xffff  }
0x8f: {  	v4 =	vld.idx.msk [tilespmem:v4+s19+$0x0], $0xffff;
	_ =	sdelay $0x4  }
0x90: {  	v2 =	vadd.f32 v4, v2;
	_ =	sdelay $0x1  }
0x91: {  	v4 =	vmul.f32 $2.000000030e-01, v2  }
0x92: {  	vm13 =	vge.f32 v2, $0.0e+00  }
0x93: {  	v2 =	vsel vm13, v2, v4  }
0x94: {  	v2 =	vmul.f32 $1.442695020e+00, v2;
	_ =	sdelay $0x1  }
0x95: {  	(erf) = vpow2.f32 v2;
	_ =	sdelay $0x8  }
0x96: {  	v2 =	vpop (erf)  }
0x97: {  	[tilespmem:$0x250] =	vst v2  }
0x98: {  	[tilespmem:v3+s21+$0x0] =	vst.idx.add.f32.msk $0xffff, v2  }
0x99: {  	v2 =	vld [tilespmem:s2+$0x60]  }
0x9a: {  	v3 =	vld [tilespmem:s2+$0xE0];
	_ =	sdelay $0x4  }
0x9b: {  	v2 =	vshll.u32 v2, $0x1;
	v62 =	vshll.u32 v3, $0x1  }
0x9c: {  	v4 =	vor.u32 $0x1, v62;
	_ =	sdelay $0x3  }
0x9d: {  	v2 =	vld.idx.msk [tilespmem:v2+s19+$0x0], $0xffff  }
0x9e: {  	v4 =	vld.idx.msk [tilespmem:v4+s19+$0x0], $0xffff;
	_ =	sdelay $0x4  }
0x9f: {  	v2 =	vadd.f32 v4, v2;
	_ =	sdelay $0x1  }
0xa0: {  	v4 =	vmul.f32 $2.000000030e-01, v2  }
0xa1: {  	vm14 =	vge.f32 v2, $0.0e+00  }
0xa2: {  	v2 =	vsel vm14, v2, v4  }
0xa3: {  	v2 =	vmul.f32 $1.442695020e+00, v2;
	_ =	sdelay $0x1  }
0xa4: {  	(erf) = vpow2.f32 v2;
	_ =	sdelay $0x8  }
0xa5: {  	v2 =	vpop (erf)  }
0xa6: {  	[tilespmem:$0x260] =	vst v2  }
0xa7: {  	[tilespmem:v3+s21+$0x0] =	vst.idx.add.f32.msk $0xffff, v2  }
0xa8: {  	v2 =	vld [tilespmem:s2+$0x70]  }
0xa9: {  	v3 =	vld [tilespmem:s2+$0xF0];
	_ =	sdelay $0x4  }
0xaa: {  	v2 =	vshll.u32 v2, $0x1;
	v63 =	vshll.u32 v3, $0x1  }
0xab: {  	v4 =	vor.u32 $0x1, v63;
	_ =	sdelay $0x3  }
0xac: {  	v2 =	vld.idx.msk [tilespmem:v2+s19+$0x0], $0xffff  }
0xad: {  	v4 =	vld.idx.msk [tilespmem:v4+s19+$0x0], $0xffff;
	_ =	sdelay $0x4  }
0xae: {  	v2 =	vadd.f32 v4, v2;
	_ =	sdelay $0x1  }
0xaf: {  	v4 =	vmul.f32 $2.000000030e-01, v2  }
0xb0: {  	vm15 =	vge.f32 v2, $0.0e+00  }
0xb1: {  	v2 =	vsel vm15, v2, v4  }
0xb2: {  	v2 =	vmul.f32 $1.442695020e+00, v2;
	_ =	sdelay $0x1  }
0xb3: {  	(erf) = vpow2.f32 v2;
	_ =	sdelay $0x8  }
0xb4: {  	v2 =	vpop (erf)  }
0xb5: {  	[tilespmem:$0x270] =	vst v2  }
0xb6: {  	s3 =	simm.s32 $0x1;
	[tilespmem:v3+s21+$0x0] =	vst.idx.add.f32.msk $0xffff, v2  }
0xb7: {  	s3 =	simm.s32 @!p1 $0x0;
	_ =	swait.ge [sflag:s20], $0x2000  }
0xb8: {  	s24 =	simm.s32 $0xF;
	s3 =	sshll.u32 s3, $0xD;
	[sflag:s20] =	ssyncset.done $0x0  }
0xb9: {  	s3 =	sor.u32 $0x480, s3;
	s2 =	sor.u32 $0x80, s2;
	[sflag:s20] =	ssyncadd.s32 $0xFFFFE000  }
.LBB2_6:
0xba: {  	s25 =	sadd.s32 $0xFFFFFFF1, s24  }
0xbb: {  	v2 =	vmov s25  }
0xbc: {  	v2 =	vshrl.u32 v2, $0x3  }
0xbd: {  	v2 =	vshll.u32 v2, v1  }
0xbe: {  	v2 =	vbroadcast v2, $0x0;
	_ =	sdelay $0x4  }
0xbf: {  	v3 =	vld [tilespmem:s3+$0xFFFFFE00]  }
0xc0: {  	v2 =	vld.idx.msk [tilespmem:v2+s22+$0x0], $0xffff;
	_ =	sdelay $0x4  }
0xc1: {  	v3 =	vmul.f32 v3, v2;
	_ =	sdelay $0x1  }
0xc2: {  	[tilespmem:s3+$0xFFFFFE00] =	vst v3;
	v3 =	vld [tilespmem:s3+$0xFFFFFE10];
	_ =	sdelay $0x4  }
0xc3: {  	v3 =	vmul.f32 v3, v2;
	_ =	sdelay $0x1  }
0xc4: {  	[tilespmem:s3+$0xFFFFFE10] =	vst v3;
	v3 =	vld [tilespmem:s3+$0xFFFFFE20];
	_ =	sdelay $0x4  }
0xc5: {  	s25 =	sadd.s32 $0xFFFFFFF2, s24;
	v3 =	vmul.f32 v3, v2  }
0xc6: {  	v4 =	vmov s25  }
0xc7: {  	[tilespmem:s3+$0xFFFFFE20] =	vst v3;
	v3 =	vshrl.u32 v4, $0x3  }
0xc8: {  	v36 =	vld [tilespmem:s3+$0xFFFFFE30];
	v3 =	vshll.u32 v3, v1  }
0xc9: {  	v3 =	vadd.s32 $0x1, v3  }
0xca: {  	v3 =	vbroadcast v3, $0x0;
	_ =	sdelay $0x2  }
0xcb: {  	v2 =	vmul.f32 v36, v2;
	_ =	sdelay $0x1  }
0xcc: {  	[tilespmem:s3+$0xFFFFFE30] =	vst v2  }
0xcd: {  	v2 =	vld.idx.msk [tilespmem:v3+s22+$0x0], $0xffff  }
0xce: {  	v3 =	vld [tilespmem:s3+$0xFFFFFE40];
	_ =	sdelay $0x4  }
0xcf: {  	v3 =	vmul.f32 v3, v2;
	_ =	sdelay $0x1  }
0xd0: {  	[tilespmem:s3+$0xFFFFFE40] =	vst v3;
	v3 =	vld [tilespmem:s3+$0xFFFFFE50];
	_ =	sdelay $0x4  }
0xd1: {  	v3 =	vmul.f32 v3, v2;
	_ =	sdelay $0x1  }
0xd2: {  	[tilespmem:s3+$0xFFFFFE50] =	vst v3;
	v3 =	vld [tilespmem:s3+$0xFFFFFE60];
	_ =	sdelay $0x4  }
0xd3: {  	s25 =	sadd.s32 $0xFFFFFFF3, s24;
	v3 =	vmul.f32 v3, v2  }
0xd4: {  	v37 =	vmov s25  }
0xd5: {  	[tilespmem:s3+$0xFFFFFE60] =	vst v3;
	v3 =	vshrl.u32 v37, $0x3  }
0xd6: {  	v38 =	vld [tilespmem:s3+$0xFFFFFE70];
	v3 =	vshll.u32 v3, v1  }
0xd7: {  	v3 =	vadd.s32 $0x2, v3  }
0xd8: {  	v3 =	vbroadcast v3, $0x0;
	_ =	sdelay $0x2  }
0xd9: {  	v2 =	vmul.f32 v38, v2;
	_ =	sdelay $0x1  }
0xda: {  	[tilespmem:s3+$0xFFFFFE70] =	vst v2  }
0xdb: {  	v2 =	vld.idx.msk [tilespmem:v3+s22+$0x0], $0xffff  }
0xdc: {  	v3 =	vld [tilespmem:s3+$0xFFFFFE80];
	_ =	sdelay $0x4  }
0xdd: {  	v3 =	vmul.f32 v3, v2;
	_ =	sdelay $0x1  }
0xde: {  	[tilespmem:s3+$0xFFFFFE80] =	vst v3;
	v3 =	vld [tilespmem:s3+$0xFFFFFE90];
	_ =	sdelay $0x4  }
0xdf: {  	v3 =	vmul.f32 v3, v2;
	_ =	sdelay $0x1  }
0xe0: {  	[tilespmem:s3+$0xFFFFFE90] =	vst v3;
	v3 =	vld [tilespmem:s3+$0xFFFFFEA0];
	_ =	sdelay $0x4  }
0xe1: {  	s25 =	sadd.s32 $0xFFFFFFF4, s24;
	v3 =	vmul.f32 v3, v2  }
0xe2: {  	v39 =	vmov s25  }
0xe3: {  	[tilespmem:s3+$0xFFFFFEA0] =	vst v3;
	v3 =	vshrl.u32 v39, $0x3  }
0xe4: {  	v40 =	vld [tilespmem:s3+$0xFFFFFEB0];
	v3 =	vshll.u32 v3, v1  }
0xe5: {  	v3 =	vadd.s32 $0x3, v3  }
0xe6: {  	v3 =	vbroadcast v3, $0x0;
	_ =	sdelay $0x2  }
0xe7: {  	v2 =	vmul.f32 v40, v2;
	_ =	sdelay $0x1  }
0xe8: {  	[tilespmem:s3+$0xFFFFFEB0] =	vst v2  }
0xe9: {  	v2 =	vld.idx.msk [tilespmem:v3+s22+$0x0], $0xffff  }
0xea: {  	v3 =	vld [tilespmem:s3+$0xFFFFFEC0];
	_ =	sdelay $0x4  }
0xeb: {  	v3 =	vmul.f32 v3, v2;
	_ =	sdelay $0x1  }
0xec: {  	[tilespmem:s3+$0xFFFFFEC0] =	vst v3;
	v3 =	vld [tilespmem:s3+$0xFFFFFED0];
	_ =	sdelay $0x4  }
0xed: {  	v3 =	vmul.f32 v3, v2;
	_ =	sdelay $0x1  }
0xee: {  	[tilespmem:s3+$0xFFFFFED0] =	vst v3;
	v3 =	vld [tilespmem:s3+$0xFFFFFEE0];
	_ =	sdelay $0x4  }
0xef: {  	s25 =	sadd.s32 $0xFFFFFFF5, s24;
	v3 =	vmul.f32 v3, v2  }
0xf0: {  	v41 =	vmov s25  }
0xf1: {  	[tilespmem:s3+$0xFFFFFEE0] =	vst v3;
	v3 =	vshrl.u32 v41, $0x3  }
0xf2: {  	v42 =	vld [tilespmem:s3+$0xFFFFFEF0];
	v3 =	vshll.u32 v3, v1  }
0xf3: {  	v3 =	vadd.s32 $0x4, v3  }
0xf4: {  	v3 =	vbroadcast v3, $0x0;
	_ =	sdelay $0x2  }
0xf5: {  	v2 =	vmul.f32 v42, v2;
	_ =	sdelay $0x1  }
0xf6: {  	[tilespmem:s3+$0xFFFFFEF0] =	vst v2  }
0xf7: {  	v2 =	vld.idx.msk [tilespmem:v3+s22+$0x0], $0xffff  }
0xf8: {  	v3 =	vld [tilespmem:s3+$0xFFFFFF00];
	_ =	sdelay $0x4  }
0xf9: {  	v3 =	vmul.f32 v3, v2;
	_ =	sdelay $0x1  }
0xfa: {  	[tilespmem:s3+$0xFFFFFF00] =	vst v3;
	v3 =	vld [tilespmem:s3+$0xFFFFFF10];
	_ =	sdelay $0x4  }
0xfb: {  	v3 =	vmul.f32 v3, v2;
	_ =	sdelay $0x1  }
0xfc: {  	[tilespmem:s3+$0xFFFFFF10] =	vst v3;
	v3 =	vld [tilespmem:s3+$0xFFFFFF20];
	_ =	sdelay $0x4  }
0xfd: {  	s25 =	sadd.s32 $0xFFFFFFF6, s24;
	v3 =	vmul.f32 v3, v2  }
0xfe: {  	v43 =	vmov s25  }
0xff: {  	[tilespmem:s3+$0xFFFFFF20] =	vst v3;
	v3 =	vshrl.u32 v43, $0x3  }
0x100: {  	v44 =	vld [tilespmem:s3+$0xFFFFFF30];
	v3 =	vshll.u32 v3, v1  }
0x101: {  	v3 =	vadd.s32 $0x5, v3  }
0x102: {  	v3 =	vbroadcast v3, $0x0;
	_ =	sdelay $0x2  }
0x103: {  	v2 =	vmul.f32 v44, v2;
	_ =	sdelay $0x1  }
0x104: {  	[tilespmem:s3+$0xFFFFFF30] =	vst v2  }
0x105: {  	v2 =	vld.idx.msk [tilespmem:v3+s22+$0x0], $0xffff  }
0x106: {  	v3 =	vld [tilespmem:s3+$0xFFFFFF40];
	_ =	sdelay $0x4  }
0x107: {  	v3 =	vmul.f32 v3, v2;
	_ =	sdelay $0x1  }
0x108: {  	[tilespmem:s3+$0xFFFFFF40] =	vst v3;
	v3 =	vld [tilespmem:s3+$0xFFFFFF50];
	_ =	sdelay $0x4  }
0x109: {  	v3 =	vmul.f32 v3, v2;
	_ =	sdelay $0x1  }
0x10a: {  	[tilespmem:s3+$0xFFFFFF50] =	vst v3;
	v3 =	vld [tilespmem:s3+$0xFFFFFF60];
	_ =	sdelay $0x4  }
0x10b: {  	s25 =	sadd.s32 $0xFFFFFFF7, s24;
	v3 =	vmul.f32 v3, v2  }
0x10c: {  	v45 =	vmov s25  }
0x10d: {  	[tilespmem:s3+$0xFFFFFF60] =	vst v3;
	v3 =	vshrl.u32 v45, $0x3  }
0x10e: {  	v46 =	vld [tilespmem:s3+$0xFFFFFF70];
	v3 =	vshll.u32 v3, v1  }
0x10f: {  	v3 =	vadd.s32 $0x6, v3  }
0x110: {  	v3 =	vbroadcast v3, $0x0;
	_ =	sdelay $0x2  }
0x111: {  	v2 =	vmul.f32 v46, v2;
	_ =	sdelay $0x1  }
0x112: {  	[tilespmem:s3+$0xFFFFFF70] =	vst v2  }
0x113: {  	v2 =	vld.idx.msk [tilespmem:v3+s22+$0x0], $0xffff  }
0x114: {  	v3 =	vld [tilespmem:s3+$0xFFFFFF80];
	_ =	sdelay $0x4  }
0x115: {  	v3 =	vmul.f32 v3, v2;
	_ =	sdelay $0x1  }
0x116: {  	[tilespmem:s3+$0xFFFFFF80] =	vst v3;
	v3 =	vld [tilespmem:s3+$0xFFFFFF90];
	_ =	sdelay $0x4  }
0x117: {  	v3 =	vmul.f32 v3, v2;
	_ =	sdelay $0x1  }
0x118: {  	[tilespmem:s3+$0xFFFFFF90] =	vst v3;
	v3 =	vld [tilespmem:s3+$0xFFFFFFA0];
	_ =	sdelay $0x4  }
0x119: {  	s25 =	sadd.s32 $0xFFFFFFF8, s24;
	v3 =	vmul.f32 v3, v2  }
0x11a: {  	v47 =	vmov s25  }
0x11b: {  	[tilespmem:s3+$0xFFFFFFA0] =	vst v3;
	v3 =	vshrl.u32 v47, $0x3  }
0x11c: {  	v48 =	vld [tilespmem:s3+$0xFFFFFFB0];
	v3 =	vshll.u32 v3, v1  }
0x11d: {  	v3 =	vadd.s32 $0x7, v3  }
0x11e: {  	v3 =	vbroadcast v3, $0x0;
	_ =	sdelay $0x2  }
0x11f: {  	v2 =	vmul.f32 v48, v2;
	_ =	sdelay $0x1  }
0x120: {  	[tilespmem:s3+$0xFFFFFFB0] =	vst v2  }
0x121: {  	v2 =	vld.idx.msk [tilespmem:v3+s22+$0x0], $0xffff  }
0x122: {  	v3 =	vld [tilespmem:s3+$0xFFFFFFC0];
	_ =	sdelay $0x4  }
0x123: {  	v3 =	vmul.f32 v3, v2;
	_ =	sdelay $0x1  }
0x124: {  	[tilespmem:s3+$0xFFFFFFC0] =	vst v3;
	v3 =	vld [tilespmem:s3+$0xFFFFFFD0];
	_ =	sdelay $0x4  }
0x125: {  	v3 =	vmul.f32 v3, v2;
	_ =	sdelay $0x1  }
0x126: {  	[tilespmem:s3+$0xFFFFFFD0] =	vst v3;
	v3 =	vld [tilespmem:s3+$0xFFFFFFE0];
	_ =	sdelay $0x4  }
0x127: {  	v3 =	vmul.f32 v3, v2  }
0x128: {  	s25 =	sadd.s32 $0xFFFFFFF9, s24  }
0x129: {  	[tilespmem:s3+$0xFFFFFFE0] =	vst v3;
	v3 =	vmov s25  }
0x12a: {  	v49 =	vld [tilespmem:s3+$0xFFFFFFF0];
	v3 =	vshrl.u32 v3, $0x3  }
0x12b: {  	v3 =	vshll.u32 v3, v1  }
0x12c: {  	v3 =	vbroadcast v3, $0x0;
	_ =	sdelay $0x2  }
0x12d: {  	v2 =	vmul.f32 v49, v2;
	_ =	sdelay $0x1  }
0x12e: {  	[tilespmem:s3+$0xFFFFFFF0] =	vst v2  }
0x12f: {  	v2 =	vld.idx.msk [tilespmem:v3+s22+$0x0], $0xffff  }
0x130: {  	v3 =	vld [tilespmem:s3+$0x0];
	_ =	sdelay $0x4  }
0x131: {  	v3 =	vmul.f32 v3, v2;
	_ =	sdelay $0x1  }
0x132: {  	[tilespmem:s3+$0x0] =	vst v3;
	v3 =	vld [tilespmem:s3+$0x10];
	_ =	sdelay $0x4  }
0x133: {  	v3 =	vmul.f32 v3, v2;
	_ =	sdelay $0x1  }
0x134: {  	[tilespmem:s3+$0x10] =	vst v3;
	v3 =	vld [tilespmem:s3+$0x20];
	_ =	sdelay $0x4  }
0x135: {  	s25 =	sadd.s32 $0xFFFFFFFA, s24;
	v3 =	vmul.f32 v3, v2  }
0x136: {  	v50 =	vmov s25  }
0x137: {  	[tilespmem:s3+$0x20] =	vst v3;
	v3 =	vshrl.u32 v50, $0x3  }
0x138: {  	v51 =	vld [tilespmem:s3+$0x30];
	v3 =	vshll.u32 v3, v1  }
0x139: {  	v3 =	vadd.s32 $0x1, v3  }
0x13a: {  	v3 =	vbroadcast v3, $0x0;
	_ =	sdelay $0x2  }
0x13b: {  	v2 =	vmul.f32 v51, v2;
	_ =	sdelay $0x1  }
0x13c: {  	[tilespmem:s3+$0x30] =	vst v2  }
0x13d: {  	v2 =	vld.idx.msk [tilespmem:v3+s22+$0x0], $0xffff  }
0x13e: {  	v3 =	vld [tilespmem:s3+$0x40];
	_ =	sdelay $0x4  }
0x13f: {  	v3 =	vmul.f32 v3, v2;
	_ =	sdelay $0x1  }
0x140: {  	[tilespmem:s3+$0x40] =	vst v3;
	v3 =	vld [tilespmem:s3+$0x50];
	_ =	sdelay $0x4  }
0x141: {  	v3 =	vmul.f32 v3, v2;
	_ =	sdelay $0x1  }
0x142: {  	[tilespmem:s3+$0x50] =	vst v3;
	v3 =	vld [tilespmem:s3+$0x60];
	_ =	sdelay $0x4  }
0x143: {  	s25 =	sadd.s32 $0xFFFFFFFB, s24;
	v3 =	vmul.f32 v3, v2  }
0x144: {  	v52 =	vmov s25  }
0x145: {  	[tilespmem:s3+$0x60] =	vst v3;
	v3 =	vshrl.u32 v52, $0x3  }
0x146: {  	v53 =	vld [tilespmem:s3+$0x70];
	v3 =	vshll.u32 v3, v1  }
0x147: {  	v3 =	vadd.s32 $0x2, v3  }
0x148: {  	v3 =	vbroadcast v3, $0x0;
	_ =	sdelay $0x2  }
0x149: {  	v2 =	vmul.f32 v53, v2;
	_ =	sdelay $0x1  }
0x14a: {  	[tilespmem:s3+$0x70] =	vst v2  }
0x14b: {  	v2 =	vld.idx.msk [tilespmem:v3+s22+$0x0], $0xffff  }
0x14c: {  	v3 =	vld [tilespmem:s3+$0x80];
	_ =	sdelay $0x4  }
0x14d: {  	v3 =	vmul.f32 v3, v2;
	_ =	sdelay $0x1  }
0x14e: {  	[tilespmem:s3+$0x80] =	vst v3;
	v3 =	vld [tilespmem:s3+$0x90];
	_ =	sdelay $0x4  }
0x14f: {  	v3 =	vmul.f32 v3, v2;
	_ =	sdelay $0x1  }
0x150: {  	[tilespmem:s3+$0x90] =	vst v3;
	v3 =	vld [tilespmem:s3+$0xA0];
	_ =	sdelay $0x4  }
0x151: {  	s25 =	sadd.s32 $0xFFFFFFFC, s24;
	v3 =	vmul.f32 v3, v2  }
0x152: {  	v54 =	vmov s25  }
0x153: {  	[tilespmem:s3+$0xA0] =	vst v3;
	v3 =	vshrl.u32 v54, $0x3  }
0x154: {  	v55 =	vld [tilespmem:s3+$0xB0];
	v3 =	vshll.u32 v3, v1  }
0x155: {  	v3 =	vadd.s32 $0x3, v3  }
0x156: {  	v3 =	vbroadcast v3, $0x0;
	_ =	sdelay $0x2  }
0x157: {  	v2 =	vmul.f32 v55, v2;
	_ =	sdelay $0x1  }
0x158: {  	[tilespmem:s3+$0xB0] =	vst v2  }
0x159: {  	v2 =	vld.idx.msk [tilespmem:v3+s22+$0x0], $0xffff  }
0x15a: {  	v3 =	vld [tilespmem:s3+$0xC0];
	_ =	sdelay $0x4  }
0x15b: {  	v3 =	vmul.f32 v3, v2;
	_ =	sdelay $0x1  }
0x15c: {  	[tilespmem:s3+$0xC0] =	vst v3;
	v3 =	vld [tilespmem:s3+$0xD0];
	_ =	sdelay $0x4  }
0x15d: {  	v3 =	vmul.f32 v3, v2;
	_ =	sdelay $0x1  }
0x15e: {  	[tilespmem:s3+$0xD0] =	vst v3;
	v3 =	vld [tilespmem:s3+$0xE0];
	_ =	sdelay $0x4  }
0x15f: {  	s25 =	sadd.s32 $0xFFFFFFFD, s24;
	v3 =	vmul.f32 v3, v2  }
0x160: {  	v56 =	vmov s25  }
0x161: {  	[tilespmem:s3+$0xE0] =	vst v3;
	v3 =	vshrl.u32 v56, $0x3  }
0x162: {  	v57 =	vld [tilespmem:s3+$0xF0];
	v3 =	vshll.u32 v3, v1  }
0x163: {  	v3 =	vadd.s32 $0x4, v3  }
0x164: {  	v3 =	vbroadcast v3, $0x0;
	_ =	sdelay $0x2  }
0x165: {  	v2 =	vmul.f32 v57, v2;
	_ =	sdelay $0x1  }
0x166: {  	[tilespmem:s3+$0xF0] =	vst v2  }
0x167: {  	v2 =	vld.idx.msk [tilespmem:v3+s22+$0x0], $0xffff  }
0x168: {  	v3 =	vld [tilespmem:s3+$0x100];
	_ =	sdelay $0x4  }
0x169: {  	v3 =	vmul.f32 v3, v2;
	_ =	sdelay $0x1  }
0x16a: {  	[tilespmem:s3+$0x100] =	vst v3;
	v3 =	vld [tilespmem:s3+$0x110];
	_ =	sdelay $0x4  }
0x16b: {  	v3 =	vmul.f32 v3, v2;
	_ =	sdelay $0x1  }
0x16c: {  	[tilespmem:s3+$0x110] =	vst v3;
	v3 =	vld [tilespmem:s3+$0x120];
	_ =	sdelay $0x4  }
0x16d: {  	s25 =	sadd.s32 $0xFFFFFFFE, s24;
	v3 =	vmul.f32 v3, v2  }
0x16e: {  	v58 =	vmov s25  }
0x16f: {  	[tilespmem:s3+$0x120] =	vst v3;
	v3 =	vshrl.u32 v58, $0x3  }
0x170: {  	v59 =	vld [tilespmem:s3+$0x130];
	v3 =	vshll.u32 v3, v1  }
0x171: {  	v3 =	vadd.s32 $0x5, v3  }
0x172: {  	v3 =	vbroadcast v3, $0x0;
	_ =	sdelay $0x2  }
0x173: {  	v2 =	vmul.f32 v59, v2;
	_ =	sdelay $0x1  }
0x174: {  	[tilespmem:s3+$0x130] =	vst v2  }
0x175: {  	v2 =	vld.idx.msk [tilespmem:v3+s22+$0x0], $0xffff  }
0x176: {  	v3 =	vld [tilespmem:s3+$0x140];
	_ =	sdelay $0x4  }
0x177: {  	v3 =	vmul.f32 v3, v2;
	_ =	sdelay $0x1  }
0x178: {  	[tilespmem:s3+$0x140] =	vst v3;
	v3 =	vld [tilespmem:s3+$0x150];
	_ =	sdelay $0x4  }
0x179: {  	v3 =	vmul.f32 v3, v2;
	_ =	sdelay $0x1  }
0x17a: {  	[tilespmem:s3+$0x150] =	vst v3;
	v3 =	vld [tilespmem:s3+$0x160];
	_ =	sdelay $0x4  }
0x17b: {  	s25 =	sadd.s32 $0xFFFFFFFF, s24;
	v3 =	vmul.f32 v3, v2  }
0x17c: {  	v60 =	vmov s25  }
0x17d: {  	[tilespmem:s3+$0x160] =	vst v3;
	v3 =	vshrl.u32 v60, $0x3  }
0x17e: {  	v61 =	vld [tilespmem:s3+$0x170];
	v3 =	vshll.u32 v3, v1  }
0x17f: {  	v3 =	vadd.s32 $0x6, v3  }
0x180: {  	v3 =	vbroadcast v3, $0x0;
	_ =	sdelay $0x2  }
0x181: {  	v2 =	vmul.f32 v61, v2;
	_ =	sdelay $0x1  }
0x182: {  	[tilespmem:s3+$0x170] =	vst v2  }
0x183: {  	v2 =	vld.idx.msk [tilespmem:v3+s22+$0x0], $0xffff  }
0x184: {  	v3 =	vld [tilespmem:s3+$0x180];
	_ =	sdelay $0x4  }
0x185: {  	v3 =	vmul.f32 v3, v2;
	_ =	sdelay $0x1  }
0x186: {  	[tilespmem:s3+$0x180] =	vst v3;
	v3 =	vld [tilespmem:s3+$0x190];
	_ =	sdelay $0x4  }
0x187: {  	v3 =	vmul.f32 v3, v2;
	_ =	sdelay $0x1  }
0x188: {  	[tilespmem:s3+$0x190] =	vst v3;
	v3 =	vld [tilespmem:s3+$0x1A0];
	_ =	sdelay $0x4  }
0x189: {  	v3 =	vmul.f32 v3, v2  }
0x18a: {  	v62 =	vmov s24  }
0x18b: {  	[tilespmem:s3+$0x1A0] =	vst v3;
	v3 =	vshrl.u32 v62, $0x3  }
0x18c: {  	v63 =	vld [tilespmem:s3+$0x1B0];
	v3 =	vshll.u32 v3, v1  }
0x18d: {  	v3 =	vadd.s32 $0x7, v3  }
0x18e: {  	v3 =	vbroadcast v3, $0x0;
	_ =	sdelay $0x2  }
0x18f: {  	v2 =	vmul.f32 v63, v2;
	_ =	sdelay $0x1  }
0x190: {  	[tilespmem:s3+$0x1B0] =	vst v2  }
0x191: {  	v2 =	vld.idx.msk [tilespmem:v3+s22+$0x0], $0xffff  }
0x192: {  	v3 =	vld [tilespmem:s3+$0x1C0];
	_ =	sdelay $0x4  }
0x193: {  	v3 =	vmul.f32 v3, v2;
	_ =	sdelay $0x1  }
0x194: {  	[tilespmem:s3+$0x1C0] =	vst v3;
	v3 =	vld [tilespmem:s3+$0x1D0];
	_ =	sdelay $0x4  }
0x195: {  	v3 =	vmul.f32 v3, v2;
	_ =	sdelay $0x1  }
0x196: {  	[tilespmem:s3+$0x1D0] =	vst v3;
	v3 =	vld [tilespmem:s3+$0x1E0];
	_ =	sdelay $0x4  }
0x197: {  	v3 =	vmul.f32 v3, v2;
	_ =	sdelay $0x1  }
0x198: {  	[tilespmem:s3+$0x1E0] =	vst v3;
	v3 =	vld [tilespmem:s3+$0x1F0];
	_ =	sdelay $0x1  }
0x199: {  	p2 =	sne.s32 s24, $0x7F  }
.Ltmp4:
0x19a: {  	_ = 	snop;
	(pc) =	sbr.rel @p2 .LBB2_6-.Ltmp4, $3  }
0x19b: {  	_ = 	snop  }
0x19c: {  	v2 =	vmul.f32 v3, v2;
	_ =	sdelay $0x1  }
0x19d: {  	s24 =	sadd.s32 $0x10, s24;
	[tilespmem:s3+$0x1F0] =	vst v2;
	s3 =	sadd.s32 $0x400, s3  }
0x19e: {  	s3 =	sshll.u32 s30, $0xD  }
.Ltmp5:
0x19f: {  	s3 =	sor.u32 $0x280, s3;
	(pc) =	sbr.rel .LBB2_8-.Ltmp5, $4  }
0x1a0: {  	[spmem:s1] =	stream.indirect.scatter.add.f32 [tilespmem:s3], [sflag:$0x2], $0x40, s2, s23, $0xb8;
	[tilespmem:$0x1A540] =	vst v63  }
0x1a1: {  	_ =	swait.ge [sflag:s17], $0x2000  }
0x1a2: {  	[sflag:s17] =	ssyncset.done $0x0  }
0x1a3: {  	[sflag:s17] =	ssyncadd.s32 $0xFFFFE000  }
.LBB2_9:
0x1a4: {  	[spmem:s9] =	stream.linear.scatter [tilespmem:s21], [sflag:$0x2], $0x2800, $0x38;
	[tilespmem:$0x1A540] =	vst v63  }
0x1a5: {  	_ =	swait.ge [sflag:s17], $0x2800  }
0x1a6: {  	[sflag:s17] =	ssyncset.done $0x0  }
0x1a7: {  	[sflag:s17] =	ssyncadd.s32 $0xFFFFD800  }
0x1a8: {  	[bflag:$0x0] =	sbarrier.arrive $0xFFFF  }
0x1a9: {  	[hbm:s10], [sflag:s8] =	dma.local [spmem:s16], $0x1380  }
0x1aa: {  	_ =	swait.ge [sflag:s17], $0x1380  }
0x1ab: {  	[sflag:s17] =	ssyncset.done $0x0  }
0x1ac: {  	s2 =	simm.s32 @!p0 $0x2;
	[sflag:s17] =	ssyncadd.s32 $0xFFFFEC80  }
0x1ad: {  	[hbm:s11], [sflag:s8] =	dma.local @!p0 [spmem:s18], $0x80  }
0x1ae: {  	_ =	swait.ge @!p0 [sflag:s2], $0x80  }
0x1af: {  	[sflag:s2] =	ssyncset.done @!p0 $0x0  }
0x1b0: {  	s31 =	simm.s32 $0x280;
	s3 =	simm.s32 $0x2800;
	[sflag:s2] =	ssyncadd.s32 @!p0 $0xFFFFFF80  }
0x1b1: {  	[tilespmem:s26], [sflag:$0x2] =	stream.strided.gather [spmem:s12], $0x2800, s3, s31, $0x38;
	[tilespmem:$0x1A540] =	vst v63  }
0x1b2: {  	_ =	swait.ge [sflag:s17], $0x2800  }
0x1b3: {  	[sflag:s17] =	ssyncset.done $0x0  }
0x1b4: {  	s3 =	simm.s32 $0x0;
	[sflag:s17] =	ssyncadd.s32 $0xFFFFD800  }
0x1b5: {  	v2 =	vld [tilespmem:s3+$0xB900]  }
0x1b6: {  	v3 =	vld [tilespmem:s3+$0xBB80];
	_ =	sdelay $0x1  }
0x1b7: {  	v4 =	vld [tilespmem:s3+$0xBE00];
	_ =	sdelay $0x1  }
0x1b8: {  	v5 =	vld [tilespmem:s3+$0xC080]  }
0x1b9: {  	v2 =	vadd.f32 v3, v2  }
0x1ba: {  	v3 =	vld [tilespmem:s3+$0xC300]  }
0x1bb: {  	v2 =	vadd.f32 v4, v2  }
0x1bc: {  	v4 =	vld [tilespmem:s3+$0xC580]  }
0x1bd: {  	v2 =	vadd.f32 v5, v2  }
0x1be: {  	v5 =	vld [tilespmem:s3+$0xC800]  }
0x1bf: {  	v2 =	vadd.f32 v3, v2  }
0x1c0: {  	v3 =	vld [tilespmem:s3+$0xCA80]  }
0x1c1: {  	s2 =	simm.s32 $0x10;
	v6 =	vld [tilespmem:s3+$0xCD00];
	v2 =	vadd.f32 v4, v2  }
0x1c2: {  	v7 =	vld [tilespmem:s2+$0xB900]  }
0x1c3: {  	v4 =	vld [tilespmem:s3+$0xCF80];
	v2 =	vadd.f32 v5, v2  }
0x1c4: {  	v5 =	vld [tilespmem:s2+$0xBB80]  }
0x1c5: {  	v8 =	vld [tilespmem:s2+$0xBE00];
	v2 =	vadd.f32 v3, v2  }
0x1c6: {  	v3 =	vld [tilespmem:s3+$0xD200]  }
0x1c7: {  	v9 =	vld [tilespmem:s2+$0xC080];
	v2 =	vadd.f32 v6, v2  }
0x1c8: {  	v6 =	vld [tilespmem:s3+$0xD480]  }
0x1c9: {  	v5 =	vadd.f32 v5, v7;
	v7 =	vld [tilespmem:s2+$0xC300];
	v2 =	vadd.f32 v4, v2  }
0x1ca: {  	v4 =	vld [tilespmem:s3+$0xD700]  }
0x1cb: {  	v5 =	vadd.f32 v8, v5;
	v8 =	vld [tilespmem:s2+$0xC580];
	v2 =	vadd.f32 v3, v2  }
0x1cc: {  	v3 =	vld [tilespmem:s3+$0xD980]  }
0x1cd: {  	v10 =	vld [tilespmem:s2+$0xC800];
	v5 =	vadd.f32 v9, v5;
	v2 =	vadd.f32 v6, v2  }
0x1ce: {  	v9 =	vld [tilespmem:s3+$0xDC00]  }
0x1cf: {  	v6 =	vadd.f32 v7, v5;
	v5 =	vld [tilespmem:s2+$0xCA80];
	v7 =	vadd.f32 v4, v2  }
0x1d0: {  	v4 =	vld [tilespmem:s3+$0xDE80]  }
0x1d1: {  	v2 =	vld [tilespmem:s2+$0xCF80];
	v8 =	vadd.f32 v8, v6;
	v11 =	vadd.f32 v3, v7  }
0x1d2: {  	s24 =	simm.s32 $0x20;
	v6 =	vld [tilespmem:s2+$0xCD00]  }
0x1d3: {  	s29 =	simm.s32 $0xC0;
	v3 =	vld [tilespmem:s24+$0xB900];
	v7 =	vadd.f32 v10, v8;
	v8 =	vadd.f32 v9, v11  }
.LBB2_10:
0x1d4: {  	p1 =	sne.s32 s29, $0x9C0;
	v9 =	vld [tilespmem:s24+$0xBB80]  }
0x1d5: {  	v5 =	vadd.f32 v5, v7;
	v7 =	vld [tilespmem:s2+$0xD200];
	v4 =	vadd.f32 v4, v8  }
0x1d6: {  	v8 =	vld [tilespmem:s24+$0xBE00]  }
0x1d7: {  	v5 =	vadd.f32 v6, v5;
	v6 =	vld [tilespmem:s2+$0xD480];
	[tilespmem:s3+$0x9100] =	vst v4;
	s3 =	smov.u32 s2;
	s2 =	smov.u32 s24  }
0x1d8: {  	v4 =	vld [tilespmem:s2+$0xC080]  }
0x1d9: {  	v3 =	vadd.f32 v9, v3;
	v2 =	vadd.f32 v2, v5;
	v5 =	vld [tilespmem:s3+$0xD700]  }
0x1da: {  	v9 =	vld [tilespmem:s2+$0xC300]  }
0x1db: {  	v3 =	vadd.f32 v8, v3;
	v2 =	vadd.f32 v7, v2;
	v7 =	vld [tilespmem:s3+$0xD980]  }
0x1dc: {  	v8 =	vld [tilespmem:s2+$0xC580]  }
0x1dd: {  	v3 =	vadd.f32 v4, v3;
	v2 =	vadd.f32 v6, v2;
	v10 =	vld [tilespmem:s3+$0xDC00]  }
0x1de: {  	v11 =	vld [tilespmem:s2+$0xC800]  }
.Ltmp6:
0x1df: {  	v3 =	vadd.f32 v9, v3;
	v6 =	vadd.f32 v5, v2;
	v4 =	vld [tilespmem:s3+$0xDE80];
	(pc) =	sbr.rel @p1 .LBB2_10-.Ltmp6, $4  }
0x1e0: {  	v5 =	vld [tilespmem:s2+$0xCA80]  }
0x1e1: {  	v8 =	vadd.f32 v8, v3;
	v2 =	vld [tilespmem:s2+$0xCF80];
	v9 =	vadd.f32 v7, v6  }
0x1e2: {  	s24 =	sshra.s32 s29, $0x2;
	v6 =	vld [tilespmem:s2+$0xCD00]  }
0x1e3: {  	s29 =	sadd.s32 $0x40, s29;
	v3 =	vld [tilespmem:s24+$0xB900];
	v7 =	vadd.f32 v11, v8;
	v8 =	vadd.f32 v10, v9  }
0x1e4: {  	v9 =	vld [tilespmem:s24+$0xBB80]  }
0x1e5: {  	v10 =	vld [tilespmem:s2+$0xD200];
	v4 =	vadd.f32 v4, v8  }
0x1e6: {  	v49 =	vld [tilespmem:s24+$0xBE00]  }
0x1e7: {  	v11 =	vld [tilespmem:s2+$0xD480];
	v5 =	vadd.f32 v5, v7;
	[tilespmem:s3+$0x9100] =	vst v4  }
0x1e8: {  	v4 =	vld [tilespmem:s24+$0xC080]  }
0x1e9: {  	v5 =	vadd.f32 v6, v5;
	v3 =	vadd.f32 v9, v3  }
0x1ea: {  	v50 =	vld [tilespmem:s24+$0xC300]  }
0x1eb: {  	v51 =	vld [tilespmem:s2+$0xD700];
	v2 =	vadd.f32 v2, v5;
	v3 =	vadd.f32 v49, v3  }
0x1ec: {  	v52 =	vld [tilespmem:s24+$0xC580]  }
0x1ed: {  	v53 =	vld [tilespmem:s2+$0xD980];
	v2 =	vadd.f32 v10, v2;
	v3 =	vadd.f32 v4, v3  }
0x1ee: {  	v54 =	vld [tilespmem:s24+$0xC800]  }
0x1ef: {  	v55 =	vld [tilespmem:s2+$0xDC00];
	v2 =	vadd.f32 v11, v2;
	v3 =	vadd.f32 v50, v3  }
0x1f0: {  	v56 =	vld [tilespmem:s24+$0xCA80]  }
0x1f1: {  	v57 =	vld [tilespmem:s2+$0xDE80];
	v2 =	vadd.f32 v51, v2;
	v3 =	vadd.f32 v52, v3  }
0x1f2: {  	v58 =	vld [tilespmem:s24+$0xCD00]  }
0x1f3: {  	v2 =	vadd.f32 v53, v2;
	v3 =	vadd.f32 v54, v3  }
0x1f4: {  	v59 =	vld [tilespmem:s24+$0xCF80]  }
0x1f5: {  	v2 =	vadd.f32 v55, v2;
	v3 =	vadd.f32 v56, v3  }
0x1f6: {  	v60 =	vld [tilespmem:s24+$0xD200]  }
0x1f7: {  	v2 =	vadd.f32 v57, v2;
	v3 =	vadd.f32 v58, v3  }
0x1f8: {  	v61 =	vld [tilespmem:s24+$0xD480]  }
0x1f9: {  	[tilespmem:s2+$0x9100] =	vst v2;
	v2 =	vadd.f32 v59, v3  }
0x1fa: {  	v3 =	vld [tilespmem:s24+$0xD700]  }
0x1fb: {  	v2 =	vadd.f32 v60, v2  }
0x1fc: {  	v62 =	vld [tilespmem:s24+$0xD980]  }
0x1fd: {  	v2 =	vadd.f32 v61, v2  }
0x1fe: {  	v63 =	vld [tilespmem:s24+$0xDC00]  }
0x1ff: {  	v2 =	vadd.f32 v3, v2  }
0x200: {  	v3 =	vld [tilespmem:s24+$0xDE80]  }
0x201: {  	v2 =	vadd.f32 v62, v2;
	_ =	sdelay $0x1  }
0x202: {  	v2 =	vadd.f32 v63, v2;
	_ =	sdelay $0x1  }
0x203: {  	s28 =	sadd.s32 $0x1, s28;
	v2 =	vadd.f32 v3, v2  }
0x204: {  	p1 =	sne.s32 s28, s14  }
.Ltmp7:
0x205: {  	s31 =	simm.s32 $0x0;
	[tilespmem:s24+$0x9100] =	vst v2;
	(pc) =	sbr.rel @p1 .LBB2_1-.Ltmp7, $4  }
0x206: {  	[hbm4b:s13+s31] =	stream.linear.scatter [tilespmem:s21], [sflag:$0x2], $0x280, $0x38;
	[tilespmem:$0x1A540] =	vst v63  }
0x207: {  	_ =	swait.ge [sflag:s17], $0x280  }
0x208: {  	[sflag:s17] =	ssyncset.done $0x0  }
0x209: {  	[sflag:s17] =	ssyncadd.s32 $0xFFFFFD80  }
0x20a: {  	_ =	sfence.sel $0x180000  }
0x20b: {  	[bflag:$0x0] =	sbarrier.arrive $0xFFFF  }
0x20c: {  	_ =	strace $0x90000047  }
0x20d: {  	[bflag:$0x2] =	sbarrier.arrive $0xFFFF  }
0x20e: {  	s0 =	rddreg [dreg:$0x5]  }
0x20f: {  	s0 =	sadd.s32 @!p0 $0x100000, s0  }
0x210: {  	[sflag:s0] =	ssyncadd.tile.s32 @!p0 $0x1;
	_ =	shalt  }
.Lfunc_end2:
_tile_overlayer_lowered:
.L_overlay_start_2:
0x211: {  	(tag) =	ssettag $0x2  }
0x212: {  	s0 =	rddreg [dreg:$0x0];
	s2 =	stileid.u32  }
0x213: {  	s1 =	rddreg [dreg:$0x1];
	p0 =	sne.s32 s2, $0x0  }
0x214: {  	s3 =	rddreg [dreg:$0x2];
	[bflag:$0x3] =	sbarrier.arrive $0xFFFF;
	s2 =	simm.s32 @!p0 $0x1C02  }
0x215: {  	[timem:s3], [sflag:s2] =	dma.local @!p0 [hbm:s0], s1  }
0x216: {  	s0 =	simm.s32 @!p0 $0x2  }
0x217: {  	_ =	swait.ge @!p0 [sflag:s0], s1  }
0x218: {  	s1 =	ssub.s32 @!p0 $0x0, s1;
	[sflag:s0] =	ssyncset.done @!p0 $0x0  }
0x219: {  	[sflag:s0] =	ssyncadd.s32 @!p0 s1  }
0x21a: {  	[bflag:$0x3] =	sbarrier.arrive $0xFFFF  }
0x21b: {  	_ =	shalt  }

</sc_bundles>
